<compile_context>
chip_gen: v7x
topology: tpu7x:2x2x1
jax: 0.10.2.dev20260603
libtpu: 0.0.44.dev20260713+nightly
codegen_flags: <defaults>
</compile_context>

<pallas_src>
import functools

import jax
import jax.numpy as jnp
from jax import lax
from jax.experimental import pallas as pl
from jax.experimental.pallas import tpu as pltpu
from jax.experimental.pallas import tpu_sc as plsc

N_NODES = 10000
D_X = 128
D_H = 64

_NW = 32
_BS = 320
_NPAD = _NW * _BS
_EW = 8000
_CH = 32


_NRING = 8
_SHIFT = 5
_UNROLL = 4


def _scatter_max_sc(h, dst, selfinit_pad):
    n_win = dst.shape[0] // _EW
    mesh = plsc.VectorSubcoreMesh(core_axis_name="c", subcore_axis_name="s",
                                  num_cores=2, num_subcores=16)

    @functools.partial(
        pl.kernel,
        out_type=jax.ShapeDtypeStruct((_NPAD, D_H), jnp.float32),
        mesh=mesh,
        compiler_params=pltpu.CompilerParams(needs_layout_passes=False),
        scratch_types=[
            pltpu.VMEM((_BS, D_H), jnp.float32),
            pltpu.VMEM((_EW,), jnp.int32),
            pltpu.VMEM((_EW // _CH + 2, _CH), jnp.int32),
            pltpu.VMEM((_EW + 192,), jnp.int32),
            [pltpu.VMEM((_CH, 2 * D_H), jnp.float32) for _ in range(_NRING)],
            [pltpu.SemaphoreType.DMA for _ in range(_NRING)],
        ],
    )
    def body(h_hbm, dst_hbm, self_hbm, out_hbm,
             agg, wdst, idbuf, nodbuf, rowbufs, sems):
        wid = lax.axis_index("s") * 2 + lax.axis_index("c")
        lo = wid * _BS
        pltpu.sync_copy(self_hbm.at[pl.ds(lo, _BS)], agg)
        iota = lax.iota(jnp.int32, 16)
        ftrue = iota < 16

        def window(win, _):
            wbase = win * _EW
            pltpu.sync_copy(dst_hbm.at[pl.ds(wbase, _EW)], wdst)

            def scan(v, cnt):
                for uu in range(_UNROLL):
                    vv = v * _UNROLL + uu
                    d16 = wdst[pl.ds(vv * 16, 16)]
                    rel = d16 - lo
                    m = (rel >= 0) & (rel < _BS)
                    ids = wbase + vv * 16 + iota
                    csum = jnp.cumsum(jnp.where(m, jnp.int32(1), jnp.int32(0)))
                    pos = cnt - 1 + csum
                    nodpar = rel | ((ids & 1) << 16)
                    plsc.store_scatter(idbuf, [pos >> _SHIFT,
                                               pos & (_CH - 1)],
                                       ids >> 1, mask=m)
                    plsc.store_scatter(nodbuf, [pos], nodpar, mask=m)
                    cnt = cnt + csum[15]
                return cnt

            cnt = lax.fori_loop(0, _EW // 16 // _UNROLL, scan, jnp.int32(0))

            def padz(k, _):
                pz = cnt + k * 16 + iota
                plsc.store_scatter(idbuf, [pz >> _SHIFT, pz & (_CH - 1)],
                                   wid * 128 + iota, mask=ftrue)
                return 0
            lax.fori_loop(0, max(_CH // 16, 1), padz, 0)

            nch = (cnt + _CH - 1) >> _SHIFT

            for b in range(_NRING):
                @pl.when(b < nch)
                def _issue0(b=b):
                    pltpu.async_copy(h_hbm.at[idbuf.at[b]], rowbufs[b],
                                     sems[b])

            def group(g, _):
                for b in range(_NRING):
                    c = g * _NRING + b

                    @pl.when(c < nch)
                    def _do(b=b, c=c):
                        pltpu.make_async_copy(h_hbm.at[idbuf.at[c]],
                                              rowbufs[b], sems[b]).wait()
                        me = jnp.minimum(_CH, cnt - c * _CH)

                        def rmw(e, _):
                            nodpar = nodbuf[pl.ds(c * _CH + e, 16)][0]
                            node = nodpar & 0xFFFF
                            par = nodpar >> 16
                            for j in range(4):
                                sl = pl.ds(j * 16, 16)
                                hsl = pl.ds(par * D_H + j * 16, 16)
                                agg[node, sl] = jnp.maximum(
                                    agg[node, sl], rowbufs[b][e, hsl])
                            return 0
                        lax.fori_loop(0, me, rmw, 0)

                        @pl.when(c + _NRING < nch)
                        def _issue():
                            pltpu.async_copy(
                                h_hbm.at[idbuf.at[c + _NRING]],
                                rowbufs[b], sems[b])
                return 0

            lax.fori_loop(0, (nch + _NRING - 1) // _NRING, group, 0)
            return 0

        lax.fori_loop(0, n_win, window, 0)
        pltpu.sync_copy(agg, out_hbm.at[pl.ds(lo, _BS)])

    return body(h, dst, selfinit_pad)


_GC = 80


def _gather_sc(p, src, dst):
    e_total = src.shape[0]
    per_tile = e_total // _NW
    n_chunks = per_tile // _GC
    mesh = plsc.VectorSubcoreMesh(core_axis_name="c", subcore_axis_name="s",
                                  num_cores=2, num_subcores=16)

    @functools.partial(
        pl.kernel,
        out_type=jax.ShapeDtypeStruct((e_total // 2, 2 * D_H), jnp.float32),
        mesh=mesh,
        compiler_params=pltpu.CompilerParams(needs_layout_passes=False),
        scratch_types=[
            pltpu.VMEM_SHARED((N_NODES, 2 * D_H), jnp.float32),
            pltpu.VMEM((per_tile,), jnp.int32),
            pltpu.VMEM((per_tile,), jnp.int32),
            pltpu.VMEM((_GC, 2 * D_H), jnp.float32),
            pltpu.VMEM((_GC, 2 * D_H), jnp.float32),
            pltpu.VMEM((_GC // 2, 2 * D_H), jnp.float32),
            pltpu.SemaphoreType.DMA,
            pltpu.SemaphoreType.DMA,
        ],
    )
    def body(p_hbm, src_hbm, dst_hbm, t2_hbm,
             psp, srcw, dstw, abuf, bbuf, obuf, sema, semb):
        cid = lax.axis_index("c")
        sid = lax.axis_index("s")
        wid = sid * 2 + cid
        tb = wid * per_tile
        tb2 = wid * (per_tile // 2)

        @pl.when(sid == 0)
        def _stage():
            pltpu.sync_copy(p_hbm, psp)
        plsc.subcore_barrier()

        pltpu.sync_copy(src_hbm.at[pl.ds(tb, per_tile)], srcw)
        pltpu.sync_copy(dst_hbm.at[pl.ds(tb, per_tile)], dstw)

        def chunk(c, _):
            cb = c * _GC
            ca = pltpu.async_copy(psp.at[srcw.at[pl.ds(cb, _GC)]], abuf, sema)
            cbm = pltpu.async_copy(psp.at[dstw.at[pl.ds(cb, _GC)]], bbuf, semb)
            ca.wait()
            cbm.wait()

            def pair(i, _):
                for j in range(4):
                    slo = pl.ds(j * 16, 16)
                    shi = pl.ds(D_H + j * 16, 16)
                    obuf[i, slo] = abuf[2 * i, slo] - bbuf[2 * i, shi]
                    obuf[i, shi] = abuf[2 * i + 1, slo] - bbuf[2 * i + 1, shi]
                return 0
            lax.fori_loop(0, _GC // 2, pair, 0)
            pltpu.sync_copy(
                obuf, t2_hbm.at[pl.ds(tb2 + c * (_GC // 2), _GC // 2)])
            return 0

        lax.fori_loop(0, n_chunks, chunk, 0)

    return body(p, src, dst)


def _node_pre_body(x_ref, pos_ref, w1xt_ref, w1pt_ref, b1_ref, w2t_ref,
                   u_ref, w_ref, self_ref):
    xb = x_ref[...]
    pb = pos_ref[...]
    w_blk = jnp.dot(pb, w1pt_ref[...], preferred_element_type=jnp.float32)
    ux = jnp.dot(xb, w1xt_ref[...], preferred_element_type=jnp.float32)
    u_blk = ux + w_blk + b1_ref[...]
    u_ref[...] = u_blk
    w_ref[...] = w_blk
    self_ref[...] = jnp.dot(jax.nn.relu(ux + b1_ref[...]), w2t_ref[...],
                            preferred_element_type=jnp.float32)


def _node_pre(x, pos, w1xt, w1pt, b1, w2t, bn=1000):
    n = x.shape[0]
    grid = (n // bn,)
    return pl.pallas_call(
        _node_pre_body,
        grid=grid,
        in_specs=[
            pl.BlockSpec((bn, D_X), lambda i: (i, 0)),
            pl.BlockSpec((bn, 3), lambda i: (i, 0)),
            pl.BlockSpec((D_X, D_H), lambda i: (0, 0)),
            pl.BlockSpec((3, D_H), lambda i: (0, 0)),
            pl.BlockSpec((1, D_H), lambda i: (0, 0)),
            pl.BlockSpec((D_H, D_H), lambda i: (0, 0)),
        ],
        out_specs=[
            pl.BlockSpec((bn, D_H), lambda i: (i, 0)),
            pl.BlockSpec((bn, D_H), lambda i: (i, 0)),
            pl.BlockSpec((bn, D_H), lambda i: (i, 0)),
        ],
        out_shape=[
            jax.ShapeDtypeStruct((n, D_H), jnp.float32),
            jax.ShapeDtypeStruct((n, D_H), jnp.float32),
            jax.ShapeDtypeStruct((n, D_H), jnp.float32),
        ],
    )(x, pos, w1xt, w1pt, b1.reshape(1, D_H), w2t)


def _edge_mlp_body(t_ref, w2t_ref, h_ref):
    h_ref[...] = jnp.dot(jax.nn.relu(t_ref[...]), w2t_ref[...],
                         preferred_element_type=jnp.float32)


def _edge_mlp2(t2, w2bd, be=1000):
    e2 = t2.shape[0]
    grid = (e2 // be,)
    return pl.pallas_call(
        _edge_mlp_body,
        grid=grid,
        in_specs=[
            pl.BlockSpec((be, 2 * D_H), lambda i: (i, 0)),
            pl.BlockSpec((2 * D_H, 2 * D_H), lambda i: (0, 0)),
        ],
        out_specs=pl.BlockSpec((be, 2 * D_H), lambda i: (i, 0)),
        out_shape=jax.ShapeDtypeStruct((e2, 2 * D_H), jnp.float32),
    )(t2, w2bd)


def _global_mlp_body(a_ref, b2_ref, g1t_ref, g1_ref, g2t_ref, g2_ref,
                     g3t_ref, g3_ref, o_ref):
    a = a_ref[...] + b2_ref[...]
    a = jax.nn.relu(jnp.dot(a, g1t_ref[...], preferred_element_type=jnp.float32)
                    + g1_ref[...])
    a = jax.nn.relu(jnp.dot(a, g2t_ref[...], preferred_element_type=jnp.float32)
                    + g2_ref[...])
    o_ref[...] = jnp.dot(a, g3t_ref[...], preferred_element_type=jnp.float32) \
        + g3_ref[...]


def _global_mlp(agg, b2, g1t, g1, g2t, g2, g3t, g3, bn=1000):
    n = agg.shape[0]
    grid = (n // bn,)
    return pl.pallas_call(
        _global_mlp_body,
        grid=grid,
        in_specs=[
            pl.BlockSpec((bn, D_H), lambda i: (i, 0)),
            pl.BlockSpec((1, D_H), lambda i: (0, 0)),
            pl.BlockSpec((D_H, 32), lambda i: (0, 0)),
            pl.BlockSpec((1, 32), lambda i: (0, 0)),
            pl.BlockSpec((32, 128), lambda i: (0, 0)),
            pl.BlockSpec((1, 128), lambda i: (0, 0)),
            pl.BlockSpec((128, 128), lambda i: (0, 0)),
            pl.BlockSpec((1, 128), lambda i: (0, 0)),
        ],
        out_specs=pl.BlockSpec((bn, 128), lambda i: (i, 0)),
        out_shape=jax.ShapeDtypeStruct((n, 128), jnp.float32),
    )(agg, b2.reshape(1, D_H), g1t, g1.reshape(1, 32), g2t, g2.reshape(1, 128),
      g3t, g3.reshape(1, 128))


def kernel(x, pos, edge_index, W1, b1, W2, b2, G1, g1, G2, g2, G3, g3):
    src = edge_index[0].astype(jnp.int32)
    dst = edge_index[1].astype(jnp.int32)
    w1xt = W1[:, :D_X].T
    w1pt = W1[:, D_X:].T
    u, w, selfinit = _node_pre(x, pos, w1xt, w1pt, b1, W2.T)
    p = jnp.concatenate([u, w], axis=1)
    t2 = _gather_sc(p, src, dst)
    w2t = W2.T
    w2bd = jnp.zeros((2 * D_H, 2 * D_H), jnp.float32)
    w2bd = w2bd.at[:D_H, :D_H].set(w2t).at[D_H:, D_H:].set(w2t)
    h2 = _edge_mlp2(t2, w2bd)
    selfpad = jnp.concatenate(
        [selfinit, jnp.zeros((_NPAD - N_NODES, D_H), jnp.float32)])
    agg = _scatter_max_sc(h2, dst, selfpad)[:N_NODES]
    return _global_mlp(agg, b2, G1.T, g1, G2.T, g2, G3.T, g3)

# --- scband reference (transcript-rebuilt; emitter-appended) ---
"""Pipeline reference for scband-gnn-with-pos-39908836114584 (READ-ONLY COPY).

The authoritative reference and input builder live on the scoring server;
editing this copy changes nothing except your own understanding.
"""

import jax, jax.numpy as jnp
import numpy as np


def setup_inputs(seed: int = 0) -> dict:
    key = jax.random.key(seed)
    ks = jax.random.split(key, 16)
    N, E = 10000, 320000
    d_x, d_pos = 128, 3
    x = jax.random.normal(ks[0], (N, d_x), dtype=jnp.float32)
    pos = jax.random.normal(ks[1], (N, d_pos), dtype=jnp.float32)
    edge_index = jax.random.randint(ks[2], (2, E), 0, N, dtype=jnp.int64)
    # local_nn: Linear(131,64) -> ReLU -> Linear(64,64)
    W1 = jax.random.normal(ks[3], (64, 131), dtype=jnp.float32) * (1.0 / np.sqrt(131))
    b1 = jnp.zeros((64,), dtype=jnp.float32)
    W2 = jax.random.normal(ks[4], (64, 64), dtype=jnp.float32) * (1.0 / np.sqrt(64))
    b2 = jnp.zeros((64,), dtype=jnp.float32)
    # global_nn: Linear(64,32) -> ReLU -> Linear(32,128) -> ReLU -> Linear(128,128)
    G1 = jax.random.normal(ks[5], (32, 64), dtype=jnp.float32) * (1.0 / np.sqrt(64))
    g1 = jnp.zeros((32,), dtype=jnp.float32)
    G2 = jax.random.normal(ks[6], (128, 32), dtype=jnp.float32) * (1.0 / np.sqrt(32))
    g2 = jnp.zeros((128,), dtype=jnp.float32)
    G3 = jax.random.normal(ks[7], (128, 128), dtype=jnp.float32) * (1.0 / np.sqrt(128))
    g3 = jnp.zeros((128,), dtype=jnp.float32)
    return {"x": x, "pos": pos, "edge_index": edge_index,
            "W1": W1, "b1": b1, "W2": W2, "b2": b2,
            "G1": G1, "g1": g1, "G2": G2, "g2": g2, "G3": G3, "g3": g3}


def reference(x, pos, edge_index, W1, b1, W2, b2, G1, g1, G2, g2, G3, g3):
    N = x.shape[0]
    # PointNetConv default add_self_loops=True
    sl = jnp.arange(N, dtype=edge_index.dtype)
    src = jnp.concatenate([edge_index[0], sl])
    dst = jnp.concatenate([edge_index[1], sl])
    # message: concat([x_j, pos_j - pos_i]) -> local_nn
    msg = jnp.concatenate([x[src], pos[src] - pos[dst]], axis=-1)
    h = msg @ W1.T + b1
    h = jax.nn.relu(h)
    h = h @ W2.T + b2
    # default aggregation: max
    agg = jax.ops.segment_max(h, dst, num_segments=N)
    # global_nn
    o = agg @ G1.T + g1
    o = jax.nn.relu(o)
    o = o @ G2.T + g2
    o = jax.nn.relu(o)
    o = o @ G3.T + g3
    return o

if __name__ == "__main__":
    import jax
    _d = setup_inputs()
    print(jax.jit(kernel)(*tuple(_d.values())))

</pallas_src>

<mosaic_0001>
#map = affine_map<(d0, d1) -> (0, 0)>
#map1 = affine_map<(d0, d1) -> (0)>
module attributes {stable_mosaic.version = 14 : i64} {
  func.func @body(%arg0: i32, %arg1: i32, %arg2: memref<10000x128xf32, #tpu.memory_space<hbm>>, %arg3: memref<320000xi32, #tpu.memory_space<hbm>>, %arg4: memref<320000xi32, #tpu.memory_space<hbm>>, %arg5: memref<160000x128xf32, #tpu.memory_space<hbm>>, %arg6: memref<10000x128xf32, #tpu.memory_space<vmem_shared>>, %arg7: memref<10000xi32, #tpu.memory_space<vmem>>, %arg8: memref<10000xi32, #tpu.memory_space<vmem>>, %arg9: memref<80x128xf32, #tpu.memory_space<vmem>>, %arg10: memref<80x128xf32, #tpu.memory_space<vmem>>, %arg11: memref<40x128xf32, #tpu.memory_space<vmem>>, %arg12: memref<!tpu.dma_semaphore, #tpu.memory_space<semaphore_mem>>, %arg13: memref<!tpu.dma_semaphore, #tpu.memory_space<semaphore_mem>>) attributes {dimension_semantics = [#tpu.dimension_semantics<core_parallel>, #tpu.dimension_semantics<subcore_parallel>], iteration_bounds = array<i64: 2, 16>, scalar_prefetch = 0 : i64, scratch_operands = 8 : i64, tpu.core_type = #tpu.core_type<sc_vector_subcore>, window_params = [{transform_indices = #map}, {transform_indices = #map1}, {transform_indices = #map1}, {transform_indices = #map}]} {
    %mul3A = arith.constant 2 : i32
    %mul3A_0 = arith.muli %arg1, %mul3A : i32
    %add3A = arith.addi %mul3A_0, %arg0 : i32
    %mul3A_1 = arith.constant 10000 : i32
    %mul3A_2 = arith.muli %add3A, %mul3A_1 : i32
    %mul3A_3 = arith.constant 5000 : i32
    %mul3A_4 = arith.muli %add3A, %mul3A_3 : i32
    %eq3A = arith.constant 0 : i32
    %eq3A_5 = arith.cmpi eq, %arg1, %eq3A : i32
    %convert_element_type3A = arith.extui %eq3A_5 : i1 to i32
    %cond3A = arith.constant 0 : i32
    %cond3A_6 = arith.cmpi ne, %convert_element_type3A, %cond3A : i32
    scf.if %cond3A_6 {
      "tpu.region"() ({
        %run_scoped3A = tpu.sem_alloc : memref<!tpu.dma_semaphore, #tpu.memory_space<semaphore_mem>>
        tpu.enqueue_dma source(%arg2 : memref<10000x128xf32, #tpu.memory_space<hbm>>) target(%arg6 : memref<10000x128xf32, #tpu.memory_space<vmem_shared>>) target_semaphore(%run_scoped3A : memref<!tpu.dma_semaphore, #tpu.memory_space<semaphore_mem>>)
        tpu.wait_dma2 semaphore(%run_scoped3A : memref<!tpu.dma_semaphore, #tpu.memory_space<semaphore_mem>>) src(%arg2 : memref<10000x128xf32, #tpu.memory_space<hbm>>) dst(%arg6 : memref<10000x128xf32, #tpu.memory_space<vmem_shared>>)
        tpu.yield
      }) : () -> ()
    } else {
    }
    %barrier3A = arith.constant 0 : index
    tpu.barrier barrier_id(%barrier3A)
    "tpu.region"() ({
      %run_scoped3A = tpu.sem_alloc : memref<!tpu.dma_semaphore, #tpu.memory_space<semaphore_mem>>
      %dma_start3A = tpu.memref_slice %arg3[%mul3A_2] : memref<320000xi32, #tpu.memory_space<hbm>> -> memref<10000xi32, #tpu.memory_space<hbm>>
      %dma_start3A_13 = tpu.memref_slice %arg3[%mul3A_2] : memref<320000xi32, #tpu.memory_space<hbm>> -> memref<10000xi32, #tpu.memory_space<hbm>>
      tpu.enqueue_dma source(%dma_start3A_13 : memref<10000xi32, #tpu.memory_space<hbm>>) target(%arg7 : memref<10000xi32, #tpu.memory_space<vmem>>) target_semaphore(%run_scoped3A : memref<!tpu.dma_semaphore, #tpu.memory_space<semaphore_mem>>)
      %dma_wait3A = tpu.memref_slice %arg3[%mul3A_2] : memref<320000xi32, #tpu.memory_space<hbm>> -> memref<10000xi32, #tpu.memory_space<hbm>>
      %dma_wait3A_14 = tpu.memref_slice %arg3[%mul3A_2] : memref<320000xi32, #tpu.memory_space<hbm>> -> memref<10000xi32, #tpu.memory_space<hbm>>
      tpu.wait_dma2 semaphore(%run_scoped3A : memref<!tpu.dma_semaphore, #tpu.memory_space<semaphore_mem>>) src(%dma_wait3A_14 : memref<10000xi32, #tpu.memory_space<hbm>>) dst(%arg7 : memref<10000xi32, #tpu.memory_space<vmem>>)
      tpu.yield
    }) : () -> ()
    "tpu.region"() ({
      %run_scoped3A = tpu.sem_alloc : memref<!tpu.dma_semaphore, #tpu.memory_space<semaphore_mem>>
      %dma_start3A = tpu.memref_slice %arg4[%mul3A_2] : memref<320000xi32, #tpu.memory_space<hbm>> -> memref<10000xi32, #tpu.memory_space<hbm>>
      %dma_start3A_13 = tpu.memref_slice %arg4[%mul3A_2] : memref<320000xi32, #tpu.memory_space<hbm>> -> memref<10000xi32, #tpu.memory_space<hbm>>
      tpu.enqueue_dma source(%dma_start3A_13 : memref<10000xi32, #tpu.memory_space<hbm>>) target(%arg8 : memref<10000xi32, #tpu.memory_space<vmem>>) target_semaphore(%run_scoped3A : memref<!tpu.dma_semaphore, #tpu.memory_space<semaphore_mem>>)
      %dma_wait3A = tpu.memref_slice %arg4[%mul3A_2] : memref<320000xi32, #tpu.memory_space<hbm>> -> memref<10000xi32, #tpu.memory_space<hbm>>
      %dma_wait3A_14 = tpu.memref_slice %arg4[%mul3A_2] : memref<320000xi32, #tpu.memory_space<hbm>> -> memref<10000xi32, #tpu.memory_space<hbm>>
      tpu.wait_dma2 semaphore(%run_scoped3A : memref<!tpu.dma_semaphore, #tpu.memory_space<semaphore_mem>>) src(%dma_wait3A_14 : memref<10000xi32, #tpu.memory_space<hbm>>) dst(%arg8 : memref<10000xi32, #tpu.memory_space<vmem>>)
      tpu.yield
    }) : () -> ()
    %scan3A = arith.constant 0 : i32
    %scan3A_7 = arith.constant 0 : i32
    %scan3A_8 = arith.constant 125 : i32
    %scan3A_9 = arith.addi %scan3A_7, %scan3A_8 : i32
    %scan3A_10 = arith.constant 1 : i32
    %scan3A_11 = scf.for %scan3A_13 = %scan3A_7 to %scan3A_9 step %scan3A_10 iter_args(%scan3A_14 = %scan3A) -> (i32)  : i32 {
      %mul3A_15 = arith.constant 80 : i32
      %mul3A_16 = arith.muli %scan3A_13, %mul3A_15 : i32
      %dma_start3A = tpu.memref_slice %arg7[%mul3A_16] : memref<10000xi32, #tpu.memory_space<vmem>> -> memref<80xi32, #tpu.memory_space<vmem>>
      %dma_start3A_17 = arith.constant 0 : i32
      %dma_start3A_18 = arith.constant 0 : i32
      %dma_start3A_19 = tpu.memref_slice %arg6[%dma_start3A_17, %dma_start3A_18] : memref<10000x128xf32, #tpu.memory_space<vmem_shared>> -> memref<10000x128xf32, #tpu.memory_space<vmem_shared>>
      tpu.enqueue_indirect_dma source(%dma_start3A_19 : memref<10000x128xf32, #tpu.memory_space<vmem_shared>>) target(%arg9 : memref<80x128xf32, #tpu.memory_space<vmem>>) offsets(%dma_start3A : memref<80xi32, #tpu.memory_space<vmem>>) semaphore(%arg12 : memref<!tpu.dma_semaphore, #tpu.memory_space<semaphore_mem>>)
      %dma_start3A_20 = tpu.memref_slice %arg8[%mul3A_16] : memref<10000xi32, #tpu.memory_space<vmem>> -> memref<80xi32, #tpu.memory_space<vmem>>
      %dma_start3A_21 = arith.constant 0 : i32
      %dma_start3A_22 = arith.constant 0 : i32
      %dma_start3A_23 = tpu.memref_slice %arg6[%dma_start3A_21, %dma_start3A_22] : memref<10000x128xf32, #tpu.memory_space<vmem_shared>> -> memref<10000x128xf32, #tpu.memory_space<vmem_shared>>
      tpu.enqueue_indirect_dma source(%dma_start3A_23 : memref<10000x128xf32, #tpu.memory_space<vmem_shared>>) target(%arg10 : memref<80x128xf32, #tpu.memory_space<vmem>>) offsets(%dma_start3A_20 : memref<80xi32, #tpu.memory_space<vmem>>) semaphore(%arg13 : memref<!tpu.dma_semaphore, #tpu.memory_space<semaphore_mem>>)
      %dma_wait3A = tpu.memref_slice %arg7[%mul3A_16] : memref<10000xi32, #tpu.memory_space<vmem>> -> memref<80xi32, #tpu.memory_space<vmem>>
      %dma_wait3A_24 = arith.constant 0 : i32
      %dma_wait3A_25 = arith.constant 0 : i32
      %dma_wait3A_26 = tpu.memref_slice %arg6[%dma_wait3A_24, %dma_wait3A_25] : memref<10000x128xf32, #tpu.memory_space<vmem_shared>> -> memref<10000x128xf32, #tpu.memory_space<vmem_shared>>
      tpu.wait_indirect_dma semaphore(%arg12 : memref<!tpu.dma_semaphore, #tpu.memory_space<semaphore_mem>>) src(%dma_wait3A_26 : memref<10000x128xf32, #tpu.memory_space<vmem_shared>>) dst(%arg9 : memref<80x128xf32, #tpu.memory_space<vmem>>)
      %dma_wait3A_27 = tpu.memref_slice %arg8[%mul3A_16] : memref<10000xi32, #tpu.memory_space<vmem>> -> memref<80xi32, #tpu.memory_space<vmem>>
      %dma_wait3A_28 = arith.constant 0 : i32
      %dma_wait3A_29 = arith.constant 0 : i32
      %dma_wait3A_30 = tpu.memref_slice %arg6[%dma_wait3A_28, %dma_wait3A_29] : memref<10000x128xf32, #tpu.memory_space<vmem_shared>> -> memref<10000x128xf32, #tpu.memory_space<vmem_shared>>
      tpu.wait_indirect_dma semaphore(%arg13 : memref<!tpu.dma_semaphore, #tpu.memory_space<semaphore_mem>>) src(%dma_wait3A_30 : memref<10000x128xf32, #tpu.memory_space<vmem_shared>>) dst(%arg10 : memref<80x128xf32, #tpu.memory_space<vmem>>)
      %scan3A_31 = arith.constant 0 : i32
      %scan3A_32 = arith.constant 0 : i32
      %scan3A_33 = arith.constant 40 : i32
      %scan3A_34 = arith.addi %scan3A_32, %scan3A_33 : i32
      %scan3A_35 = arith.constant 1 : i32
      %scan3A_36 = scf.for %scan3A_42 = %scan3A_32 to %scan3A_34 step %scan3A_35 iter_args(%scan3A_43 = %scan3A_31) -> (i32)  : i32 {
        %mul3A_44 = arith.constant 2 : i32
        %mul3A_45 = arith.muli %mul3A_44, %scan3A_42 : i32
        %get3A = arith.index_cast %mul3A_45 : i32 to index
        %get3A_46 = arith.constant 0 : index
        %get3A_47 = tpu.vector_load %arg9[%get3A, %get3A_46] {strides = array<i32>} : memref<80x128xf32, #tpu.memory_space<vmem>>, vector<16xf32>,
        %mul3A_48 = arith.constant 2 : i32
        %mul3A_49 = arith.muli %mul3A_48, %scan3A_42 : i32
        %get3A_50 = arith.index_cast %mul3A_49 : i32 to index
        %get3A_51 = arith.constant 64 : index
        %get3A_52 = tpu.vector_load %arg10[%get3A_50, %get3A_51] {strides = array<i32>} : memref<80x128xf32, #tpu.memory_space<vmem>>, vector<16xf32>,
        %sub3A = arith.subf %get3A_47, %get3A_52 : vector<16xf32>
        %swap3A = arith.index_cast %scan3A_42 : i32 to index
        %swap3A_53 = arith.constant 0 : index
        %swap3A_54 = tpu.vector_load %arg11[%swap3A, %swap3A_53] {strides = array<i32>} : memref<40x128xf32, #tpu.memory_space<vmem>>, vector<16xf32>,
        tpu.vector_store %arg11[%swap3A, %swap3A_53], %sub3A {strides = array<i32>} : memref<40x128xf32, #tpu.memory_space<vmem>>, vector<16xf32>,
        %mul3A_55 = arith.constant 2 : i32
        %mul3A_56 = arith.muli %mul3A_55, %scan3A_42 : i32
        %add3A_57 = arith.constant 1 : i32
        %add3A_58 = arith.addi %mul3A_56, %add3A_57 : i32
        %get3A_59 = arith.index_cast %add3A_58 : i32 to index
        %get3A_60 = arith.constant 0 : index
        %get3A_61 = tpu.vector_load %arg9[%get3A_59, %get3A_60] {strides = array<i32>} : memref<80x128xf32, #tpu.memory_space<vmem>>, vector<16xf32>,
        %mul3A_62 = arith.constant 2 : i32
        %mul3A_63 = arith.muli %mul3A_62, %scan3A_42 : i32
        %add3A_64 = arith.constant 1 : i32
        %add3A_65 = arith.addi %mul3A_63, %add3A_64 : i32
        %get3A_66 = arith.index_cast %add3A_65 : i32 to index
        %get3A_67 = arith.constant 64 : index
        %get3A_68 = tpu.vector_load %arg10[%get3A_66, %get3A_67] {strides = array<i32>} : memref<80x128xf32, #tpu.memory_space<vmem>>, vector<16xf32>,
        %sub3A_69 = arith.subf %get3A_61, %get3A_68 : vector<16xf32>
        %swap3A_70 = arith.index_cast %scan3A_42 : i32 to index
        %swap3A_71 = arith.constant 64 : index
        %swap3A_72 = tpu.vector_load %arg11[%swap3A_70, %swap3A_71] {strides = array<i32>} : memref<40x128xf32, #tpu.memory_space<vmem>>, vector<16xf32>,
        tpu.vector_store %arg11[%swap3A_70, %swap3A_71], %sub3A_69 {strides = array<i32>} : memref<40x128xf32, #tpu.memory_space<vmem>>, vector<16xf32>,
        %mul3A_73 = arith.constant 2 : i32
        %mul3A_74 = arith.muli %mul3A_73, %scan3A_42 : i32
        %get3A_75 = arith.index_cast %mul3A_74 : i32 to index
        %get3A_76 = arith.constant 16 : index
        %get3A_77 = tpu.vector_load %arg9[%get3A_75, %get3A_76] {strides = array<i32>} : memref<80x128xf32, #tpu.memory_space<vmem>>, vector<16xf32>,
        %mul3A_78 = arith.constant 2 : i32
        %mul3A_79 = arith.muli %mul3A_78, %scan3A_42 : i32
        %get3A_80 = arith.index_cast %mul3A_79 : i32 to index
        %get3A_81 = arith.constant 80 : index
        %get3A_82 = tpu.vector_load %arg10[%get3A_80, %get3A_81] {strides = array<i32>} : memref<80x128xf32, #tpu.memory_space<vmem>>, vector<16xf32>,
        %sub3A_83 = arith.subf %get3A_77, %get3A_82 : vector<16xf32>
        %swap3A_84 = arith.index_cast %scan3A_42 : i32 to index
        %swap3A_85 = arith.constant 16 : index
        %swap3A_86 = tpu.vector_load %arg11[%swap3A_84, %swap3A_85] {strides = array<i32>} : memref<40x128xf32, #tpu.memory_space<vmem>>, vector<16xf32>,
        tpu.vector_store %arg11[%swap3A_84, %swap3A_85], %sub3A_83 {strides = array<i32>} : memref<40x128xf32, #tpu.memory_space<vmem>>, vector<16xf32>,
        %mul3A_87 = arith.constant 2 : i32
        %mul3A_88 = arith.muli %mul3A_87, %scan3A_42 : i32
        %add3A_89 = arith.constant 1 : i32
        %add3A_90 = arith.addi %mul3A_88, %add3A_89 : i32
        %get3A_91 = arith.index_cast %add3A_90 : i32 to index
        %get3A_92 = arith.constant 16 : index
        %get3A_93 = tpu.vector_load %arg9[%get3A_91, %get3A_92] {strides = array<i32>} : memref<80x128xf32, #tpu.memory_space<vmem>>, vector<16xf32>,
        %mul3A_94 = arith.constant 2 : i32
        %mul3A_95 = arith.muli %mul3A_94, %scan3A_42 : i32
        %add3A_96 = arith.constant 1 : i32
        %add3A_97 = arith.addi %mul3A_95, %add3A_96 : i32
        %get3A_98 = arith.index_cast %add3A_97 : i32 to index
        %get3A_99 = arith.constant 80 : index
        %get3A_100 = tpu.vector_load %arg10[%get3A_98, %get3A_99] {strides = array<i32>} : memref<80x128xf32, #tpu.memory_space<vmem>>, vector<16xf32>,
        %sub3A_101 = arith.subf %get3A_93, %get3A_100 : vector<16xf32>
        %swap3A_102 = arith.index_cast %scan3A_42 : i32 to index
        %swap3A_103 = arith.constant 80 : index
        %swap3A_104 = tpu.vector_load %arg11[%swap3A_102, %swap3A_103] {strides = array<i32>} : memref<40x128xf32, #tpu.memory_space<vmem>>, vector<16xf32>,
        tpu.vector_store %arg11[%swap3A_102, %swap3A_103], %sub3A_101 {strides = array<i32>} : memref<40x128xf32, #tpu.memory_space<vmem>>, vector<16xf32>,
        %mul3A_105 = arith.constant 2 : i32
        %mul3A_106 = arith.muli %mul3A_105, %scan3A_42 : i32
        %get3A_107 = arith.index_cast %mul3A_106 : i32 to index
        %get3A_108 = arith.constant 32 : index
        %get3A_109 = tpu.vector_load %arg9[%get3A_107, %get3A_108] {strides = array<i32>} : memref<80x128xf32, #tpu.memory_space<vmem>>, vector<16xf32>,
        %mul3A_110 = arith.constant 2 : i32
        %mul3A_111 = arith.muli %mul3A_110, %scan3A_42 : i32
        %get3A_112 = arith.index_cast %mul3A_111 : i32 to index
        %get3A_113 = arith.constant 96 : index
        %get3A_114 = tpu.vector_load %arg10[%get3A_112, %get3A_113] {strides = array<i32>} : memref<80x128xf32, #tpu.memory_space<vmem>>, vector<16xf32>,
        %sub3A_115 = arith.subf %get3A_109, %get3A_114 : vector<16xf32>
        %swap3A_116 = arith.index_cast %scan3A_42 : i32 to index
        %swap3A_117 = arith.constant 32 : index
        %swap3A_118 = tpu.vector_load %arg11[%swap3A_116, %swap3A_117] {strides = array<i32>} : memref<40x128xf32, #tpu.memory_space<vmem>>, vector<16xf32>,
        tpu.vector_store %arg11[%swap3A_116, %swap3A_117], %sub3A_115 {strides = array<i32>} : memref<40x128xf32, #tpu.memory_space<vmem>>, vector<16xf32>,
        %mul3A_119 = arith.constant 2 : i32
        %mul3A_120 = arith.muli %mul3A_119, %scan3A_42 : i32
        %add3A_121 = arith.constant 1 : i32
        %add3A_122 = arith.addi %mul3A_120, %add3A_121 : i32
        %get3A_123 = arith.index_cast %add3A_122 : i32 to index
        %get3A_124 = arith.constant 32 : index
        %get3A_125 = tpu.vector_load %arg9[%get3A_123, %get3A_124] {strides = array<i32>} : memref<80x128xf32, #tpu.memory_space<vmem>>, vector<16xf32>,
        %mul3A_126 = arith.constant 2 : i32
        %mul3A_127 = arith.muli %mul3A_126, %scan3A_42 : i32
        %add3A_128 = arith.constant 1 : i32
        %add3A_129 = arith.addi %mul3A_127, %add3A_128 : i32
        %get3A_130 = arith.index_cast %add3A_129 : i32 to index
        %get3A_131 = arith.constant 96 : index
        %get3A_132 = tpu.vector_load %arg10[%get3A_130, %get3A_131] {strides = array<i32>} : memref<80x128xf32, #tpu.memory_space<vmem>>, vector<16xf32>,
        %sub3A_133 = arith.subf %get3A_125, %get3A_132 : vector<16xf32>
        %swap3A_134 = arith.index_cast %scan3A_42 : i32 to index
        %swap3A_135 = arith.constant 96 : index
        %swap3A_136 = tpu.vector_load %arg11[%swap3A_134, %swap3A_135] {strides = array<i32>} : memref<40x128xf32, #tpu.memory_space<vmem>>, vector<16xf32>,
        tpu.vector_store %arg11[%swap3A_134, %swap3A_135], %sub3A_133 {strides = array<i32>} : memref<40x128xf32, #tpu.memory_space<vmem>>, vector<16xf32>,
        %mul3A_137 = arith.constant 2 : i32
        %mul3A_138 = arith.muli %mul3A_137, %scan3A_42 : i32
        %get3A_139 = arith.index_cast %mul3A_138 : i32 to index
        %get3A_140 = arith.constant 48 : index
        %get3A_141 = tpu.vector_load %arg9[%get3A_139, %get3A_140] {strides = array<i32>} : memref<80x128xf32, #tpu.memory_space<vmem>>, vector<16xf32>,
        %mul3A_142 = arith.constant 2 : i32
        %mul3A_143 = arith.muli %mul3A_142, %scan3A_42 : i32
        %get3A_144 = arith.index_cast %mul3A_143 : i32 to index
        %get3A_145 = arith.constant 112 : index
        %get3A_146 = tpu.vector_load %arg10[%get3A_144, %get3A_145] {strides = array<i32>} : memref<80x128xf32, #tpu.memory_space<vmem>>, vector<16xf32>,
        %sub3A_147 = arith.subf %get3A_141, %get3A_146 : vector<16xf32>
        %swap3A_148 = arith.index_cast %scan3A_42 : i32 to index
        %swap3A_149 = arith.constant 48 : index
        %swap3A_150 = tpu.vector_load %arg11[%swap3A_148, %swap3A_149] {strides = array<i32>} : memref<40x128xf32, #tpu.memory_space<vmem>>, vector<16xf32>,
        tpu.vector_store %arg11[%swap3A_148, %swap3A_149], %sub3A_147 {strides = array<i32>} : memref<40x128xf32, #tpu.memory_space<vmem>>, vector<16xf32>,
        %mul3A_151 = arith.constant 2 : i32
        %mul3A_152 = arith.muli %mul3A_151, %scan3A_42 : i32
        %add3A_153 = arith.constant 1 : i32
        %add3A_154 = arith.addi %mul3A_152, %add3A_153 : i32
        %get3A_155 = arith.index_cast %add3A_154 : i32 to index
        %get3A_156 = arith.constant 48 : index
        %get3A_157 = tpu.vector_load %arg9[%get3A_155, %get3A_156] {strides = array<i32>} : memref<80x128xf32, #tpu.memory_space<vmem>>, vector<16xf32>,
        %mul3A_158 = arith.constant 2 : i32
        %mul3A_159 = arith.muli %mul3A_158, %scan3A_42 : i32
        %add3A_160 = arith.constant 1 : i32
        %add3A_161 = arith.addi %mul3A_159, %add3A_160 : i32
        %get3A_162 = arith.index_cast %add3A_161 : i32 to index
        %get3A_163 = arith.constant 112 : index
        %get3A_164 = tpu.vector_load %arg10[%get3A_162, %get3A_163] {strides = array<i32>} : memref<80x128xf32, #tpu.memory_space<vmem>>, vector<16xf32>,
        %sub3A_165 = arith.subf %get3A_157, %get3A_164 : vector<16xf32>
        %swap3A_166 = arith.index_cast %scan3A_42 : i32 to index
        %swap3A_167 = arith.constant 112 : index
        %swap3A_168 = tpu.vector_load %arg11[%swap3A_166, %swap3A_167] {strides = array<i32>} : memref<40x128xf32, #tpu.memory_space<vmem>>, vector<16xf32>,
        tpu.vector_store %arg11[%swap3A_166, %swap3A_167], %sub3A_165 {strides = array<i32>} : memref<40x128xf32, #tpu.memory_space<vmem>>, vector<16xf32>,
        %scan3A_169 = arith.constant 0 : i32
        scf.yield %scan3A_169 : i32
      }
      %scan3A_37 = arith.constant 40 : i32
      %mul3A_38 = arith.constant 40 : i32
      %mul3A_39 = arith.muli %scan3A_13, %mul3A_38 : i32
      %add3A_40 = arith.addi %mul3A_4, %mul3A_39 : i32
      "tpu.region"() ({
        %run_scoped3A = tpu.sem_alloc : memref<!tpu.dma_semaphore, #tpu.memory_space<semaphore_mem>>
        %dma_start3A_42 = arith.constant 0 : i32
        %dma_start3A_43 = tpu.memref_slice %arg5[%add3A_40, %dma_start3A_42] : memref<160000x128xf32, #tpu.memory_space<hbm>> -> memref<40x128xf32, #tpu.memory_space<hbm>>
        %dma_start3A_44 = arith.constant 0 : i32
        %dma_start3A_45 = tpu.memref_slice %arg5[%add3A_40, %dma_start3A_44] : memref<160000x128xf32, #tpu.memory_space<hbm>> -> memref<40x128xf32, #tpu.memory_space<hbm>>
        tpu.enqueue_dma source(%arg11 : memref<40x128xf32, #tpu.memory_space<vmem>>) target(%dma_start3A_45 : memref<40x128xf32, #tpu.memory_space<hbm>>) target_semaphore(%run_scoped3A : memref<!tpu.dma_semaphore, #tpu.memory_space<semaphore_mem>>)
        %dma_wait3A_46 = arith.constant 0 : i32
        %dma_wait3A_47 = tpu.memref_slice %arg5[%add3A_40, %dma_wait3A_46] : memref<160000x128xf32, #tpu.memory_space<hbm>> -> memref<40x128xf32, #tpu.memory_space<hbm>>
        %dma_wait3A_48 = arith.constant 0 : i32
        %dma_wait3A_49 = tpu.memref_slice %arg5[%add3A_40, %dma_wait3A_48] : memref<160000x128xf32, #tpu.memory_space<hbm>> -> memref<40x128xf32, #tpu.memory_space<hbm>>
        tpu.wait_dma2 semaphore(%run_scoped3A : memref<!tpu.dma_semaphore, #tpu.memory_space<semaphore_mem>>) src(%arg11 : memref<40x128xf32, #tpu.memory_space<vmem>>) dst(%dma_wait3A_49 : memref<40x128xf32, #tpu.memory_space<hbm>>)
        tpu.yield
      }) : () -> ()
      %scan3A_41 = arith.constant 0 : i32
      scf.yield %scan3A_41 : i32
    }
    %scan3A_12 = arith.constant 125 : i32
    return
  }
}

#map = affine_map<(d0, d1) -> (0, 0)>
#map1 = affine_map<(d0, d1) -> (0)>
module attributes {stable_mosaic.version = 14 : i64} {
  func.func @body(%arg0: i32, %arg1: i32, %arg2: memref<160000x128xf32, #tpu.memory_space<hbm>>, %arg3: memref<320000xi32, #tpu.memory_space<hbm>>, %arg4: memref<10240x64xf32, #tpu.memory_space<hbm>>, %arg5: memref<10240x64xf32, #tpu.memory_space<hbm>>, %arg6: memref<320x64xf32, #tpu.memory_space<vmem>>, %arg7: memref<8000xi32, #tpu.memory_space<vmem>>, %arg8: memref<252x32xi32, #tpu.memory_space<vmem>>, %arg9: memref<8192xi32, #tpu.memory_space<vmem>>, %arg10: memref<32x128xf32, #tpu.memory_space<vmem>>, %arg11: memref<32x128xf32, #tpu.memory_space<vmem>>, %arg12: memref<32x128xf32, #tpu.memory_space<vmem>>, %arg13: memref<32x128xf32, #tpu.memory_space<vmem>>, %arg14: memref<32x128xf32, #tpu.memory_space<vmem>>, %arg15: memref<32x128xf32, #tpu.memory_space<vmem>>, %arg16: memref<32x128xf32, #tpu.memory_space<vmem>>, %arg17: memref<32x128xf32, #tpu.memory_space<vmem>>, %arg18: memref<!tpu.dma_semaphore, #tpu.memory_space<semaphore_mem>>, %arg19: memref<!tpu.dma_semaphore, #tpu.memory_space<semaphore_mem>>, %arg20: memref<!tpu.dma_semaphore, #tpu.memory_space<semaphore_mem>>, %arg21: memref<!tpu.dma_semaphore, #tpu.memory_space<semaphore_mem>>, %arg22: memref<!tpu.dma_semaphore, #tpu.memory_space<semaphore_mem>>, %arg23: memref<!tpu.dma_semaphore, #tpu.memory_space<semaphore_mem>>, %arg24: memref<!tpu.dma_semaphore, #tpu.memory_space<semaphore_mem>>, %arg25: memref<!tpu.dma_semaphore, #tpu.memory_space<semaphore_mem>>) attributes {dimension_semantics = [#tpu.dimension_semantics<core_parallel>, #tpu.dimension_semantics<subcore_parallel>], iteration_bounds = array<i64: 2, 16>, scalar_prefetch = 0 : i64, scratch_operands = 20 : i64, tpu.core_type = #tpu.core_type<sc_vector_subcore>, window_params = [{transform_indices = #map}, {transform_indices = #map1}, {transform_indices = #map}, {transform_indices = #map}]} {
    %mul3A = arith.constant 2 : i32
    %mul3A_0 = arith.muli %arg1, %mul3A : i32
    %add3A = arith.addi %mul3A_0, %arg0 : i32
    %mul3A_1 = arith.constant 320 : i32
    %mul3A_2 = arith.muli %add3A, %mul3A_1 : i32
    "tpu.region"() ({
      %run_scoped3A = tpu.sem_alloc : memref<!tpu.dma_semaphore, #tpu.memory_space<semaphore_mem>>
      %dma_start3A = arith.constant 0 : i32
      %dma_start3A_11 = tpu.memref_slice %arg4[%mul3A_2, %dma_start3A] : memref<10240x64xf32, #tpu.memory_space<hbm>> -> memref<320x64xf32, #tpu.memory_space<hbm>>
      %dma_start3A_12 = arith.constant 0 : i32
      %dma_start3A_13 = tpu.memref_slice %arg4[%mul3A_2, %dma_start3A_12] : memref<10240x64xf32, #tpu.memory_space<hbm>> -> memref<320x64xf32, #tpu.memory_space<hbm>>
      tpu.enqueue_dma source(%dma_start3A_13 : memref<320x64xf32, #tpu.memory_space<hbm>>) target(%arg6 : memref<320x64xf32, #tpu.memory_space<vmem>>) target_semaphore(%run_scoped3A : memref<!tpu.dma_semaphore, #tpu.memory_space<semaphore_mem>>)
      %dma_wait3A = arith.constant 0 : i32
      %dma_wait3A_14 = tpu.memref_slice %arg4[%mul3A_2, %dma_wait3A] : memref<10240x64xf32, #tpu.memory_space<hbm>> -> memref<320x64xf32, #tpu.memory_space<hbm>>
      %dma_wait3A_15 = arith.constant 0 : i32
      %dma_wait3A_16 = tpu.memref_slice %arg4[%mul3A_2, %dma_wait3A_15] : memref<10240x64xf32, #tpu.memory_space<hbm>> -> memref<320x64xf32, #tpu.memory_space<hbm>>
      tpu.wait_dma2 semaphore(%run_scoped3A : memref<!tpu.dma_semaphore, #tpu.memory_space<semaphore_mem>>) src(%dma_wait3A_16 : memref<320x64xf32, #tpu.memory_space<hbm>>) dst(%arg6 : memref<320x64xf32, #tpu.memory_space<vmem>>)
      tpu.yield
    }) : () -> ()
    %iota3A = tpu.iota {dimensions = array<i32: 0>} : vector<16xi32>
    %lt3A = arith.constant 16 : i32
    %lt3A_3 = vector.broadcast %lt3A : i32 to vector<16xi32>
    %lt3A_4 = arith.cmpi slt, %iota3A, %lt3A_3 : vector<16xi32>
    %scan3A = arith.constant 0 : i32
    %scan3A_5 = arith.constant 0 : i32
    %scan3A_6 = arith.constant 40 : i32
    %scan3A_7 = arith.addi %scan3A_5, %scan3A_6 : i32
    %scan3A_8 = arith.constant 1 : i32
    %scan3A_9 = scf.for %scan3A_11 = %scan3A_5 to %scan3A_7 step %scan3A_8 iter_args(%scan3A_12 = %scan3A) -> (i32)  : i32 {
      %mul3A_13 = arith.constant 8000 : i32
      %mul3A_14 = arith.muli %scan3A_11, %mul3A_13 : i32
      "tpu.region"() ({
        %run_scoped3A = tpu.sem_alloc : memref<!tpu.dma_semaphore, #tpu.memory_space<semaphore_mem>>
        %dma_start3A = tpu.memref_slice %arg3[%mul3A_14] : memref<320000xi32, #tpu.memory_space<hbm>> -> memref<8000xi32, #tpu.memory_space<hbm>>
        %dma_start3A_103 = tpu.memref_slice %arg3[%mul3A_14] : memref<320000xi32, #tpu.memory_space<hbm>> -> memref<8000xi32, #tpu.memory_space<hbm>>
        tpu.enqueue_dma source(%dma_start3A_103 : memref<8000xi32, #tpu.memory_space<hbm>>) target(%arg7 : memref<8000xi32, #tpu.memory_space<vmem>>) target_semaphore(%run_scoped3A : memref<!tpu.dma_semaphore, #tpu.memory_space<semaphore_mem>>)
        %dma_wait3A = tpu.memref_slice %arg3[%mul3A_14] : memref<320000xi32, #tpu.memory_space<hbm>> -> memref<8000xi32, #tpu.memory_space<hbm>>
        %dma_wait3A_104 = tpu.memref_slice %arg3[%mul3A_14] : memref<320000xi32, #tpu.memory_space<hbm>> -> memref<8000xi32, #tpu.memory_space<hbm>>
        tpu.wait_dma2 semaphore(%run_scoped3A : memref<!tpu.dma_semaphore, #tpu.memory_space<semaphore_mem>>) src(%dma_wait3A_104 : memref<8000xi32, #tpu.memory_space<hbm>>) dst(%arg7 : memref<8000xi32, #tpu.memory_space<vmem>>)
        tpu.yield
      }) : () -> ()
      %scan3A_15 = arith.constant 0 : i32
      %scan3A_16 = arith.constant 0 : i32
      %scan3A_17 = arith.constant 125 : i32
      %scan3A_18 = arith.addi %scan3A_16, %scan3A_17 : i32
      %scan3A_19 = arith.constant 1 : i32
      %scan3A_20 = scf.for %scan3A_103 = %scan3A_16 to %scan3A_18 step %scan3A_19 iter_args(%scan3A_104 = %scan3A_15) -> (i32)  : i32 {
        %mul3A_105 = arith.constant 4 : i32
        %mul3A_106 = arith.muli %scan3A_103, %mul3A_105 : i32
        %add3A_107 = arith.constant 0 : i32
        %add3A_108 = arith.addi %mul3A_106, %add3A_107 : i32
        %mul3A_109 = arith.constant 16 : i32
        %mul3A_110 = arith.muli %add3A_108, %mul3A_109 : i32
        %get3A = arith.index_cast %mul3A_110 : i32 to index
        %get3A_111 = tpu.vector_load %arg7[%get3A] {strides = array<i32>} : memref<8000xi32, #tpu.memory_space<vmem>>, vector<16xi32>,
        %sub3A_112 = vector.broadcast %mul3A_2 : i32 to vector<16xi32>
        %sub3A_113 = arith.subi %get3A_111, %sub3A_112 : vector<16xi32>
        %ge3A = arith.constant 0 : i32
        %ge3A_114 = vector.broadcast %ge3A : i32 to vector<16xi32>
        %ge3A_115 = arith.cmpi sge, %sub3A_113, %ge3A_114 : vector<16xi32>
        %lt3A_116 = arith.constant 320 : i32
        %lt3A_117 = vector.broadcast %lt3A_116 : i32 to vector<16xi32>
        %lt3A_118 = arith.cmpi slt, %sub3A_113, %lt3A_117 : vector<16xi32>
        %and3A_119 = arith.andi %ge3A_115, %lt3A_118 : vector<16xi1>
        %mul3A_120 = arith.constant 16 : i32
        %mul3A_121 = arith.muli %add3A_108, %mul3A_120 : i32
        %add3A_122 = arith.addi %mul3A_14, %mul3A_121 : i32
        %add3A_123 = vector.broadcast %add3A_122 : i32 to vector<16xi32>
        %add3A_124 = arith.addi %add3A_123, %iota3A : vector<16xi32>
        %jit3A_125 = arith.constant 1 : i32
        %jit3A_126 = arith.constant 0 : i32
        %broadcast_in_dim3A = vector.broadcast %jit3A_125 : i32 to vector<16xi32>
        %broadcast_in_dim3A_127 = vector.broadcast %jit3A_126 : i32 to vector<16xi32>
        %select_n3A_128 = arith.select %and3A_119, %broadcast_in_dim3A, %broadcast_in_dim3A_127 : vector<16xi1>, vector<16xi32>
        %cumsum3A = arith.constant true
        %cumsum3A_129 = vector.broadcast %cumsum3A : i1 to vector<16xi1>
        %cumsum3A_130 = tpu.scan <sum>, %select_n3A_128 masked %cumsum3A_129 : vector<16xi32>, vector<16xi1> -> vector<16xi32>
        %sub3A_131 = arith.constant 1 : i32
        %sub3A_132 = arith.subi %scan3A_104, %sub3A_131 : i32
        %add3A_133 = vector.broadcast %sub3A_132 : i32 to vector<16xi32>
        %add3A_134 = arith.addi %add3A_133, %cumsum3A_130 : vector<16xi32>
        %and3A_135 = arith.constant 1 : i32
        %and3A_136 = vector.broadcast %and3A_135 : i32 to vector<16xi32>
        %and3A_137 = arith.andi %add3A_124, %and3A_136 : vector<16xi32>
        %shift_left3A = arith.constant 16 : i32
        %shift_left3A_138 = vector.broadcast %shift_left3A : i32 to vector<16xi32>
        %shift_left3A_139 = arith.shli %and3A_137, %shift_left3A_138 : vector<16xi32>
        %or3A = arith.ori %sub3A_113, %shift_left3A_139 : vector<16xi32>
        %shift_right_arithmetic3A_140 = arith.constant 5 : i32
        %shift_right_arithmetic3A_141 = vector.broadcast %shift_right_arithmetic3A_140 : i32 to vector<16xi32>
        %shift_right_arithmetic3A_142 = arith.shrsi %add3A_134, %shift_right_arithmetic3A_141 : vector<16xi32>
        %and3A_143 = arith.constant 31 : i32
        %and3A_144 = vector.broadcast %and3A_143 : i32 to vector<16xi32>
        %and3A_145 = arith.andi %add3A_134, %and3A_144 : vector<16xi32>
        %shift_right_arithmetic3A_146 = arith.constant 1 : i32
        %shift_right_arithmetic3A_147 = vector.broadcast %shift_right_arithmetic3A_146 : i32 to vector<16xi32>
        %shift_right_arithmetic3A_148 = arith.shrsi %add3A_124, %shift_right_arithmetic3A_147 : vector<16xi32>
        tpu.vector_store_idx %arg8[%shift_right_arithmetic3A_142, %and3A_145], %shift_right_arithmetic3A_148 masked %and3A_119 : memref<252x32xi32, #tpu.memory_space<vmem>>[vector<16xi32>, vector<16xi32>], vector<16xi32>, vector<16xi1>
        tpu.vector_store_idx %arg9[%add3A_134], %or3A masked %and3A_119 : memref<8192xi32, #tpu.memory_space<vmem>>[vector<16xi32>], vector<16xi32>, vector<16xi1>
        %slice3A = vector.extract_strided_slice %cumsum3A_130 {offsets = [15], sizes = [1], strides = [1]} : vector<16xi32> to vector<1xi32>
        %squeeze3A = vector.extract %slice3A[0] : i32 from vector<1xi32>
        %add3A_149 = arith.addi %scan3A_104, %squeeze3A : i32
        %mul3A_150 = arith.constant 4 : i32
        %mul3A_151 = arith.muli %scan3A_103, %mul3A_150 : i32
        %add3A_152 = arith.constant 1 : i32
        %add3A_153 = arith.addi %mul3A_151, %add3A_152 : i32
        %mul3A_154 = arith.constant 16 : i32
        %mul3A_155 = arith.muli %add3A_153, %mul3A_154 : i32
        %get3A_156 = arith.index_cast %mul3A_155 : i32 to index
        %get3A_157 = tpu.vector_load %arg7[%get3A_156] {strides = array<i32>} : memref<8000xi32, #tpu.memory_space<vmem>>, vector<16xi32>,
        %sub3A_158 = vector.broadcast %mul3A_2 : i32 to vector<16xi32>
        %sub3A_159 = arith.subi %get3A_157, %sub3A_158 : vector<16xi32>
        %ge3A_160 = arith.constant 0 : i32
        %ge3A_161 = vector.broadcast %ge3A_160 : i32 to vector<16xi32>
        %ge3A_162 = arith.cmpi sge, %sub3A_159, %ge3A_161 : vector<16xi32>
        %lt3A_163 = arith.constant 320 : i32
        %lt3A_164 = vector.broadcast %lt3A_163 : i32 to vector<16xi32>
        %lt3A_165 = arith.cmpi slt, %sub3A_159, %lt3A_164 : vector<16xi32>
        %and3A_166 = arith.andi %ge3A_162, %lt3A_165 : vector<16xi1>
        %mul3A_167 = arith.constant 16 : i32
        %mul3A_168 = arith.muli %add3A_153, %mul3A_167 : i32
        %add3A_169 = arith.addi %mul3A_14, %mul3A_168 : i32
        %add3A_170 = vector.broadcast %add3A_169 : i32 to vector<16xi32>
        %add3A_171 = arith.addi %add3A_170, %iota3A : vector<16xi32>
        %jit3A_172 = arith.constant 1 : i32
        %jit3A_173 = arith.constant 0 : i32
        %broadcast_in_dim3A_174 = vector.broadcast %jit3A_172 : i32 to vector<16xi32>
        %broadcast_in_dim3A_175 = vector.broadcast %jit3A_173 : i32 to vector<16xi32>
        %select_n3A_176 = arith.select %and3A_166, %broadcast_in_dim3A_174, %broadcast_in_dim3A_175 : vector<16xi1>, vector<16xi32>
        %cumsum3A_177 = arith.constant true
        %cumsum3A_178 = vector.broadcast %cumsum3A_177 : i1 to vector<16xi1>
        %cumsum3A_179 = tpu.scan <sum>, %select_n3A_176 masked %cumsum3A_178 : vector<16xi32>, vector<16xi1> -> vector<16xi32>
        %sub3A_180 = arith.constant 1 : i32
        %sub3A_181 = arith.subi %add3A_149, %sub3A_180 : i32
        %add3A_182 = vector.broadcast %sub3A_181 : i32 to vector<16xi32>
        %add3A_183 = arith.addi %add3A_182, %cumsum3A_179 : vector<16xi32>
        %and3A_184 = arith.constant 1 : i32
        %and3A_185 = vector.broadcast %and3A_184 : i32 to vector<16xi32>
        %and3A_186 = arith.andi %add3A_171, %and3A_185 : vector<16xi32>
        %shift_left3A_187 = arith.constant 16 : i32
        %shift_left3A_188 = vector.broadcast %shift_left3A_187 : i32 to vector<16xi32>
        %shift_left3A_189 = arith.shli %and3A_186, %shift_left3A_188 : vector<16xi32>
        %or3A_190 = arith.ori %sub3A_159, %shift_left3A_189 : vector<16xi32>
        %shift_right_arithmetic3A_191 = arith.constant 5 : i32
        %shift_right_arithmetic3A_192 = vector.broadcast %shift_right_arithmetic3A_191 : i32 to vector<16xi32>
        %shift_right_arithmetic3A_193 = arith.shrsi %add3A_183, %shift_right_arithmetic3A_192 : vector<16xi32>
        %and3A_194 = arith.constant 31 : i32
        %and3A_195 = vector.broadcast %and3A_194 : i32 to vector<16xi32>
        %and3A_196 = arith.andi %add3A_183, %and3A_195 : vector<16xi32>
        %shift_right_arithmetic3A_197 = arith.constant 1 : i32
        %shift_right_arithmetic3A_198 = vector.broadcast %shift_right_arithmetic3A_197 : i32 to vector<16xi32>
        %shift_right_arithmetic3A_199 = arith.shrsi %add3A_171, %shift_right_arithmetic3A_198 : vector<16xi32>
        tpu.vector_store_idx %arg8[%shift_right_arithmetic3A_193, %and3A_196], %shift_right_arithmetic3A_199 masked %and3A_166 : memref<252x32xi32, #tpu.memory_space<vmem>>[vector<16xi32>, vector<16xi32>], vector<16xi32>, vector<16xi1>
        tpu.vector_store_idx %arg9[%add3A_183], %or3A_190 masked %and3A_166 : memref<8192xi32, #tpu.memory_space<vmem>>[vector<16xi32>], vector<16xi32>, vector<16xi1>
        %slice3A_200 = vector.extract_strided_slice %cumsum3A_179 {offsets = [15], sizes = [1], strides = [1]} : vector<16xi32> to vector<1xi32>
        %squeeze3A_201 = vector.extract %slice3A_200[0] : i32 from vector<1xi32>
        %add3A_202 = arith.addi %add3A_149, %squeeze3A_201 : i32
        %mul3A_203 = arith.constant 4 : i32
        %mul3A_204 = arith.muli %scan3A_103, %mul3A_203 : i32
        %add3A_205 = arith.constant 2 : i32
        %add3A_206 = arith.addi %mul3A_204, %add3A_205 : i32
        %mul3A_207 = arith.constant 16 : i32
        %mul3A_208 = arith.muli %add3A_206, %mul3A_207 : i32
        %get3A_209 = arith.index_cast %mul3A_208 : i32 to index
        %get3A_210 = tpu.vector_load %arg7[%get3A_209] {strides = array<i32>} : memref<8000xi32, #tpu.memory_space<vmem>>, vector<16xi32>,
        %sub3A_211 = vector.broadcast %mul3A_2 : i32 to vector<16xi32>
        %sub3A_212 = arith.subi %get3A_210, %sub3A_211 : vector<16xi32>
        %ge3A_213 = arith.constant 0 : i32
        %ge3A_214 = vector.broadcast %ge3A_213 : i32 to vector<16xi32>
        %ge3A_215 = arith.cmpi sge, %sub3A_212, %ge3A_214 : vector<16xi32>
        %lt3A_216 = arith.constant 320 : i32
        %lt3A_217 = vector.broadcast %lt3A_216 : i32 to vector<16xi32>
        %lt3A_218 = arith.cmpi slt, %sub3A_212, %lt3A_217 : vector<16xi32>
        %and3A_219 = arith.andi %ge3A_215, %lt3A_218 : vector<16xi1>
        %mul3A_220 = arith.constant 16 : i32
        %mul3A_221 = arith.muli %add3A_206, %mul3A_220 : i32
        %add3A_222 = arith.addi %mul3A_14, %mul3A_221 : i32
        %add3A_223 = vector.broadcast %add3A_222 : i32 to vector<16xi32>
        %add3A_224 = arith.addi %add3A_223, %iota3A : vector<16xi32>
        %jit3A_225 = arith.constant 1 : i32
        %jit3A_226 = arith.constant 0 : i32
        %broadcast_in_dim3A_227 = vector.broadcast %jit3A_225 : i32 to vector<16xi32>
        %broadcast_in_dim3A_228 = vector.broadcast %jit3A_226 : i32 to vector<16xi32>
        %select_n3A_229 = arith.select %and3A_219, %broadcast_in_dim3A_227, %broadcast_in_dim3A_228 : vector<16xi1>, vector<16xi32>
        %cumsum3A_230 = arith.constant true
        %cumsum3A_231 = vector.broadcast %cumsum3A_230 : i1 to vector<16xi1>
        %cumsum3A_232 = tpu.scan <sum>, %select_n3A_229 masked %cumsum3A_231 : vector<16xi32>, vector<16xi1> -> vector<16xi32>
        %sub3A_233 = arith.constant 1 : i32
        %sub3A_234 = arith.subi %add3A_202, %sub3A_233 : i32
        %add3A_235 = vector.broadcast %sub3A_234 : i32 to vector<16xi32>
        %add3A_236 = arith.addi %add3A_235, %cumsum3A_232 : vector<16xi32>
        %and3A_237 = arith.constant 1 : i32
        %and3A_238 = vector.broadcast %and3A_237 : i32 to vector<16xi32>
        %and3A_239 = arith.andi %add3A_224, %and3A_238 : vector<16xi32>
        %shift_left3A_240 = arith.constant 16 : i32
        %shift_left3A_241 = vector.broadcast %shift_left3A_240 : i32 to vector<16xi32>
        %shift_left3A_242 = arith.shli %and3A_239, %shift_left3A_241 : vector<16xi32>
        %or3A_243 = arith.ori %sub3A_212, %shift_left3A_242 : vector<16xi32>
        %shift_right_arithmetic3A_244 = arith.constant 5 : i32
        %shift_right_arithmetic3A_245 = vector.broadcast %shift_right_arithmetic3A_244 : i32 to vector<16xi32>
        %shift_right_arithmetic3A_246 = arith.shrsi %add3A_236, %shift_right_arithmetic3A_245 : vector<16xi32>
        %and3A_247 = arith.constant 31 : i32
        %and3A_248 = vector.broadcast %and3A_247 : i32 to vector<16xi32>
        %and3A_249 = arith.andi %add3A_236, %and3A_248 : vector<16xi32>
        %shift_right_arithmetic3A_250 = arith.constant 1 : i32
        %shift_right_arithmetic3A_251 = vector.broadcast %shift_right_arithmetic3A_250 : i32 to vector<16xi32>
        %shift_right_arithmetic3A_252 = arith.shrsi %add3A_224, %shift_right_arithmetic3A_251 : vector<16xi32>
        tpu.vector_store_idx %arg8[%shift_right_arithmetic3A_246, %and3A_249], %shift_right_arithmetic3A_252 masked %and3A_219 : memref<252x32xi32, #tpu.memory_space<vmem>>[vector<16xi32>, vector<16xi32>], vector<16xi32>, vector<16xi1>
        tpu.vector_store_idx %arg9[%add3A_236], %or3A_243 masked %and3A_219 : memref<8192xi32, #tpu.memory_space<vmem>>[vector<16xi32>], vector<16xi32>, vector<16xi1>
        %slice3A_253 = vector.extract_strided_slice %cumsum3A_232 {offsets = [15], sizes = [1], strides = [1]} : vector<16xi32> to vector<1xi32>
        %squeeze3A_254 = vector.extract %slice3A_253[0] : i32 from vector<1xi32>
        %add3A_255 = arith.addi %add3A_202, %squeeze3A_254 : i32
        %mul3A_256 = arith.constant 4 : i32
        %mul3A_257 = arith.muli %scan3A_103, %mul3A_256 : i32
        %add3A_258 = arith.constant 3 : i32
        %add3A_259 = arith.addi %mul3A_257, %add3A_258 : i32
        %mul3A_260 = arith.constant 16 : i32
        %mul3A_261 = arith.muli %add3A_259, %mul3A_260 : i32
        %get3A_262 = arith.index_cast %mul3A_261 : i32 to index
        %get3A_263 = tpu.vector_load %arg7[%get3A_262] {strides = array<i32>} : memref<8000xi32, #tpu.memory_space<vmem>>, vector<16xi32>,
        %sub3A_264 = vector.broadcast %mul3A_2 : i32 to vector<16xi32>
        %sub3A_265 = arith.subi %get3A_263, %sub3A_264 : vector<16xi32>
        %ge3A_266 = arith.constant 0 : i32
        %ge3A_267 = vector.broadcast %ge3A_266 : i32 to vector<16xi32>
        %ge3A_268 = arith.cmpi sge, %sub3A_265, %ge3A_267 : vector<16xi32>
        %lt3A_269 = arith.constant 320 : i32
        %lt3A_270 = vector.broadcast %lt3A_269 : i32 to vector<16xi32>
        %lt3A_271 = arith.cmpi slt, %sub3A_265, %lt3A_270 : vector<16xi32>
        %and3A_272 = arith.andi %ge3A_268, %lt3A_271 : vector<16xi1>
        %mul3A_273 = arith.constant 16 : i32
        %mul3A_274 = arith.muli %add3A_259, %mul3A_273 : i32
        %add3A_275 = arith.addi %mul3A_14, %mul3A_274 : i32
        %add3A_276 = vector.broadcast %add3A_275 : i32 to vector<16xi32>
        %add3A_277 = arith.addi %add3A_276, %iota3A : vector<16xi32>
        %jit3A_278 = arith.constant 1 : i32
        %jit3A_279 = arith.constant 0 : i32
        %broadcast_in_dim3A_280 = vector.broadcast %jit3A_278 : i32 to vector<16xi32>
        %broadcast_in_dim3A_281 = vector.broadcast %jit3A_279 : i32 to vector<16xi32>
        %select_n3A_282 = arith.select %and3A_272, %broadcast_in_dim3A_280, %broadcast_in_dim3A_281 : vector<16xi1>, vector<16xi32>
        %cumsum3A_283 = arith.constant true
        %cumsum3A_284 = vector.broadcast %cumsum3A_283 : i1 to vector<16xi1>
        %cumsum3A_285 = tpu.scan <sum>, %select_n3A_282 masked %cumsum3A_284 : vector<16xi32>, vector<16xi1> -> vector<16xi32>
        %sub3A_286 = arith.constant 1 : i32
        %sub3A_287 = arith.subi %add3A_255, %sub3A_286 : i32
        %add3A_288 = vector.broadcast %sub3A_287 : i32 to vector<16xi32>
        %add3A_289 = arith.addi %add3A_288, %cumsum3A_285 : vector<16xi32>
        %and3A_290 = arith.constant 1 : i32
        %and3A_291 = vector.broadcast %and3A_290 : i32 to vector<16xi32>
        %and3A_292 = arith.andi %add3A_277, %and3A_291 : vector<16xi32>
        %shift_left3A_293 = arith.constant 16 : i32
        %shift_left3A_294 = vector.broadcast %shift_left3A_293 : i32 to vector<16xi32>
        %shift_left3A_295 = arith.shli %and3A_292, %shift_left3A_294 : vector<16xi32>
        %or3A_296 = arith.ori %sub3A_265, %shift_left3A_295 : vector<16xi32>
        %shift_right_arithmetic3A_297 = arith.constant 5 : i32
        %shift_right_arithmetic3A_298 = vector.broadcast %shift_right_arithmetic3A_297 : i32 to vector<16xi32>
        %shift_right_arithmetic3A_299 = arith.shrsi %add3A_289, %shift_right_arithmetic3A_298 : vector<16xi32>
        %and3A_300 = arith.constant 31 : i32
        %and3A_301 = vector.broadcast %and3A_300 : i32 to vector<16xi32>
        %and3A_302 = arith.andi %add3A_289, %and3A_301 : vector<16xi32>
        %shift_right_arithmetic3A_303 = arith.constant 1 : i32
        %shift_right_arithmetic3A_304 = vector.broadcast %shift_right_arithmetic3A_303 : i32 to vector<16xi32>
        %shift_right_arithmetic3A_305 = arith.shrsi %add3A_277, %shift_right_arithmetic3A_304 : vector<16xi32>
        tpu.vector_store_idx %arg8[%shift_right_arithmetic3A_299, %and3A_302], %shift_right_arithmetic3A_305 masked %and3A_272 : memref<252x32xi32, #tpu.memory_space<vmem>>[vector<16xi32>, vector<16xi32>], vector<16xi32>, vector<16xi1>
        tpu.vector_store_idx %arg9[%add3A_289], %or3A_296 masked %and3A_272 : memref<8192xi32, #tpu.memory_space<vmem>>[vector<16xi32>], vector<16xi32>, vector<16xi1>
        %slice3A_306 = vector.extract_strided_slice %cumsum3A_285 {offsets = [15], sizes = [1], strides = [1]} : vector<16xi32> to vector<1xi32>
        %squeeze3A_307 = vector.extract %slice3A_306[0] : i32 from vector<1xi32>
        %add3A_308 = arith.addi %add3A_255, %squeeze3A_307 : i32
        scf.yield %add3A_308 : i32
      }
      %scan3A_21 = arith.constant 125 : i32
      %scan3A_22 = arith.constant 0 : i32
      %scan3A_23 = arith.constant 0 : i32
      %scan3A_24 = arith.constant 2 : i32
      %scan3A_25 = arith.addi %scan3A_23, %scan3A_24 : i32
      %scan3A_26 = arith.constant 1 : i32
      %scan3A_27 = scf.for %scan3A_103 = %scan3A_23 to %scan3A_25 step %scan3A_26 iter_args(%scan3A_104 = %scan3A_22) -> (i32)  : i32 {
        %mul3A_105 = arith.constant 16 : i32
        %mul3A_106 = arith.muli %scan3A_103, %mul3A_105 : i32
        %add3A_107 = arith.addi %scan3A_20, %mul3A_106 : i32
        %add3A_108 = vector.broadcast %add3A_107 : i32 to vector<16xi32>
        %add3A_109 = arith.addi %add3A_108, %iota3A : vector<16xi32>
        %shift_right_arithmetic3A_110 = arith.constant 5 : i32
        %shift_right_arithmetic3A_111 = vector.broadcast %shift_right_arithmetic3A_110 : i32 to vector<16xi32>
        %shift_right_arithmetic3A_112 = arith.shrsi %add3A_109, %shift_right_arithmetic3A_111 : vector<16xi32>
        %and3A_113 = arith.constant 31 : i32
        %and3A_114 = vector.broadcast %and3A_113 : i32 to vector<16xi32>
        %and3A_115 = arith.andi %add3A_109, %and3A_114 : vector<16xi32>
        %mul3A_116 = arith.constant 128 : i32
        %mul3A_117 = arith.muli %add3A, %mul3A_116 : i32
        %add3A_118 = vector.broadcast %mul3A_117 : i32 to vector<16xi32>
        %add3A_119 = arith.addi %add3A_118, %iota3A : vector<16xi32>
        tpu.vector_store_idx %arg8[%shift_right_arithmetic3A_112, %and3A_115], %add3A_119 masked %lt3A_4 : memref<252x32xi32, #tpu.memory_space<vmem>>[vector<16xi32>, vector<16xi32>], vector<16xi32>, vector<16xi1>
        %scan3A_120 = arith.constant 0 : i32
        scf.yield %scan3A_120 : i32
      }
      %scan3A_28 = arith.constant 2 : i32
      %add3A_29 = arith.constant 32 : i32
      %add3A_30 = arith.addi %scan3A_20, %add3A_29 : i32
      %sub3A = arith.constant 1 : i32
      %sub3A_31 = arith.subi %add3A_30, %sub3A : i32
      %shift_right_arithmetic3A = arith.constant 5 : i32
      %shift_right_arithmetic3A_32 = arith.shrsi %sub3A_31, %shift_right_arithmetic3A : i32
      %gt3A = arith.constant 0 : i32
      %gt3A_33 = arith.cmpi sgt, %shift_right_arithmetic3A_32, %gt3A : i32
      %convert_element_type3A = arith.extui %gt3A_33 : i1 to i32
      %cond3A = arith.constant 0 : i32
      %cond3A_34 = arith.cmpi ne, %convert_element_type3A, %cond3A : i32
      scf.if %cond3A_34 {
        %dma_start3A = arith.constant 0 : i32
        %dma_start3A_103 = arith.constant 0 : i32
        %dma_start3A_104 = tpu.memref_slice %arg8[%dma_start3A, %dma_start3A_103] : memref<252x32xi32, #tpu.memory_space<vmem>> -> memref<1x32xi32, #tpu.memory_space<vmem>>
        %dma_start3A_105 = tpu.memref_squeeze %dma_start3A_104 : memref<1x32xi32, #tpu.memory_space<vmem>> -> memref<32xi32, #tpu.memory_space<vmem>>
        %dma_start3A_106 = arith.constant 0 : i32
        %dma_start3A_107 = arith.constant 0 : i32
        %dma_start3A_108 = tpu.memref_slice %arg2[%dma_start3A_106, %dma_start3A_107] : memref<160000x128xf32, #tpu.memory_space<hbm>> -> memref<160000x128xf32, #tpu.memory_space<hbm>>
        tpu.enqueue_indirect_dma source(%dma_start3A_108 : memref<160000x128xf32, #tpu.memory_space<hbm>>) target(%arg10 : memref<32x128xf32, #tpu.memory_space<vmem>>) offsets(%dma_start3A_105 : memref<32xi32, #tpu.memory_space<vmem>>) semaphore(%arg18 : memref<!tpu.dma_semaphore, #tpu.memory_space<semaphore_mem>>)
      } else {
      }
      %gt3A_35 = arith.constant 1 : i32
      %gt3A_36 = arith.cmpi sgt, %shift_right_arithmetic3A_32, %gt3A_35 : i32
      %convert_element_type3A_37 = arith.extui %gt3A_36 : i1 to i32
      %cond3A_38 = arith.constant 0 : i32
      %cond3A_39 = arith.cmpi ne, %convert_element_type3A_37, %cond3A_38 : i32
      scf.if %cond3A_39 {
        %dma_start3A = arith.constant 1 : i32
        %dma_start3A_103 = arith.constant 0 : i32
        %dma_start3A_104 = tpu.memref_slice %arg8[%dma_start3A, %dma_start3A_103] : memref<252x32xi32, #tpu.memory_space<vmem>> -> memref<1x32xi32, #tpu.memory_space<vmem>>
        %dma_start3A_105 = tpu.memref_squeeze %dma_start3A_104 : memref<1x32xi32, #tpu.memory_space<vmem>> -> memref<32xi32, #tpu.memory_space<vmem>>
        %dma_start3A_106 = arith.constant 0 : i32
        %dma_start3A_107 = arith.constant 0 : i32
        %dma_start3A_108 = tpu.memref_slice %arg2[%dma_start3A_106, %dma_start3A_107] : memref<160000x128xf32, #tpu.memory_space<hbm>> -> memref<160000x128xf32, #tpu.memory_space<hbm>>
        tpu.enqueue_indirect_dma source(%dma_start3A_108 : memref<160000x128xf32, #tpu.memory_space<hbm>>) target(%arg11 : memref<32x128xf32, #tpu.memory_space<vmem>>) offsets(%dma_start3A_105 : memref<32xi32, #tpu.memory_space<vmem>>) semaphore(%arg19 : memref<!tpu.dma_semaphore, #tpu.memory_space<semaphore_mem>>)
      } else {
      }
      %gt3A_40 = arith.constant 2 : i32
      %gt3A_41 = arith.cmpi sgt, %shift_right_arithmetic3A_32, %gt3A_40 : i32
      %convert_element_type3A_42 = arith.extui %gt3A_41 : i1 to i32
      %cond3A_43 = arith.constant 0 : i32
      %cond3A_44 = arith.cmpi ne, %convert_element_type3A_42, %cond3A_43 : i32
      scf.if %cond3A_44 {
        %dma_start3A = arith.constant 2 : i32
        %dma_start3A_103 = arith.constant 0 : i32
        %dma_start3A_104 = tpu.memref_slice %arg8[%dma_start3A, %dma_start3A_103] : memref<252x32xi32, #tpu.memory_space<vmem>> -> memref<1x32xi32, #tpu.memory_space<vmem>>
        %dma_start3A_105 = tpu.memref_squeeze %dma_start3A_104 : memref<1x32xi32, #tpu.memory_space<vmem>> -> memref<32xi32, #tpu.memory_space<vmem>>
        %dma_start3A_106 = arith.constant 0 : i32
        %dma_start3A_107 = arith.constant 0 : i32
        %dma_start3A_108 = tpu.memref_slice %arg2[%dma_start3A_106, %dma_start3A_107] : memref<160000x128xf32, #tpu.memory_space<hbm>> -> memref<160000x128xf32, #tpu.memory_space<hbm>>
        tpu.enqueue_indirect_dma source(%dma_start3A_108 : memref<160000x128xf32, #tpu.memory_space<hbm>>) target(%arg12 : memref<32x128xf32, #tpu.memory_space<vmem>>) offsets(%dma_start3A_105 : memref<32xi32, #tpu.memory_space<vmem>>) semaphore(%arg20 : memref<!tpu.dma_semaphore, #tpu.memory_space<semaphore_mem>>)
      } else {
      }
      %gt3A_45 = arith.constant 3 : i32
      %gt3A_46 = arith.cmpi sgt, %shift_right_arithmetic3A_32, %gt3A_45 : i32
      %convert_element_type3A_47 = arith.extui %gt3A_46 : i1 to i32
      %cond3A_48 = arith.constant 0 : i32
      %cond3A_49 = arith.cmpi ne, %convert_element_type3A_47, %cond3A_48 : i32
      scf.if %cond3A_49 {
        %dma_start3A = arith.constant 3 : i32
        %dma_start3A_103 = arith.constant 0 : i32
        %dma_start3A_104 = tpu.memref_slice %arg8[%dma_start3A, %dma_start3A_103] : memref<252x32xi32, #tpu.memory_space<vmem>> -> memref<1x32xi32, #tpu.memory_space<vmem>>
        %dma_start3A_105 = tpu.memref_squeeze %dma_start3A_104 : memref<1x32xi32, #tpu.memory_space<vmem>> -> memref<32xi32, #tpu.memory_space<vmem>>
        %dma_start3A_106 = arith.constant 0 : i32
        %dma_start3A_107 = arith.constant 0 : i32
        %dma_start3A_108 = tpu.memref_slice %arg2[%dma_start3A_106, %dma_start3A_107] : memref<160000x128xf32, #tpu.memory_space<hbm>> -> memref<160000x128xf32, #tpu.memory_space<hbm>>
        tpu.enqueue_indirect_dma source(%dma_start3A_108 : memref<160000x128xf32, #tpu.memory_space<hbm>>) target(%arg13 : memref<32x128xf32, #tpu.memory_space<vmem>>) offsets(%dma_start3A_105 : memref<32xi32, #tpu.memory_space<vmem>>) semaphore(%arg21 : memref<!tpu.dma_semaphore, #tpu.memory_space<semaphore_mem>>)
      } else {
      }
      %gt3A_50 = arith.constant 4 : i32
      %gt3A_51 = arith.cmpi sgt, %shift_right_arithmetic3A_32, %gt3A_50 : i32
      %convert_element_type3A_52 = arith.extui %gt3A_51 : i1 to i32
      %cond3A_53 = arith.constant 0 : i32
      %cond3A_54 = arith.cmpi ne, %convert_element_type3A_52, %cond3A_53 : i32
      scf.if %cond3A_54 {
        %dma_start3A = arith.constant 4 : i32
        %dma_start3A_103 = arith.constant 0 : i32
        %dma_start3A_104 = tpu.memref_slice %arg8[%dma_start3A, %dma_start3A_103] : memref<252x32xi32, #tpu.memory_space<vmem>> -> memref<1x32xi32, #tpu.memory_space<vmem>>
        %dma_start3A_105 = tpu.memref_squeeze %dma_start3A_104 : memref<1x32xi32, #tpu.memory_space<vmem>> -> memref<32xi32, #tpu.memory_space<vmem>>
        %dma_start3A_106 = arith.constant 0 : i32
        %dma_start3A_107 = arith.constant 0 : i32
        %dma_start3A_108 = tpu.memref_slice %arg2[%dma_start3A_106, %dma_start3A_107] : memref<160000x128xf32, #tpu.memory_space<hbm>> -> memref<160000x128xf32, #tpu.memory_space<hbm>>
        tpu.enqueue_indirect_dma source(%dma_start3A_108 : memref<160000x128xf32, #tpu.memory_space<hbm>>) target(%arg14 : memref<32x128xf32, #tpu.memory_space<vmem>>) offsets(%dma_start3A_105 : memref<32xi32, #tpu.memory_space<vmem>>) semaphore(%arg22 : memref<!tpu.dma_semaphore, #tpu.memory_space<semaphore_mem>>)
      } else {
      }
      %gt3A_55 = arith.constant 5 : i32
      %gt3A_56 = arith.cmpi sgt, %shift_right_arithmetic3A_32, %gt3A_55 : i32
      %convert_element_type3A_57 = arith.extui %gt3A_56 : i1 to i32
      %cond3A_58 = arith.constant 0 : i32
      %cond3A_59 = arith.cmpi ne, %convert_element_type3A_57, %cond3A_58 : i32
      scf.if %cond3A_59 {
        %dma_start3A = arith.constant 5 : i32
        %dma_start3A_103 = arith.constant 0 : i32
        %dma_start3A_104 = tpu.memref_slice %arg8[%dma_start3A, %dma_start3A_103] : memref<252x32xi32, #tpu.memory_space<vmem>> -> memref<1x32xi32, #tpu.memory_space<vmem>>
        %dma_start3A_105 = tpu.memref_squeeze %dma_start3A_104 : memref<1x32xi32, #tpu.memory_space<vmem>> -> memref<32xi32, #tpu.memory_space<vmem>>
        %dma_start3A_106 = arith.constant 0 : i32
        %dma_start3A_107 = arith.constant 0 : i32
        %dma_start3A_108 = tpu.memref_slice %arg2[%dma_start3A_106, %dma_start3A_107] : memref<160000x128xf32, #tpu.memory_space<hbm>> -> memref<160000x128xf32, #tpu.memory_space<hbm>>
        tpu.enqueue_indirect_dma source(%dma_start3A_108 : memref<160000x128xf32, #tpu.memory_space<hbm>>) target(%arg15 : memref<32x128xf32, #tpu.memory_space<vmem>>) offsets(%dma_start3A_105 : memref<32xi32, #tpu.memory_space<vmem>>) semaphore(%arg23 : memref<!tpu.dma_semaphore, #tpu.memory_space<semaphore_mem>>)
      } else {
      }
      %gt3A_60 = arith.constant 6 : i32
      %gt3A_61 = arith.cmpi sgt, %shift_right_arithmetic3A_32, %gt3A_60 : i32
      %convert_element_type3A_62 = arith.extui %gt3A_61 : i1 to i32
      %cond3A_63 = arith.constant 0 : i32
      %cond3A_64 = arith.cmpi ne, %convert_element_type3A_62, %cond3A_63 : i32
      scf.if %cond3A_64 {
        %dma_start3A = arith.constant 6 : i32
        %dma_start3A_103 = arith.constant 0 : i32
        %dma_start3A_104 = tpu.memref_slice %arg8[%dma_start3A, %dma_start3A_103] : memref<252x32xi32, #tpu.memory_space<vmem>> -> memref<1x32xi32, #tpu.memory_space<vmem>>
        %dma_start3A_105 = tpu.memref_squeeze %dma_start3A_104 : memref<1x32xi32, #tpu.memory_space<vmem>> -> memref<32xi32, #tpu.memory_space<vmem>>
        %dma_start3A_106 = arith.constant 0 : i32
        %dma_start3A_107 = arith.constant 0 : i32
        %dma_start3A_108 = tpu.memref_slice %arg2[%dma_start3A_106, %dma_start3A_107] : memref<160000x128xf32, #tpu.memory_space<hbm>> -> memref<160000x128xf32, #tpu.memory_space<hbm>>
        tpu.enqueue_indirect_dma source(%dma_start3A_108 : memref<160000x128xf32, #tpu.memory_space<hbm>>) target(%arg16 : memref<32x128xf32, #tpu.memory_space<vmem>>) offsets(%dma_start3A_105 : memref<32xi32, #tpu.memory_space<vmem>>) semaphore(%arg24 : memref<!tpu.dma_semaphore, #tpu.memory_space<semaphore_mem>>)
      } else {
      }
      %gt3A_65 = arith.constant 7 : i32
      %gt3A_66 = arith.cmpi sgt, %shift_right_arithmetic3A_32, %gt3A_65 : i32
      %convert_element_type3A_67 = arith.extui %gt3A_66 : i1 to i32
      %cond3A_68 = arith.constant 0 : i32
      %cond3A_69 = arith.cmpi ne, %convert_element_type3A_67, %cond3A_68 : i32
      scf.if %cond3A_69 {
        %dma_start3A = arith.constant 7 : i32
        %dma_start3A_103 = arith.constant 0 : i32
        %dma_start3A_104 = tpu.memref_slice %arg8[%dma_start3A, %dma_start3A_103] : memref<252x32xi32, #tpu.memory_space<vmem>> -> memref<1x32xi32, #tpu.memory_space<vmem>>
        %dma_start3A_105 = tpu.memref_squeeze %dma_start3A_104 : memref<1x32xi32, #tpu.memory_space<vmem>> -> memref<32xi32, #tpu.memory_space<vmem>>
        %dma_start3A_106 = arith.constant 0 : i32
        %dma_start3A_107 = arith.constant 0 : i32
        %dma_start3A_108 = tpu.memref_slice %arg2[%dma_start3A_106, %dma_start3A_107] : memref<160000x128xf32, #tpu.memory_space<hbm>> -> memref<160000x128xf32, #tpu.memory_space<hbm>>
        tpu.enqueue_indirect_dma source(%dma_start3A_108 : memref<160000x128xf32, #tpu.memory_space<hbm>>) target(%arg17 : memref<32x128xf32, #tpu.memory_space<vmem>>) offsets(%dma_start3A_105 : memref<32xi32, #tpu.memory_space<vmem>>) semaphore(%arg25 : memref<!tpu.dma_semaphore, #tpu.memory_space<semaphore_mem>>)
      } else {
      }
      %add3A_70 = arith.constant 8 : i32
      %add3A_71 = arith.addi %shift_right_arithmetic3A_32, %add3A_70 : i32
      %sub3A_72 = arith.constant 1 : i32
      %sub3A_73 = arith.subi %add3A_71, %sub3A_72 : i32
      %jit3A = arith.constant 8 : i32
      %div3A = arith.divsi %sub3A_73, %jit3A : i32
      %sign3A = arith.constant 0 : i32
      %sign3A_74 = arith.cmpi sgt, %sub3A_73, %sign3A : i32
      %sign3A_75 = arith.extui %sign3A_74 : i1 to i32
      %sign3A_76 = arith.constant 0 : i32
      %sign3A_77 = arith.cmpi slt, %sub3A_73, %sign3A_76 : i32
      %sign3A_78 = arith.extui %sign3A_77 : i1 to i32
      %sign3A_79 = arith.subi %sign3A_75, %sign3A_78 : i32
      %sign3A_80 = arith.constant 0 : i32
      %sign3A_81 = arith.cmpi sgt, %jit3A, %sign3A_80 : i32
      %sign3A_82 = arith.extui %sign3A_81 : i1 to i32
      %sign3A_83 = arith.constant 0 : i32
      %sign3A_84 = arith.cmpi slt, %jit3A, %sign3A_83 : i32
      %sign3A_85 = arith.extui %sign3A_84 : i1 to i32
      %sign3A_86 = arith.subi %sign3A_82, %sign3A_85 : i32
      %ne3A = arith.cmpi ne, %sign3A_79, %sign3A_86 : i32
      %rem3A = arith.remsi %sub3A_73, %jit3A : i32
      %ne3A_87 = arith.constant 0 : i32
      %ne3A_88 = arith.cmpi ne, %rem3A, %ne3A_87 : i32
      %and3A = arith.andi %ne3A, %ne3A_88 : i1
      %sub3A_89 = arith.constant 1 : i32
      %sub3A_90 = arith.subi %div3A, %sub3A_89 : i32
      %select_n3A = arith.select %and3A, %sub3A_90, %div3A : i32
      %while3A = arith.constant 0 : i32
      %while3A_91 = arith.constant 0 : i32
      %while3A_92 = arith.subi %select_n3A, %while3A : i32
      %while3A_93 = arith.addi %while3A, %while3A_92 : i32
      %while3A_94 = arith.constant 1 : i32
      %while3A_95 = arith.divsi %while3A_92, %while3A_94 : i32
      %while3A_96 = arith.muli %while3A_95, %while3A_94 : i32
      %while3A_97 = arith.addi %while3A, %while3A_96 : i32
      %while3A_98 = arith.constant 1 : i32
      %while3A_99 = scf.for %while3A_103 = %while3A to %while3A_97 step %while3A_98 iter_args(%while3A_104 = %while3A_91) -> (i32)  : i32 {
        %mul3A_105 = arith.constant 8 : i32
        %mul3A_106 = arith.muli %while3A_103, %mul3A_105 : i32
        %add3A_107 = arith.constant 0 : i32
        %add3A_108 = arith.addi %mul3A_106, %add3A_107 : i32
        %lt3A_109 = arith.cmpi slt, %add3A_108, %shift_right_arithmetic3A_32 : i32
        %convert_element_type3A_110 = arith.extui %lt3A_109 : i1 to i32
        %cond3A_111 = arith.constant 0 : i32
        %cond3A_112 = arith.cmpi ne, %convert_element_type3A_110, %cond3A_111 : i32
        scf.if %cond3A_112 {
          %dma_wait3A = arith.constant 0 : i32
          %dma_wait3A_170 = tpu.memref_slice %arg8[%add3A_108, %dma_wait3A] : memref<252x32xi32, #tpu.memory_space<vmem>> -> memref<1x32xi32, #tpu.memory_space<vmem>>
          %dma_wait3A_171 = tpu.memref_squeeze %dma_wait3A_170 : memref<1x32xi32, #tpu.memory_space<vmem>> -> memref<32xi32, #tpu.memory_space<vmem>>
          %dma_wait3A_172 = arith.constant 0 : i32
          %dma_wait3A_173 = arith.constant 0 : i32
          %dma_wait3A_174 = tpu.memref_slice %arg2[%dma_wait3A_172, %dma_wait3A_173] : memref<160000x128xf32, #tpu.memory_space<hbm>> -> memref<160000x128xf32, #tpu.memory_space<hbm>>
          tpu.wait_indirect_dma semaphore(%arg18 : memref<!tpu.dma_semaphore, #tpu.memory_space<semaphore_mem>>) src(%dma_wait3A_174 : memref<160000x128xf32, #tpu.memory_space<hbm>>) dst(%arg10 : memref<32x128xf32, #tpu.memory_space<vmem>>)
          %mul3A_175 = arith.constant 32 : i32
          %mul3A_176 = arith.muli %add3A_108, %mul3A_175 : i32
          %sub3A_177 = arith.subi %scan3A_20, %mul3A_176 : i32
          %min3A = arith.constant 32 : i32
          %min3A_178 = arith.minsi %min3A, %sub3A_177 : i32
          %while3A_179 = arith.constant 0 : i32
          %while3A_180 = arith.constant 0 : i32
          %while3A_181 = arith.subi %min3A_178, %while3A_179 : i32
          %while3A_182 = arith.addi %while3A_179, %while3A_181 : i32
          %while3A_183 = arith.constant 1 : i32
          %while3A_184 = arith.divsi %while3A_181, %while3A_183 : i32
          %while3A_185 = arith.muli %while3A_184, %while3A_183 : i32
          %while3A_186 = arith.addi %while3A_179, %while3A_185 : i32
          %while3A_187 = arith.constant 1 : i32
          %while3A_188 = scf.for %while3A_197 = %while3A_179 to %while3A_186 step %while3A_187 iter_args(%while3A_198 = %while3A_180) -> (i32)  : i32 {
            %mul3A_199 = arith.constant 32 : i32
            %mul3A_200 = arith.muli %add3A_108, %mul3A_199 : i32
            %add3A_201 = arith.addi %mul3A_200, %while3A_197 : i32
            %get3A = arith.index_cast %add3A_201 : i32 to index
            %get3A_202 = tpu.vector_load %arg9[%get3A] {strides = array<i32>} : memref<8192xi32, #tpu.memory_space<vmem>>, vector<16xi32>,
            %slice3A = vector.extract_strided_slice %get3A_202 {offsets = [0], sizes = [1], strides = [1]} : vector<16xi32> to vector<1xi32>
            %squeeze3A = vector.extract %slice3A[0] : i32 from vector<1xi32>
            %and3A_203 = arith.constant 65535 : i32
            %and3A_204 = arith.andi %squeeze3A, %and3A_203 : i32
            %shift_right_arithmetic3A_205 = arith.constant 16 : i32
            %shift_right_arithmetic3A_206 = arith.shrsi %squeeze3A, %shift_right_arithmetic3A_205 : i32
            %mul3A_207 = arith.constant 64 : i32
            %mul3A_208 = arith.muli %shift_right_arithmetic3A_206, %mul3A_207 : i32
            %add3A_209 = arith.constant 0 : i32
            %add3A_210 = arith.addi %mul3A_208, %add3A_209 : i32
            %get3A_211 = arith.index_cast %and3A_204 : i32 to index
            %get3A_212 = arith.constant 0 : index
            %get3A_213 = tpu.vector_load %arg6[%get3A_211, %get3A_212] {strides = array<i32>} : memref<320x64xf32, #tpu.memory_space<vmem>>, vector<16xf32>,
            %get3A_214 = arith.index_cast %while3A_197 : i32 to index
            %get3A_215 = arith.index_cast %add3A_210 : i32 to index
            %get3A_216 = tpu.vector_load %arg10[%get3A_214, %get3A_215] {strides = array<i32>} : memref<32x128xf32, #tpu.memory_space<vmem>>, vector<16xf32>,
            %max3A = arith.maximumf %get3A_213, %get3A_216 : vector<16xf32>
            %swap3A = arith.index_cast %and3A_204 : i32 to index
            %swap3A_217 = arith.constant 0 : index
            %swap3A_218 = tpu.vector_load %arg6[%swap3A, %swap3A_217] {strides = array<i32>} : memref<320x64xf32, #tpu.memory_space<vmem>>, vector<16xf32>,
            tpu.vector_store %arg6[%swap3A, %swap3A_217], %max3A {strides = array<i32>} : memref<320x64xf32, #tpu.memory_space<vmem>>, vector<16xf32>,
            %mul3A_219 = arith.constant 64 : i32
            %mul3A_220 = arith.muli %shift_right_arithmetic3A_206, %mul3A_219 : i32
            %add3A_221 = arith.constant 16 : i32
            %add3A_222 = arith.addi %mul3A_220, %add3A_221 : i32
            %get3A_223 = arith.index_cast %and3A_204 : i32 to index
            %get3A_224 = arith.constant 16 : index
            %get3A_225 = tpu.vector_load %arg6[%get3A_223, %get3A_224] {strides = array<i32>} : memref<320x64xf32, #tpu.memory_space<vmem>>, vector<16xf32>,
            %get3A_226 = arith.index_cast %while3A_197 : i32 to index
            %get3A_227 = arith.index_cast %add3A_222 : i32 to index
            %get3A_228 = tpu.vector_load %arg10[%get3A_226, %get3A_227] {strides = array<i32>} : memref<32x128xf32, #tpu.memory_space<vmem>>, vector<16xf32>,
            %max3A_229 = arith.maximumf %get3A_225, %get3A_228 : vector<16xf32>
            %swap3A_230 = arith.index_cast %and3A_204 : i32 to index
            %swap3A_231 = arith.constant 16 : index
            %swap3A_232 = tpu.vector_load %arg6[%swap3A_230, %swap3A_231] {strides = array<i32>} : memref<320x64xf32, #tpu.memory_space<vmem>>, vector<16xf32>,
            tpu.vector_store %arg6[%swap3A_230, %swap3A_231], %max3A_229 {strides = array<i32>} : memref<320x64xf32, #tpu.memory_space<vmem>>, vector<16xf32>,
            %mul3A_233 = arith.constant 64 : i32
            %mul3A_234 = arith.muli %shift_right_arithmetic3A_206, %mul3A_233 : i32
            %add3A_235 = arith.constant 32 : i32
            %add3A_236 = arith.addi %mul3A_234, %add3A_235 : i32
            %get3A_237 = arith.index_cast %and3A_204 : i32 to index
            %get3A_238 = arith.constant 32 : index
            %get3A_239 = tpu.vector_load %arg6[%get3A_237, %get3A_238] {strides = array<i32>} : memref<320x64xf32, #tpu.memory_space<vmem>>, vector<16xf32>,
            %get3A_240 = arith.index_cast %while3A_197 : i32 to index
            %get3A_241 = arith.index_cast %add3A_236 : i32 to index
            %get3A_242 = tpu.vector_load %arg10[%get3A_240, %get3A_241] {strides = array<i32>} : memref<32x128xf32, #tpu.memory_space<vmem>>, vector<16xf32>,
            %max3A_243 = arith.maximumf %get3A_239, %get3A_242 : vector<16xf32>
            %swap3A_244 = arith.index_cast %and3A_204 : i32 to index
            %swap3A_245 = arith.constant 32 : index
            %swap3A_246 = tpu.vector_load %arg6[%swap3A_244, %swap3A_245] {strides = array<i32>} : memref<320x64xf32, #tpu.memory_space<vmem>>, vector<16xf32>,
            tpu.vector_store %arg6[%swap3A_244, %swap3A_245], %max3A_243 {strides = array<i32>} : memref<320x64xf32, #tpu.memory_space<vmem>>, vector<16xf32>,
            %mul3A_247 = arith.constant 64 : i32
            %mul3A_248 = arith.muli %shift_right_arithmetic3A_206, %mul3A_247 : i32
            %add3A_249 = arith.constant 48 : i32
            %add3A_250 = arith.addi %mul3A_248, %add3A_249 : i32
            %get3A_251 = arith.index_cast %and3A_204 : i32 to index
            %get3A_252 = arith.constant 48 : index
            %get3A_253 = tpu.vector_load %arg6[%get3A_251, %get3A_252] {strides = array<i32>} : memref<320x64xf32, #tpu.memory_space<vmem>>, vector<16xf32>,
            %get3A_254 = arith.index_cast %while3A_197 : i32 to index
            %get3A_255 = arith.index_cast %add3A_250 : i32 to index
            %get3A_256 = tpu.vector_load %arg10[%get3A_254, %get3A_255] {strides = array<i32>} : memref<32x128xf32, #tpu.memory_space<vmem>>, vector<16xf32>,
            %max3A_257 = arith.maximumf %get3A_253, %get3A_256 : vector<16xf32>
            %swap3A_258 = arith.index_cast %and3A_204 : i32 to index
            %swap3A_259 = arith.constant 48 : index
            %swap3A_260 = tpu.vector_load %arg6[%swap3A_258, %swap3A_259] {strides = array<i32>} : memref<320x64xf32, #tpu.memory_space<vmem>>, vector<16xf32>,
            tpu.vector_store %arg6[%swap3A_258, %swap3A_259], %max3A_257 {strides = array<i32>} : memref<320x64xf32, #tpu.memory_space<vmem>>, vector<16xf32>,
            %while3A_261 = arith.constant 0 : i32
            scf.yield %while3A_261 : i32
          }
          %while3A_189 = arith.constant 1 : i32
          %while3A_190 = scf.for %while3A_197 = %while3A_186 to %while3A_182 step %while3A_189 iter_args(%while3A_198 = %while3A_188) -> (i32)  : i32 {
            %mul3A_199 = arith.constant 32 : i32
            %mul3A_200 = arith.muli %add3A_108, %mul3A_199 : i32
            %add3A_201 = arith.addi %mul3A_200, %while3A_197 : i32
            %get3A = arith.index_cast %add3A_201 : i32 to index
            %get3A_202 = tpu.vector_load %arg9[%get3A] {strides = array<i32>} : memref<8192xi32, #tpu.memory_space<vmem>>, vector<16xi32>,
            %slice3A = vector.extract_strided_slice %get3A_202 {offsets = [0], sizes = [1], strides = [1]} : vector<16xi32> to vector<1xi32>
            %squeeze3A = vector.extract %slice3A[0] : i32 from vector<1xi32>
            %and3A_203 = arith.constant 65535 : i32
            %and3A_204 = arith.andi %squeeze3A, %and3A_203 : i32
            %shift_right_arithmetic3A_205 = arith.constant 16 : i32
            %shift_right_arithmetic3A_206 = arith.shrsi %squeeze3A, %shift_right_arithmetic3A_205 : i32
            %mul3A_207 = arith.constant 64 : i32
            %mul3A_208 = arith.muli %shift_right_arithmetic3A_206, %mul3A_207 : i32
            %add3A_209 = arith.constant 0 : i32
            %add3A_210 = arith.addi %mul3A_208, %add3A_209 : i32
            %get3A_211 = arith.index_cast %and3A_204 : i32 to index
            %get3A_212 = arith.constant 0 : index
            %get3A_213 = tpu.vector_load %arg6[%get3A_211, %get3A_212] {strides = array<i32>} : memref<320x64xf32, #tpu.memory_space<vmem>>, vector<16xf32>,
            %get3A_214 = arith.index_cast %while3A_197 : i32 to index
            %get3A_215 = arith.index_cast %add3A_210 : i32 to index
            %get3A_216 = tpu.vector_load %arg10[%get3A_214, %get3A_215] {strides = array<i32>} : memref<32x128xf32, #tpu.memory_space<vmem>>, vector<16xf32>,
            %max3A = arith.maximumf %get3A_213, %get3A_216 : vector<16xf32>
            %swap3A = arith.index_cast %and3A_204 : i32 to index
            %swap3A_217 = arith.constant 0 : index
            %swap3A_218 = tpu.vector_load %arg6[%swap3A, %swap3A_217] {strides = array<i32>} : memref<320x64xf32, #tpu.memory_space<vmem>>, vector<16xf32>,
            tpu.vector_store %arg6[%swap3A, %swap3A_217], %max3A {strides = array<i32>} : memref<320x64xf32, #tpu.memory_space<vmem>>, vector<16xf32>,
            %mul3A_219 = arith.constant 64 : i32
            %mul3A_220 = arith.muli %shift_right_arithmetic3A_206, %mul3A_219 : i32
            %add3A_221 = arith.constant 16 : i32
            %add3A_222 = arith.addi %mul3A_220, %add3A_221 : i32
            %get3A_223 = arith.index_cast %and3A_204 : i32 to index
            %get3A_224 = arith.constant 16 : index
            %get3A_225 = tpu.vector_load %arg6[%get3A_223, %get3A_224] {strides = array<i32>} : memref<320x64xf32, #tpu.memory_space<vmem>>, vector<16xf32>,
            %get3A_226 = arith.index_cast %while3A_197 : i32 to index
            %get3A_227 = arith.index_cast %add3A_222 : i32 to index
            %get3A_228 = tpu.vector_load %arg10[%get3A_226, %get3A_227] {strides = array<i32>} : memref<32x128xf32, #tpu.memory_space<vmem>>, vector<16xf32>,
            %max3A_229 = arith.maximumf %get3A_225, %get3A_228 : vector<16xf32>
            %swap3A_230 = arith.index_cast %and3A_204 : i32 to index
            %swap3A_231 = arith.constant 16 : index
            %swap3A_232 = tpu.vector_load %arg6[%swap3A_230, %swap3A_231] {strides = array<i32>} : memref<320x64xf32, #tpu.memory_space<vmem>>, vector<16xf32>,
            tpu.vector_store %arg6[%swap3A_230, %swap3A_231], %max3A_229 {strides = array<i32>} : memref<320x64xf32, #tpu.memory_space<vmem>>, vector<16xf32>,
            %mul3A_233 = arith.constant 64 : i32
            %mul3A_234 = arith.muli %shift_right_arithmetic3A_206, %mul3A_233 : i32
            %add3A_235 = arith.constant 32 : i32
            %add3A_236 = arith.addi %mul3A_234, %add3A_235 : i32
            %get3A_237 = arith.index_cast %and3A_204 : i32 to index
            %get3A_238 = arith.constant 32 : index
            %get3A_239 = tpu.vector_load %arg6[%get3A_237, %get3A_238] {strides = array<i32>} : memref<320x64xf32, #tpu.memory_space<vmem>>, vector<16xf32>,
            %get3A_240 = arith.index_cast %while3A_197 : i32 to index
            %get3A_241 = arith.index_cast %add3A_236 : i32 to index
            %get3A_242 = tpu.vector_load %arg10[%get3A_240, %get3A_241] {strides = array<i32>} : memref<32x128xf32, #tpu.memory_space<vmem>>, vector<16xf32>,
            %max3A_243 = arith.maximumf %get3A_239, %get3A_242 : vector<16xf32>
            %swap3A_244 = arith.index_cast %and3A_204 : i32 to index
            %swap3A_245 = arith.constant 32 : index
            %swap3A_246 = tpu.vector_load %arg6[%swap3A_244, %swap3A_245] {strides = array<i32>} : memref<320x64xf32, #tpu.memory_space<vmem>>, vector<16xf32>,
            tpu.vector_store %arg6[%swap3A_244, %swap3A_245], %max3A_243 {strides = array<i32>} : memref<320x64xf32, #tpu.memory_space<vmem>>, vector<16xf32>,
            %mul3A_247 = arith.constant 64 : i32
            %mul3A_248 = arith.muli %shift_right_arithmetic3A_206, %mul3A_247 : i32
            %add3A_249 = arith.constant 48 : i32
            %add3A_250 = arith.addi %mul3A_248, %add3A_249 : i32
            %get3A_251 = arith.index_cast %and3A_204 : i32 to index
            %get3A_252 = arith.constant 48 : index
            %get3A_253 = tpu.vector_load %arg6[%get3A_251, %get3A_252] {strides = array<i32>} : memref<320x64xf32, #tpu.memory_space<vmem>>, vector<16xf32>,
            %get3A_254 = arith.index_cast %while3A_197 : i32 to index
            %get3A_255 = arith.index_cast %add3A_250 : i32 to index
            %get3A_256 = tpu.vector_load %arg10[%get3A_254, %get3A_255] {strides = array<i32>} : memref<32x128xf32, #tpu.memory_space<vmem>>, vector<16xf32>,
            %max3A_257 = arith.maximumf %get3A_253, %get3A_256 : vector<16xf32>
            %swap3A_258 = arith.index_cast %and3A_204 : i32 to index
            %swap3A_259 = arith.constant 48 : index
            %swap3A_260 = tpu.vector_load %arg6[%swap3A_258, %swap3A_259] {strides = array<i32>} : memref<320x64xf32, #tpu.memory_space<vmem>>, vector<16xf32>,
            tpu.vector_store %arg6[%swap3A_258, %swap3A_259], %max3A_257 {strides = array<i32>} : memref<320x64xf32, #tpu.memory_space<vmem>>, vector<16xf32>,
            %while3A_261 = arith.constant 0 : i32
            scf.yield %while3A_261 : i32
          }
          %add3A_191 = arith.constant 8 : i32
          %add3A_192 = arith.addi %add3A_108, %add3A_191 : i32
          %lt3A_193 = arith.cmpi slt, %add3A_192, %shift_right_arithmetic3A_32 : i32
          %convert_element_type3A_194 = arith.extui %lt3A_193 : i1 to i32
          %cond3A_195 = arith.constant 0 : i32
          %cond3A_196 = arith.cmpi ne, %convert_element_type3A_194, %cond3A_195 : i32
          scf.if %cond3A_196 {
            %add3A_197 = arith.constant 8 : i32
            %add3A_198 = arith.addi %add3A_108, %add3A_197 : i32
            %dma_start3A = arith.constant 0 : i32
            %dma_start3A_199 = tpu.memref_slice %arg8[%add3A_198, %dma_start3A] : memref<252x32xi32, #tpu.memory_space<vmem>> -> memref<1x32xi32, #tpu.memory_space<vmem>>
            %dma_start3A_200 = tpu.memref_squeeze %dma_start3A_199 : memref<1x32xi32, #tpu.memory_space<vmem>> -> memref<32xi32, #tpu.memory_space<vmem>>
            %dma_start3A_201 = arith.constant 0 : i32
            %dma_start3A_202 = arith.constant 0 : i32
            %dma_start3A_203 = tpu.memref_slice %arg2[%dma_start3A_201, %dma_start3A_202] : memref<160000x128xf32, #tpu.memory_space<hbm>> -> memref<160000x128xf32, #tpu.memory_space<hbm>>
            tpu.enqueue_indirect_dma source(%dma_start3A_203 : memref<160000x128xf32, #tpu.memory_space<hbm>>) target(%arg10 : memref<32x128xf32, #tpu.memory_space<vmem>>) offsets(%dma_start3A_200 : memref<32xi32, #tpu.memory_space<vmem>>) semaphore(%arg18 : memref<!tpu.dma_semaphore, #tpu.memory_space<semaphore_mem>>)
          } else {
          }
        } else {
        }
        %mul3A_113 = arith.constant 8 : i32
        %mul3A_114 = arith.muli %while3A_103, %mul3A_113 : i32
        %add3A_115 = arith.constant 1 : i32
        %add3A_116 = arith.addi %mul3A_114, %add3A_115 : i32
        %lt3A_117 = arith.cmpi slt, %add3A_116, %shift_right_arithmetic3A_32 : i32
        %convert_element_type3A_118 = arith.extui %lt3A_117 : i1 to i32
        %cond3A_119 = arith.constant 0 : i32
        %cond3A_120 = arith.cmpi ne, %convert_element_type3A_118, %cond3A_119 : i32
        scf.if %cond3A_120 {
          %dma_wait3A = arith.constant 0 : i32
          %dma_wait3A_170 = tpu.memref_slice %arg8[%add3A_116, %dma_wait3A] : memref<252x32xi32, #tpu.memory_space<vmem>> -> memref<1x32xi32, #tpu.memory_space<vmem>>
          %dma_wait3A_171 = tpu.memref_squeeze %dma_wait3A_170 : memref<1x32xi32, #tpu.memory_space<vmem>> -> memref<32xi32, #tpu.memory_space<vmem>>
          %dma_wait3A_172 = arith.constant 0 : i32
          %dma_wait3A_173 = arith.constant 0 : i32
          %dma_wait3A_174 = tpu.memref_slice %arg2[%dma_wait3A_172, %dma_wait3A_173] : memref<160000x128xf32, #tpu.memory_space<hbm>> -> memref<160000x128xf32, #tpu.memory_space<hbm>>
          tpu.wait_indirect_dma semaphore(%arg19 : memref<!tpu.dma_semaphore, #tpu.memory_space<semaphore_mem>>) src(%dma_wait3A_174 : memref<160000x128xf32, #tpu.memory_space<hbm>>) dst(%arg11 : memref<32x128xf32, #tpu.memory_space<vmem>>)
          %mul3A_175 = arith.constant 32 : i32
          %mul3A_176 = arith.muli %add3A_116, %mul3A_175 : i32
          %sub3A_177 = arith.subi %scan3A_20, %mul3A_176 : i32
          %min3A = arith.constant 32 : i32
          %min3A_178 = arith.minsi %min3A, %sub3A_177 : i32
          %while3A_179 = arith.constant 0 : i32
          %while3A_180 = arith.constant 0 : i32
          %while3A_181 = arith.subi %min3A_178, %while3A_179 : i32
          %while3A_182 = arith.addi %while3A_179, %while3A_181 : i32
          %while3A_183 = arith.constant 1 : i32
          %while3A_184 = arith.divsi %while3A_181, %while3A_183 : i32
          %while3A_185 = arith.muli %while3A_184, %while3A_183 : i32
          %while3A_186 = arith.addi %while3A_179, %while3A_185 : i32
          %while3A_187 = arith.constant 1 : i32
          %while3A_188 = scf.for %while3A_197 = %while3A_179 to %while3A_186 step %while3A_187 iter_args(%while3A_198 = %while3A_180) -> (i32)  : i32 {
            %mul3A_199 = arith.constant 32 : i32
            %mul3A_200 = arith.muli %add3A_116, %mul3A_199 : i32
            %add3A_201 = arith.addi %mul3A_200, %while3A_197 : i32
            %get3A = arith.index_cast %add3A_201 : i32 to index
            %get3A_202 = tpu.vector_load %arg9[%get3A] {strides = array<i32>} : memref<8192xi32, #tpu.memory_space<vmem>>, vector<16xi32>,
            %slice3A = vector.extract_strided_slice %get3A_202 {offsets = [0], sizes = [1], strides = [1]} : vector<16xi32> to vector<1xi32>
            %squeeze3A = vector.extract %slice3A[0] : i32 from vector<1xi32>
            %and3A_203 = arith.constant 65535 : i32
            %and3A_204 = arith.andi %squeeze3A, %and3A_203 : i32
            %shift_right_arithmetic3A_205 = arith.constant 16 : i32
            %shift_right_arithmetic3A_206 = arith.shrsi %squeeze3A, %shift_right_arithmetic3A_205 : i32
            %mul3A_207 = arith.constant 64 : i32
            %mul3A_208 = arith.muli %shift_right_arithmetic3A_206, %mul3A_207 : i32
            %add3A_209 = arith.constant 0 : i32
            %add3A_210 = arith.addi %mul3A_208, %add3A_209 : i32
            %get3A_211 = arith.index_cast %and3A_204 : i32 to index
            %get3A_212 = arith.constant 0 : index
            %get3A_213 = tpu.vector_load %arg6[%get3A_211, %get3A_212] {strides = array<i32>} : memref<320x64xf32, #tpu.memory_space<vmem>>, vector<16xf32>,
            %get3A_214 = arith.index_cast %while3A_197 : i32 to index
            %get3A_215 = arith.index_cast %add3A_210 : i32 to index
            %get3A_216 = tpu.vector_load %arg11[%get3A_214, %get3A_215] {strides = array<i32>} : memref<32x128xf32, #tpu.memory_space<vmem>>, vector<16xf32>,
            %max3A = arith.maximumf %get3A_213, %get3A_216 : vector<16xf32>
            %swap3A = arith.index_cast %and3A_204 : i32 to index
            %swap3A_217 = arith.constant 0 : index
            %swap3A_218 = tpu.vector_load %arg6[%swap3A, %swap3A_217] {strides = array<i32>} : memref<320x64xf32, #tpu.memory_space<vmem>>, vector<16xf32>,
            tpu.vector_store %arg6[%swap3A, %swap3A_217], %max3A {strides = array<i32>} : memref<320x64xf32, #tpu.memory_space<vmem>>, vector<16xf32>,
            %mul3A_219 = arith.constant 64 : i32
            %mul3A_220 = arith.muli %shift_right_arithmetic3A_206, %mul3A_219 : i32
            %add3A_221 = arith.constant 16 : i32
            %add3A_222 = arith.addi %mul3A_220, %add3A_221 : i32
            %get3A_223 = arith.index_cast %and3A_204 : i32 to index
            %get3A_224 = arith.constant 16 : index
            %get3A_225 = tpu.vector_load %arg6[%get3A_223, %get3A_224] {strides = array<i32>} : memref<320x64xf32, #tpu.memory_space<vmem>>, vector<16xf32>,
            %get3A_226 = arith.index_cast %while3A_197 : i32 to index
            %get3A_227 = arith.index_cast %add3A_222 : i32 to index
            %get3A_228 = tpu.vector_load %arg11[%get3A_226, %get3A_227] {strides = array<i32>} : memref<32x128xf32, #tpu.memory_space<vmem>>, vector<16xf32>,
            %max3A_229 = arith.maximumf %get3A_225, %get3A_228 : vector<16xf32>
            %swap3A_230 = arith.index_cast %and3A_204 : i32 to index
            %swap3A_231 = arith.constant 16 : index
            %swap3A_232 = tpu.vector_load %arg6[%swap3A_230, %swap3A_231] {strides = array<i32>} : memref<320x64xf32, #tpu.memory_space<vmem>>, vector<16xf32>,
            tpu.vector_store %arg6[%swap3A_230, %swap3A_231], %max3A_229 {strides = array<i32>} : memref<320x64xf32, #tpu.memory_space<vmem>>, vector<16xf32>,
            %mul3A_233 = arith.constant 64 : i32
            %mul3A_234 = arith.muli %shift_right_arithmetic3A_206, %mul3A_233 : i32
            %add3A_235 = arith.constant 32 : i32
            %add3A_236 = arith.addi %mul3A_234, %add3A_235 : i32
            %get3A_237 = arith.index_cast %and3A_204 : i32 to index
            %get3A_238 = arith.constant 32 : index
            %get3A_239 = tpu.vector_load %arg6[%get3A_237, %get3A_238] {strides = array<i32>} : memref<320x64xf32, #tpu.memory_space<vmem>>, vector<16xf32>,
            %get3A_240 = arith.index_cast %while3A_197 : i32 to index
            %get3A_241 = arith.index_cast %add3A_236 : i32 to index
            %get3A_242 = tpu.vector_load %arg11[%get3A_240, %get3A_241] {strides = array<i32>} : memref<32x128xf32, #tpu.memory_space<vmem>>, vector<16xf32>,
            %max3A_243 = arith.maximumf %get3A_239, %get3A_242 : vector<16xf32>
            %swap3A_244 = arith.index_cast %and3A_204 : i32 to index
            %swap3A_245 = arith.constant 32 : index
            %swap3A_246 = tpu.vector_load %arg6[%swap3A_244, %swap3A_245] {strides = array<i32>} : memref<320x64xf32, #tpu.memory_space<vmem>>, vector<16xf32>,
            tpu.vector_store %arg6[%swap3A_244, %swap3A_245], %max3A_243 {strides = array<i32>} : memref<320x64xf32, #tpu.memory_space<vmem>>, vector<16xf32>,
            %mul3A_247 = arith.constant 64 : i32
            %mul3A_248 = arith.muli %shift_right_arithmetic3A_206, %mul3A_247 : i32
            %add3A_249 = arith.constant 48 : i32
            %add3A_250 = arith.addi %mul3A_248, %add3A_249 : i32
            %get3A_251 = arith.index_cast %and3A_204 : i32 to index
            %get3A_252 = arith.constant 48 : index
            %get3A_253 = tpu.vector_load %arg6[%get3A_251, %get3A_252] {strides = array<i32>} : memref<320x64xf32, #tpu.memory_space<vmem>>, vector<16xf32>,
            %get3A_254 = arith.index_cast %while3A_197 : i32 to index
            %get3A_255 = arith.index_cast %add3A_250 : i32 to index
            %get3A_256 = tpu.vector_load %arg11[%get3A_254, %get3A_255] {strides = array<i32>} : memref<32x128xf32, #tpu.memory_space<vmem>>, vector<16xf32>,
            %max3A_257 = arith.maximumf %get3A_253, %get3A_256 : vector<16xf32>
            %swap3A_258 = arith.index_cast %and3A_204 : i32 to index
            %swap3A_259 = arith.constant 48 : index
            %swap3A_260 = tpu.vector_load %arg6[%swap3A_258, %swap3A_259] {strides = array<i32>} : memref<320x64xf32, #tpu.memory_space<vmem>>, vector<16xf32>,
            tpu.vector_store %arg6[%swap3A_258, %swap3A_259], %max3A_257 {strides = array<i32>} : memref<320x64xf32, #tpu.memory_space<vmem>>, vector<16xf32>,
            %while3A_261 = arith.constant 0 : i32
            scf.yield %while3A_261 : i32
          }
          %while3A_189 = arith.constant 1 : i32
          %while3A_190 = scf.for %while3A_197 = %while3A_186 to %while3A_182 step %while3A_189 iter_args(%while3A_198 = %while3A_188) -> (i32)  : i32 {
            %mul3A_199 = arith.constant 32 : i32
            %mul3A_200 = arith.muli %add3A_116, %mul3A_199 : i32
            %add3A_201 = arith.addi %mul3A_200, %while3A_197 : i32
            %get3A = arith.index_cast %add3A_201 : i32 to index
            %get3A_202 = tpu.vector_load %arg9[%get3A] {strides = array<i32>} : memref<8192xi32, #tpu.memory_space<vmem>>, vector<16xi32>,
            %slice3A = vector.extract_strided_slice %get3A_202 {offsets = [0], sizes = [1], strides = [1]} : vector<16xi32> to vector<1xi32>
            %squeeze3A = vector.extract %slice3A[0] : i32 from vector<1xi32>
            %and3A_203 = arith.constant 65535 : i32
            %and3A_204 = arith.andi %squeeze3A, %and3A_203 : i32
            %shift_right_arithmetic3A_205 = arith.constant 16 : i32
            %shift_right_arithmetic3A_206 = arith.shrsi %squeeze3A, %shift_right_arithmetic3A_205 : i32
            %mul3A_207 = arith.constant 64 : i32
            %mul3A_208 = arith.muli %shift_right_arithmetic3A_206, %mul3A_207 : i32
            %add3A_209 = arith.constant 0 : i32
            %add3A_210 = arith.addi %mul3A_208, %add3A_209 : i32
            %get3A_211 = arith.index_cast %and3A_204 : i32 to index
            %get3A_212 = arith.constant 0 : index
            %get3A_213 = tpu.vector_load %arg6[%get3A_211, %get3A_212] {strides = array<i32>} : memref<320x64xf32, #tpu.memory_space<vmem>>, vector<16xf32>,
            %get3A_214 = arith.index_cast %while3A_197 : i32 to index
            %get3A_215 = arith.index_cast %add3A_210 : i32 to index
            %get3A_216 = tpu.vector_load %arg11[%get3A_214, %get3A_215] {strides = array<i32>} : memref<32x128xf32, #tpu.memory_space<vmem>>, vector<16xf32>,
            %max3A = arith.maximumf %get3A_213, %get3A_216 : vector<16xf32>
            %swap3A = arith.index_cast %and3A_204 : i32 to index
            %swap3A_217 = arith.constant 0 : index
            %swap3A_218 = tpu.vector_load %arg6[%swap3A, %swap3A_217] {strides = array<i32>} : memref<320x64xf32, #tpu.memory_space<vmem>>, vector<16xf32>,
            tpu.vector_store %arg6[%swap3A, %swap3A_217], %max3A {strides = array<i32>} : memref<320x64xf32, #tpu.memory_space<vmem>>, vector<16xf32>,
            %mul3A_219 = arith.constant 64 : i32
            %mul3A_220 = arith.muli %shift_right_arithmetic3A_206, %mul3A_219 : i32
            %add3A_221 = arith.constant 16 : i32
            %add3A_222 = arith.addi %mul3A_220, %add3A_221 : i32
            %get3A_223 = arith.index_cast %and3A_204 : i32 to index
            %get3A_224 = arith.constant 16 : index
            %get3A_225 = tpu.vector_load %arg6[%get3A_223, %get3A_224] {strides = array<i32>} : memref<320x64xf32, #tpu.memory_space<vmem>>, vector<16xf32>,
            %get3A_226 = arith.index_cast %while3A_197 : i32 to index
            %get3A_227 = arith.index_cast %add3A_222 : i32 to index
            %get3A_228 = tpu.vector_load %arg11[%get3A_226, %get3A_227] {strides = array<i32>} : memref<32x128xf32, #tpu.memory_space<vmem>>, vector<16xf32>,
            %max3A_229 = arith.maximumf %get3A_225, %get3A_228 : vector<16xf32>
            %swap3A_230 = arith.index_cast %and3A_204 : i32 to index
            %swap3A_231 = arith.constant 16 : index
            %swap3A_232 = tpu.vector_load %arg6[%swap3A_230, %swap3A_231] {strides = array<i32>} : memref<320x64xf32, #tpu.memory_space<vmem>>, vector<16xf32>,
            tpu.vector_store %arg6[%swap3A_230, %swap3A_231], %max3A_229 {strides = array<i32>} : memref<320x64xf32, #tpu.memory_space<vmem>>, vector<16xf32>,
            %mul3A_233 = arith.constant 64 : i32
            %mul3A_234 = arith.muli %shift_right_arithmetic3A_206, %mul3A_233 : i32
            %add3A_235 = arith.constant 32 : i32
            %add3A_236 = arith.addi %mul3A_234, %add3A_235 : i32
            %get3A_237 = arith.index_cast %and3A_204 : i32 to index
            %get3A_238 = arith.constant 32 : index
            %get3A_239 = tpu.vector_load %arg6[%get3A_237, %get3A_238] {strides = array<i32>} : memref<320x64xf32, #tpu.memory_space<vmem>>, vector<16xf32>,
            %get3A_240 = arith.index_cast %while3A_197 : i32 to index
            %get3A_241 = arith.index_cast %add3A_236 : i32 to index
            %get3A_242 = tpu.vector_load %arg11[%get3A_240, %get3A_241] {strides = array<i32>} : memref<32x128xf32, #tpu.memory_space<vmem>>, vector<16xf32>,
            %max3A_243 = arith.maximumf %get3A_239, %get3A_242 : vector<16xf32>
            %swap3A_244 = arith.index_cast %and3A_204 : i32 to index
            %swap3A_245 = arith.constant 32 : index
            %swap3A_246 = tpu.vector_load %arg6[%swap3A_244, %swap3A_245] {strides = array<i32>} : memref<320x64xf32, #tpu.memory_space<vmem>>, vector<16xf32>,
            tpu.vector_store %arg6[%swap3A_244, %swap3A_245], %max3A_243 {strides = array<i32>} : memref<320x64xf32, #tpu.memory_space<vmem>>, vector<16xf32>,
            %mul3A_247 = arith.constant 64 : i32
            %mul3A_248 = arith.muli %shift_right_arithmetic3A_206, %mul3A_247 : i32
            %add3A_249 = arith.constant 48 : i32
            %add3A_250 = arith.addi %mul3A_248, %add3A_249 : i32
            %get3A_251 = arith.index_cast %and3A_204 : i32 to index
            %get3A_252 = arith.constant 48 : index
            %get3A_253 = tpu.vector_load %arg6[%get3A_251, %get3A_252] {strides = array<i32>} : memref<320x64xf32, #tpu.memory_space<vmem>>, vector<16xf32>,
            %get3A_254 = arith.index_cast %while3A_197 : i32 to index
            %get3A_255 = arith.index_cast %add3A_250 : i32 to index
            %get3A_256 = tpu.vector_load %arg11[%get3A_254, %get3A_255] {strides = array<i32>} : memref<32x128xf32, #tpu.memory_space<vmem>>, vector<16xf32>,
            %max3A_257 = arith.maximumf %get3A_253, %get3A_256 : vector<16xf32>
            %swap3A_258 = arith.index_cast %and3A_204 : i32 to index
            %swap3A_259 = arith.constant 48 : index
            %swap3A_260 = tpu.vector_load %arg6[%swap3A_258, %swap3A_259] {strides = array<i32>} : memref<320x64xf32, #tpu.memory_space<vmem>>, vector<16xf32>,
            tpu.vector_store %arg6[%swap3A_258, %swap3A_259], %max3A_257 {strides = array<i32>} : memref<320x64xf32, #tpu.memory_space<vmem>>, vector<16xf32>,
            %while3A_261 = arith.constant 0 : i32
            scf.yield %while3A_261 : i32
          }
          %add3A_191 = arith.constant 8 : i32
          %add3A_192 = arith.addi %add3A_116, %add3A_191 : i32
          %lt3A_193 = arith.cmpi slt, %add3A_192, %shift_right_arithmetic3A_32 : i32
          %convert_element_type3A_194 = arith.extui %lt3A_193 : i1 to i32
          %cond3A_195 = arith.constant 0 : i32
          %cond3A_196 = arith.cmpi ne, %convert_element_type3A_194, %cond3A_195 : i32
          scf.if %cond3A_196 {
            %add3A_197 = arith.constant 8 : i32
            %add3A_198 = arith.addi %add3A_116, %add3A_197 : i32
            %dma_start3A = arith.constant 0 : i32
            %dma_start3A_199 = tpu.memref_slice %arg8[%add3A_198, %dma_start3A] : memref<252x32xi32, #tpu.memory_space<vmem>> -> memref<1x32xi32, #tpu.memory_space<vmem>>
            %dma_start3A_200 = tpu.memref_squeeze %dma_start3A_199 : memref<1x32xi32, #tpu.memory_space<vmem>> -> memref<32xi32, #tpu.memory_space<vmem>>
            %dma_start3A_201 = arith.constant 0 : i32
            %dma_start3A_202 = arith.constant 0 : i32
            %dma_start3A_203 = tpu.memref_slice %arg2[%dma_start3A_201, %dma_start3A_202] : memref<160000x128xf32, #tpu.memory_space<hbm>> -> memref<160000x128xf32, #tpu.memory_space<hbm>>
            tpu.enqueue_indirect_dma source(%dma_start3A_203 : memref<160000x128xf32, #tpu.memory_space<hbm>>) target(%arg11 : memref<32x128xf32, #tpu.memory_space<vmem>>) offsets(%dma_start3A_200 : memref<32xi32, #tpu.memory_space<vmem>>) semaphore(%arg19 : memref<!tpu.dma_semaphore, #tpu.memory_space<semaphore_mem>>)
          } else {
          }
        } else {
        }
        %mul3A_121 = arith.constant 8 : i32
        %mul3A_122 = arith.muli %while3A_103, %mul3A_121 : i32
        %add3A_123 = arith.constant 2 : i32
        %add3A_124 = arith.addi %mul3A_122, %add3A_123 : i32
        %lt3A_125 = arith.cmpi slt, %add3A_124, %shift_right_arithmetic3A_32 : i32
        %convert_element_type3A_126 = arith.extui %lt3A_125 : i1 to i32
        %cond3A_127 = arith.constant 0 : i32
        %cond3A_128 = arith.cmpi ne, %convert_element_type3A_126, %cond3A_127 : i32
        scf.if %cond3A_128 {
          %dma_wait3A = arith.constant 0 : i32
          %dma_wait3A_170 = tpu.memref_slice %arg8[%add3A_124, %dma_wait3A] : memref<252x32xi32, #tpu.memory_space<vmem>> -> memref<1x32xi32, #tpu.memory_space<vmem>>
          %dma_wait3A_171 = tpu.memref_squeeze %dma_wait3A_170 : memref<1x32xi32, #tpu.memory_space<vmem>> -> memref<32xi32, #tpu.memory_space<vmem>>
          %dma_wait3A_172 = arith.constant 0 : i32
          %dma_wait3A_173 = arith.constant 0 : i32
          %dma_wait3A_174 = tpu.memref_slice %arg2[%dma_wait3A_172, %dma_wait3A_173] : memref<160000x128xf32, #tpu.memory_space<hbm>> -> memref<160000x128xf32, #tpu.memory_space<hbm>>
          tpu.wait_indirect_dma semaphore(%arg20 : memref<!tpu.dma_semaphore, #tpu.memory_space<semaphore_mem>>) src(%dma_wait3A_174 : memref<160000x128xf32, #tpu.memory_space<hbm>>) dst(%arg12 : memref<32x128xf32, #tpu.memory_space<vmem>>)
          %mul3A_175 = arith.constant 32 : i32
          %mul3A_176 = arith.muli %add3A_124, %mul3A_175 : i32
          %sub3A_177 = arith.subi %scan3A_20, %mul3A_176 : i32
          %min3A = arith.constant 32 : i32
          %min3A_178 = arith.minsi %min3A, %sub3A_177 : i32
          %while3A_179 = arith.constant 0 : i32
          %while3A_180 = arith.constant 0 : i32
          %while3A_181 = arith.subi %min3A_178, %while3A_179 : i32
          %while3A_182 = arith.addi %while3A_179, %while3A_181 : i32
          %while3A_183 = arith.constant 1 : i32
          %while3A_184 = arith.divsi %while3A_181, %while3A_183 : i32
          %while3A_185 = arith.muli %while3A_184, %while3A_183 : i32
          %while3A_186 = arith.addi %while3A_179, %while3A_185 : i32
          %while3A_187 = arith.constant 1 : i32
          %while3A_188 = scf.for %while3A_197 = %while3A_179 to %while3A_186 step %while3A_187 iter_args(%while3A_198 = %while3A_180) -> (i32)  : i32 {
            %mul3A_199 = arith.constant 32 : i32
            %mul3A_200 = arith.muli %add3A_124, %mul3A_199 : i32
            %add3A_201 = arith.addi %mul3A_200, %while3A_197 : i32
            %get3A = arith.index_cast %add3A_201 : i32 to index
            %get3A_202 = tpu.vector_load %arg9[%get3A] {strides = array<i32>} : memref<8192xi32, #tpu.memory_space<vmem>>, vector<16xi32>,
            %slice3A = vector.extract_strided_slice %get3A_202 {offsets = [0], sizes = [1], strides = [1]} : vector<16xi32> to vector<1xi32>
            %squeeze3A = vector.extract %slice3A[0] : i32 from vector<1xi32>
            %and3A_203 = arith.constant 65535 : i32
            %and3A_204 = arith.andi %squeeze3A, %and3A_203 : i32
            %shift_right_arithmetic3A_205 = arith.constant 16 : i32
            %shift_right_arithmetic3A_206 = arith.shrsi %squeeze3A, %shift_right_arithmetic3A_205 : i32
            %mul3A_207 = arith.constant 64 : i32
            %mul3A_208 = arith.muli %shift_right_arithmetic3A_206, %mul3A_207 : i32
            %add3A_209 = arith.constant 0 : i32
            %add3A_210 = arith.addi %mul3A_208, %add3A_209 : i32
            %get3A_211 = arith.index_cast %and3A_204 : i32 to index
            %get3A_212 = arith.constant 0 : index
            %get3A_213 = tpu.vector_load %arg6[%get3A_211, %get3A_212] {strides = array<i32>} : memref<320x64xf32, #tpu.memory_space<vmem>>, vector<16xf32>,
            %get3A_214 = arith.index_cast %while3A_197 : i32 to index
            %get3A_215 = arith.index_cast %add3A_210 : i32 to index
            %get3A_216 = tpu.vector_load %arg12[%get3A_214, %get3A_215] {strides = array<i32>} : memref<32x128xf32, #tpu.memory_space<vmem>>, vector<16xf32>,
            %max3A = arith.maximumf %get3A_213, %get3A_216 : vector<16xf32>
            %swap3A = arith.index_cast %and3A_204 : i32 to index
            %swap3A_217 = arith.constant 0 : index
            %swap3A_218 = tpu.vector_load %arg6[%swap3A, %swap3A_217] {strides = array<i32>} : memref<320x64xf32, #tpu.memory_space<vmem>>, vector<16xf32>,
            tpu.vector_store %arg6[%swap3A, %swap3A_217], %max3A {strides = array<i32>} : memref<320x64xf32, #tpu.memory_space<vmem>>, vector<16xf32>,
            %mul3A_219 = arith.constant 64 : i32
            %mul3A_220 = arith.muli %shift_right_arithmetic3A_206, %mul3A_219 : i32
            %add3A_221 = arith.constant 16 : i32
            %add3A_222 = arith.addi %mul3A_220, %add3A_221 : i32
            %get3A_223 = arith.index_cast %and3A_204 : i32 to index
            %get3A_224 = arith.constant 16 : index
            %get3A_225 = tpu.vector_load %arg6[%get3A_223, %get3A_224] {strides = array<i32>} : memref<320x64xf32, #tpu.memory_space<vmem>>, vector<16xf32>,
            %get3A_226 = arith.index_cast %while3A_197 : i32 to index
            %get3A_227 = arith.index_cast %add3A_222 : i32 to index
            %get3A_228 = tpu.vector_load %arg12[%get3A_226, %get3A_227] {strides = array<i32>} : memref<32x128xf32, #tpu.memory_space<vmem>>, vector<16xf32>,
            %max3A_229 = arith.maximumf %get3A_225, %get3A_228 : vector<16xf32>
            %swap3A_230 = arith.index_cast %and3A_204 : i32 to index
            %swap3A_231 = arith.constant 16 : index
            %swap3A_232 = tpu.vector_load %arg6[%swap3A_230, %swap3A_231] {strides = array<i32>} : memref<320x64xf32, #tpu.memory_space<vmem>>, vector<16xf32>,
            tpu.vector_store %arg6[%swap3A_230, %swap3A_231], %max3A_229 {strides = array<i32>} : memref<320x64xf32, #tpu.memory_space<vmem>>, vector<16xf32>,
            %mul3A_233 = arith.constant 64 : i32
            %mul3A_234 = arith.muli %shift_right_arithmetic3A_206, %mul3A_233 : i32
            %add3A_235 = arith.constant 32 : i32
            %add3A_236 = arith.addi %mul3A_234, %add3A_235 : i32
            %get3A_237 = arith.index_cast %and3A_204 : i32 to index
            %get3A_238 = arith.constant 32 : index
            %get3A_239 = tpu.vector_load %arg6[%get3A_237, %get3A_238] {strides = array<i32>} : memref<320x64xf32, #tpu.memory_space<vmem>>, vector<16xf32>,
            %get3A_240 = arith.index_cast %while3A_197 : i32 to index
            %get3A_241 = arith.index_cast %add3A_236 : i32 to index
            %get3A_242 = tpu.vector_load %arg12[%get3A_240, %get3A_241] {strides = array<i32>} : memref<32x128xf32, #tpu.memory_space<vmem>>, vector<16xf32>,
            %max3A_243 = arith.maximumf %get3A_239, %get3A_242 : vector<16xf32>
            %swap3A_244 = arith.index_cast %and3A_204 : i32 to index
            %swap3A_245 = arith.constant 32 : index
            %swap3A_246 = tpu.vector_load %arg6[%swap3A_244, %swap3A_245] {strides = array<i32>} : memref<320x64xf32, #tpu.memory_space<vmem>>, vector<16xf32>,
            tpu.vector_store %arg6[%swap3A_244, %swap3A_245], %max3A_243 {strides = array<i32>} : memref<320x64xf32, #tpu.memory_space<vmem>>, vector<16xf32>,
            %mul3A_247 = arith.constant 64 : i32
            %mul3A_248 = arith.muli %shift_right_arithmetic3A_206, %mul3A_247 : i32
            %add3A_249 = arith.constant 48 : i32
            %add3A_250 = arith.addi %mul3A_248, %add3A_249 : i32
            %get3A_251 = arith.index_cast %and3A_204 : i32 to index
            %get3A_252 = arith.constant 48 : index
            %get3A_253 = tpu.vector_load %arg6[%get3A_251, %get3A_252] {strides = array<i32>} : memref<320x64xf32, #tpu.memory_space<vmem>>, vector<16xf32>,
            %get3A_254 = arith.index_cast %while3A_197 : i32 to index
            %get3A_255 = arith.index_cast %add3A_250 : i32 to index
            %get3A_256 = tpu.vector_load %arg12[%get3A_254, %get3A_255] {strides = array<i32>} : memref<32x128xf32, #tpu.memory_space<vmem>>, vector<16xf32>,
            %max3A_257 = arith.maximumf %get3A_253, %get3A_256 : vector<16xf32>
            %swap3A_258 = arith.index_cast %and3A_204 : i32 to index
            %swap3A_259 = arith.constant 48 : index
            %swap3A_260 = tpu.vector_load %arg6[%swap3A_258, %swap3A_259] {strides = array<i32>} : memref<320x64xf32, #tpu.memory_space<vmem>>, vector<16xf32>,
            tpu.vector_store %arg6[%swap3A_258, %swap3A_259], %max3A_257 {strides = array<i32>} : memref<320x64xf32, #tpu.memory_space<vmem>>, vector<16xf32>,
            %while3A_261 = arith.constant 0 : i32
            scf.yield %while3A_261 : i32
          }
          %while3A_189 = arith.constant 1 : i32
          %while3A_190 = scf.for %while3A_197 = %while3A_186 to %while3A_182 step %while3A_189 iter_args(%while3A_198 = %while3A_188) -> (i32)  : i32 {
            %mul3A_199 = arith.constant 32 : i32
            %mul3A_200 = arith.muli %add3A_124, %mul3A_199 : i32
            %add3A_201 = arith.addi %mul3A_200, %while3A_197 : i32
            %get3A = arith.index_cast %add3A_201 : i32 to index
            %get3A_202 = tpu.vector_load %arg9[%get3A] {strides = array<i32>} : memref<8192xi32, #tpu.memory_space<vmem>>, vector<16xi32>,
            %slice3A = vector.extract_strided_slice %get3A_202 {offsets = [0], sizes = [1], strides = [1]} : vector<16xi32> to vector<1xi32>
            %squeeze3A = vector.extract %slice3A[0] : i32 from vector<1xi32>
            %and3A_203 = arith.constant 65535 : i32
            %and3A_204 = arith.andi %squeeze3A, %and3A_203 : i32
            %shift_right_arithmetic3A_205 = arith.constant 16 : i32
            %shift_right_arithmetic3A_206 = arith.shrsi %squeeze3A, %shift_right_arithmetic3A_205 : i32
            %mul3A_207 = arith.constant 64 : i32
            %mul3A_208 = arith.muli %shift_right_arithmetic3A_206, %mul3A_207 : i32
            %add3A_209 = arith.constant 0 : i32
            %add3A_210 = arith.addi %mul3A_208, %add3A_209 : i32
            %get3A_211 = arith.index_cast %and3A_204 : i32 to index
            %get3A_212 = arith.constant 0 : index
            %get3A_213 = tpu.vector_load %arg6[%get3A_211, %get3A_212] {strides = array<i32>} : memref<320x64xf32, #tpu.memory_space<vmem>>, vector<16xf32>,
            %get3A_214 = arith.index_cast %while3A_197 : i32 to index
            %get3A_215 = arith.index_cast %add3A_210 : i32 to index
            %get3A_216 = tpu.vector_load %arg12[%get3A_214, %get3A_215] {strides = array<i32>} : memref<32x128xf32, #tpu.memory_space<vmem>>, vector<16xf32>,
            %max3A = arith.maximumf %get3A_213, %get3A_216 : vector<16xf32>
            %swap3A = arith.index_cast %and3A_204 : i32 to index
            %swap3A_217 = arith.constant 0 : index
            %swap3A_218 = tpu.vector_load %arg6[%swap3A, %swap3A_217] {strides = array<i32>} : memref<320x64xf32, #tpu.memory_space<vmem>>, vector<16xf32>,
            tpu.vector_store %arg6[%swap3A, %swap3A_217], %max3A {strides = array<i32>} : memref<320x64xf32, #tpu.memory_space<vmem>>, vector<16xf32>,
            %mul3A_219 = arith.constant 64 : i32
            %mul3A_220 = arith.muli %shift_right_arithmetic3A_206, %mul3A_219 : i32
            %add3A_221 = arith.constant 16 : i32
            %add3A_222 = arith.addi %mul3A_220, %add3A_221 : i32
            %get3A_223 = arith.index_cast %and3A_204 : i32 to index
            %get3A_224 = arith.constant 16 : index
            %get3A_225 = tpu.vector_load %arg6[%get3A_223, %get3A_224] {strides = array<i32>} : memref<320x64xf32, #tpu.memory_space<vmem>>, vector<16xf32>,
            %get3A_226 = arith.index_cast %while3A_197 : i32 to index
            %get3A_227 = arith.index_cast %add3A_222 : i32 to index
            %get3A_228 = tpu.vector_load %arg12[%get3A_226, %get3A_227] {strides = array<i32>} : memref<32x128xf32, #tpu.memory_space<vmem>>, vector<16xf32>,
            %max3A_229 = arith.maximumf %get3A_225, %get3A_228 : vector<16xf32>
            %swap3A_230 = arith.index_cast %and3A_204 : i32 to index
            %swap3A_231 = arith.constant 16 : index
            %swap3A_232 = tpu.vector_load %arg6[%swap3A_230, %swap3A_231] {strides = array<i32>} : memref<320x64xf32, #tpu.memory_space<vmem>>, vector<16xf32>,
            tpu.vector_store %arg6[%swap3A_230, %swap3A_231], %max3A_229 {strides = array<i32>} : memref<320x64xf32, #tpu.memory_space<vmem>>, vector<16xf32>,
            %mul3A_233 = arith.constant 64 : i32
            %mul3A_234 = arith.muli %shift_right_arithmetic3A_206, %mul3A_233 : i32
            %add3A_235 = arith.constant 32 : i32
            %add3A_236 = arith.addi %mul3A_234, %add3A_235 : i32
            %get3A_237 = arith.index_cast %and3A_204 : i32 to index
            %get3A_238 = arith.constant 32 : index
            %get3A_239 = tpu.vector_load %arg6[%get3A_237, %get3A_238] {strides = array<i32>} : memref<320x64xf32, #tpu.memory_space<vmem>>, vector<16xf32>,
            %get3A_240 = arith.index_cast %while3A_197 : i32 to index
            %get3A_241 = arith.index_cast %add3A_236 : i32 to index
            %get3A_242 = tpu.vector_load %arg12[%get3A_240, %get3A_241] {strides = array<i32>} : memref<32x128xf32, #tpu.memory_space<vmem>>, vector<16xf32>,
            %max3A_243 = arith.maximumf %get3A_239, %get3A_242 : vector<16xf32>
            %swap3A_244 = arith.index_cast %and3A_204 : i32 to index
            %swap3A_245 = arith.constant 32 : index
            %swap3A_246 = tpu.vector_load %arg6[%swap3A_244, %swap3A_245] {strides = array<i32>} : memref<320x64xf32, #tpu.memory_space<vmem>>, vector<16xf32>,
            tpu.vector_store %arg6[%swap3A_244, %swap3A_245], %max3A_243 {strides = array<i32>} : memref<320x64xf32, #tpu.memory_space<vmem>>, vector<16xf32>,
            %mul3A_247 = arith.constant 64 : i32
            %mul3A_248 = arith.muli %shift_right_arithmetic3A_206, %mul3A_247 : i32
            %add3A_249 = arith.constant 48 : i32
            %add3A_250 = arith.addi %mul3A_248, %add3A_249 : i32
            %get3A_251 = arith.index_cast %and3A_204 : i32 to index
            %get3A_252 = arith.constant 48 : index
            %get3A_253 = tpu.vector_load %arg6[%get3A_251, %get3A_252] {strides = array<i32>} : memref<320x64xf32, #tpu.memory_space<vmem>>, vector<16xf32>,
            %get3A_254 = arith.index_cast %while3A_197 : i32 to index
            %get3A_255 = arith.index_cast %add3A_250 : i32 to index
            %get3A_256 = tpu.vector_load %arg12[%get3A_254, %get3A_255] {strides = array<i32>} : memref<32x128xf32, #tpu.memory_space<vmem>>, vector<16xf32>,
            %max3A_257 = arith.maximumf %get3A_253, %get3A_256 : vector<16xf32>
            %swap3A_258 = arith.index_cast %and3A_204 : i32 to index
            %swap3A_259 = arith.constant 48 : index
            %swap3A_260 = tpu.vector_load %arg6[%swap3A_258, %swap3A_259] {strides = array<i32>} : memref<320x64xf32, #tpu.memory_space<vmem>>, vector<16xf32>,
            tpu.vector_store %arg6[%swap3A_258, %swap3A_259], %max3A_257 {strides = array<i32>} : memref<320x64xf32, #tpu.memory_space<vmem>>, vector<16xf32>,
            %while3A_261 = arith.constant 0 : i32
            scf.yield %while3A_261 : i32
          }
          %add3A_191 = arith.constant 8 : i32
          %add3A_192 = arith.addi %add3A_124, %add3A_191 : i32
          %lt3A_193 = arith.cmpi slt, %add3A_192, %shift_right_arithmetic3A_32 : i32
          %convert_element_type3A_194 = arith.extui %lt3A_193 : i1 to i32
          %cond3A_195 = arith.constant 0 : i32
          %cond3A_196 = arith.cmpi ne, %convert_element_type3A_194, %cond3A_195 : i32
          scf.if %cond3A_196 {
            %add3A_197 = arith.constant 8 : i32
            %add3A_198 = arith.addi %add3A_124, %add3A_197 : i32
            %dma_start3A = arith.constant 0 : i32
            %dma_start3A_199 = tpu.memref_slice %arg8[%add3A_198, %dma_start3A] : memref<252x32xi32, #tpu.memory_space<vmem>> -> memref<1x32xi32, #tpu.memory_space<vmem>>
            %dma_start3A_200 = tpu.memref_squeeze %dma_start3A_199 : memref<1x32xi32, #tpu.memory_space<vmem>> -> memref<32xi32, #tpu.memory_space<vmem>>
            %dma_start3A_201 = arith.constant 0 : i32
            %dma_start3A_202 = arith.constant 0 : i32
            %dma_start3A_203 = tpu.memref_slice %arg2[%dma_start3A_201, %dma_start3A_202] : memref<160000x128xf32, #tpu.memory_space<hbm>> -> memref<160000x128xf32, #tpu.memory_space<hbm>>
            tpu.enqueue_indirect_dma source(%dma_start3A_203 : memref<160000x128xf32, #tpu.memory_space<hbm>>) target(%arg12 : memref<32x128xf32, #tpu.memory_space<vmem>>) offsets(%dma_start3A_200 : memref<32xi32, #tpu.memory_space<vmem>>) semaphore(%arg20 : memref<!tpu.dma_semaphore, #tpu.memory_space<semaphore_mem>>)
          } else {
          }
        } else {
        }
        %mul3A_129 = arith.constant 8 : i32
        %mul3A_130 = arith.muli %while3A_103, %mul3A_129 : i32
        %add3A_131 = arith.constant 3 : i32
        %add3A_132 = arith.addi %mul3A_130, %add3A_131 : i32
        %lt3A_133 = arith.cmpi slt, %add3A_132, %shift_right_arithmetic3A_32 : i32
        %convert_element_type3A_134 = arith.extui %lt3A_133 : i1 to i32
        %cond3A_135 = arith.constant 0 : i32
        %cond3A_136 = arith.cmpi ne, %convert_element_type3A_134, %cond3A_135 : i32
        scf.if %cond3A_136 {
          %dma_wait3A = arith.constant 0 : i32
          %dma_wait3A_170 = tpu.memref_slice %arg8[%add3A_132, %dma_wait3A] : memref<252x32xi32, #tpu.memory_space<vmem>> -> memref<1x32xi32, #tpu.memory_space<vmem>>
          %dma_wait3A_171 = tpu.memref_squeeze %dma_wait3A_170 : memref<1x32xi32, #tpu.memory_space<vmem>> -> memref<32xi32, #tpu.memory_space<vmem>>
          %dma_wait3A_172 = arith.constant 0 : i32
          %dma_wait3A_173 = arith.constant 0 : i32
          %dma_wait3A_174 = tpu.memref_slice %arg2[%dma_wait3A_172, %dma_wait3A_173] : memref<160000x128xf32, #tpu.memory_space<hbm>> -> memref<160000x128xf32, #tpu.memory_space<hbm>>
          tpu.wait_indirect_dma semaphore(%arg21 : memref<!tpu.dma_semaphore, #tpu.memory_space<semaphore_mem>>) src(%dma_wait3A_174 : memref<160000x128xf32, #tpu.memory_space<hbm>>) dst(%arg13 : memref<32x128xf32, #tpu.memory_space<vmem>>)
          %mul3A_175 = arith.constant 32 : i32
          %mul3A_176 = arith.muli %add3A_132, %mul3A_175 : i32
          %sub3A_177 = arith.subi %scan3A_20, %mul3A_176 : i32
          %min3A = arith.constant 32 : i32
          %min3A_178 = arith.minsi %min3A, %sub3A_177 : i32
          %while3A_179 = arith.constant 0 : i32
          %while3A_180 = arith.constant 0 : i32
          %while3A_181 = arith.subi %min3A_178, %while3A_179 : i32
          %while3A_182 = arith.addi %while3A_179, %while3A_181 : i32
          %while3A_183 = arith.constant 1 : i32
          %while3A_184 = arith.divsi %while3A_181, %while3A_183 : i32
          %while3A_185 = arith.muli %while3A_184, %while3A_183 : i32
          %while3A_186 = arith.addi %while3A_179, %while3A_185 : i32
          %while3A_187 = arith.constant 1 : i32
          %while3A_188 = scf.for %while3A_197 = %while3A_179 to %while3A_186 step %while3A_187 iter_args(%while3A_198 = %while3A_180) -> (i32)  : i32 {
            %mul3A_199 = arith.constant 32 : i32
            %mul3A_200 = arith.muli %add3A_132, %mul3A_199 : i32
            %add3A_201 = arith.addi %mul3A_200, %while3A_197 : i32
            %get3A = arith.index_cast %add3A_201 : i32 to index
            %get3A_202 = tpu.vector_load %arg9[%get3A] {strides = array<i32>} : memref<8192xi32, #tpu.memory_space<vmem>>, vector<16xi32>,
            %slice3A = vector.extract_strided_slice %get3A_202 {offsets = [0], sizes = [1], strides = [1]} : vector<16xi32> to vector<1xi32>
            %squeeze3A = vector.extract %slice3A[0] : i32 from vector<1xi32>
            %and3A_203 = arith.constant 65535 : i32
            %and3A_204 = arith.andi %squeeze3A, %and3A_203 : i32
            %shift_right_arithmetic3A_205 = arith.constant 16 : i32
            %shift_right_arithmetic3A_206 = arith.shrsi %squeeze3A, %shift_right_arithmetic3A_205 : i32
            %mul3A_207 = arith.constant 64 : i32
            %mul3A_208 = arith.muli %shift_right_arithmetic3A_206, %mul3A_207 : i32
            %add3A_209 = arith.constant 0 : i32
            %add3A_210 = arith.addi %mul3A_208, %add3A_209 : i32
            %get3A_211 = arith.index_cast %and3A_204 : i32 to index
            %get3A_212 = arith.constant 0 : index
            %get3A_213 = tpu.vector_load %arg6[%get3A_211, %get3A_212] {strides = array<i32>} : memref<320x64xf32, #tpu.memory_space<vmem>>, vector<16xf32>,
            %get3A_214 = arith.index_cast %while3A_197 : i32 to index
            %get3A_215 = arith.index_cast %add3A_210 : i32 to index
            %get3A_216 = tpu.vector_load %arg13[%get3A_214, %get3A_215] {strides = array<i32>} : memref<32x128xf32, #tpu.memory_space<vmem>>, vector<16xf32>,
            %max3A = arith.maximumf %get3A_213, %get3A_216 : vector<16xf32>
            %swap3A = arith.index_cast %and3A_204 : i32 to index
            %swap3A_217 = arith.constant 0 : index
            %swap3A_218 = tpu.vector_load %arg6[%swap3A, %swap3A_217] {strides = array<i32>} : memref<320x64xf32, #tpu.memory_space<vmem>>, vector<16xf32>,
            tpu.vector_store %arg6[%swap3A, %swap3A_217], %max3A {strides = array<i32>} : memref<320x64xf32, #tpu.memory_space<vmem>>, vector<16xf32>,
            %mul3A_219 = arith.constant 64 : i32
            %mul3A_220 = arith.muli %shift_right_arithmetic3A_206, %mul3A_219 : i32
            %add3A_221 = arith.constant 16 : i32
            %add3A_222 = arith.addi %mul3A_220, %add3A_221 : i32
            %get3A_223 = arith.index_cast %and3A_204 : i32 to index
            %get3A_224 = arith.constant 16 : index
            %get3A_225 = tpu.vector_load %arg6[%get3A_223, %get3A_224] {strides = array<i32>} : memref<320x64xf32, #tpu.memory_space<vmem>>, vector<16xf32>,
            %get3A_226 = arith.index_cast %while3A_197 : i32 to index
            %get3A_227 = arith.index_cast %add3A_222 : i32 to index
            %get3A_228 = tpu.vector_load %arg13[%get3A_226, %get3A_227] {strides = array<i32>} : memref<32x128xf32, #tpu.memory_space<vmem>>, vector<16xf32>,
            %max3A_229 = arith.maximumf %get3A_225, %get3A_228 : vector<16xf32>
            %swap3A_230 = arith.index_cast %and3A_204 : i32 to index
            %swap3A_231 = arith.constant 16 : index
            %swap3A_232 = tpu.vector_load %arg6[%swap3A_230, %swap3A_231] {strides = array<i32>} : memref<320x64xf32, #tpu.memory_space<vmem>>, vector<16xf32>,
            tpu.vector_store %arg6[%swap3A_230, %swap3A_231], %max3A_229 {strides = array<i32>} : memref<320x64xf32, #tpu.memory_space<vmem>>, vector<16xf32>,
            %mul3A_233 = arith.constant 64 : i32
            %mul3A_234 = arith.muli %shift_right_arithmetic3A_206, %mul3A_233 : i32
            %add3A_235 = arith.constant 32 : i32
            %add3A_236 = arith.addi %mul3A_234, %add3A_235 : i32
            %get3A_237 = arith.index_cast %and3A_204 : i32 to index
            %get3A_238 = arith.constant 32 : index
            %get3A_239 = tpu.vector_load %arg6[%get3A_237, %get3A_238] {strides = array<i32>} : memref<320x64xf32, #tpu.memory_space<vmem>>, vector<16xf32>,
            %get3A_240 = arith.index_cast %while3A_197 : i32 to index
            %get3A_241 = arith.index_cast %add3A_236 : i32 to index
            %get3A_242 = tpu.vector_load %arg13[%get3A_240, %get3A_241] {strides = array<i32>} : memref<32x128xf32, #tpu.memory_space<vmem>>, vector<16xf32>,
            %max3A_243 = arith.maximumf %get3A_239, %get3A_242 : vector<16xf32>
            %swap3A_244 = arith.index_cast %and3A_204 : i32 to index
            %swap3A_245 = arith.constant 32 : index
            %swap3A_246 = tpu.vector_load %arg6[%swap3A_244, %swap3A_245] {strides = array<i32>} : memref<320x64xf32, #tpu.memory_space<vmem>>, vector<16xf32>,
            tpu.vector_store %arg6[%swap3A_244, %swap3A_245], %max3A_243 {strides = array<i32>} : memref<320x64xf32, #tpu.memory_space<vmem>>, vector<16xf32>,
            %mul3A_247 = arith.constant 64 : i32
            %mul3A_248 = arith.muli %shift_right_arithmetic3A_206, %mul3A_247 : i32
            %add3A_249 = arith.constant 48 : i32
            %add3A_250 = arith.addi %mul3A_248, %add3A_249 : i32
            %get3A_251 = arith.index_cast %and3A_204 : i32 to index
            %get3A_252 = arith.constant 48 : index
            %get3A_253 = tpu.vector_load %arg6[%get3A_251, %get3A_252] {strides = array<i32>} : memref<320x64xf32, #tpu.memory_space<vmem>>, vector<16xf32>,
            %get3A_254 = arith.index_cast %while3A_197 : i32 to index
            %get3A_255 = arith.index_cast %add3A_250 : i32 to index
            %get3A_256 = tpu.vector_load %arg13[%get3A_254, %get3A_255] {strides = array<i32>} : memref<32x128xf32, #tpu.memory_space<vmem>>, vector<16xf32>,
            %max3A_257 = arith.maximumf %get3A_253, %get3A_256 : vector<16xf32>
            %swap3A_258 = arith.index_cast %and3A_204 : i32 to index
            %swap3A_259 = arith.constant 48 : index
            %swap3A_260 = tpu.vector_load %arg6[%swap3A_258, %swap3A_259] {strides = array<i32>} : memref<320x64xf32, #tpu.memory_space<vmem>>, vector<16xf32>,
            tpu.vector_store %arg6[%swap3A_258, %swap3A_259], %max3A_257 {strides = array<i32>} : memref<320x64xf32, #tpu.memory_space<vmem>>, vector<16xf32>,
            %while3A_261 = arith.constant 0 : i32
            scf.yield %while3A_261 : i32
          }
          %while3A_189 = arith.constant 1 : i32
          %while3A_190 = scf.for %while3A_197 = %while3A_186 to %while3A_182 step %while3A_189 iter_args(%while3A_198 = %while3A_188) -> (i32)  : i32 {
            %mul3A_199 = arith.constant 32 : i32
            %mul3A_200 = arith.muli %add3A_132, %mul3A_199 : i32
            %add3A_201 = arith.addi %mul3A_200, %while3A_197 : i32
            %get3A = arith.index_cast %add3A_201 : i32 to index
            %get3A_202 = tpu.vector_load %arg9[%get3A] {strides = array<i32>} : memref<8192xi32, #tpu.memory_space<vmem>>, vector<16xi32>,
            %slice3A = vector.extract_strided_slice %get3A_202 {offsets = [0], sizes = [1], strides = [1]} : vector<16xi32> to vector<1xi32>
            %squeeze3A = vector.extract %slice3A[0] : i32 from vector<1xi32>
            %and3A_203 = arith.constant 65535 : i32
            %and3A_204 = arith.andi %squeeze3A, %and3A_203 : i32
            %shift_right_arithmetic3A_205 = arith.constant 16 : i32
            %shift_right_arithmetic3A_206 = arith.shrsi %squeeze3A, %shift_right_arithmetic3A_205 : i32
            %mul3A_207 = arith.constant 64 : i32
            %mul3A_208 = arith.muli %shift_right_arithmetic3A_206, %mul3A_207 : i32
            %add3A_209 = arith.constant 0 : i32
            %add3A_210 = arith.addi %mul3A_208, %add3A_209 : i32
            %get3A_211 = arith.index_cast %and3A_204 : i32 to index
            %get3A_212 = arith.constant 0 : index
            %get3A_213 = tpu.vector_load %arg6[%get3A_211, %get3A_212] {strides = array<i32>} : memref<320x64xf32, #tpu.memory_space<vmem>>, vector<16xf32>,
            %get3A_214 = arith.index_cast %while3A_197 : i32 to index
            %get3A_215 = arith.index_cast %add3A_210 : i32 to index
            %get3A_216 = tpu.vector_load %arg13[%get3A_214, %get3A_215] {strides = array<i32>} : memref<32x128xf32, #tpu.memory_space<vmem>>, vector<16xf32>,
            %max3A = arith.maximumf %get3A_213, %get3A_216 : vector<16xf32>
            %swap3A = arith.index_cast %and3A_204 : i32 to index
            %swap3A_217 = arith.constant 0 : index
            %swap3A_218 = tpu.vector_load %arg6[%swap3A, %swap3A_217] {strides = array<i32>} : memref<320x64xf32, #tpu.memory_space<vmem>>, vector<16xf32>,
            tpu.vector_store %arg6[%swap3A, %swap3A_217], %max3A {strides = array<i32>} : memref<320x64xf32, #tpu.memory_space<vmem>>, vector<16xf32>,
            %mul3A_219 = arith.constant 64 : i32
            %mul3A_220 = arith.muli %shift_right_arithmetic3A_206, %mul3A_219 : i32
            %add3A_221 = arith.constant 16 : i32
            %add3A_222 = arith.addi %mul3A_220, %add3A_221 : i32
            %get3A_223 = arith.index_cast %and3A_204 : i32 to index
            %get3A_224 = arith.constant 16 : index
            %get3A_225 = tpu.vector_load %arg6[%get3A_223, %get3A_224] {strides = array<i32>} : memref<320x64xf32, #tpu.memory_space<vmem>>, vector<16xf32>,
            %get3A_226 = arith.index_cast %while3A_197 : i32 to index
            %get3A_227 = arith.index_cast %add3A_222 : i32 to index
            %get3A_228 = tpu.vector_load %arg13[%get3A_226, %get3A_227] {strides = array<i32>} : memref<32x128xf32, #tpu.memory_space<vmem>>, vector<16xf32>,
            %max3A_229 = arith.maximumf %get3A_225, %get3A_228 : vector<16xf32>
            %swap3A_230 = arith.index_cast %and3A_204 : i32 to index
            %swap3A_231 = arith.constant 16 : index
            %swap3A_232 = tpu.vector_load %arg6[%swap3A_230, %swap3A_231] {strides = array<i32>} : memref<320x64xf32, #tpu.memory_space<vmem>>, vector<16xf32>,
            tpu.vector_store %arg6[%swap3A_230, %swap3A_231], %max3A_229 {strides = array<i32>} : memref<320x64xf32, #tpu.memory_space<vmem>>, vector<16xf32>,
            %mul3A_233 = arith.constant 64 : i32
            %mul3A_234 = arith.muli %shift_right_arithmetic3A_206, %mul3A_233 : i32
            %add3A_235 = arith.constant 32 : i32
            %add3A_236 = arith.addi %mul3A_234, %add3A_235 : i32
            %get3A_237 = arith.index_cast %and3A_204 : i32 to index
            %get3A_238 = arith.constant 32 : index
            %get3A_239 = tpu.vector_load %arg6[%get3A_237, %get3A_238] {strides = array<i32>} : memref<320x64xf32, #tpu.memory_space<vmem>>, vector<16xf32>,
            %get3A_240 = arith.index_cast %while3A_197 : i32 to index
            %get3A_241 = arith.index_cast %add3A_236 : i32 to index
            %get3A_242 = tpu.vector_load %arg13[%get3A_240, %get3A_241] {strides = array<i32>} : memref<32x128xf32, #tpu.memory_space<vmem>>, vector<16xf32>,
            %max3A_243 = arith.maximumf %get3A_239, %get3A_242 : vector<16xf32>
            %swap3A_244 = arith.index_cast %and3A_204 : i32 to index
            %swap3A_245 = arith.constant 32 : index
            %swap3A_246 = tpu.vector_load %arg6[%swap3A_244, %swap3A_245] {strides = array<i32>} : memref<320x64xf32, #tpu.memory_space<vmem>>, vector<16xf32>,
            tpu.vector_store %arg6[%swap3A_244, %swap3A_245], %max3A_243 {strides = array<i32>} : memref<320x64xf32, #tpu.memory_space<vmem>>, vector<16xf32>,
            %mul3A_247 = arith.constant 64 : i32
            %mul3A_248 = arith.muli %shift_right_arithmetic3A_206, %mul3A_247 : i32
            %add3A_249 = arith.constant 48 : i32
            %add3A_250 = arith.addi %mul3A_248, %add3A_249 : i32
            %get3A_251 = arith.index_cast %and3A_204 : i32 to index
            %get3A_252 = arith.constant 48 : index
            %get3A_253 = tpu.vector_load %arg6[%get3A_251, %get3A_252] {strides = array<i32>} : memref<320x64xf32, #tpu.memory_space<vmem>>, vector<16xf32>,
            %get3A_254 = arith.index_cast %while3A_197 : i32 to index
            %get3A_255 = arith.index_cast %add3A_250 : i32 to index
            %get3A_256 = tpu.vector_load %arg13[%get3A_254, %get3A_255] {strides = array<i32>} : memref<32x128xf32, #tpu.memory_space<vmem>>, vector<16xf32>,
            %max3A_257 = arith.maximumf %get3A_253, %get3A_256 : vector<16xf32>
            %swap3A_258 = arith.index_cast %and3A_204 : i32 to index
            %swap3A_259 = arith.constant 48 : index
            %swap3A_260 = tpu.vector_load %arg6[%swap3A_258, %swap3A_259] {strides = array<i32>} : memref<320x64xf32, #tpu.memory_space<vmem>>, vector<16xf32>,
            tpu.vector_store %arg6[%swap3A_258, %swap3A_259], %max3A_257 {strides = array<i32>} : memref<320x64xf32, #tpu.memory_space<vmem>>, vector<16xf32>,
            %while3A_261 = arith.constant 0 : i32
            scf.yield %while3A_261 : i32
          }
          %add3A_191 = arith.constant 8 : i32
          %add3A_192 = arith.addi %add3A_132, %add3A_191 : i32
          %lt3A_193 = arith.cmpi slt, %add3A_192, %shift_right_arithmetic3A_32 : i32
          %convert_element_type3A_194 = arith.extui %lt3A_193 : i1 to i32
          %cond3A_195 = arith.constant 0 : i32
          %cond3A_196 = arith.cmpi ne, %convert_element_type3A_194, %cond3A_195 : i32
          scf.if %cond3A_196 {
            %add3A_197 = arith.constant 8 : i32
            %add3A_198 = arith.addi %add3A_132, %add3A_197 : i32
            %dma_start3A = arith.constant 0 : i32
            %dma_start3A_199 = tpu.memref_slice %arg8[%add3A_198, %dma_start3A] : memref<252x32xi32, #tpu.memory_space<vmem>> -> memref<1x32xi32, #tpu.memory_space<vmem>>
            %dma_start3A_200 = tpu.memref_squeeze %dma_start3A_199 : memref<1x32xi32, #tpu.memory_space<vmem>> -> memref<32xi32, #tpu.memory_space<vmem>>
            %dma_start3A_201 = arith.constant 0 : i32
            %dma_start3A_202 = arith.constant 0 : i32
            %dma_start3A_203 = tpu.memref_slice %arg2[%dma_start3A_201, %dma_start3A_202] : memref<160000x128xf32, #tpu.memory_space<hbm>> -> memref<160000x128xf32, #tpu.memory_space<hbm>>
            tpu.enqueue_indirect_dma source(%dma_start3A_203 : memref<160000x128xf32, #tpu.memory_space<hbm>>) target(%arg13 : memref<32x128xf32, #tpu.memory_space<vmem>>) offsets(%dma_start3A_200 : memref<32xi32, #tpu.memory_space<vmem>>) semaphore(%arg21 : memref<!tpu.dma_semaphore, #tpu.memory_space<semaphore_mem>>)
          } else {
          }
        } else {
        }
        %mul3A_137 = arith.constant 8 : i32
        %mul3A_138 = arith.muli %while3A_103, %mul3A_137 : i32
        %add3A_139 = arith.constant 4 : i32
        %add3A_140 = arith.addi %mul3A_138, %add3A_139 : i32
        %lt3A_141 = arith.cmpi slt, %add3A_140, %shift_right_arithmetic3A_32 : i32
        %convert_element_type3A_142 = arith.extui %lt3A_141 : i1 to i32
        %cond3A_143 = arith.constant 0 : i32
        %cond3A_144 = arith.cmpi ne, %convert_element_type3A_142, %cond3A_143 : i32
        scf.if %cond3A_144 {
          %dma_wait3A = arith.constant 0 : i32
          %dma_wait3A_170 = tpu.memref_slice %arg8[%add3A_140, %dma_wait3A] : memref<252x32xi32, #tpu.memory_space<vmem>> -> memref<1x32xi32, #tpu.memory_space<vmem>>
          %dma_wait3A_171 = tpu.memref_squeeze %dma_wait3A_170 : memref<1x32xi32, #tpu.memory_space<vmem>> -> memref<32xi32, #tpu.memory_space<vmem>>
          %dma_wait3A_172 = arith.constant 0 : i32
          %dma_wait3A_173 = arith.constant 0 : i32
          %dma_wait3A_174 = tpu.memref_slice %arg2[%dma_wait3A_172, %dma_wait3A_173] : memref<160000x128xf32, #tpu.memory_space<hbm>> -> memref<160000x128xf32, #tpu.memory_space<hbm>>
          tpu.wait_indirect_dma semaphore(%arg22 : memref<!tpu.dma_semaphore, #tpu.memory_space<semaphore_mem>>) src(%dma_wait3A_174 : memref<160000x128xf32, #tpu.memory_space<hbm>>) dst(%arg14 : memref<32x128xf32, #tpu.memory_space<vmem>>)
          %mul3A_175 = arith.constant 32 : i32
          %mul3A_176 = arith.muli %add3A_140, %mul3A_175 : i32
          %sub3A_177 = arith.subi %scan3A_20, %mul3A_176 : i32
          %min3A = arith.constant 32 : i32
          %min3A_178 = arith.minsi %min3A, %sub3A_177 : i32
          %while3A_179 = arith.constant 0 : i32
          %while3A_180 = arith.constant 0 : i32
          %while3A_181 = arith.subi %min3A_178, %while3A_179 : i32
          %while3A_182 = arith.addi %while3A_179, %while3A_181 : i32
          %while3A_183 = arith.constant 1 : i32
          %while3A_184 = arith.divsi %while3A_181, %while3A_183 : i32
          %while3A_185 = arith.muli %while3A_184, %while3A_183 : i32
          %while3A_186 = arith.addi %while3A_179, %while3A_185 : i32
          %while3A_187 = arith.constant 1 : i32
          %while3A_188 = scf.for %while3A_197 = %while3A_179 to %while3A_186 step %while3A_187 iter_args(%while3A_198 = %while3A_180) -> (i32)  : i32 {
            %mul3A_199 = arith.constant 32 : i32
            %mul3A_200 = arith.muli %add3A_140, %mul3A_199 : i32
            %add3A_201 = arith.addi %mul3A_200, %while3A_197 : i32
            %get3A = arith.index_cast %add3A_201 : i32 to index
            %get3A_202 = tpu.vector_load %arg9[%get3A] {strides = array<i32>} : memref<8192xi32, #tpu.memory_space<vmem>>, vector<16xi32>,
            %slice3A = vector.extract_strided_slice %get3A_202 {offsets = [0], sizes = [1], strides = [1]} : vector<16xi32> to vector<1xi32>
            %squeeze3A = vector.extract %slice3A[0] : i32 from vector<1xi32>
            %and3A_203 = arith.constant 65535 : i32
            %and3A_204 = arith.andi %squeeze3A, %and3A_203 : i32
            %shift_right_arithmetic3A_205 = arith.constant 16 : i32
            %shift_right_arithmetic3A_206 = arith.shrsi %squeeze3A, %shift_right_arithmetic3A_205 : i32
            %mul3A_207 = arith.constant 64 : i32
            %mul3A_208 = arith.muli %shift_right_arithmetic3A_206, %mul3A_207 : i32
            %add3A_209 = arith.constant 0 : i32
            %add3A_210 = arith.addi %mul3A_208, %add3A_209 : i32
            %get3A_211 = arith.index_cast %and3A_204 : i32 to index
            %get3A_212 = arith.constant 0 : index
            %get3A_213 = tpu.vector_load %arg6[%get3A_211, %get3A_212] {strides = array<i32>} : memref<320x64xf32, #tpu.memory_space<vmem>>, vector<16xf32>,
            %get3A_214 = arith.index_cast %while3A_197 : i32 to index
            %get3A_215 = arith.index_cast %add3A_210 : i32 to index
            %get3A_216 = tpu.vector_load %arg14[%get3A_214, %get3A_215] {strides = array<i32>} : memref<32x128xf32, #tpu.memory_space<vmem>>, vector<16xf32>,
            %max3A = arith.maximumf %get3A_213, %get3A_216 : vector<16xf32>
            %swap3A = arith.index_cast %and3A_204 : i32 to index
            %swap3A_217 = arith.constant 0 : index
            %swap3A_218 = tpu.vector_load %arg6[%swap3A, %swap3A_217] {strides = array<i32>} : memref<320x64xf32, #tpu.memory_space<vmem>>, vector<16xf32>,
            tpu.vector_store %arg6[%swap3A, %swap3A_217], %max3A {strides = array<i32>} : memref<320x64xf32, #tpu.memory_space<vmem>>, vector<16xf32>,
            %mul3A_219 = arith.constant 64 : i32
            %mul3A_220 = arith.muli %shift_right_arithmetic3A_206, %mul3A_219 : i32
            %add3A_221 = arith.constant 16 : i32
            %add3A_222 = arith.addi %mul3A_220, %add3A_221 : i32
            %get3A_223 = arith.index_cast %and3A_204 : i32 to index
            %get3A_224 = arith.constant 16 : index
            %get3A_225 = tpu.vector_load %arg6[%get3A_223, %get3A_224] {strides = array<i32>} : memref<320x64xf32, #tpu.memory_space<vmem>>, vector<16xf32>,
            %get3A_226 = arith.index_cast %while3A_197 : i32 to index
            %get3A_227 = arith.index_cast %add3A_222 : i32 to index
            %get3A_228 = tpu.vector_load %arg14[%get3A_226, %get3A_227] {strides = array<i32>} : memref<32x128xf32, #tpu.memory_space<vmem>>, vector<16xf32>,
            %max3A_229 = arith.maximumf %get3A_225, %get3A_228 : vector<16xf32>
            %swap3A_230 = arith.index_cast %and3A_204 : i32 to index
            %swap3A_231 = arith.constant 16 : index
            %swap3A_232 = tpu.vector_load %arg6[%swap3A_230, %swap3A_231] {strides = array<i32>} : memref<320x64xf32, #tpu.memory_space<vmem>>, vector<16xf32>,
            tpu.vector_store %arg6[%swap3A_230, %swap3A_231], %max3A_229 {strides = array<i32>} : memref<320x64xf32, #tpu.memory_space<vmem>>, vector<16xf32>,
            %mul3A_233 = arith.constant 64 : i32
            %mul3A_234 = arith.muli %shift_right_arithmetic3A_206, %mul3A_233 : i32
            %add3A_235 = arith.constant 32 : i32
            %add3A_236 = arith.addi %mul3A_234, %add3A_235 : i32
            %get3A_237 = arith.index_cast %and3A_204 : i32 to index
            %get3A_238 = arith.constant 32 : index
            %get3A_239 = tpu.vector_load %arg6[%get3A_237, %get3A_238] {strides = array<i32>} : memref<320x64xf32, #tpu.memory_space<vmem>>, vector<16xf32>,
            %get3A_240 = arith.index_cast %while3A_197 : i32 to index
            %get3A_241 = arith.index_cast %add3A_236 : i32 to index
            %get3A_242 = tpu.vector_load %arg14[%get3A_240, %get3A_241] {strides = array<i32>} : memref<32x128xf32, #tpu.memory_space<vmem>>, vector<16xf32>,
            %max3A_243 = arith.maximumf %get3A_239, %get3A_242 : vector<16xf32>
            %swap3A_244 = arith.index_cast %and3A_204 : i32 to index
            %swap3A_245 = arith.constant 32 : index
            %swap3A_246 = tpu.vector_load %arg6[%swap3A_244, %swap3A_245] {strides = array<i32>} : memref<320x64xf32, #tpu.memory_space<vmem>>, vector<16xf32>,
            tpu.vector_store %arg6[%swap3A_244, %swap3A_245], %max3A_243 {strides = array<i32>} : memref<320x64xf32, #tpu.memory_space<vmem>>, vector<16xf32>,
            %mul3A_247 = arith.constant 64 : i32
            %mul3A_248 = arith.muli %shift_right_arithmetic3A_206, %mul3A_247 : i32
            %add3A_249 = arith.constant 48 : i32
            %add3A_250 = arith.addi %mul3A_248, %add3A_249 : i32
            %get3A_251 = arith.index_cast %and3A_204 : i32 to index
            %get3A_252 = arith.constant 48 : index
            %get3A_253 = tpu.vector_load %arg6[%get3A_251, %get3A_252] {strides = array<i32>} : memref<320x64xf32, #tpu.memory_space<vmem>>, vector<16xf32>,
            %get3A_254 = arith.index_cast %while3A_197 : i32 to index
            %get3A_255 = arith.index_cast %add3A_250 : i32 to index
            %get3A_256 = tpu.vector_load %arg14[%get3A_254, %get3A_255] {strides = array<i32>} : memref<32x128xf32, #tpu.memory_space<vmem>>, vector<16xf32>,
            %max3A_257 = arith.maximumf %get3A_253, %get3A_256 : vector<16xf32>
            %swap3A_258 = arith.index_cast %and3A_204 : i32 to index
            %swap3A_259 = arith.constant 48 : index
            %swap3A_260 = tpu.vector_load %arg6[%swap3A_258, %swap3A_259] {strides = array<i32>} : memref<320x64xf32, #tpu.memory_space<vmem>>, vector<16xf32>,
            tpu.vector_store %arg6[%swap3A_258, %swap3A_259], %max3A_257 {strides = array<i32>} : memref<320x64xf32, #tpu.memory_space<vmem>>, vector<16xf32>,
            %while3A_261 = arith.constant 0 : i32
            scf.yield %while3A_261 : i32
          }
          %while3A_189 = arith.constant 1 : i32
          %while3A_190 = scf.for %while3A_197 = %while3A_186 to %while3A_182 step %while3A_189 iter_args(%while3A_198 = %while3A_188) -> (i32)  : i32 {
            %mul3A_199 = arith.constant 32 : i32
            %mul3A_200 = arith.muli %add3A_140, %mul3A_199 : i32
            %add3A_201 = arith.addi %mul3A_200, %while3A_197 : i32
            %get3A = arith.index_cast %add3A_201 : i32 to index
            %get3A_202 = tpu.vector_load %arg9[%get3A] {strides = array<i32>} : memref<8192xi32, #tpu.memory_space<vmem>>, vector<16xi32>,
            %slice3A = vector.extract_strided_slice %get3A_202 {offsets = [0], sizes = [1], strides = [1]} : vector<16xi32> to vector<1xi32>
            %squeeze3A = vector.extract %slice3A[0] : i32 from vector<1xi32>
            %and3A_203 = arith.constant 65535 : i32
            %and3A_204 = arith.andi %squeeze3A, %and3A_203 : i32
            %shift_right_arithmetic3A_205 = arith.constant 16 : i32
            %shift_right_arithmetic3A_206 = arith.shrsi %squeeze3A, %shift_right_arithmetic3A_205 : i32
            %mul3A_207 = arith.constant 64 : i32
            %mul3A_208 = arith.muli %shift_right_arithmetic3A_206, %mul3A_207 : i32
            %add3A_209 = arith.constant 0 : i32
            %add3A_210 = arith.addi %mul3A_208, %add3A_209 : i32
            %get3A_211 = arith.index_cast %and3A_204 : i32 to index
            %get3A_212 = arith.constant 0 : index
            %get3A_213 = tpu.vector_load %arg6[%get3A_211, %get3A_212] {strides = array<i32>} : memref<320x64xf32, #tpu.memory_space<vmem>>, vector<16xf32>,
            %get3A_214 = arith.index_cast %while3A_197 : i32 to index
            %get3A_215 = arith.index_cast %add3A_210 : i32 to index
            %get3A_216 = tpu.vector_load %arg14[%get3A_214, %get3A_215] {strides = array<i32>} : memref<32x128xf32, #tpu.memory_space<vmem>>, vector<16xf32>,
            %max3A = arith.maximumf %get3A_213, %get3A_216 : vector<16xf32>
            %swap3A = arith.index_cast %and3A_204 : i32 to index
            %swap3A_217 = arith.constant 0 : index
            %swap3A_218 = tpu.vector_load %arg6[%swap3A, %swap3A_217] {strides = array<i32>} : memref<320x64xf32, #tpu.memory_space<vmem>>, vector<16xf32>,
            tpu.vector_store %arg6[%swap3A, %swap3A_217], %max3A {strides = array<i32>} : memref<320x64xf32, #tpu.memory_space<vmem>>, vector<16xf32>,
            %mul3A_219 = arith.constant 64 : i32
            %mul3A_220 = arith.muli %shift_right_arithmetic3A_206, %mul3A_219 : i32
            %add3A_221 = arith.constant 16 : i32
            %add3A_222 = arith.addi %mul3A_220, %add3A_221 : i32
            %get3A_223 = arith.index_cast %and3A_204 : i32 to index
            %get3A_224 = arith.constant 16 : index
            %get3A_225 = tpu.vector_load %arg6[%get3A_223, %get3A_224] {strides = array<i32>} : memref<320x64xf32, #tpu.memory_space<vmem>>, vector<16xf32>,
            %get3A_226 = arith.index_cast %while3A_197 : i32 to index
            %get3A_227 = arith.index_cast %add3A_222 : i32 to index
            %get3A_228 = tpu.vector_load %arg14[%get3A_226, %get3A_227] {strides = array<i32>} : memref<32x128xf32, #tpu.memory_space<vmem>>, vector<16xf32>,
            %max3A_229 = arith.maximumf %get3A_225, %get3A_228 : vector<16xf32>
            %swap3A_230 = arith.index_cast %and3A_204 : i32 to index
            %swap3A_231 = arith.constant 16 : index
            %swap3A_232 = tpu.vector_load %arg6[%swap3A_230, %swap3A_231] {strides = array<i32>} : memref<320x64xf32, #tpu.memory_space<vmem>>, vector<16xf32>,
            tpu.vector_store %arg6[%swap3A_230, %swap3A_231], %max3A_229 {strides = array<i32>} : memref<320x64xf32, #tpu.memory_space<vmem>>, vector<16xf32>,
            %mul3A_233 = arith.constant 64 : i32
            %mul3A_234 = arith.muli %shift_right_arithmetic3A_206, %mul3A_233 : i32
            %add3A_235 = arith.constant 32 : i32
            %add3A_236 = arith.addi %mul3A_234, %add3A_235 : i32
            %get3A_237 = arith.index_cast %and3A_204 : i32 to index
            %get3A_238 = arith.constant 32 : index
            %get3A_239 = tpu.vector_load %arg6[%get3A_237, %get3A_238] {strides = array<i32>} : memref<320x64xf32, #tpu.memory_space<vmem>>, vector<16xf32>,
            %get3A_240 = arith.index_cast %while3A_197 : i32 to index
            %get3A_241 = arith.index_cast %add3A_236 : i32 to index
            %get3A_242 = tpu.vector_load %arg14[%get3A_240, %get3A_241] {strides = array<i32>} : memref<32x128xf32, #tpu.memory_space<vmem>>, vector<16xf32>,
            %max3A_243 = arith.maximumf %get3A_239, %get3A_242 : vector<16xf32>
            %swap3A_244 = arith.index_cast %and3A_204 : i32 to index
            %swap3A_245 = arith.constant 32 : index
            %swap3A_246 = tpu.vector_load %arg6[%swap3A_244, %swap3A_245] {strides = array<i32>} : memref<320x64xf32, #tpu.memory_space<vmem>>, vector<16xf32>,
            tpu.vector_store %arg6[%swap3A_244, %swap3A_245], %max3A_243 {strides = array<i32>} : memref<320x64xf32, #tpu.memory_space<vmem>>, vector<16xf32>,
            %mul3A_247 = arith.constant 64 : i32
            %mul3A_248 = arith.muli %shift_right_arithmetic3A_206, %mul3A_247 : i32
            %add3A_249 = arith.constant 48 : i32
            %add3A_250 = arith.addi %mul3A_248, %add3A_249 : i32
            %get3A_251 = arith.index_cast %and3A_204 : i32 to index
            %get3A_252 = arith.constant 48 : index
            %get3A_253 = tpu.vector_load %arg6[%get3A_251, %get3A_252] {strides = array<i32>} : memref<320x64xf32, #tpu.memory_space<vmem>>, vector<16xf32>,
            %get3A_254 = arith.index_cast %while3A_197 : i32 to index
            %get3A_255 = arith.index_cast %add3A_250 : i32 to index
            %get3A_256 = tpu.vector_load %arg14[%get3A_254, %get3A_255] {strides = array<i32>} : memref<32x128xf32, #tpu.memory_space<vmem>>, vector<16xf32>,
            %max3A_257 = arith.maximumf %get3A_253, %get3A_256 : vector<16xf32>
            %swap3A_258 = arith.index_cast %and3A_204 : i32 to index
            %swap3A_259 = arith.constant 48 : index
            %swap3A_260 = tpu.vector_load %arg6[%swap3A_258, %swap3A_259] {strides = array<i32>} : memref<320x64xf32, #tpu.memory_space<vmem>>, vector<16xf32>,
            tpu.vector_store %arg6[%swap3A_258, %swap3A_259], %max3A_257 {strides = array<i32>} : memref<320x64xf32, #tpu.memory_space<vmem>>, vector<16xf32>,
            %while3A_261 = arith.constant 0 : i32
            scf.yield %while3A_261 : i32
          }
          %add3A_191 = arith.constant 8 : i32
          %add3A_192 = arith.addi %add3A_140, %add3A_191 : i32
          %lt3A_193 = arith.cmpi slt, %add3A_192, %shift_right_arithmetic3A_32 : i32
          %convert_element_type3A_194 = arith.extui %lt3A_193 : i1 to i32
          %cond3A_195 = arith.constant 0 : i32
          %cond3A_196 = arith.cmpi ne, %convert_element_type3A_194, %cond3A_195 : i32
          scf.if %cond3A_196 {
            %add3A_197 = arith.constant 8 : i32
            %add3A_198 = arith.addi %add3A_140, %add3A_197 : i32
            %dma_start3A = arith.constant 0 : i32
            %dma_start3A_199 = tpu.memref_slice %arg8[%add3A_198, %dma_start3A] : memref<252x32xi32, #tpu.memory_space<vmem>> -> memref<1x32xi32, #tpu.memory_space<vmem>>
            %dma_start3A_200 = tpu.memref_squeeze %dma_start3A_199 : memref<1x32xi32, #tpu.memory_space<vmem>> -> memref<32xi32, #tpu.memory_space<vmem>>
            %dma_start3A_201 = arith.constant 0 : i32
            %dma_start3A_202 = arith.constant 0 : i32
            %dma_start3A_203 = tpu.memref_slice %arg2[%dma_start3A_201, %dma_start3A_202] : memref<160000x128xf32, #tpu.memory_space<hbm>> -> memref<160000x128xf32, #tpu.memory_space<hbm>>
            tpu.enqueue_indirect_dma source(%dma_start3A_203 : memref<160000x128xf32, #tpu.memory_space<hbm>>) target(%arg14 : memref<32x128xf32, #tpu.memory_space<vmem>>) offsets(%dma_start3A_200 : memref<32xi32, #tpu.memory_space<vmem>>) semaphore(%arg22 : memref<!tpu.dma_semaphore, #tpu.memory_space<semaphore_mem>>)
          } else {
          }
        } else {
        }
        %mul3A_145 = arith.constant 8 : i32
        %mul3A_146 = arith.muli %while3A_103, %mul3A_145 : i32
        %add3A_147 = arith.constant 5 : i32
        %add3A_148 = arith.addi %mul3A_146, %add3A_147 : i32
        %lt3A_149 = arith.cmpi slt, %add3A_148, %shift_right_arithmetic3A_32 : i32
        %convert_element_type3A_150 = arith.extui %lt3A_149 : i1 to i32
        %cond3A_151 = arith.constant 0 : i32
        %cond3A_152 = arith.cmpi ne, %convert_element_type3A_150, %cond3A_151 : i32
        scf.if %cond3A_152 {
          %dma_wait3A = arith.constant 0 : i32
          %dma_wait3A_170 = tpu.memref_slice %arg8[%add3A_148, %dma_wait3A] : memref<252x32xi32, #tpu.memory_space<vmem>> -> memref<1x32xi32, #tpu.memory_space<vmem>>
          %dma_wait3A_171 = tpu.memref_squeeze %dma_wait3A_170 : memref<1x32xi32, #tpu.memory_space<vmem>> -> memref<32xi32, #tpu.memory_space<vmem>>
          %dma_wait3A_172 = arith.constant 0 : i32
          %dma_wait3A_173 = arith.constant 0 : i32
          %dma_wait3A_174 = tpu.memref_slice %arg2[%dma_wait3A_172, %dma_wait3A_173] : memref<160000x128xf32, #tpu.memory_space<hbm>> -> memref<160000x128xf32, #tpu.memory_space<hbm>>
          tpu.wait_indirect_dma semaphore(%arg23 : memref<!tpu.dma_semaphore, #tpu.memory_space<semaphore_mem>>) src(%dma_wait3A_174 : memref<160000x128xf32, #tpu.memory_space<hbm>>) dst(%arg15 : memref<32x128xf32, #tpu.memory_space<vmem>>)
          %mul3A_175 = arith.constant 32 : i32
          %mul3A_176 = arith.muli %add3A_148, %mul3A_175 : i32
          %sub3A_177 = arith.subi %scan3A_20, %mul3A_176 : i32
          %min3A = arith.constant 32 : i32
          %min3A_178 = arith.minsi %min3A, %sub3A_177 : i32
          %while3A_179 = arith.constant 0 : i32
          %while3A_180 = arith.constant 0 : i32
          %while3A_181 = arith.subi %min3A_178, %while3A_179 : i32
          %while3A_182 = arith.addi %while3A_179, %while3A_181 : i32
          %while3A_183 = arith.constant 1 : i32
          %while3A_184 = arith.divsi %while3A_181, %while3A_183 : i32
          %while3A_185 = arith.muli %while3A_184, %while3A_183 : i32
          %while3A_186 = arith.addi %while3A_179, %while3A_185 : i32
          %while3A_187 = arith.constant 1 : i32
          %while3A_188 = scf.for %while3A_197 = %while3A_179 to %while3A_186 step %while3A_187 iter_args(%while3A_198 = %while3A_180) -> (i32)  : i32 {
            %mul3A_199 = arith.constant 32 : i32
            %mul3A_200 = arith.muli %add3A_148, %mul3A_199 : i32
            %add3A_201 = arith.addi %mul3A_200, %while3A_197 : i32
            %get3A = arith.index_cast %add3A_201 : i32 to index
            %get3A_202 = tpu.vector_load %arg9[%get3A] {strides = array<i32>} : memref<8192xi32, #tpu.memory_space<vmem>>, vector<16xi32>,
            %slice3A = vector.extract_strided_slice %get3A_202 {offsets = [0], sizes = [1], strides = [1]} : vector<16xi32> to vector<1xi32>
            %squeeze3A = vector.extract %slice3A[0] : i32 from vector<1xi32>
            %and3A_203 = arith.constant 65535 : i32
            %and3A_204 = arith.andi %squeeze3A, %and3A_203 : i32
            %shift_right_arithmetic3A_205 = arith.constant 16 : i32
            %shift_right_arithmetic3A_206 = arith.shrsi %squeeze3A, %shift_right_arithmetic3A_205 : i32
            %mul3A_207 = arith.constant 64 : i32
            %mul3A_208 = arith.muli %shift_right_arithmetic3A_206, %mul3A_207 : i32
            %add3A_209 = arith.constant 0 : i32
            %add3A_210 = arith.addi %mul3A_208, %add3A_209 : i32
            %get3A_211 = arith.index_cast %and3A_204 : i32 to index
            %get3A_212 = arith.constant 0 : index
            %get3A_213 = tpu.vector_load %arg6[%get3A_211, %get3A_212] {strides = array<i32>} : memref<320x64xf32, #tpu.memory_space<vmem>>, vector<16xf32>,
            %get3A_214 = arith.index_cast %while3A_197 : i32 to index
            %get3A_215 = arith.index_cast %add3A_210 : i32 to index
            %get3A_216 = tpu.vector_load %arg15[%get3A_214, %get3A_215] {strides = array<i32>} : memref<32x128xf32, #tpu.memory_space<vmem>>, vector<16xf32>,
            %max3A = arith.maximumf %get3A_213, %get3A_216 : vector<16xf32>
            %swap3A = arith.index_cast %and3A_204 : i32 to index
            %swap3A_217 = arith.constant 0 : index
            %swap3A_218 = tpu.vector_load %arg6[%swap3A, %swap3A_217] {strides = array<i32>} : memref<320x64xf32, #tpu.memory_space<vmem>>, vector<16xf32>,
            tpu.vector_store %arg6[%swap3A, %swap3A_217], %max3A {strides = array<i32>} : memref<320x64xf32, #tpu.memory_space<vmem>>, vector<16xf32>,
            %mul3A_219 = arith.constant 64 : i32
            %mul3A_220 = arith.muli %shift_right_arithmetic3A_206, %mul3A_219 : i32
            %add3A_221 = arith.constant 16 : i32
            %add3A_222 = arith.addi %mul3A_220, %add3A_221 : i32
            %get3A_223 = arith.index_cast %and3A_204 : i32 to index
            %get3A_224 = arith.constant 16 : index
            %get3A_225 = tpu.vector_load %arg6[%get3A_223, %get3A_224] {strides = array<i32>} : memref<320x64xf32, #tpu.memory_space<vmem>>, vector<16xf32>,
            %get3A_226 = arith.index_cast %while3A_197 : i32 to index
            %get3A_227 = arith.index_cast %add3A_222 : i32 to index
            %get3A_228 = tpu.vector_load %arg15[%get3A_226, %get3A_227] {strides = array<i32>} : memref<32x128xf32, #tpu.memory_space<vmem>>, vector<16xf32>,
            %max3A_229 = arith.maximumf %get3A_225, %get3A_228 : vector<16xf32>
            %swap3A_230 = arith.index_cast %and3A_204 : i32 to index
            %swap3A_231 = arith.constant 16 : index
            %swap3A_232 = tpu.vector_load %arg6[%swap3A_230, %swap3A_231] {strides = array<i32>} : memref<320x64xf32, #tpu.memory_space<vmem>>, vector<16xf32>,
            tpu.vector_store %arg6[%swap3A_230, %swap3A_231], %max3A_229 {strides = array<i32>} : memref<320x64xf32, #tpu.memory_space<vmem>>, vector<16xf32>,
            %mul3A_233 = arith.constant 64 : i32
            %mul3A_234 = arith.muli %shift_right_arithmetic3A_206, %mul3A_233 : i32
            %add3A_235 = arith.constant 32 : i32
            %add3A_236 = arith.addi %mul3A_234, %add3A_235 : i32
            %get3A_237 = arith.index_cast %and3A_204 : i32 to index
            %get3A_238 = arith.constant 32 : index
            %get3A_239 = tpu.vector_load %arg6[%get3A_237, %get3A_238] {strides = array<i32>} : memref<320x64xf32, #tpu.memory_space<vmem>>, vector<16xf32>,
            %get3A_240 = arith.index_cast %while3A_197 : i32 to index
            %get3A_241 = arith.index_cast %add3A_236 : i32 to index
            %get3A_242 = tpu.vector_load %arg15[%get3A_240, %get3A_241] {strides = array<i32>} : memref<32x128xf32, #tpu.memory_space<vmem>>, vector<16xf32>,
            %max3A_243 = arith.maximumf %get3A_239, %get3A_242 : vector<16xf32>
            %swap3A_244 = arith.index_cast %and3A_204 : i32 to index
            %swap3A_245 = arith.constant 32 : index
            %swap3A_246 = tpu.vector_load %arg6[%swap3A_244, %swap3A_245] {strides = array<i32>} : memref<320x64xf32, #tpu.memory_space<vmem>>, vector<16xf32>,
            tpu.vector_store %arg6[%swap3A_244, %swap3A_245], %max3A_243 {strides = array<i32>} : memref<320x64xf32, #tpu.memory_space<vmem>>, vector<16xf32>,
            %mul3A_247 = arith.constant 64 : i32
            %mul3A_248 = arith.muli %shift_right_arithmetic3A_206, %mul3A_247 : i32
            %add3A_249 = arith.constant 48 : i32
            %add3A_250 = arith.addi %mul3A_248, %add3A_249 : i32
            %get3A_251 = arith.index_cast %and3A_204 : i32 to index
            %get3A_252 = arith.constant 48 : index
            %get3A_253 = tpu.vector_load %arg6[%get3A_251, %get3A_252] {strides = array<i32>} : memref<320x64xf32, #tpu.memory_space<vmem>>, vector<16xf32>,
            %get3A_254 = arith.index_cast %while3A_197 : i32 to index
            %get3A_255 = arith.index_cast %add3A_250 : i32 to index
            %get3A_256 = tpu.vector_load %arg15[%get3A_254, %get3A_255] {strides = array<i32>} : memref<32x128xf32, #tpu.memory_space<vmem>>, vector<16xf32>,
            %max3A_257 = arith.maximumf %get3A_253, %get3A_256 : vector<16xf32>
            %swap3A_258 = arith.index_cast %and3A_204 : i32 to index
            %swap3A_259 = arith.constant 48 : index
            %swap3A_260 = tpu.vector_load %arg6[%swap3A_258, %swap3A_259] {strides = array<i32>} : memref<320x64xf32, #tpu.memory_space<vmem>>, vector<16xf32>,
            tpu.vector_store %arg6[%swap3A_258, %swap3A_259], %max3A_257 {strides = array<i32>} : memref<320x64xf32, #tpu.memory_space<vmem>>, vector<16xf32>,
            %while3A_261 = arith.constant 0 : i32
            scf.yield %while3A_261 : i32
          }
          %while3A_189 = arith.constant 1 : i32
          %while3A_190 = scf.for %while3A_197 = %while3A_186 to %while3A_182 step %while3A_189 iter_args(%while3A_198 = %while3A_188) -> (i32)  : i32 {
            %mul3A_199 = arith.constant 32 : i32
            %mul3A_200 = arith.muli %add3A_148, %mul3A_199 : i32
            %add3A_201 = arith.addi %mul3A_200, %while3A_197 : i32
            %get3A = arith.index_cast %add3A_201 : i32 to index
            %get3A_202 = tpu.vector_load %arg9[%get3A] {strides = array<i32>} : memref<8192xi32, #tpu.memory_space<vmem>>, vector<16xi32>,
            %slice3A = vector.extract_strided_slice %get3A_202 {offsets = [0], sizes = [1], strides = [1]} : vector<16xi32> to vector<1xi32>
            %squeeze3A = vector.extract %slice3A[0] : i32 from vector<1xi32>
            %and3A_203 = arith.constant 65535 : i32
            %and3A_204 = arith.andi %squeeze3A, %and3A_203 : i32
            %shift_right_arithmetic3A_205 = arith.constant 16 : i32
            %shift_right_arithmetic3A_206 = arith.shrsi %squeeze3A, %shift_right_arithmetic3A_205 : i32
            %mul3A_207 = arith.constant 64 : i32
            %mul3A_208 = arith.muli %shift_right_arithmetic3A_206, %mul3A_207 : i32
            %add3A_209 = arith.constant 0 : i32
            %add3A_210 = arith.addi %mul3A_208, %add3A_209 : i32
            %get3A_211 = arith.index_cast %and3A_204 : i32 to index
            %get3A_212 = arith.constant 0 : index
            %get3A_213 = tpu.vector_load %arg6[%get3A_211, %get3A_212] {strides = array<i32>} : memref<320x64xf32, #tpu.memory_space<vmem>>, vector<16xf32>,
            %get3A_214 = arith.index_cast %while3A_197 : i32 to index
            %get3A_215 = arith.index_cast %add3A_210 : i32 to index
            %get3A_216 = tpu.vector_load %arg15[%get3A_214, %get3A_215] {strides = array<i32>} : memref<32x128xf32, #tpu.memory_space<vmem>>, vector<16xf32>,
            %max3A = arith.maximumf %get3A_213, %get3A_216 : vector<16xf32>
            %swap3A = arith.index_cast %and3A_204 : i32 to index
            %swap3A_217 = arith.constant 0 : index
            %swap3A_218 = tpu.vector_load %arg6[%swap3A, %swap3A_217] {strides = array<i32>} : memref<320x64xf32, #tpu.memory_space<vmem>>, vector<16xf32>,
            tpu.vector_store %arg6[%swap3A, %swap3A_217], %max3A {strides = array<i32>} : memref<320x64xf32, #tpu.memory_space<vmem>>, vector<16xf32>,
            %mul3A_219 = arith.constant 64 : i32
            %mul3A_220 = arith.muli %shift_right_arithmetic3A_206, %mul3A_219 : i32
            %add3A_221 = arith.constant 16 : i32
            %add3A_222 = arith.addi %mul3A_220, %add3A_221 : i32
            %get3A_223 = arith.index_cast %and3A_204 : i32 to index
            %get3A_224 = arith.constant 16 : index
            %get3A_225 = tpu.vector_load %arg6[%get3A_223, %get3A_224] {strides = array<i32>} : memref<320x64xf32, #tpu.memory_space<vmem>>, vector<16xf32>,
            %get3A_226 = arith.index_cast %while3A_197 : i32 to index
            %get3A_227 = arith.index_cast %add3A_222 : i32 to index
            %get3A_228 = tpu.vector_load %arg15[%get3A_226, %get3A_227] {strides = array<i32>} : memref<32x128xf32, #tpu.memory_space<vmem>>, vector<16xf32>,
            %max3A_229 = arith.maximumf %get3A_225, %get3A_228 : vector<16xf32>
            %swap3A_230 = arith.index_cast %and3A_204 : i32 to index
            %swap3A_231 = arith.constant 16 : index
            %swap3A_232 = tpu.vector_load %arg6[%swap3A_230, %swap3A_231] {strides = array<i32>} : memref<320x64xf32, #tpu.memory_space<vmem>>, vector<16xf32>,
            tpu.vector_store %arg6[%swap3A_230, %swap3A_231], %max3A_229 {strides = array<i32>} : memref<320x64xf32, #tpu.memory_space<vmem>>, vector<16xf32>,
            %mul3A_233 = arith.constant 64 : i32
            %mul3A_234 = arith.muli %shift_right_arithmetic3A_206, %mul3A_233 : i32
            %add3A_235 = arith.constant 32 : i32
            %add3A_236 = arith.addi %mul3A_234, %add3A_235 : i32
            %get3A_237 = arith.index_cast %and3A_204 : i32 to index
            %get3A_238 = arith.constant 32 : index
            %get3A_239 = tpu.vector_load %arg6[%get3A_237, %get3A_238] {strides = array<i32>} : memref<320x64xf32, #tpu.memory_space<vmem>>, vector<16xf32>,
            %get3A_240 = arith.index_cast %while3A_197 : i32 to index
            %get3A_241 = arith.index_cast %add3A_236 : i32 to index
            %get3A_242 = tpu.vector_load %arg15[%get3A_240, %get3A_241] {strides = array<i32>} : memref<32x128xf32, #tpu.memory_space<vmem>>, vector<16xf32>,
            %max3A_243 = arith.maximumf %get3A_239, %get3A_242 : vector<16xf32>
            %swap3A_244 = arith.index_cast %and3A_204 : i32 to index
            %swap3A_245 = arith.constant 32 : index
            %swap3A_246 = tpu.vector_load %arg6[%swap3A_244, %swap3A_245] {strides = array<i32>} : memref<320x64xf32, #tpu.memory_space<vmem>>, vector<16xf32>,
            tpu.vector_store %arg6[%swap3A_244, %swap3A_245], %max3A_243 {strides = array<i32>} : memref<320x64xf32, #tpu.memory_space<vmem>>, vector<16xf32>,
            %mul3A_247 = arith.constant 64 : i32
            %mul3A_248 = arith.muli %shift_right_arithmetic3A_206, %mul3A_247 : i32
            %add3A_249 = arith.constant 48 : i32
            %add3A_250 = arith.addi %mul3A_248, %add3A_249 : i32
            %get3A_251 = arith.index_cast %and3A_204 : i32 to index
            %get3A_252 = arith.constant 48 : index
            %get3A_253 = tpu.vector_load %arg6[%get3A_251, %get3A_252] {strides = array<i32>} : memref<320x64xf32, #tpu.memory_space<vmem>>, vector<16xf32>,
            %get3A_254 = arith.index_cast %while3A_197 : i32 to index
            %get3A_255 = arith.index_cast %add3A_250 : i32 to index
            %get3A_256 = tpu.vector_load %arg15[%get3A_254, %get3A_255] {strides = array<i32>} : memref<32x128xf32, #tpu.memory_space<vmem>>, vector<16xf32>,
            %max3A_257 = arith.maximumf %get3A_253, %get3A_256 : vector<16xf32>
            %swap3A_258 = arith.index_cast %and3A_204 : i32 to index
            %swap3A_259 = arith.constant 48 : index
            %swap3A_260 = tpu.vector_load %arg6[%swap3A_258, %swap3A_259] {strides = array<i32>} : memref<320x64xf32, #tpu.memory_space<vmem>>, vector<16xf32>,
            tpu.vector_store %arg6[%swap3A_258, %swap3A_259], %max3A_257 {strides = array<i32>} : memref<320x64xf32, #tpu.memory_space<vmem>>, vector<16xf32>,
            %while3A_261 = arith.constant 0 : i32
            scf.yield %while3A_261 : i32
          }
          %add3A_191 = arith.constant 8 : i32
          %add3A_192 = arith.addi %add3A_148, %add3A_191 : i32
          %lt3A_193 = arith.cmpi slt, %add3A_192, %shift_right_arithmetic3A_32 : i32
          %convert_element_type3A_194 = arith.extui %lt3A_193 : i1 to i32
          %cond3A_195 = arith.constant 0 : i32
          %cond3A_196 = arith.cmpi ne, %convert_element_type3A_194, %cond3A_195 : i32
          scf.if %cond3A_196 {
            %add3A_197 = arith.constant 8 : i32
            %add3A_198 = arith.addi %add3A_148, %add3A_197 : i32
            %dma_start3A = arith.constant 0 : i32
            %dma_start3A_199 = tpu.memref_slice %arg8[%add3A_198, %dma_start3A] : memref<252x32xi32, #tpu.memory_space<vmem>> -> memref<1x32xi32, #tpu.memory_space<vmem>>
            %dma_start3A_200 = tpu.memref_squeeze %dma_start3A_199 : memref<1x32xi32, #tpu.memory_space<vmem>> -> memref<32xi32, #tpu.memory_space<vmem>>
            %dma_start3A_201 = arith.constant 0 : i32
            %dma_start3A_202 = arith.constant 0 : i32
            %dma_start3A_203 = tpu.memref_slice %arg2[%dma_start3A_201, %dma_start3A_202] : memref<160000x128xf32, #tpu.memory_space<hbm>> -> memref<160000x128xf32, #tpu.memory_space<hbm>>
            tpu.enqueue_indirect_dma source(%dma_start3A_203 : memref<160000x128xf32, #tpu.memory_space<hbm>>) target(%arg15 : memref<32x128xf32, #tpu.memory_space<vmem>>) offsets(%dma_start3A_200 : memref<32xi32, #tpu.memory_space<vmem>>) semaphore(%arg23 : memref<!tpu.dma_semaphore, #tpu.memory_space<semaphore_mem>>)
          } else {
          }
        } else {
        }
        %mul3A_153 = arith.constant 8 : i32
        %mul3A_154 = arith.muli %while3A_103, %mul3A_153 : i32
        %add3A_155 = arith.constant 6 : i32
        %add3A_156 = arith.addi %mul3A_154, %add3A_155 : i32
        %lt3A_157 = arith.cmpi slt, %add3A_156, %shift_right_arithmetic3A_32 : i32
        %convert_element_type3A_158 = arith.extui %lt3A_157 : i1 to i32
        %cond3A_159 = arith.constant 0 : i32
        %cond3A_160 = arith.cmpi ne, %convert_element_type3A_158, %cond3A_159 : i32
        scf.if %cond3A_160 {
          %dma_wait3A = arith.constant 0 : i32
          %dma_wait3A_170 = tpu.memref_slice %arg8[%add3A_156, %dma_wait3A] : memref<252x32xi32, #tpu.memory_space<vmem>> -> memref<1x32xi32, #tpu.memory_space<vmem>>
          %dma_wait3A_171 = tpu.memref_squeeze %dma_wait3A_170 : memref<1x32xi32, #tpu.memory_space<vmem>> -> memref<32xi32, #tpu.memory_space<vmem>>
          %dma_wait3A_172 = arith.constant 0 : i32
          %dma_wait3A_173 = arith.constant 0 : i32
          %dma_wait3A_174 = tpu.memref_slice %arg2[%dma_wait3A_172, %dma_wait3A_173] : memref<160000x128xf32, #tpu.memory_space<hbm>> -> memref<160000x128xf32, #tpu.memory_space<hbm>>
          tpu.wait_indirect_dma semaphore(%arg24 : memref<!tpu.dma_semaphore, #tpu.memory_space<semaphore_mem>>) src(%dma_wait3A_174 : memref<160000x128xf32, #tpu.memory_space<hbm>>) dst(%arg16 : memref<32x128xf32, #tpu.memory_space<vmem>>)
          %mul3A_175 = arith.constant 32 : i32
          %mul3A_176 = arith.muli %add3A_156, %mul3A_175 : i32
          %sub3A_177 = arith.subi %scan3A_20, %mul3A_176 : i32
          %min3A = arith.constant 32 : i32
          %min3A_178 = arith.minsi %min3A, %sub3A_177 : i32
          %while3A_179 = arith.constant 0 : i32
          %while3A_180 = arith.constant 0 : i32
          %while3A_181 = arith.subi %min3A_178, %while3A_179 : i32
          %while3A_182 = arith.addi %while3A_179, %while3A_181 : i32
          %while3A_183 = arith.constant 1 : i32
          %while3A_184 = arith.divsi %while3A_181, %while3A_183 : i32
          %while3A_185 = arith.muli %while3A_184, %while3A_183 : i32
          %while3A_186 = arith.addi %while3A_179, %while3A_185 : i32
          %while3A_187 = arith.constant 1 : i32
          %while3A_188 = scf.for %while3A_197 = %while3A_179 to %while3A_186 step %while3A_187 iter_args(%while3A_198 = %while3A_180) -> (i32)  : i32 {
            %mul3A_199 = arith.constant 32 : i32
            %mul3A_200 = arith.muli %add3A_156, %mul3A_199 : i32
            %add3A_201 = arith.addi %mul3A_200, %while3A_197 : i32
            %get3A = arith.index_cast %add3A_201 : i32 to index
            %get3A_202 = tpu.vector_load %arg9[%get3A] {strides = array<i32>} : memref<8192xi32, #tpu.memory_space<vmem>>, vector<16xi32>,
            %slice3A = vector.extract_strided_slice %get3A_202 {offsets = [0], sizes = [1], strides = [1]} : vector<16xi32> to vector<1xi32>
            %squeeze3A = vector.extract %slice3A[0] : i32 from vector<1xi32>
            %and3A_203 = arith.constant 65535 : i32
            %and3A_204 = arith.andi %squeeze3A, %and3A_203 : i32
            %shift_right_arithmetic3A_205 = arith.constant 16 : i32
            %shift_right_arithmetic3A_206 = arith.shrsi %squeeze3A, %shift_right_arithmetic3A_205 : i32
            %mul3A_207 = arith.constant 64 : i32
            %mul3A_208 = arith.muli %shift_right_arithmetic3A_206, %mul3A_207 : i32
            %add3A_209 = arith.constant 0 : i32
            %add3A_210 = arith.addi %mul3A_208, %add3A_209 : i32
            %get3A_211 = arith.index_cast %and3A_204 : i32 to index
            %get3A_212 = arith.constant 0 : index
            %get3A_213 = tpu.vector_load %arg6[%get3A_211, %get3A_212] {strides = array<i32>} : memref<320x64xf32, #tpu.memory_space<vmem>>, vector<16xf32>,
            %get3A_214 = arith.index_cast %while3A_197 : i32 to index
            %get3A_215 = arith.index_cast %add3A_210 : i32 to index
            %get3A_216 = tpu.vector_load %arg16[%get3A_214, %get3A_215] {strides = array<i32>} : memref<32x128xf32, #tpu.memory_space<vmem>>, vector<16xf32>,
            %max3A = arith.maximumf %get3A_213, %get3A_216 : vector<16xf32>
            %swap3A = arith.index_cast %and3A_204 : i32 to index
            %swap3A_217 = arith.constant 0 : index
            %swap3A_218 = tpu.vector_load %arg6[%swap3A, %swap3A_217] {strides = array<i32>} : memref<320x64xf32, #tpu.memory_space<vmem>>, vector<16xf32>,
            tpu.vector_store %arg6[%swap3A, %swap3A_217], %max3A {strides = array<i32>} : memref<320x64xf32, #tpu.memory_space<vmem>>, vector<16xf32>,
            %mul3A_219 = arith.constant 64 : i32
            %mul3A_220 = arith.muli %shift_right_arithmetic3A_206, %mul3A_219 : i32
            %add3A_221 = arith.constant 16 : i32
            %add3A_222 = arith.addi %mul3A_220, %add3A_221 : i32
            %get3A_223 = arith.index_cast %and3A_204 : i32 to index
            %get3A_224 = arith.constant 16 : index
            %get3A_225 = tpu.vector_load %arg6[%get3A_223, %get3A_224] {strides = array<i32>} : memref<320x64xf32, #tpu.memory_space<vmem>>, vector<16xf32>,
            %get3A_226 = arith.index_cast %while3A_197 : i32 to index
            %get3A_227 = arith.index_cast %add3A_222 : i32 to index
            %get3A_228 = tpu.vector_load %arg16[%get3A_226, %get3A_227] {strides = array<i32>} : memref<32x128xf32, #tpu.memory_space<vmem>>, vector<16xf32>,
            %max3A_229 = arith.maximumf %get3A_225, %get3A_228 : vector<16xf32>
            %swap3A_230 = arith.index_cast %and3A_204 : i32 to index
            %swap3A_231 = arith.constant 16 : index
            %swap3A_232 = tpu.vector_load %arg6[%swap3A_230, %swap3A_231] {strides = array<i32>} : memref<320x64xf32, #tpu.memory_space<vmem>>, vector<16xf32>,
            tpu.vector_store %arg6[%swap3A_230, %swap3A_231], %max3A_229 {strides = array<i32>} : memref<320x64xf32, #tpu.memory_space<vmem>>, vector<16xf32>,
            %mul3A_233 = arith.constant 64 : i32
            %mul3A_234 = arith.muli %shift_right_arithmetic3A_206, %mul3A_233 : i32
            %add3A_235 = arith.constant 32 : i32
            %add3A_236 = arith.addi %mul3A_234, %add3A_235 : i32
            %get3A_237 = arith.index_cast %and3A_204 : i32 to index
            %get3A_238 = arith.constant 32 : index
            %get3A_239 = tpu.vector_load %arg6[%get3A_237, %get3A_238] {strides = array<i32>} : memref<320x64xf32, #tpu.memory_space<vmem>>, vector<16xf32>,
            %get3A_240 = arith.index_cast %while3A_197 : i32 to index
            %get3A_241 = arith.index_cast %add3A_236 : i32 to index
            %get3A_242 = tpu.vector_load %arg16[%get3A_240, %get3A_241] {strides = array<i32>} : memref<32x128xf32, #tpu.memory_space<vmem>>, vector<16xf32>,
            %max3A_243 = arith.maximumf %get3A_239, %get3A_242 : vector<16xf32>
            %swap3A_244 = arith.index_cast %and3A_204 : i32 to index
            %swap3A_245 = arith.constant 32 : index
            %swap3A_246 = tpu.vector_load %arg6[%swap3A_244, %swap3A_245] {strides = array<i32>} : memref<320x64xf32, #tpu.memory_space<vmem>>, vector<16xf32>,
            tpu.vector_store %arg6[%swap3A_244, %swap3A_245], %max3A_243 {strides = array<i32>} : memref<320x64xf32, #tpu.memory_space<vmem>>, vector<16xf32>,
            %mul3A_247 = arith.constant 64 : i32
            %mul3A_248 = arith.muli %shift_right_arithmetic3A_206, %mul3A_247 : i32
            %add3A_249 = arith.constant 48 : i32
            %add3A_250 = arith.addi %mul3A_248, %add3A_249 : i32
            %get3A_251 = arith.index_cast %and3A_204 : i32 to index
            %get3A_252 = arith.constant 48 : index
            %get3A_253 = tpu.vector_load %arg6[%get3A_251, %get3A_252] {strides = array<i32>} : memref<320x64xf32, #tpu.memory_space<vmem>>, vector<16xf32>,
            %get3A_254 = arith.index_cast %while3A_197 : i32 to index
            %get3A_255 = arith.index_cast %add3A_250 : i32 to index
            %get3A_256 = tpu.vector_load %arg16[%get3A_254, %get3A_255] {strides = array<i32>} : memref<32x128xf32, #tpu.memory_space<vmem>>, vector<16xf32>,
            %max3A_257 = arith.maximumf %get3A_253, %get3A_256 : vector<16xf32>
            %swap3A_258 = arith.index_cast %and3A_204 : i32 to index
            %swap3A_259 = arith.constant 48 : index
            %swap3A_260 = tpu.vector_load %arg6[%swap3A_258, %swap3A_259] {strides = array<i32>} : memref<320x64xf32, #tpu.memory_space<vmem>>, vector<16xf32>,
            tpu.vector_store %arg6[%swap3A_258, %swap3A_259], %max3A_257 {strides = array<i32>} : memref<320x64xf32, #tpu.memory_space<vmem>>, vector<16xf32>,
            %while3A_261 = arith.constant 0 : i32
            scf.yield %while3A_261 : i32
          }
          %while3A_189 = arith.constant 1 : i32
          %while3A_190 = scf.for %while3A_197 = %while3A_186 to %while3A_182 step %while3A_189 iter_args(%while3A_198 = %while3A_188) -> (i32)  : i32 {
            %mul3A_199 = arith.constant 32 : i32
            %mul3A_200 = arith.muli %add3A_156, %mul3A_199 : i32
            %add3A_201 = arith.addi %mul3A_200, %while3A_197 : i32
            %get3A = arith.index_cast %add3A_201 : i32 to index
            %get3A_202 = tpu.vector_load %arg9[%get3A] {strides = array<i32>} : memref<8192xi32, #tpu.memory_space<vmem>>, vector<16xi32>,
            %slice3A = vector.extract_strided_slice %get3A_202 {offsets = [0], sizes = [1], strides = [1]} : vector<16xi32> to vector<1xi32>
            %squeeze3A = vector.extract %slice3A[0] : i32 from vector<1xi32>
            %and3A_203 = arith.constant 65535 : i32
            %and3A_204 = arith.andi %squeeze3A, %and3A_203 : i32
            %shift_right_arithmetic3A_205 = arith.constant 16 : i32
            %shift_right_arithmetic3A_206 = arith.shrsi %squeeze3A, %shift_right_arithmetic3A_205 : i32
            %mul3A_207 = arith.constant 64 : i32
            %mul3A_208 = arith.muli %shift_right_arithmetic3A_206, %mul3A_207 : i32
            %add3A_209 = arith.constant 0 : i32
            %add3A_210 = arith.addi %mul3A_208, %add3A_209 : i32
            %get3A_211 = arith.index_cast %and3A_204 : i32 to index
            %get3A_212 = arith.constant 0 : index
            %get3A_213 = tpu.vector_load %arg6[%get3A_211, %get3A_212] {strides = array<i32>} : memref<320x64xf32, #tpu.memory_space<vmem>>, vector<16xf32>,
            %get3A_214 = arith.index_cast %while3A_197 : i32 to index
            %get3A_215 = arith.index_cast %add3A_210 : i32 to index
            %get3A_216 = tpu.vector_load %arg16[%get3A_214, %get3A_215] {strides = array<i32>} : memref<32x128xf32, #tpu.memory_space<vmem>>, vector<16xf32>,
            %max3A = arith.maximumf %get3A_213, %get3A_216 : vector<16xf32>
            %swap3A = arith.index_cast %and3A_204 : i32 to index
            %swap3A_217 = arith.constant 0 : index
            %swap3A_218 = tpu.vector_load %arg6[%swap3A, %swap3A_217] {strides = array<i32>} : memref<320x64xf32, #tpu.memory_space<vmem>>, vector<16xf32>,
            tpu.vector_store %arg6[%swap3A, %swap3A_217], %max3A {strides = array<i32>} : memref<320x64xf32, #tpu.memory_space<vmem>>, vector<16xf32>,
            %mul3A_219 = arith.constant 64 : i32
            %mul3A_220 = arith.muli %shift_right_arithmetic3A_206, %mul3A_219 : i32
            %add3A_221 = arith.constant 16 : i32
            %add3A_222 = arith.addi %mul3A_220, %add3A_221 : i32
            %get3A_223 = arith.index_cast %and3A_204 : i32 to index
            %get3A_224 = arith.constant 16 : index
            %get3A_225 = tpu.vector_load %arg6[%get3A_223, %get3A_224] {strides = array<i32>} : memref<320x64xf32, #tpu.memory_space<vmem>>, vector<16xf32>,
            %get3A_226 = arith.index_cast %while3A_197 : i32 to index
            %get3A_227 = arith.index_cast %add3A_222 : i32 to index
            %get3A_228 = tpu.vector_load %arg16[%get3A_226, %get3A_227] {strides = array<i32>} : memref<32x128xf32, #tpu.memory_space<vmem>>, vector<16xf32>,
            %max3A_229 = arith.maximumf %get3A_225, %get3A_228 : vector<16xf32>
            %swap3A_230 = arith.index_cast %and3A_204 : i32 to index
            %swap3A_231 = arith.constant 16 : index
            %swap3A_232 = tpu.vector_load %arg6[%swap3A_230, %swap3A_231] {strides = array<i32>} : memref<320x64xf32, #tpu.memory_space<vmem>>, vector<16xf32>,
            tpu.vector_store %arg6[%swap3A_230, %swap3A_231], %max3A_229 {strides = array<i32>} : memref<320x64xf32, #tpu.memory_space<vmem>>, vector<16xf32>,
            %mul3A_233 = arith.constant 64 : i32
            %mul3A_234 = arith.muli %shift_right_arithmetic3A_206, %mul3A_233 : i32
            %add3A_235 = arith.constant 32 : i32
            %add3A_236 = arith.addi %mul3A_234, %add3A_235 : i32
            %get3A_237 = arith.index_cast %and3A_204 : i32 to index
            %get3A_238 = arith.constant 32 : index
            %get3A_239 = tpu.vector_load %arg6[%get3A_237, %get3A_238] {strides = array<i32>} : memref<320x64xf32, #tpu.memory_space<vmem>>, vector<16xf32>,
            %get3A_240 = arith.index_cast %while3A_197 : i32 to index
            %get3A_241 = arith.index_cast %add3A_236 : i32 to index
            %get3A_242 = tpu.vector_load %arg16[%get3A_240, %get3A_241] {strides = array<i32>} : memref<32x128xf32, #tpu.memory_space<vmem>>, vector<16xf32>,
            %max3A_243 = arith.maximumf %get3A_239, %get3A_242 : vector<16xf32>
            %swap3A_244 = arith.index_cast %and3A_204 : i32 to index
            %swap3A_245 = arith.constant 32 : index
            %swap3A_246 = tpu.vector_load %arg6[%swap3A_244, %swap3A_245] {strides = array<i32>} : memref<320x64xf32, #tpu.memory_space<vmem>>, vector<16xf32>,
            tpu.vector_store %arg6[%swap3A_244, %swap3A_245], %max3A_243 {strides = array<i32>} : memref<320x64xf32, #tpu.memory_space<vmem>>, vector<16xf32>,
            %mul3A_247 = arith.constant 64 : i32
            %mul3A_248 = arith.muli %shift_right_arithmetic3A_206, %mul3A_247 : i32
            %add3A_249 = arith.constant 48 : i32
            %add3A_250 = arith.addi %mul3A_248, %add3A_249 : i32
            %get3A_251 = arith.index_cast %and3A_204 : i32 to index
            %get3A_252 = arith.constant 48 : index
            %get3A_253 = tpu.vector_load %arg6[%get3A_251, %get3A_252] {strides = array<i32>} : memref<320x64xf32, #tpu.memory_space<vmem>>, vector<16xf32>,
            %get3A_254 = arith.index_cast %while3A_197 : i32 to index
            %get3A_255 = arith.index_cast %add3A_250 : i32 to index
            %get3A_256 = tpu.vector_load %arg16[%get3A_254, %get3A_255] {strides = array<i32>} : memref<32x128xf32, #tpu.memory_space<vmem>>, vector<16xf32>,
            %max3A_257 = arith.maximumf %get3A_253, %get3A_256 : vector<16xf32>
            %swap3A_258 = arith.index_cast %and3A_204 : i32 to index
            %swap3A_259 = arith.constant 48 : index
            %swap3A_260 = tpu.vector_load %arg6[%swap3A_258, %swap3A_259] {strides = array<i32>} : memref<320x64xf32, #tpu.memory_space<vmem>>, vector<16xf32>,
            tpu.vector_store %arg6[%swap3A_258, %swap3A_259], %max3A_257 {strides = array<i32>} : memref<320x64xf32, #tpu.memory_space<vmem>>, vector<16xf32>,
            %while3A_261 = arith.constant 0 : i32
            scf.yield %while3A_261 : i32
          }
          %add3A_191 = arith.constant 8 : i32
          %add3A_192 = arith.addi %add3A_156, %add3A_191 : i32
          %lt3A_193 = arith.cmpi slt, %add3A_192, %shift_right_arithmetic3A_32 : i32
          %convert_element_type3A_194 = arith.extui %lt3A_193 : i1 to i32
          %cond3A_195 = arith.constant 0 : i32
          %cond3A_196 = arith.cmpi ne, %convert_element_type3A_194, %cond3A_195 : i32
          scf.if %cond3A_196 {
            %add3A_197 = arith.constant 8 : i32
            %add3A_198 = arith.addi %add3A_156, %add3A_197 : i32
            %dma_start3A = arith.constant 0 : i32
            %dma_start3A_199 = tpu.memref_slice %arg8[%add3A_198, %dma_start3A] : memref<252x32xi32, #tpu.memory_space<vmem>> -> memref<1x32xi32, #tpu.memory_space<vmem>>
            %dma_start3A_200 = tpu.memref_squeeze %dma_start3A_199 : memref<1x32xi32, #tpu.memory_space<vmem>> -> memref<32xi32, #tpu.memory_space<vmem>>
            %dma_start3A_201 = arith.constant 0 : i32
            %dma_start3A_202 = arith.constant 0 : i32
            %dma_start3A_203 = tpu.memref_slice %arg2[%dma_start3A_201, %dma_start3A_202] : memref<160000x128xf32, #tpu.memory_space<hbm>> -> memref<160000x128xf32, #tpu.memory_space<hbm>>
            tpu.enqueue_indirect_dma source(%dma_start3A_203 : memref<160000x128xf32, #tpu.memory_space<hbm>>) target(%arg16 : memref<32x128xf32, #tpu.memory_space<vmem>>) offsets(%dma_start3A_200 : memref<32xi32, #tpu.memory_space<vmem>>) semaphore(%arg24 : memref<!tpu.dma_semaphore, #tpu.memory_space<semaphore_mem>>)
          } else {
          }
        } else {
        }
        %mul3A_161 = arith.constant 8 : i32
        %mul3A_162 = arith.muli %while3A_103, %mul3A_161 : i32
        %add3A_163 = arith.constant 7 : i32
        %add3A_164 = arith.addi %mul3A_162, %add3A_163 : i32
        %lt3A_165 = arith.cmpi slt, %add3A_164, %shift_right_arithmetic3A_32 : i32
        %convert_element_type3A_166 = arith.extui %lt3A_165 : i1 to i32
        %cond3A_167 = arith.constant 0 : i32
        %cond3A_168 = arith.cmpi ne, %convert_element_type3A_166, %cond3A_167 : i32
        scf.if %cond3A_168 {
          %dma_wait3A = arith.constant 0 : i32
          %dma_wait3A_170 = tpu.memref_slice %arg8[%add3A_164, %dma_wait3A] : memref<252x32xi32, #tpu.memory_space<vmem>> -> memref<1x32xi32, #tpu.memory_space<vmem>>
          %dma_wait3A_171 = tpu.memref_squeeze %dma_wait3A_170 : memref<1x32xi32, #tpu.memory_space<vmem>> -> memref<32xi32, #tpu.memory_space<vmem>>
          %dma_wait3A_172 = arith.constant 0 : i32
          %dma_wait3A_173 = arith.constant 0 : i32
          %dma_wait3A_174 = tpu.memref_slice %arg2[%dma_wait3A_172, %dma_wait3A_173] : memref<160000x128xf32, #tpu.memory_space<hbm>> -> memref<160000x128xf32, #tpu.memory_space<hbm>>
          tpu.wait_indirect_dma semaphore(%arg25 : memref<!tpu.dma_semaphore, #tpu.memory_space<semaphore_mem>>) src(%dma_wait3A_174 : memref<160000x128xf32, #tpu.memory_space<hbm>>) dst(%arg17 : memref<32x128xf32, #tpu.memory_space<vmem>>)
          %mul3A_175 = arith.constant 32 : i32
          %mul3A_176 = arith.muli %add3A_164, %mul3A_175 : i32
          %sub3A_177 = arith.subi %scan3A_20, %mul3A_176 : i32
          %min3A = arith.constant 32 : i32
          %min3A_178 = arith.minsi %min3A, %sub3A_177 : i32
          %while3A_179 = arith.constant 0 : i32
          %while3A_180 = arith.constant 0 : i32
          %while3A_181 = arith.subi %min3A_178, %while3A_179 : i32
          %while3A_182 = arith.addi %while3A_179, %while3A_181 : i32
          %while3A_183 = arith.constant 1 : i32
          %while3A_184 = arith.divsi %while3A_181, %while3A_183 : i32
          %while3A_185 = arith.muli %while3A_184, %while3A_183 : i32
          %while3A_186 = arith.addi %while3A_179, %while3A_185 : i32
          %while3A_187 = arith.constant 1 : i32
          %while3A_188 = scf.for %while3A_197 = %while3A_179 to %while3A_186 step %while3A_187 iter_args(%while3A_198 = %while3A_180) -> (i32)  : i32 {
            %mul3A_199 = arith.constant 32 : i32
            %mul3A_200 = arith.muli %add3A_164, %mul3A_199 : i32
            %add3A_201 = arith.addi %mul3A_200, %while3A_197 : i32
            %get3A = arith.index_cast %add3A_201 : i32 to index
            %get3A_202 = tpu.vector_load %arg9[%get3A] {strides = array<i32>} : memref<8192xi32, #tpu.memory_space<vmem>>, vector<16xi32>,
            %slice3A = vector.extract_strided_slice %get3A_202 {offsets = [0], sizes = [1], strides = [1]} : vector<16xi32> to vector<1xi32>
            %squeeze3A = vector.extract %slice3A[0] : i32 from vector<1xi32>
            %and3A_203 = arith.constant 65535 : i32
            %and3A_204 = arith.andi %squeeze3A, %and3A_203 : i32
            %shift_right_arithmetic3A_205 = arith.constant 16 : i32
            %shift_right_arithmetic3A_206 = arith.shrsi %squeeze3A, %shift_right_arithmetic3A_205 : i32
            %mul3A_207 = arith.constant 64 : i32
            %mul3A_208 = arith.muli %shift_right_arithmetic3A_206, %mul3A_207 : i32
            %add3A_209 = arith.constant 0 : i32
            %add3A_210 = arith.addi %mul3A_208, %add3A_209 : i32
            %get3A_211 = arith.index_cast %and3A_204 : i32 to index
            %get3A_212 = arith.constant 0 : index
            %get3A_213 = tpu.vector_load %arg6[%get3A_211, %get3A_212] {strides = array<i32>} : memref<320x64xf32, #tpu.memory_space<vmem>>, vector<16xf32>,
            %get3A_214 = arith.index_cast %while3A_197 : i32 to index
            %get3A_215 = arith.index_cast %add3A_210 : i32 to index
            %get3A_216 = tpu.vector_load %arg17[%get3A_214, %get3A_215] {strides = array<i32>} : memref<32x128xf32, #tpu.memory_space<vmem>>, vector<16xf32>,
            %max3A = arith.maximumf %get3A_213, %get3A_216 : vector<16xf32>
            %swap3A = arith.index_cast %and3A_204 : i32 to index
            %swap3A_217 = arith.constant 0 : index
            %swap3A_218 = tpu.vector_load %arg6[%swap3A, %swap3A_217] {strides = array<i32>} : memref<320x64xf32, #tpu.memory_space<vmem>>, vector<16xf32>,
            tpu.vector_store %arg6[%swap3A, %swap3A_217], %max3A {strides = array<i32>} : memref<320x64xf32, #tpu.memory_space<vmem>>, vector<16xf32>,
            %mul3A_219 = arith.constant 64 : i32
            %mul3A_220 = arith.muli %shift_right_arithmetic3A_206, %mul3A_219 : i32
            %add3A_221 = arith.constant 16 : i32
            %add3A_222 = arith.addi %mul3A_220, %add3A_221 : i32
            %get3A_223 = arith.index_cast %and3A_204 : i32 to index
            %get3A_224 = arith.constant 16 : index
            %get3A_225 = tpu.vector_load %arg6[%get3A_223, %get3A_224] {strides = array<i32>} : memref<320x64xf32, #tpu.memory_space<vmem>>, vector<16xf32>,
            %get3A_226 = arith.index_cast %while3A_197 : i32 to index
            %get3A_227 = arith.index_cast %add3A_222 : i32 to index
            %get3A_228 = tpu.vector_load %arg17[%get3A_226, %get3A_227] {strides = array<i32>} : memref<32x128xf32, #tpu.memory_space<vmem>>, vector<16xf32>,
            %max3A_229 = arith.maximumf %get3A_225, %get3A_228 : vector<16xf32>
            %swap3A_230 = arith.index_cast %and3A_204 : i32 to index
            %swap3A_231 = arith.constant 16 : index
            %swap3A_232 = tpu.vector_load %arg6[%swap3A_230, %swap3A_231] {strides = array<i32>} : memref<320x64xf32, #tpu.memory_space<vmem>>, vector<16xf32>,
            tpu.vector_store %arg6[%swap3A_230, %swap3A_231], %max3A_229 {strides = array<i32>} : memref<320x64xf32, #tpu.memory_space<vmem>>, vector<16xf32>,
            %mul3A_233 = arith.constant 64 : i32
            %mul3A_234 = arith.muli %shift_right_arithmetic3A_206, %mul3A_233 : i32
            %add3A_235 = arith.constant 32 : i32
            %add3A_236 = arith.addi %mul3A_234, %add3A_235 : i32
            %get3A_237 = arith.index_cast %and3A_204 : i32 to index
            %get3A_238 = arith.constant 32 : index
            %get3A_239 = tpu.vector_load %arg6[%get3A_237, %get3A_238] {strides = array<i32>} : memref<320x64xf32, #tpu.memory_space<vmem>>, vector<16xf32>,
            %get3A_240 = arith.index_cast %while3A_197 : i32 to index
            %get3A_241 = arith.index_cast %add3A_236 : i32 to index
            %get3A_242 = tpu.vector_load %arg17[%get3A_240, %get3A_241] {strides = array<i32>} : memref<32x128xf32, #tpu.memory_space<vmem>>, vector<16xf32>,
            %max3A_243 = arith.maximumf %get3A_239, %get3A_242 : vector<16xf32>
            %swap3A_244 = arith.index_cast %and3A_204 : i32 to index
            %swap3A_245 = arith.constant 32 : index
            %swap3A_246 = tpu.vector_load %arg6[%swap3A_244, %swap3A_245] {strides = array<i32>} : memref<320x64xf32, #tpu.memory_space<vmem>>, vector<16xf32>,
            tpu.vector_store %arg6[%swap3A_244, %swap3A_245], %max3A_243 {strides = array<i32>} : memref<320x64xf32, #tpu.memory_space<vmem>>, vector<16xf32>,
            %mul3A_247 = arith.constant 64 : i32
            %mul3A_248 = arith.muli %shift_right_arithmetic3A_206, %mul3A_247 : i32
            %add3A_249 = arith.constant 48 : i32
            %add3A_250 = arith.addi %mul3A_248, %add3A_249 : i32
            %get3A_251 = arith.index_cast %and3A_204 : i32 to index
            %get3A_252 = arith.constant 48 : index
            %get3A_253 = tpu.vector_load %arg6[%get3A_251, %get3A_252] {strides = array<i32>} : memref<320x64xf32, #tpu.memory_space<vmem>>, vector<16xf32>,
            %get3A_254 = arith.index_cast %while3A_197 : i32 to index
            %get3A_255 = arith.index_cast %add3A_250 : i32 to index
            %get3A_256 = tpu.vector_load %arg17[%get3A_254, %get3A_255] {strides = array<i32>} : memref<32x128xf32, #tpu.memory_space<vmem>>, vector<16xf32>,
            %max3A_257 = arith.maximumf %get3A_253, %get3A_256 : vector<16xf32>
            %swap3A_258 = arith.index_cast %and3A_204 : i32 to index
            %swap3A_259 = arith.constant 48 : index
            %swap3A_260 = tpu.vector_load %arg6[%swap3A_258, %swap3A_259] {strides = array<i32>} : memref<320x64xf32, #tpu.memory_space<vmem>>, vector<16xf32>,
            tpu.vector_store %arg6[%swap3A_258, %swap3A_259], %max3A_257 {strides = array<i32>} : memref<320x64xf32, #tpu.memory_space<vmem>>, vector<16xf32>,
            %while3A_261 = arith.constant 0 : i32
            scf.yield %while3A_261 : i32
          }
          %while3A_189 = arith.constant 1 : i32
          %while3A_190 = scf.for %while3A_197 = %while3A_186 to %while3A_182 step %while3A_189 iter_args(%while3A_198 = %while3A_188) -> (i32)  : i32 {
            %mul3A_199 = arith.constant 32 : i32
            %mul3A_200 = arith.muli %add3A_164, %mul3A_199 : i32
            %add3A_201 = arith.addi %mul3A_200, %while3A_197 : i32
            %get3A = arith.index_cast %add3A_201 : i32 to index
            %get3A_202 = tpu.vector_load %arg9[%get3A] {strides = array<i32>} : memref<8192xi32, #tpu.memory_space<vmem>>, vector<16xi32>,
            %slice3A = vector.extract_strided_slice %get3A_202 {offsets = [0], sizes = [1], strides = [1]} : vector<16xi32> to vector<1xi32>
            %squeeze3A = vector.extract %slice3A[0] : i32 from vector<1xi32>
            %and3A_203 = arith.constant 65535 : i32
            %and3A_204 = arith.andi %squeeze3A, %and3A_203 : i32
            %shift_right_arithmetic3A_205 = arith.constant 16 : i32
            %shift_right_arithmetic3A_206 = arith.shrsi %squeeze3A, %shift_right_arithmetic3A_205 : i32
            %mul3A_207 = arith.constant 64 : i32
            %mul3A_208 = arith.muli %shift_right_arithmetic3A_206, %mul3A_207 : i32
            %add3A_209 = arith.constant 0 : i32
            %add3A_210 = arith.addi %mul3A_208, %add3A_209 : i32
            %get3A_211 = arith.index_cast %and3A_204 : i32 to index
            %get3A_212 = arith.constant 0 : index
            %get3A_213 = tpu.vector_load %arg6[%get3A_211, %get3A_212] {strides = array<i32>} : memref<320x64xf32, #tpu.memory_space<vmem>>, vector<16xf32>,
            %get3A_214 = arith.index_cast %while3A_197 : i32 to index
            %get3A_215 = arith.index_cast %add3A_210 : i32 to index
            %get3A_216 = tpu.vector_load %arg17[%get3A_214, %get3A_215] {strides = array<i32>} : memref<32x128xf32, #tpu.memory_space<vmem>>, vector<16xf32>,
            %max3A = arith.maximumf %get3A_213, %get3A_216 : vector<16xf32>
            %swap3A = arith.index_cast %and3A_204 : i32 to index
            %swap3A_217 = arith.constant 0 : index
            %swap3A_218 = tpu.vector_load %arg6[%swap3A, %swap3A_217] {strides = array<i32>} : memref<320x64xf32, #tpu.memory_space<vmem>>, vector<16xf32>,
            tpu.vector_store %arg6[%swap3A, %swap3A_217], %max3A {strides = array<i32>} : memref<320x64xf32, #tpu.memory_space<vmem>>, vector<16xf32>,
            %mul3A_219 = arith.constant 64 : i32
            %mul3A_220 = arith.muli %shift_right_arithmetic3A_206, %mul3A_219 : i32
            %add3A_221 = arith.constant 16 : i32
            %add3A_222 = arith.addi %mul3A_220, %add3A_221 : i32
            %get3A_223 = arith.index_cast %and3A_204 : i32 to index
            %get3A_224 = arith.constant 16 : index
            %get3A_225 = tpu.vector_load %arg6[%get3A_223, %get3A_224] {strides = array<i32>} : memref<320x64xf32, #tpu.memory_space<vmem>>, vector<16xf32>,
            %get3A_226 = arith.index_cast %while3A_197 : i32 to index
            %get3A_227 = arith.index_cast %add3A_222 : i32 to index
            %get3A_228 = tpu.vector_load %arg17[%get3A_226, %get3A_227] {strides = array<i32>} : memref<32x128xf32, #tpu.memory_space<vmem>>, vector<16xf32>,
            %max3A_229 = arith.maximumf %get3A_225, %get3A_228 : vector<16xf32>
            %swap3A_230 = arith.index_cast %and3A_204 : i32 to index
            %swap3A_231 = arith.constant 16 : index
            %swap3A_232 = tpu.vector_load %arg6[%swap3A_230, %swap3A_231] {strides = array<i32>} : memref<320x64xf32, #tpu.memory_space<vmem>>, vector<16xf32>,
            tpu.vector_store %arg6[%swap3A_230, %swap3A_231], %max3A_229 {strides = array<i32>} : memref<320x64xf32, #tpu.memory_space<vmem>>, vector<16xf32>,
            %mul3A_233 = arith.constant 64 : i32
            %mul3A_234 = arith.muli %shift_right_arithmetic3A_206, %mul3A_233 : i32
            %add3A_235 = arith.constant 32 : i32
            %add3A_236 = arith.addi %mul3A_234, %add3A_235 : i32
            %get3A_237 = arith.index_cast %and3A_204 : i32 to index
            %get3A_238 = arith.constant 32 : index
            %get3A_239 = tpu.vector_load %arg6[%get3A_237, %get3A_238] {strides = array<i32>} : memref<320x64xf32, #tpu.memory_space<vmem>>, vector<16xf32>,
            %get3A_240 = arith.index_cast %while3A_197 : i32 to index
            %get3A_241 = arith.index_cast %add3A_236 : i32 to index
            %get3A_242 = tpu.vector_load %arg17[%get3A_240, %get3A_241] {strides = array<i32>} : memref<32x128xf32, #tpu.memory_space<vmem>>, vector<16xf32>,
            %max3A_243 = arith.maximumf %get3A_239, %get3A_242 : vector<16xf32>
            %swap3A_244 = arith.index_cast %and3A_204 : i32 to index
            %swap3A_245 = arith.constant 32 : index
            %swap3A_246 = tpu.vector_load %arg6[%swap3A_244, %swap3A_245] {strides = array<i32>} : memref<320x64xf32, #tpu.memory_space<vmem>>, vector<16xf32>,
            tpu.vector_store %arg6[%swap3A_244, %swap3A_245], %max3A_243 {strides = array<i32>} : memref<320x64xf32, #tpu.memory_space<vmem>>, vector<16xf32>,
            %mul3A_247 = arith.constant 64 : i32
            %mul3A_248 = arith.muli %shift_right_arithmetic3A_206, %mul3A_247 : i32
            %add3A_249 = arith.constant 48 : i32
            %add3A_250 = arith.addi %mul3A_248, %add3A_249 : i32
            %get3A_251 = arith.index_cast %and3A_204 : i32 to index
            %get3A_252 = arith.constant 48 : index
            %get3A_253 = tpu.vector_load %arg6[%get3A_251, %get3A_252] {strides = array<i32>} : memref<320x64xf32, #tpu.memory_space<vmem>>, vector<16xf32>,
            %get3A_254 = arith.index_cast %while3A_197 : i32 to index
            %get3A_255 = arith.index_cast %add3A_250 : i32 to index
            %get3A_256 = tpu.vector_load %arg17[%get3A_254, %get3A_255] {strides = array<i32>} : memref<32x128xf32, #tpu.memory_space<vmem>>, vector<16xf32>,
            %max3A_257 = arith.maximumf %get3A_253, %get3A_256 : vector<16xf32>
            %swap3A_258 = arith.index_cast %and3A_204 : i32 to index
            %swap3A_259 = arith.constant 48 : index
            %swap3A_260 = tpu.vector_load %arg6[%swap3A_258, %swap3A_259] {strides = array<i32>} : memref<320x64xf32, #tpu.memory_space<vmem>>, vector<16xf32>,
            tpu.vector_store %arg6[%swap3A_258, %swap3A_259], %max3A_257 {strides = array<i32>} : memref<320x64xf32, #tpu.memory_space<vmem>>, vector<16xf32>,
            %while3A_261 = arith.constant 0 : i32
            scf.yield %while3A_261 : i32
          }
          %add3A_191 = arith.constant 8 : i32
          %add3A_192 = arith.addi %add3A_164, %add3A_191 : i32
          %lt3A_193 = arith.cmpi slt, %add3A_192, %shift_right_arithmetic3A_32 : i32
          %convert_element_type3A_194 = arith.extui %lt3A_193 : i1 to i32
          %cond3A_195 = arith.constant 0 : i32
          %cond3A_196 = arith.cmpi ne, %convert_element_type3A_194, %cond3A_195 : i32
          scf.if %cond3A_196 {
            %add3A_197 = arith.constant 8 : i32
            %add3A_198 = arith.addi %add3A_164, %add3A_197 : i32
            %dma_start3A = arith.constant 0 : i32
            %dma_start3A_199 = tpu.memref_slice %arg8[%add3A_198, %dma_start3A] : memref<252x32xi32, #tpu.memory_space<vmem>> -> memref<1x32xi32, #tpu.memory_space<vmem>>
            %dma_start3A_200 = tpu.memref_squeeze %dma_start3A_199 : memref<1x32xi32, #tpu.memory_space<vmem>> -> memref<32xi32, #tpu.memory_space<vmem>>
            %dma_start3A_201 = arith.constant 0 : i32
            %dma_start3A_202 = arith.constant 0 : i32
            %dma_start3A_203 = tpu.memref_slice %arg2[%dma_start3A_201, %dma_start3A_202] : memref<160000x128xf32, #tpu.memory_space<hbm>> -> memref<160000x128xf32, #tpu.memory_space<hbm>>
            tpu.enqueue_indirect_dma source(%dma_start3A_203 : memref<160000x128xf32, #tpu.memory_space<hbm>>) target(%arg17 : memref<32x128xf32, #tpu.memory_space<vmem>>) offsets(%dma_start3A_200 : memref<32xi32, #tpu.memory_space<vmem>>) semaphore(%arg25 : memref<!tpu.dma_semaphore, #tpu.memory_space<semaphore_mem>>)
          } else {
          }
        } else {
        }
        %while3A_169 = arith.constant 0 : i32
        scf.yield %while3A_169 : i32
      }
      %while3A_100 = arith.constant 1 : i32
      %while3A_101 = scf.for %while3A_103 = %while3A_97 to %while3A_93 step %while3A_100 iter_args(%while3A_104 = %while3A_99) -> (i32)  : i32 {
        %mul3A_105 = arith.constant 8 : i32
        %mul3A_106 = arith.muli %while3A_103, %mul3A_105 : i32
        %add3A_107 = arith.constant 0 : i32
        %add3A_108 = arith.addi %mul3A_106, %add3A_107 : i32
        %lt3A_109 = arith.cmpi slt, %add3A_108, %shift_right_arithmetic3A_32 : i32
        %convert_element_type3A_110 = arith.extui %lt3A_109 : i1 to i32
        %cond3A_111 = arith.constant 0 : i32
        %cond3A_112 = arith.cmpi ne, %convert_element_type3A_110, %cond3A_111 : i32
        scf.if %cond3A_112 {
          %dma_wait3A = arith.constant 0 : i32
          %dma_wait3A_170 = tpu.memref_slice %arg8[%add3A_108, %dma_wait3A] : memref<252x32xi32, #tpu.memory_space<vmem>> -> memref<1x32xi32, #tpu.memory_space<vmem>>
          %dma_wait3A_171 = tpu.memref_squeeze %dma_wait3A_170 : memref<1x32xi32, #tpu.memory_space<vmem>> -> memref<32xi32, #tpu.memory_space<vmem>>
          %dma_wait3A_172 = arith.constant 0 : i32
          %dma_wait3A_173 = arith.constant 0 : i32
          %dma_wait3A_174 = tpu.memref_slice %arg2[%dma_wait3A_172, %dma_wait3A_173] : memref<160000x128xf32, #tpu.memory_space<hbm>> -> memref<160000x128xf32, #tpu.memory_space<hbm>>
          tpu.wait_indirect_dma semaphore(%arg18 : memref<!tpu.dma_semaphore, #tpu.memory_space<semaphore_mem>>) src(%dma_wait3A_174 : memref<160000x128xf32, #tpu.memory_space<hbm>>) dst(%arg10 : memref<32x128xf32, #tpu.memory_space<vmem>>)
          %mul3A_175 = arith.constant 32 : i32
          %mul3A_176 = arith.muli %add3A_108, %mul3A_175 : i32
          %sub3A_177 = arith.subi %scan3A_20, %mul3A_176 : i32
          %min3A = arith.constant 32 : i32
          %min3A_178 = arith.minsi %min3A, %sub3A_177 : i32
          %while3A_179 = arith.constant 0 : i32
          %while3A_180 = arith.constant 0 : i32
          %while3A_181 = arith.subi %min3A_178, %while3A_179 : i32
          %while3A_182 = arith.addi %while3A_179, %while3A_181 : i32
          %while3A_183 = arith.constant 1 : i32
          %while3A_184 = arith.divsi %while3A_181, %while3A_183 : i32
          %while3A_185 = arith.muli %while3A_184, %while3A_183 : i32
          %while3A_186 = arith.addi %while3A_179, %while3A_185 : i32
          %while3A_187 = arith.constant 1 : i32
          %while3A_188 = scf.for %while3A_197 = %while3A_179 to %while3A_186 step %while3A_187 iter_args(%while3A_198 = %while3A_180) -> (i32)  : i32 {
            %mul3A_199 = arith.constant 32 : i32
            %mul3A_200 = arith.muli %add3A_108, %mul3A_199 : i32
            %add3A_201 = arith.addi %mul3A_200, %while3A_197 : i32
            %get3A = arith.index_cast %add3A_201 : i32 to index
            %get3A_202 = tpu.vector_load %arg9[%get3A] {strides = array<i32>} : memref<8192xi32, #tpu.memory_space<vmem>>, vector<16xi32>,
            %slice3A = vector.extract_strided_slice %get3A_202 {offsets = [0], sizes = [1], strides = [1]} : vector<16xi32> to vector<1xi32>
            %squeeze3A = vector.extract %slice3A[0] : i32 from vector<1xi32>
            %and3A_203 = arith.constant 65535 : i32
            %and3A_204 = arith.andi %squeeze3A, %and3A_203 : i32
            %shift_right_arithmetic3A_205 = arith.constant 16 : i32
            %shift_right_arithmetic3A_206 = arith.shrsi %squeeze3A, %shift_right_arithmetic3A_205 : i32
            %mul3A_207 = arith.constant 64 : i32
            %mul3A_208 = arith.muli %shift_right_arithmetic3A_206, %mul3A_207 : i32
            %add3A_209 = arith.constant 0 : i32
            %add3A_210 = arith.addi %mul3A_208, %add3A_209 : i32
            %get3A_211 = arith.index_cast %and3A_204 : i32 to index
            %get3A_212 = arith.constant 0 : index
            %get3A_213 = tpu.vector_load %arg6[%get3A_211, %get3A_212] {strides = array<i32>} : memref<320x64xf32, #tpu.memory_space<vmem>>, vector<16xf32>,
            %get3A_214 = arith.index_cast %while3A_197 : i32 to index
            %get3A_215 = arith.index_cast %add3A_210 : i32 to index
            %get3A_216 = tpu.vector_load %arg10[%get3A_214, %get3A_215] {strides = array<i32>} : memref<32x128xf32, #tpu.memory_space<vmem>>, vector<16xf32>,
            %max3A = arith.maximumf %get3A_213, %get3A_216 : vector<16xf32>
            %swap3A = arith.index_cast %and3A_204 : i32 to index
            %swap3A_217 = arith.constant 0 : index
            %swap3A_218 = tpu.vector_load %arg6[%swap3A, %swap3A_217] {strides = array<i32>} : memref<320x64xf32, #tpu.memory_space<vmem>>, vector<16xf32>,
            tpu.vector_store %arg6[%swap3A, %swap3A_217], %max3A {strides = array<i32>} : memref<320x64xf32, #tpu.memory_space<vmem>>, vector<16xf32>,
            %mul3A_219 = arith.constant 64 : i32
            %mul3A_220 = arith.muli %shift_right_arithmetic3A_206, %mul3A_219 : i32
            %add3A_221 = arith.constant 16 : i32
            %add3A_222 = arith.addi %mul3A_220, %add3A_221 : i32
            %get3A_223 = arith.index_cast %and3A_204 : i32 to index
            %get3A_224 = arith.constant 16 : index
            %get3A_225 = tpu.vector_load %arg6[%get3A_223, %get3A_224] {strides = array<i32>} : memref<320x64xf32, #tpu.memory_space<vmem>>, vector<16xf32>,
            %get3A_226 = arith.index_cast %while3A_197 : i32 to index
            %get3A_227 = arith.index_cast %add3A_222 : i32 to index
            %get3A_228 = tpu.vector_load %arg10[%get3A_226, %get3A_227] {strides = array<i32>} : memref<32x128xf32, #tpu.memory_space<vmem>>, vector<16xf32>,
            %max3A_229 = arith.maximumf %get3A_225, %get3A_228 : vector<16xf32>
            %swap3A_230 = arith.index_cast %and3A_204 : i32 to index
            %swap3A_231 = arith.constant 16 : index
            %swap3A_232 = tpu.vector_load %arg6[%swap3A_230, %swap3A_231] {strides = array<i32>} : memref<320x64xf32, #tpu.memory_space<vmem>>, vector<16xf32>,
            tpu.vector_store %arg6[%swap3A_230, %swap3A_231], %max3A_229 {strides = array<i32>} : memref<320x64xf32, #tpu.memory_space<vmem>>, vector<16xf32>,
            %mul3A_233 = arith.constant 64 : i32
            %mul3A_234 = arith.muli %shift_right_arithmetic3A_206, %mul3A_233 : i32
            %add3A_235 = arith.constant 32 : i32
            %add3A_236 = arith.addi %mul3A_234, %add3A_235 : i32
            %get3A_237 = arith.index_cast %and3A_204 : i32 to index
            %get3A_238 = arith.constant 32 : index
            %get3A_239 = tpu.vector_load %arg6[%get3A_237, %get3A_238] {strides = array<i32>} : memref<320x64xf32, #tpu.memory_space<vmem>>, vector<16xf32>,
            %get3A_240 = arith.index_cast %while3A_197 : i32 to index
            %get3A_241 = arith.index_cast %add3A_236 : i32 to index
            %get3A_242 = tpu.vector_load %arg10[%get3A_240, %get3A_241] {strides = array<i32>} : memref<32x128xf32, #tpu.memory_space<vmem>>, vector<16xf32>,
            %max3A_243 = arith.maximumf %get3A_239, %get3A_242 : vector<16xf32>
            %swap3A_244 = arith.index_cast %and3A_204 : i32 to index
            %swap3A_245 = arith.constant 32 : index
            %swap3A_246 = tpu.vector_load %arg6[%swap3A_244, %swap3A_245] {strides = array<i32>} : memref<320x64xf32, #tpu.memory_space<vmem>>, vector<16xf32>,
            tpu.vector_store %arg6[%swap3A_244, %swap3A_245], %max3A_243 {strides = array<i32>} : memref<320x64xf32, #tpu.memory_space<vmem>>, vector<16xf32>,
            %mul3A_247 = arith.constant 64 : i32
            %mul3A_248 = arith.muli %shift_right_arithmetic3A_206, %mul3A_247 : i32
            %add3A_249 = arith.constant 48 : i32
            %add3A_250 = arith.addi %mul3A_248, %add3A_249 : i32
            %get3A_251 = arith.index_cast %and3A_204 : i32 to index
            %get3A_252 = arith.constant 48 : index
            %get3A_253 = tpu.vector_load %arg6[%get3A_251, %get3A_252] {strides = array<i32>} : memref<320x64xf32, #tpu.memory_space<vmem>>, vector<16xf32>,
            %get3A_254 = arith.index_cast %while3A_197 : i32 to index
            %get3A_255 = arith.index_cast %add3A_250 : i32 to index
            %get3A_256 = tpu.vector_load %arg10[%get3A_254, %get3A_255] {strides = array<i32>} : memref<32x128xf32, #tpu.memory_space<vmem>>, vector<16xf32>,
            %max3A_257 = arith.maximumf %get3A_253, %get3A_256 : vector<16xf32>
            %swap3A_258 = arith.index_cast %and3A_204 : i32 to index
            %swap3A_259 = arith.constant 48 : index
            %swap3A_260 = tpu.vector_load %arg6[%swap3A_258, %swap3A_259] {strides = array<i32>} : memref<320x64xf32, #tpu.memory_space<vmem>>, vector<16xf32>,
            tpu.vector_store %arg6[%swap3A_258, %swap3A_259], %max3A_257 {strides = array<i32>} : memref<320x64xf32, #tpu.memory_space<vmem>>, vector<16xf32>,
            %while3A_261 = arith.constant 0 : i32
            scf.yield %while3A_261 : i32
          }
          %while3A_189 = arith.constant 1 : i32
          %while3A_190 = scf.for %while3A_197 = %while3A_186 to %while3A_182 step %while3A_189 iter_args(%while3A_198 = %while3A_188) -> (i32)  : i32 {
            %mul3A_199 = arith.constant 32 : i32
            %mul3A_200 = arith.muli %add3A_108, %mul3A_199 : i32
            %add3A_201 = arith.addi %mul3A_200, %while3A_197 : i32
            %get3A = arith.index_cast %add3A_201 : i32 to index
            %get3A_202 = tpu.vector_load %arg9[%get3A] {strides = array<i32>} : memref<8192xi32, #tpu.memory_space<vmem>>, vector<16xi32>,
            %slice3A = vector.extract_strided_slice %get3A_202 {offsets = [0], sizes = [1], strides = [1]} : vector<16xi32> to vector<1xi32>
            %squeeze3A = vector.extract %slice3A[0] : i32 from vector<1xi32>
            %and3A_203 = arith.constant 65535 : i32
            %and3A_204 = arith.andi %squeeze3A, %and3A_203 : i32
            %shift_right_arithmetic3A_205 = arith.constant 16 : i32
            %shift_right_arithmetic3A_206 = arith.shrsi %squeeze3A, %shift_right_arithmetic3A_205 : i32
            %mul3A_207 = arith.constant 64 : i32
            %mul3A_208 = arith.muli %shift_right_arithmetic3A_206, %mul3A_207 : i32
            %add3A_209 = arith.constant 0 : i32
            %add3A_210 = arith.addi %mul3A_208, %add3A_209 : i32
            %get3A_211 = arith.index_cast %and3A_204 : i32 to index
            %get3A_212 = arith.constant 0 : index
            %get3A_213 = tpu.vector_load %arg6[%get3A_211, %get3A_212] {strides = array<i32>} : memref<320x64xf32, #tpu.memory_space<vmem>>, vector<16xf32>,
            %get3A_214 = arith.index_cast %while3A_197 : i32 to index
            %get3A_215 = arith.index_cast %add3A_210 : i32 to index
            %get3A_216 = tpu.vector_load %arg10[%get3A_214, %get3A_215] {strides = array<i32>} : memref<32x128xf32, #tpu.memory_space<vmem>>, vector<16xf32>,
            %max3A = arith.maximumf %get3A_213, %get3A_216 : vector<16xf32>
            %swap3A = arith.index_cast %and3A_204 : i32 to index
            %swap3A_217 = arith.constant 0 : index
            %swap3A_218 = tpu.vector_load %arg6[%swap3A, %swap3A_217] {strides = array<i32>} : memref<320x64xf32, #tpu.memory_space<vmem>>, vector<16xf32>,
            tpu.vector_store %arg6[%swap3A, %swap3A_217], %max3A {strides = array<i32>} : memref<320x64xf32, #tpu.memory_space<vmem>>, vector<16xf32>,
            %mul3A_219 = arith.constant 64 : i32
            %mul3A_220 = arith.muli %shift_right_arithmetic3A_206, %mul3A_219 : i32
            %add3A_221 = arith.constant 16 : i32
            %add3A_222 = arith.addi %mul3A_220, %add3A_221 : i32
            %get3A_223 = arith.index_cast %and3A_204 : i32 to index
            %get3A_224 = arith.constant 16 : index
            %get3A_225 = tpu.vector_load %arg6[%get3A_223, %get3A_224] {strides = array<i32>} : memref<320x64xf32, #tpu.memory_space<vmem>>, vector<16xf32>,
            %get3A_226 = arith.index_cast %while3A_197 : i32 to index
            %get3A_227 = arith.index_cast %add3A_222 : i32 to index
            %get3A_228 = tpu.vector_load %arg10[%get3A_226, %get3A_227] {strides = array<i32>} : memref<32x128xf32, #tpu.memory_space<vmem>>, vector<16xf32>,
            %max3A_229 = arith.maximumf %get3A_225, %get3A_228 : vector<16xf32>
            %swap3A_230 = arith.index_cast %and3A_204 : i32 to index
            %swap3A_231 = arith.constant 16 : index
            %swap3A_232 = tpu.vector_load %arg6[%swap3A_230, %swap3A_231] {strides = array<i32>} : memref<320x64xf32, #tpu.memory_space<vmem>>, vector<16xf32>,
            tpu.vector_store %arg6[%swap3A_230, %swap3A_231], %max3A_229 {strides = array<i32>} : memref<320x64xf32, #tpu.memory_space<vmem>>, vector<16xf32>,
            %mul3A_233 = arith.constant 64 : i32
            %mul3A_234 = arith.muli %shift_right_arithmetic3A_206, %mul3A_233 : i32
            %add3A_235 = arith.constant 32 : i32
            %add3A_236 = arith.addi %mul3A_234, %add3A_235 : i32
            %get3A_237 = arith.index_cast %and3A_204 : i32 to index
            %get3A_238 = arith.constant 32 : index
            %get3A_239 = tpu.vector_load %arg6[%get3A_237, %get3A_238] {strides = array<i32>} : memref<320x64xf32, #tpu.memory_space<vmem>>, vector<16xf32>,
            %get3A_240 = arith.index_cast %while3A_197 : i32 to index
            %get3A_241 = arith.index_cast %add3A_236 : i32 to index
            %get3A_242 = tpu.vector_load %arg10[%get3A_240, %get3A_241] {strides = array<i32>} : memref<32x128xf32, #tpu.memory_space<vmem>>, vector<16xf32>,
            %max3A_243 = arith.maximumf %get3A_239, %get3A_242 : vector<16xf32>
            %swap3A_244 = arith.index_cast %and3A_204 : i32 to index
            %swap3A_245 = arith.constant 32 : index
            %swap3A_246 = tpu.vector_load %arg6[%swap3A_244, %swap3A_245] {strides = array<i32>} : memref<320x64xf32, #tpu.memory_space<vmem>>, vector<16xf32>,
            tpu.vector_store %arg6[%swap3A_244, %swap3A_245], %max3A_243 {strides = array<i32>} : memref<320x64xf32, #tpu.memory_space<vmem>>, vector<16xf32>,
            %mul3A_247 = arith.constant 64 : i32
            %mul3A_248 = arith.muli %shift_right_arithmetic3A_206, %mul3A_247 : i32
            %add3A_249 = arith.constant 48 : i32
            %add3A_250 = arith.addi %mul3A_248, %add3A_249 : i32
            %get3A_251 = arith.index_cast %and3A_204 : i32 to index
            %get3A_252 = arith.constant 48 : index
            %get3A_253 = tpu.vector_load %arg6[%get3A_251, %get3A_252] {strides = array<i32>} : memref<320x64xf32, #tpu.memory_space<vmem>>, vector<16xf32>,
            %get3A_254 = arith.index_cast %while3A_197 : i32 to index
            %get3A_255 = arith.index_cast %add3A_250 : i32 to index
            %get3A_256 = tpu.vector_load %arg10[%get3A_254, %get3A_255] {strides = array<i32>} : memref<32x128xf32, #tpu.memory_space<vmem>>, vector<16xf32>,
            %max3A_257 = arith.maximumf %get3A_253, %get3A_256 : vector<16xf32>
            %swap3A_258 = arith.index_cast %and3A_204 : i32 to index
            %swap3A_259 = arith.constant 48 : index
            %swap3A_260 = tpu.vector_load %arg6[%swap3A_258, %swap3A_259] {strides = array<i32>} : memref<320x64xf32, #tpu.memory_space<vmem>>, vector<16xf32>,
            tpu.vector_store %arg6[%swap3A_258, %swap3A_259], %max3A_257 {strides = array<i32>} : memref<320x64xf32, #tpu.memory_space<vmem>>, vector<16xf32>,
            %while3A_261 = arith.constant 0 : i32
            scf.yield %while3A_261 : i32
          }
          %add3A_191 = arith.constant 8 : i32
          %add3A_192 = arith.addi %add3A_108, %add3A_191 : i32
          %lt3A_193 = arith.cmpi slt, %add3A_192, %shift_right_arithmetic3A_32 : i32
          %convert_element_type3A_194 = arith.extui %lt3A_193 : i1 to i32
          %cond3A_195 = arith.constant 0 : i32
          %cond3A_196 = arith.cmpi ne, %convert_element_type3A_194, %cond3A_195 : i32
          scf.if %cond3A_196 {
            %add3A_197 = arith.constant 8 : i32
            %add3A_198 = arith.addi %add3A_108, %add3A_197 : i32
            %dma_start3A = arith.constant 0 : i32
            %dma_start3A_199 = tpu.memref_slice %arg8[%add3A_198, %dma_start3A] : memref<252x32xi32, #tpu.memory_space<vmem>> -> memref<1x32xi32, #tpu.memory_space<vmem>>
            %dma_start3A_200 = tpu.memref_squeeze %dma_start3A_199 : memref<1x32xi32, #tpu.memory_space<vmem>> -> memref<32xi32, #tpu.memory_space<vmem>>
            %dma_start3A_201 = arith.constant 0 : i32
            %dma_start3A_202 = arith.constant 0 : i32
            %dma_start3A_203 = tpu.memref_slice %arg2[%dma_start3A_201, %dma_start3A_202] : memref<160000x128xf32, #tpu.memory_space<hbm>> -> memref<160000x128xf32, #tpu.memory_space<hbm>>
            tpu.enqueue_indirect_dma source(%dma_start3A_203 : memref<160000x128xf32, #tpu.memory_space<hbm>>) target(%arg10 : memref<32x128xf32, #tpu.memory_space<vmem>>) offsets(%dma_start3A_200 : memref<32xi32, #tpu.memory_space<vmem>>) semaphore(%arg18 : memref<!tpu.dma_semaphore, #tpu.memory_space<semaphore_mem>>)
          } else {
          }
        } else {
        }
        %mul3A_113 = arith.constant 8 : i32
        %mul3A_114 = arith.muli %while3A_103, %mul3A_113 : i32
        %add3A_115 = arith.constant 1 : i32
        %add3A_116 = arith.addi %mul3A_114, %add3A_115 : i32
        %lt3A_117 = arith.cmpi slt, %add3A_116, %shift_right_arithmetic3A_32 : i32
        %convert_element_type3A_118 = arith.extui %lt3A_117 : i1 to i32
        %cond3A_119 = arith.constant 0 : i32
        %cond3A_120 = arith.cmpi ne, %convert_element_type3A_118, %cond3A_119 : i32
        scf.if %cond3A_120 {
          %dma_wait3A = arith.constant 0 : i32
          %dma_wait3A_170 = tpu.memref_slice %arg8[%add3A_116, %dma_wait3A] : memref<252x32xi32, #tpu.memory_space<vmem>> -> memref<1x32xi32, #tpu.memory_space<vmem>>
          %dma_wait3A_171 = tpu.memref_squeeze %dma_wait3A_170 : memref<1x32xi32, #tpu.memory_space<vmem>> -> memref<32xi32, #tpu.memory_space<vmem>>
          %dma_wait3A_172 = arith.constant 0 : i32
          %dma_wait3A_173 = arith.constant 0 : i32
          %dma_wait3A_174 = tpu.memref_slice %arg2[%dma_wait3A_172, %dma_wait3A_173] : memref<160000x128xf32, #tpu.memory_space<hbm>> -> memref<160000x128xf32, #tpu.memory_space<hbm>>
          tpu.wait_indirect_dma semaphore(%arg19 : memref<!tpu.dma_semaphore, #tpu.memory_space<semaphore_mem>>) src(%dma_wait3A_174 : memref<160000x128xf32, #tpu.memory_space<hbm>>) dst(%arg11 : memref<32x128xf32, #tpu.memory_space<vmem>>)
          %mul3A_175 = arith.constant 32 : i32
          %mul3A_176 = arith.muli %add3A_116, %mul3A_175 : i32
          %sub3A_177 = arith.subi %scan3A_20, %mul3A_176 : i32
          %min3A = arith.constant 32 : i32
          %min3A_178 = arith.minsi %min3A, %sub3A_177 : i32
          %while3A_179 = arith.constant 0 : i32
          %while3A_180 = arith.constant 0 : i32
          %while3A_181 = arith.subi %min3A_178, %while3A_179 : i32
          %while3A_182 = arith.addi %while3A_179, %while3A_181 : i32
          %while3A_183 = arith.constant 1 : i32
          %while3A_184 = arith.divsi %while3A_181, %while3A_183 : i32
          %while3A_185 = arith.muli %while3A_184, %while3A_183 : i32
          %while3A_186 = arith.addi %while3A_179, %while3A_185 : i32
          %while3A_187 = arith.constant 1 : i32
          %while3A_188 = scf.for %while3A_197 = %while3A_179 to %while3A_186 step %while3A_187 iter_args(%while3A_198 = %while3A_180) -> (i32)  : i32 {
            %mul3A_199 = arith.constant 32 : i32
            %mul3A_200 = arith.muli %add3A_116, %mul3A_199 : i32
            %add3A_201 = arith.addi %mul3A_200, %while3A_197 : i32
            %get3A = arith.index_cast %add3A_201 : i32 to index
            %get3A_202 = tpu.vector_load %arg9[%get3A] {strides = array<i32>} : memref<8192xi32, #tpu.memory_space<vmem>>, vector<16xi32>,
            %slice3A = vector.extract_strided_slice %get3A_202 {offsets = [0], sizes = [1], strides = [1]} : vector<16xi32> to vector<1xi32>
            %squeeze3A = vector.extract %slice3A[0] : i32 from vector<1xi32>
            %and3A_203 = arith.constant 65535 : i32
            %and3A_204 = arith.andi %squeeze3A, %and3A_203 : i32
            %shift_right_arithmetic3A_205 = arith.constant 16 : i32
            %shift_right_arithmetic3A_206 = arith.shrsi %squeeze3A, %shift_right_arithmetic3A_205 : i32
            %mul3A_207 = arith.constant 64 : i32
            %mul3A_208 = arith.muli %shift_right_arithmetic3A_206, %mul3A_207 : i32
            %add3A_209 = arith.constant 0 : i32
            %add3A_210 = arith.addi %mul3A_208, %add3A_209 : i32
            %get3A_211 = arith.index_cast %and3A_204 : i32 to index
            %get3A_212 = arith.constant 0 : index
            %get3A_213 = tpu.vector_load %arg6[%get3A_211, %get3A_212] {strides = array<i32>} : memref<320x64xf32, #tpu.memory_space<vmem>>, vector<16xf32>,
            %get3A_214 = arith.index_cast %while3A_197 : i32 to index
            %get3A_215 = arith.index_cast %add3A_210 : i32 to index
            %get3A_216 = tpu.vector_load %arg11[%get3A_214, %get3A_215] {strides = array<i32>} : memref<32x128xf32, #tpu.memory_space<vmem>>, vector<16xf32>,
            %max3A = arith.maximumf %get3A_213, %get3A_216 : vector<16xf32>
            %swap3A = arith.index_cast %and3A_204 : i32 to index
            %swap3A_217 = arith.constant 0 : index
            %swap3A_218 = tpu.vector_load %arg6[%swap3A, %swap3A_217] {strides = array<i32>} : memref<320x64xf32, #tpu.memory_space<vmem>>, vector<16xf32>,
            tpu.vector_store %arg6[%swap3A, %swap3A_217], %max3A {strides = array<i32>} : memref<320x64xf32, #tpu.memory_space<vmem>>, vector<16xf32>,
            %mul3A_219 = arith.constant 64 : i32
            %mul3A_220 = arith.muli %shift_right_arithmetic3A_206, %mul3A_219 : i32
            %add3A_221 = arith.constant 16 : i32
            %add3A_222 = arith.addi %mul3A_220, %add3A_221 : i32
            %get3A_223 = arith.index_cast %and3A_204 : i32 to index
            %get3A_224 = arith.constant 16 : index
            %get3A_225 = tpu.vector_load %arg6[%get3A_223, %get3A_224] {strides = array<i32>} : memref<320x64xf32, #tpu.memory_space<vmem>>, vector<16xf32>,
            %get3A_226 = arith.index_cast %while3A_197 : i32 to index
            %get3A_227 = arith.index_cast %add3A_222 : i32 to index
            %get3A_228 = tpu.vector_load %arg11[%get3A_226, %get3A_227] {strides = array<i32>} : memref<32x128xf32, #tpu.memory_space<vmem>>, vector<16xf32>,
            %max3A_229 = arith.maximumf %get3A_225, %get3A_228 : vector<16xf32>
            %swap3A_230 = arith.index_cast %and3A_204 : i32 to index
            %swap3A_231 = arith.constant 16 : index
            %swap3A_232 = tpu.vector_load %arg6[%swap3A_230, %swap3A_231] {strides = array<i32>} : memref<320x64xf32, #tpu.memory_space<vmem>>, vector<16xf32>,
            tpu.vector_store %arg6[%swap3A_230, %swap3A_231], %max3A_229 {strides = array<i32>} : memref<320x64xf32, #tpu.memory_space<vmem>>, vector<16xf32>,
            %mul3A_233 = arith.constant 64 : i32
            %mul3A_234 = arith.muli %shift_right_arithmetic3A_206, %mul3A_233 : i32
            %add3A_235 = arith.constant 32 : i32
            %add3A_236 = arith.addi %mul3A_234, %add3A_235 : i32
            %get3A_237 = arith.index_cast %and3A_204 : i32 to index
            %get3A_238 = arith.constant 32 : index
            %get3A_239 = tpu.vector_load %arg6[%get3A_237, %get3A_238] {strides = array<i32>} : memref<320x64xf32, #tpu.memory_space<vmem>>, vector<16xf32>,
            %get3A_240 = arith.index_cast %while3A_197 : i32 to index
            %get3A_241 = arith.index_cast %add3A_236 : i32 to index
            %get3A_242 = tpu.vector_load %arg11[%get3A_240, %get3A_241] {strides = array<i32>} : memref<32x128xf32, #tpu.memory_space<vmem>>, vector<16xf32>,
            %max3A_243 = arith.maximumf %get3A_239, %get3A_242 : vector<16xf32>
            %swap3A_244 = arith.index_cast %and3A_204 : i32 to index
            %swap3A_245 = arith.constant 32 : index
            %swap3A_246 = tpu.vector_load %arg6[%swap3A_244, %swap3A_245] {strides = array<i32>} : memref<320x64xf32, #tpu.memory_space<vmem>>, vector<16xf32>,
            tpu.vector_store %arg6[%swap3A_244, %swap3A_245], %max3A_243 {strides = array<i32>} : memref<320x64xf32, #tpu.memory_space<vmem>>, vector<16xf32>,
            %mul3A_247 = arith.constant 64 : i32
            %mul3A_248 = arith.muli %shift_right_arithmetic3A_206, %mul3A_247 : i32
            %add3A_249 = arith.constant 48 : i32
            %add3A_250 = arith.addi %mul3A_248, %add3A_249 : i32
            %get3A_251 = arith.index_cast %and3A_204 : i32 to index
            %get3A_252 = arith.constant 48 : index
            %get3A_253 = tpu.vector_load %arg6[%get3A_251, %get3A_252] {strides = array<i32>} : memref<320x64xf32, #tpu.memory_space<vmem>>, vector<16xf32>,
            %get3A_254 = arith.index_cast %while3A_197 : i32 to index
            %get3A_255 = arith.index_cast %add3A_250 : i32 to index
            %get3A_256 = tpu.vector_load %arg11[%get3A_254, %get3A_255] {strides = array<i32>} : memref<32x128xf32, #tpu.memory_space<vmem>>, vector<16xf32>,
            %max3A_257 = arith.maximumf %get3A_253, %get3A_256 : vector<16xf32>
            %swap3A_258 = arith.index_cast %and3A_204 : i32 to index
            %swap3A_259 = arith.constant 48 : index
            %swap3A_260 = tpu.vector_load %arg6[%swap3A_258, %swap3A_259] {strides = array<i32>} : memref<320x64xf32, #tpu.memory_space<vmem>>, vector<16xf32>,
            tpu.vector_store %arg6[%swap3A_258, %swap3A_259], %max3A_257 {strides = array<i32>} : memref<320x64xf32, #tpu.memory_space<vmem>>, vector<16xf32>,
            %while3A_261 = arith.constant 0 : i32
            scf.yield %while3A_261 : i32
          }
          %while3A_189 = arith.constant 1 : i32
          %while3A_190 = scf.for %while3A_197 = %while3A_186 to %while3A_182 step %while3A_189 iter_args(%while3A_198 = %while3A_188) -> (i32)  : i32 {
            %mul3A_199 = arith.constant 32 : i32
            %mul3A_200 = arith.muli %add3A_116, %mul3A_199 : i32
            %add3A_201 = arith.addi %mul3A_200, %while3A_197 : i32
            %get3A = arith.index_cast %add3A_201 : i32 to index
            %get3A_202 = tpu.vector_load %arg9[%get3A] {strides = array<i32>} : memref<8192xi32, #tpu.memory_space<vmem>>, vector<16xi32>,
            %slice3A = vector.extract_strided_slice %get3A_202 {offsets = [0], sizes = [1], strides = [1]} : vector<16xi32> to vector<1xi32>
            %squeeze3A = vector.extract %slice3A[0] : i32 from vector<1xi32>
            %and3A_203 = arith.constant 65535 : i32
            %and3A_204 = arith.andi %squeeze3A, %and3A_203 : i32
            %shift_right_arithmetic3A_205 = arith.constant 16 : i32
            %shift_right_arithmetic3A_206 = arith.shrsi %squeeze3A, %shift_right_arithmetic3A_205 : i32
            %mul3A_207 = arith.constant 64 : i32
            %mul3A_208 = arith.muli %shift_right_arithmetic3A_206, %mul3A_207 : i32
            %add3A_209 = arith.constant 0 : i32
            %add3A_210 = arith.addi %mul3A_208, %add3A_209 : i32
            %get3A_211 = arith.index_cast %and3A_204 : i32 to index
            %get3A_212 = arith.constant 0 : index
            %get3A_213 = tpu.vector_load %arg6[%get3A_211, %get3A_212] {strides = array<i32>} : memref<320x64xf32, #tpu.memory_space<vmem>>, vector<16xf32>,
            %get3A_214 = arith.index_cast %while3A_197 : i32 to index
            %get3A_215 = arith.index_cast %add3A_210 : i32 to index
            %get3A_216 = tpu.vector_load %arg11[%get3A_214, %get3A_215] {strides = array<i32>} : memref<32x128xf32, #tpu.memory_space<vmem>>, vector<16xf32>,
            %max3A = arith.maximumf %get3A_213, %get3A_216 : vector<16xf32>
            %swap3A = arith.index_cast %and3A_204 : i32 to index
            %swap3A_217 = arith.constant 0 : index
            %swap3A_218 = tpu.vector_load %arg6[%swap3A, %swap3A_217] {strides = array<i32>} : memref<320x64xf32, #tpu.memory_space<vmem>>, vector<16xf32>,
            tpu.vector_store %arg6[%swap3A, %swap3A_217], %max3A {strides = array<i32>} : memref<320x64xf32, #tpu.memory_space<vmem>>, vector<16xf32>,
            %mul3A_219 = arith.constant 64 : i32
            %mul3A_220 = arith.muli %shift_right_arithmetic3A_206, %mul3A_219 : i32
            %add3A_221 = arith.constant 16 : i32
            %add3A_222 = arith.addi %mul3A_220, %add3A_221 : i32
            %get3A_223 = arith.index_cast %and3A_204 : i32 to index
            %get3A_224 = arith.constant 16 : index
            %get3A_225 = tpu.vector_load %arg6[%get3A_223, %get3A_224] {strides = array<i32>} : memref<320x64xf32, #tpu.memory_space<vmem>>, vector<16xf32>,
            %get3A_226 = arith.index_cast %while3A_197 : i32 to index
            %get3A_227 = arith.index_cast %add3A_222 : i32 to index
            %get3A_228 = tpu.vector_load %arg11[%get3A_226, %get3A_227] {strides = array<i32>} : memref<32x128xf32, #tpu.memory_space<vmem>>, vector<16xf32>,
            %max3A_229 = arith.maximumf %get3A_225, %get3A_228 : vector<16xf32>
            %swap3A_230 = arith.index_cast %and3A_204 : i32 to index
            %swap3A_231 = arith.constant 16 : index
            %swap3A_232 = tpu.vector_load %arg6[%swap3A_230, %swap3A_231] {strides = array<i32>} : memref<320x64xf32, #tpu.memory_space<vmem>>, vector<16xf32>,
            tpu.vector_store %arg6[%swap3A_230, %swap3A_231], %max3A_229 {strides = array<i32>} : memref<320x64xf32, #tpu.memory_space<vmem>>, vector<16xf32>,
            %mul3A_233 = arith.constant 64 : i32
            %mul3A_234 = arith.muli %shift_right_arithmetic3A_206, %mul3A_233 : i32
            %add3A_235 = arith.constant 32 : i32
            %add3A_236 = arith.addi %mul3A_234, %add3A_235 : i32
            %get3A_237 = arith.index_cast %and3A_204 : i32 to index
            %get3A_238 = arith.constant 32 : index
            %get3A_239 = tpu.vector_load %arg6[%get3A_237, %get3A_238] {strides = array<i32>} : memref<320x64xf32, #tpu.memory_space<vmem>>, vector<16xf32>,
            %get3A_240 = arith.index_cast %while3A_197 : i32 to index
            %get3A_241 = arith.index_cast %add3A_236 : i32 to index
            %get3A_242 = tpu.vector_load %arg11[%get3A_240, %get3A_241] {strides = array<i32>} : memref<32x128xf32, #tpu.memory_space<vmem>>, vector<16xf32>,
            %max3A_243 = arith.maximumf %get3A_239, %get3A_242 : vector<16xf32>
            %swap3A_244 = arith.index_cast %and3A_204 : i32 to index
            %swap3A_245 = arith.constant 32 : index
            %swap3A_246 = tpu.vector_load %arg6[%swap3A_244, %swap3A_245] {strides = array<i32>} : memref<320x64xf32, #tpu.memory_space<vmem>>, vector<16xf32>,
            tpu.vector_store %arg6[%swap3A_244, %swap3A_245], %max3A_243 {strides = array<i32>} : memref<320x64xf32, #tpu.memory_space<vmem>>, vector<16xf32>,
            %mul3A_247 = arith.constant 64 : i32
            %mul3A_248 = arith.muli %shift_right_arithmetic3A_206, %mul3A_247 : i32
            %add3A_249 = arith.constant 48 : i32
            %add3A_250 = arith.addi %mul3A_248, %add3A_249 : i32
            %get3A_251 = arith.index_cast %and3A_204 : i32 to index
            %get3A_252 = arith.constant 48 : index
            %get3A_253 = tpu.vector_load %arg6[%get3A_251, %get3A_252] {strides = array<i32>} : memref<320x64xf32, #tpu.memory_space<vmem>>, vector<16xf32>,
            %get3A_254 = arith.index_cast %while3A_197 : i32 to index
            %get3A_255 = arith.index_cast %add3A_250 : i32 to index
            %get3A_256 = tpu.vector_load %arg11[%get3A_254, %get3A_255] {strides = array<i32>} : memref<32x128xf32, #tpu.memory_space<vmem>>, vector<16xf32>,
            %max3A_257 = arith.maximumf %get3A_253, %get3A_256 : vector<16xf32>
            %swap3A_258 = arith.index_cast %and3A_204 : i32 to index
            %swap3A_259 = arith.constant 48 : index
            %swap3A_260 = tpu.vector_load %arg6[%swap3A_258, %swap3A_259] {strides = array<i32>} : memref<320x64xf32, #tpu.memory_space<vmem>>, vector<16xf32>,
            tpu.vector_store %arg6[%swap3A_258, %swap3A_259], %max3A_257 {strides = array<i32>} : memref<320x64xf32, #tpu.memory_space<vmem>>, vector<16xf32>,
            %while3A_261 = arith.constant 0 : i32
            scf.yield %while3A_261 : i32
          }
          %add3A_191 = arith.constant 8 : i32
          %add3A_192 = arith.addi %add3A_116, %add3A_191 : i32
          %lt3A_193 = arith.cmpi slt, %add3A_192, %shift_right_arithmetic3A_32 : i32
          %convert_element_type3A_194 = arith.extui %lt3A_193 : i1 to i32
          %cond3A_195 = arith.constant 0 : i32
          %cond3A_196 = arith.cmpi ne, %convert_element_type3A_194, %cond3A_195 : i32
          scf.if %cond3A_196 {
            %add3A_197 = arith.constant 8 : i32
            %add3A_198 = arith.addi %add3A_116, %add3A_197 : i32
            %dma_start3A = arith.constant 0 : i32
            %dma_start3A_199 = tpu.memref_slice %arg8[%add3A_198, %dma_start3A] : memref<252x32xi32, #tpu.memory_space<vmem>> -> memref<1x32xi32, #tpu.memory_space<vmem>>
            %dma_start3A_200 = tpu.memref_squeeze %dma_start3A_199 : memref<1x32xi32, #tpu.memory_space<vmem>> -> memref<32xi32, #tpu.memory_space<vmem>>
            %dma_start3A_201 = arith.constant 0 : i32
            %dma_start3A_202 = arith.constant 0 : i32
            %dma_start3A_203 = tpu.memref_slice %arg2[%dma_start3A_201, %dma_start3A_202] : memref<160000x128xf32, #tpu.memory_space<hbm>> -> memref<160000x128xf32, #tpu.memory_space<hbm>>
            tpu.enqueue_indirect_dma source(%dma_start3A_203 : memref<160000x128xf32, #tpu.memory_space<hbm>>) target(%arg11 : memref<32x128xf32, #tpu.memory_space<vmem>>) offsets(%dma_start3A_200 : memref<32xi32, #tpu.memory_space<vmem>>) semaphore(%arg19 : memref<!tpu.dma_semaphore, #tpu.memory_space<semaphore_mem>>)
          } else {
          }
        } else {
        }
        %mul3A_121 = arith.constant 8 : i32
        %mul3A_122 = arith.muli %while3A_103, %mul3A_121 : i32
        %add3A_123 = arith.constant 2 : i32
        %add3A_124 = arith.addi %mul3A_122, %add3A_123 : i32
        %lt3A_125 = arith.cmpi slt, %add3A_124, %shift_right_arithmetic3A_32 : i32
        %convert_element_type3A_126 = arith.extui %lt3A_125 : i1 to i32
        %cond3A_127 = arith.constant 0 : i32
        %cond3A_128 = arith.cmpi ne, %convert_element_type3A_126, %cond3A_127 : i32
        scf.if %cond3A_128 {
          %dma_wait3A = arith.constant 0 : i32
          %dma_wait3A_170 = tpu.memref_slice %arg8[%add3A_124, %dma_wait3A] : memref<252x32xi32, #tpu.memory_space<vmem>> -> memref<1x32xi32, #tpu.memory_space<vmem>>
          %dma_wait3A_171 = tpu.memref_squeeze %dma_wait3A_170 : memref<1x32xi32, #tpu.memory_space<vmem>> -> memref<32xi32, #tpu.memory_space<vmem>>
          %dma_wait3A_172 = arith.constant 0 : i32
          %dma_wait3A_173 = arith.constant 0 : i32
          %dma_wait3A_174 = tpu.memref_slice %arg2[%dma_wait3A_172, %dma_wait3A_173] : memref<160000x128xf32, #tpu.memory_space<hbm>> -> memref<160000x128xf32, #tpu.memory_space<hbm>>
          tpu.wait_indirect_dma semaphore(%arg20 : memref<!tpu.dma_semaphore, #tpu.memory_space<semaphore_mem>>) src(%dma_wait3A_174 : memref<160000x128xf32, #tpu.memory_space<hbm>>) dst(%arg12 : memref<32x128xf32, #tpu.memory_space<vmem>>)
          %mul3A_175 = arith.constant 32 : i32
          %mul3A_176 = arith.muli %add3A_124, %mul3A_175 : i32
          %sub3A_177 = arith.subi %scan3A_20, %mul3A_176 : i32
          %min3A = arith.constant 32 : i32
          %min3A_178 = arith.minsi %min3A, %sub3A_177 : i32
          %while3A_179 = arith.constant 0 : i32
          %while3A_180 = arith.constant 0 : i32
          %while3A_181 = arith.subi %min3A_178, %while3A_179 : i32
          %while3A_182 = arith.addi %while3A_179, %while3A_181 : i32
          %while3A_183 = arith.constant 1 : i32
          %while3A_184 = arith.divsi %while3A_181, %while3A_183 : i32
          %while3A_185 = arith.muli %while3A_184, %while3A_183 : i32
          %while3A_186 = arith.addi %while3A_179, %while3A_185 : i32
          %while3A_187 = arith.constant 1 : i32
          %while3A_188 = scf.for %while3A_197 = %while3A_179 to %while3A_186 step %while3A_187 iter_args(%while3A_198 = %while3A_180) -> (i32)  : i32 {
            %mul3A_199 = arith.constant 32 : i32
            %mul3A_200 = arith.muli %add3A_124, %mul3A_199 : i32
            %add3A_201 = arith.addi %mul3A_200, %while3A_197 : i32
            %get3A = arith.index_cast %add3A_201 : i32 to index
            %get3A_202 = tpu.vector_load %arg9[%get3A] {strides = array<i32>} : memref<8192xi32, #tpu.memory_space<vmem>>, vector<16xi32>,
            %slice3A = vector.extract_strided_slice %get3A_202 {offsets = [0], sizes = [1], strides = [1]} : vector<16xi32> to vector<1xi32>
            %squeeze3A = vector.extract %slice3A[0] : i32 from vector<1xi32>
            %and3A_203 = arith.constant 65535 : i32
            %and3A_204 = arith.andi %squeeze3A, %and3A_203 : i32
            %shift_right_arithmetic3A_205 = arith.constant 16 : i32
            %shift_right_arithmetic3A_206 = arith.shrsi %squeeze3A, %shift_right_arithmetic3A_205 : i32
            %mul3A_207 = arith.constant 64 : i32
            %mul3A_208 = arith.muli %shift_right_arithmetic3A_206, %mul3A_207 : i32
            %add3A_209 = arith.constant 0 : i32
            %add3A_210 = arith.addi %mul3A_208, %add3A_209 : i32
            %get3A_211 = arith.index_cast %and3A_204 : i32 to index
            %get3A_212 = arith.constant 0 : index
            %get3A_213 = tpu.vector_load %arg6[%get3A_211, %get3A_212] {strides = array<i32>} : memref<320x64xf32, #tpu.memory_space<vmem>>, vector<16xf32>,
            %get3A_214 = arith.index_cast %while3A_197 : i32 to index
            %get3A_215 = arith.index_cast %add3A_210 : i32 to index
            %get3A_216 = tpu.vector_load %arg12[%get3A_214, %get3A_215] {strides = array<i32>} : memref<32x128xf32, #tpu.memory_space<vmem>>, vector<16xf32>,
            %max3A = arith.maximumf %get3A_213, %get3A_216 : vector<16xf32>
            %swap3A = arith.index_cast %and3A_204 : i32 to index
            %swap3A_217 = arith.constant 0 : index
            %swap3A_218 = tpu.vector_load %arg6[%swap3A, %swap3A_217] {strides = array<i32>} : memref<320x64xf32, #tpu.memory_space<vmem>>, vector<16xf32>,
            tpu.vector_store %arg6[%swap3A, %swap3A_217], %max3A {strides = array<i32>} : memref<320x64xf32, #tpu.memory_space<vmem>>, vector<16xf32>,
            %mul3A_219 = arith.constant 64 : i32
            %mul3A_220 = arith.muli %shift_right_arithmetic3A_206, %mul3A_219 : i32
            %add3A_221 = arith.constant 16 : i32
            %add3A_222 = arith.addi %mul3A_220, %add3A_221 : i32
            %get3A_223 = arith.index_cast %and3A_204 : i32 to index
            %get3A_224 = arith.constant 16 : index
            %get3A_225 = tpu.vector_load %arg6[%get3A_223, %get3A_224] {strides = array<i32>} : memref<320x64xf32, #tpu.memory_space<vmem>>, vector<16xf32>,
            %get3A_226 = arith.index_cast %while3A_197 : i32 to index
            %get3A_227 = arith.index_cast %add3A_222 : i32 to index
            %get3A_228 = tpu.vector_load %arg12[%get3A_226, %get3A_227] {strides = array<i32>} : memref<32x128xf32, #tpu.memory_space<vmem>>, vector<16xf32>,
            %max3A_229 = arith.maximumf %get3A_225, %get3A_228 : vector<16xf32>
            %swap3A_230 = arith.index_cast %and3A_204 : i32 to index
            %swap3A_231 = arith.constant 16 : index
            %swap3A_232 = tpu.vector_load %arg6[%swap3A_230, %swap3A_231] {strides = array<i32>} : memref<320x64xf32, #tpu.memory_space<vmem>>, vector<16xf32>,
            tpu.vector_store %arg6[%swap3A_230, %swap3A_231], %max3A_229 {strides = array<i32>} : memref<320x64xf32, #tpu.memory_space<vmem>>, vector<16xf32>,
            %mul3A_233 = arith.constant 64 : i32
            %mul3A_234 = arith.muli %shift_right_arithmetic3A_206, %mul3A_233 : i32
            %add3A_235 = arith.constant 32 : i32
            %add3A_236 = arith.addi %mul3A_234, %add3A_235 : i32
            %get3A_237 = arith.index_cast %and3A_204 : i32 to index
            %get3A_238 = arith.constant 32 : index
            %get3A_239 = tpu.vector_load %arg6[%get3A_237, %get3A_238] {strides = array<i32>} : memref<320x64xf32, #tpu.memory_space<vmem>>, vector<16xf32>,
            %get3A_240 = arith.index_cast %while3A_197 : i32 to index
            %get3A_241 = arith.index_cast %add3A_236 : i32 to index
            %get3A_242 = tpu.vector_load %arg12[%get3A_240, %get3A_241] {strides = array<i32>} : memref<32x128xf32, #tpu.memory_space<vmem>>, vector<16xf32>,
            %max3A_243 = arith.maximumf %get3A_239, %get3A_242 : vector<16xf32>
            %swap3A_244 = arith.index_cast %and3A_204 : i32 to index
            %swap3A_245 = arith.constant 32 : index
            %swap3A_246 = tpu.vector_load %arg6[%swap3A_244, %swap3A_245] {strides = array<i32>} : memref<320x64xf32, #tpu.memory_space<vmem>>, vector<16xf32>,
            tpu.vector_store %arg6[%swap3A_244, %swap3A_245], %max3A_243 {strides = array<i32>} : memref<320x64xf32, #tpu.memory_space<vmem>>, vector<16xf32>,
            %mul3A_247 = arith.constant 64 : i32
            %mul3A_248 = arith.muli %shift_right_arithmetic3A_206, %mul3A_247 : i32
            %add3A_249 = arith.constant 48 : i32
            %add3A_250 = arith.addi %mul3A_248, %add3A_249 : i32
            %get3A_251 = arith.index_cast %and3A_204 : i32 to index
            %get3A_252 = arith.constant 48 : index
            %get3A_253 = tpu.vector_load %arg6[%get3A_251, %get3A_252] {strides = array<i32>} : memref<320x64xf32, #tpu.memory_space<vmem>>, vector<16xf32>,
            %get3A_254 = arith.index_cast %while3A_197 : i32 to index
            %get3A_255 = arith.index_cast %add3A_250 : i32 to index
            %get3A_256 = tpu.vector_load %arg12[%get3A_254, %get3A_255] {strides = array<i32>} : memref<32x128xf32, #tpu.memory_space<vmem>>, vector<16xf32>,
            %max3A_257 = arith.maximumf %get3A_253, %get3A_256 : vector<16xf32>
            %swap3A_258 = arith.index_cast %and3A_204 : i32 to index
            %swap3A_259 = arith.constant 48 : index
            %swap3A_260 = tpu.vector_load %arg6[%swap3A_258, %swap3A_259] {strides = array<i32>} : memref<320x64xf32, #tpu.memory_space<vmem>>, vector<16xf32>,
            tpu.vector_store %arg6[%swap3A_258, %swap3A_259], %max3A_257 {strides = array<i32>} : memref<320x64xf32, #tpu.memory_space<vmem>>, vector<16xf32>,
            %while3A_261 = arith.constant 0 : i32
            scf.yield %while3A_261 : i32
          }
          %while3A_189 = arith.constant 1 : i32
          %while3A_190 = scf.for %while3A_197 = %while3A_186 to %while3A_182 step %while3A_189 iter_args(%while3A_198 = %while3A_188) -> (i32)  : i32 {
            %mul3A_199 = arith.constant 32 : i32
            %mul3A_200 = arith.muli %add3A_124, %mul3A_199 : i32
            %add3A_201 = arith.addi %mul3A_200, %while3A_197 : i32
            %get3A = arith.index_cast %add3A_201 : i32 to index
            %get3A_202 = tpu.vector_load %arg9[%get3A] {strides = array<i32>} : memref<8192xi32, #tpu.memory_space<vmem>>, vector<16xi32>,
            %slice3A = vector.extract_strided_slice %get3A_202 {offsets = [0], sizes = [1], strides = [1]} : vector<16xi32> to vector<1xi32>
            %squeeze3A = vector.extract %slice3A[0] : i32 from vector<1xi32>
            %and3A_203 = arith.constant 65535 : i32
            %and3A_204 = arith.andi %squeeze3A, %and3A_203 : i32
            %shift_right_arithmetic3A_205 = arith.constant 16 : i32
            %shift_right_arithmetic3A_206 = arith.shrsi %squeeze3A, %shift_right_arithmetic3A_205 : i32
            %mul3A_207 = arith.constant 64 : i32
            %mul3A_208 = arith.muli %shift_right_arithmetic3A_206, %mul3A_207 : i32
            %add3A_209 = arith.constant 0 : i32
            %add3A_210 = arith.addi %mul3A_208, %add3A_209 : i32
            %get3A_211 = arith.index_cast %and3A_204 : i32 to index
            %get3A_212 = arith.constant 0 : index
            %get3A_213 = tpu.vector_load %arg6[%get3A_211, %get3A_212] {strides = array<i32>} : memref<320x64xf32, #tpu.memory_space<vmem>>, vector<16xf32>,
            %get3A_214 = arith.index_cast %while3A_197 : i32 to index
            %get3A_215 = arith.index_cast %add3A_210 : i32 to index
            %get3A_216 = tpu.vector_load %arg12[%get3A_214, %get3A_215] {strides = array<i32>} : memref<32x128xf32, #tpu.memory_space<vmem>>, vector<16xf32>,
            %max3A = arith.maximumf %get3A_213, %get3A_216 : vector<16xf32>
            %swap3A = arith.index_cast %and3A_204 : i32 to index
            %swap3A_217 = arith.constant 0 : index
            %swap3A_218 = tpu.vector_load %arg6[%swap3A, %swap3A_217] {strides = array<i32>} : memref<320x64xf32, #tpu.memory_space<vmem>>, vector<16xf32>,
            tpu.vector_store %arg6[%swap3A, %swap3A_217], %max3A {strides = array<i32>} : memref<320x64xf32, #tpu.memory_space<vmem>>, vector<16xf32>,
            %mul3A_219 = arith.constant 64 : i32
            %mul3A_220 = arith.muli %shift_right_arithmetic3A_206, %mul3A_219 : i32
            %add3A_221 = arith.constant 16 : i32
            %add3A_222 = arith.addi %mul3A_220, %add3A_221 : i32
            %get3A_223 = arith.index_cast %and3A_204 : i32 to index
            %get3A_224 = arith.constant 16 : index
            %get3A_225 = tpu.vector_load %arg6[%get3A_223, %get3A_224] {strides = array<i32>} : memref<320x64xf32, #tpu.memory_space<vmem>>, vector<16xf32>,
            %get3A_226 = arith.index_cast %while3A_197 : i32 to index
            %get3A_227 = arith.index_cast %add3A_222 : i32 to index
            %get3A_228 = tpu.vector_load %arg12[%get3A_226, %get3A_227] {strides = array<i32>} : memref<32x128xf32, #tpu.memory_space<vmem>>, vector<16xf32>,
            %max3A_229 = arith.maximumf %get3A_225, %get3A_228 : vector<16xf32>
            %swap3A_230 = arith.index_cast %and3A_204 : i32 to index
            %swap3A_231 = arith.constant 16 : index
            %swap3A_232 = tpu.vector_load %arg6[%swap3A_230, %swap3A_231] {strides = array<i32>} : memref<320x64xf32, #tpu.memory_space<vmem>>, vector<16xf32>,
            tpu.vector_store %arg6[%swap3A_230, %swap3A_231], %max3A_229 {strides = array<i32>} : memref<320x64xf32, #tpu.memory_space<vmem>>, vector<16xf32>,
            %mul3A_233 = arith.constant 64 : i32
            %mul3A_234 = arith.muli %shift_right_arithmetic3A_206, %mul3A_233 : i32
            %add3A_235 = arith.constant 32 : i32
            %add3A_236 = arith.addi %mul3A_234, %add3A_235 : i32
            %get3A_237 = arith.index_cast %and3A_204 : i32 to index
            %get3A_238 = arith.constant 32 : index
            %get3A_239 = tpu.vector_load %arg6[%get3A_237, %get3A_238] {strides = array<i32>} : memref<320x64xf32, #tpu.memory_space<vmem>>, vector<16xf32>,
            %get3A_240 = arith.index_cast %while3A_197 : i32 to index
            %get3A_241 = arith.index_cast %add3A_236 : i32 to index
            %get3A_242 = tpu.vector_load %arg12[%get3A_240, %get3A_241] {strides = array<i32>} : memref<32x128xf32, #tpu.memory_space<vmem>>, vector<16xf32>,
            %max3A_243 = arith.maximumf %get3A_239, %get3A_242 : vector<16xf32>
            %swap3A_244 = arith.index_cast %and3A_204 : i32 to index
            %swap3A_245 = arith.constant 32 : index
            %swap3A_246 = tpu.vector_load %arg6[%swap3A_244, %swap3A_245] {strides = array<i32>} : memref<320x64xf32, #tpu.memory_space<vmem>>, vector<16xf32>,
            tpu.vector_store %arg6[%swap3A_244, %swap3A_245], %max3A_243 {strides = array<i32>} : memref<320x64xf32, #tpu.memory_space<vmem>>, vector<16xf32>,
            %mul3A_247 = arith.constant 64 : i32
            %mul3A_248 = arith.muli %shift_right_arithmetic3A_206, %mul3A_247 : i32
            %add3A_249 = arith.constant 48 : i32
            %add3A_250 = arith.addi %mul3A_248, %add3A_249 : i32
            %get3A_251 = arith.index_cast %and3A_204 : i32 to index
            %get3A_252 = arith.constant 48 : index
            %get3A_253 = tpu.vector_load %arg6[%get3A_251, %get3A_252] {strides = array<i32>} : memref<320x64xf32, #tpu.memory_space<vmem>>, vector<16xf32>,
            %get3A_254 = arith.index_cast %while3A_197 : i32 to index
            %get3A_255 = arith.index_cast %add3A_250 : i32 to index
            %get3A_256 = tpu.vector_load %arg12[%get3A_254, %get3A_255] {strides = array<i32>} : memref<32x128xf32, #tpu.memory_space<vmem>>, vector<16xf32>,
            %max3A_257 = arith.maximumf %get3A_253, %get3A_256 : vector<16xf32>
            %swap3A_258 = arith.index_cast %and3A_204 : i32 to index
            %swap3A_259 = arith.constant 48 : index
            %swap3A_260 = tpu.vector_load %arg6[%swap3A_258, %swap3A_259] {strides = array<i32>} : memref<320x64xf32, #tpu.memory_space<vmem>>, vector<16xf32>,
            tpu.vector_store %arg6[%swap3A_258, %swap3A_259], %max3A_257 {strides = array<i32>} : memref<320x64xf32, #tpu.memory_space<vmem>>, vector<16xf32>,
            %while3A_261 = arith.constant 0 : i32
            scf.yield %while3A_261 : i32
          }
          %add3A_191 = arith.constant 8 : i32
          %add3A_192 = arith.addi %add3A_124, %add3A_191 : i32
          %lt3A_193 = arith.cmpi slt, %add3A_192, %shift_right_arithmetic3A_32 : i32
          %convert_element_type3A_194 = arith.extui %lt3A_193 : i1 to i32
          %cond3A_195 = arith.constant 0 : i32
          %cond3A_196 = arith.cmpi ne, %convert_element_type3A_194, %cond3A_195 : i32
          scf.if %cond3A_196 {
            %add3A_197 = arith.constant 8 : i32
            %add3A_198 = arith.addi %add3A_124, %add3A_197 : i32
            %dma_start3A = arith.constant 0 : i32
            %dma_start3A_199 = tpu.memref_slice %arg8[%add3A_198, %dma_start3A] : memref<252x32xi32, #tpu.memory_space<vmem>> -> memref<1x32xi32, #tpu.memory_space<vmem>>
            %dma_start3A_200 = tpu.memref_squeeze %dma_start3A_199 : memref<1x32xi32, #tpu.memory_space<vmem>> -> memref<32xi32, #tpu.memory_space<vmem>>
            %dma_start3A_201 = arith.constant 0 : i32
            %dma_start3A_202 = arith.constant 0 : i32
            %dma_start3A_203 = tpu.memref_slice %arg2[%dma_start3A_201, %dma_start3A_202] : memref<160000x128xf32, #tpu.memory_space<hbm>> -> memref<160000x128xf32, #tpu.memory_space<hbm>>
            tpu.enqueue_indirect_dma source(%dma_start3A_203 : memref<160000x128xf32, #tpu.memory_space<hbm>>) target(%arg12 : memref<32x128xf32, #tpu.memory_space<vmem>>) offsets(%dma_start3A_200 : memref<32xi32, #tpu.memory_space<vmem>>) semaphore(%arg20 : memref<!tpu.dma_semaphore, #tpu.memory_space<semaphore_mem>>)
          } else {
          }
        } else {
        }
        %mul3A_129 = arith.constant 8 : i32
        %mul3A_130 = arith.muli %while3A_103, %mul3A_129 : i32
        %add3A_131 = arith.constant 3 : i32
        %add3A_132 = arith.addi %mul3A_130, %add3A_131 : i32
        %lt3A_133 = arith.cmpi slt, %add3A_132, %shift_right_arithmetic3A_32 : i32
        %convert_element_type3A_134 = arith.extui %lt3A_133 : i1 to i32
        %cond3A_135 = arith.constant 0 : i32
        %cond3A_136 = arith.cmpi ne, %convert_element_type3A_134, %cond3A_135 : i32
        scf.if %cond3A_136 {
          %dma_wait3A = arith.constant 0 : i32
          %dma_wait3A_170 = tpu.memref_slice %arg8[%add3A_132, %dma_wait3A] : memref<252x32xi32, #tpu.memory_space<vmem>> -> memref<1x32xi32, #tpu.memory_space<vmem>>
          %dma_wait3A_171 = tpu.memref_squeeze %dma_wait3A_170 : memref<1x32xi32, #tpu.memory_space<vmem>> -> memref<32xi32, #tpu.memory_space<vmem>>
          %dma_wait3A_172 = arith.constant 0 : i32
          %dma_wait3A_173 = arith.constant 0 : i32
          %dma_wait3A_174 = tpu.memref_slice %arg2[%dma_wait3A_172, %dma_wait3A_173] : memref<160000x128xf32, #tpu.memory_space<hbm>> -> memref<160000x128xf32, #tpu.memory_space<hbm>>
          tpu.wait_indirect_dma semaphore(%arg21 : memref<!tpu.dma_semaphore, #tpu.memory_space<semaphore_mem>>) src(%dma_wait3A_174 : memref<160000x128xf32, #tpu.memory_space<hbm>>) dst(%arg13 : memref<32x128xf32, #tpu.memory_space<vmem>>)
          %mul3A_175 = arith.constant 32 : i32
          %mul3A_176 = arith.muli %add3A_132, %mul3A_175 : i32
          %sub3A_177 = arith.subi %scan3A_20, %mul3A_176 : i32
          %min3A = arith.constant 32 : i32
          %min3A_178 = arith.minsi %min3A, %sub3A_177 : i32
          %while3A_179 = arith.constant 0 : i32
          %while3A_180 = arith.constant 0 : i32
          %while3A_181 = arith.subi %min3A_178, %while3A_179 : i32
          %while3A_182 = arith.addi %while3A_179, %while3A_181 : i32
          %while3A_183 = arith.constant 1 : i32
          %while3A_184 = arith.divsi %while3A_181, %while3A_183 : i32
          %while3A_185 = arith.muli %while3A_184, %while3A_183 : i32
          %while3A_186 = arith.addi %while3A_179, %while3A_185 : i32
          %while3A_187 = arith.constant 1 : i32
          %while3A_188 = scf.for %while3A_197 = %while3A_179 to %while3A_186 step %while3A_187 iter_args(%while3A_198 = %while3A_180) -> (i32)  : i32 {
            %mul3A_199 = arith.constant 32 : i32
            %mul3A_200 = arith.muli %add3A_132, %mul3A_199 : i32
            %add3A_201 = arith.addi %mul3A_200, %while3A_197 : i32
            %get3A = arith.index_cast %add3A_201 : i32 to index
            %get3A_202 = tpu.vector_load %arg9[%get3A] {strides = array<i32>} : memref<8192xi32, #tpu.memory_space<vmem>>, vector<16xi32>,
            %slice3A = vector.extract_strided_slice %get3A_202 {offsets = [0], sizes = [1], strides = [1]} : vector<16xi32> to vector<1xi32>
            %squeeze3A = vector.extract %slice3A[0] : i32 from vector<1xi32>
            %and3A_203 = arith.constant 65535 : i32
            %and3A_204 = arith.andi %squeeze3A, %and3A_203 : i32
            %shift_right_arithmetic3A_205 = arith.constant 16 : i32
            %shift_right_arithmetic3A_206 = arith.shrsi %squeeze3A, %shift_right_arithmetic3A_205 : i32
            %mul3A_207 = arith.constant 64 : i32
            %mul3A_208 = arith.muli %shift_right_arithmetic3A_206, %mul3A_207 : i32
            %add3A_209 = arith.constant 0 : i32
            %add3A_210 = arith.addi %mul3A_208, %add3A_209 : i32
            %get3A_211 = arith.index_cast %and3A_204 : i32 to index
            %get3A_212 = arith.constant 0 : index
            %get3A_213 = tpu.vector_load %arg6[%get3A_211, %get3A_212] {strides = array<i32>} : memref<320x64xf32, #tpu.memory_space<vmem>>, vector<16xf32>,
            %get3A_214 = arith.index_cast %while3A_197 : i32 to index
            %get3A_215 = arith.index_cast %add3A_210 : i32 to index
            %get3A_216 = tpu.vector_load %arg13[%get3A_214, %get3A_215] {strides = array<i32>} : memref<32x128xf32, #tpu.memory_space<vmem>>, vector<16xf32>,
            %max3A = arith.maximumf %get3A_213, %get3A_216 : vector<16xf32>
            %swap3A = arith.index_cast %and3A_204 : i32 to index
            %swap3A_217 = arith.constant 0 : index
            %swap3A_218 = tpu.vector_load %arg6[%swap3A, %swap3A_217] {strides = array<i32>} : memref<320x64xf32, #tpu.memory_space<vmem>>, vector<16xf32>,
            tpu.vector_store %arg6[%swap3A, %swap3A_217], %max3A {strides = array<i32>} : memref<320x64xf32, #tpu.memory_space<vmem>>, vector<16xf32>,
            %mul3A_219 = arith.constant 64 : i32
            %mul3A_220 = arith.muli %shift_right_arithmetic3A_206, %mul3A_219 : i32
            %add3A_221 = arith.constant 16 : i32
            %add3A_222 = arith.addi %mul3A_220, %add3A_221 : i32
            %get3A_223 = arith.index_cast %and3A_204 : i32 to index
            %get3A_224 = arith.constant 16 : index
            %get3A_225 = tpu.vector_load %arg6[%get3A_223, %get3A_224] {strides = array<i32>} : memref<320x64xf32, #tpu.memory_space<vmem>>, vector<16xf32>,
            %get3A_226 = arith.index_cast %while3A_197 : i32 to index
            %get3A_227 = arith.index_cast %add3A_222 : i32 to index
            %get3A_228 = tpu.vector_load %arg13[%get3A_226, %get3A_227] {strides = array<i32>} : memref<32x128xf32, #tpu.memory_space<vmem>>, vector<16xf32>,
            %max3A_229 = arith.maximumf %get3A_225, %get3A_228 : vector<16xf32>
            %swap3A_230 = arith.index_cast %and3A_204 : i32 to index
            %swap3A_231 = arith.constant 16 : index
            %swap3A_232 = tpu.vector_load %arg6[%swap3A_230, %swap3A_231] {strides = array<i32>} : memref<320x64xf32, #tpu.memory_space<vmem>>, vector<16xf32>,
            tpu.vector_store %arg6[%swap3A_230, %swap3A_231], %max3A_229 {strides = array<i32>} : memref<320x64xf32, #tpu.memory_space<vmem>>, vector<16xf32>,
            %mul3A_233 = arith.constant 64 : i32
            %mul3A_234 = arith.muli %shift_right_arithmetic3A_206, %mul3A_233 : i32
            %add3A_235 = arith.constant 32 : i32
            %add3A_236 = arith.addi %mul3A_234, %add3A_235 : i32
            %get3A_237 = arith.index_cast %and3A_204 : i32 to index
            %get3A_238 = arith.constant 32 : index
            %get3A_239 = tpu.vector_load %arg6[%get3A_237, %get3A_238] {strides = array<i32>} : memref<320x64xf32, #tpu.memory_space<vmem>>, vector<16xf32>,
            %get3A_240 = arith.index_cast %while3A_197 : i32 to index
            %get3A_241 = arith.index_cast %add3A_236 : i32 to index
            %get3A_242 = tpu.vector_load %arg13[%get3A_240, %get3A_241] {strides = array<i32>} : memref<32x128xf32, #tpu.memory_space<vmem>>, vector<16xf32>,
            %max3A_243 = arith.maximumf %get3A_239, %get3A_242 : vector<16xf32>
            %swap3A_244 = arith.index_cast %and3A_204 : i32 to index
            %swap3A_245 = arith.constant 32 : index
            %swap3A_246 = tpu.vector_load %arg6[%swap3A_244, %swap3A_245] {strides = array<i32>} : memref<320x64xf32, #tpu.memory_space<vmem>>, vector<16xf32>,
            tpu.vector_store %arg6[%swap3A_244, %swap3A_245], %max3A_243 {strides = array<i32>} : memref<320x64xf32, #tpu.memory_space<vmem>>, vector<16xf32>,
            %mul3A_247 = arith.constant 64 : i32
            %mul3A_248 = arith.muli %shift_right_arithmetic3A_206, %mul3A_247 : i32
            %add3A_249 = arith.constant 48 : i32
            %add3A_250 = arith.addi %mul3A_248, %add3A_249 : i32
            %get3A_251 = arith.index_cast %and3A_204 : i32 to index
            %get3A_252 = arith.constant 48 : index
            %get3A_253 = tpu.vector_load %arg6[%get3A_251, %get3A_252] {strides = array<i32>} : memref<320x64xf32, #tpu.memory_space<vmem>>, vector<16xf32>,
            %get3A_254 = arith.index_cast %while3A_197 : i32 to index
            %get3A_255 = arith.index_cast %add3A_250 : i32 to index
            %get3A_256 = tpu.vector_load %arg13[%get3A_254, %get3A_255] {strides = array<i32>} : memref<32x128xf32, #tpu.memory_space<vmem>>, vector<16xf32>,
            %max3A_257 = arith.maximumf %get3A_253, %get3A_256 : vector<16xf32>
            %swap3A_258 = arith.index_cast %and3A_204 : i32 to index
            %swap3A_259 = arith.constant 48 : index
            %swap3A_260 = tpu.vector_load %arg6[%swap3A_258, %swap3A_259] {strides = array<i32>} : memref<320x64xf32, #tpu.memory_space<vmem>>, vector<16xf32>,
            tpu.vector_store %arg6[%swap3A_258, %swap3A_259], %max3A_257 {strides = array<i32>} : memref<320x64xf32, #tpu.memory_space<vmem>>, vector<16xf32>,
            %while3A_261 = arith.constant 0 : i32
            scf.yield %while3A_261 : i32
          }
          %while3A_189 = arith.constant 1 : i32
          %while3A_190 = scf.for %while3A_197 = %while3A_186 to %while3A_182 step %while3A_189 iter_args(%while3A_198 = %while3A_188) -> (i32)  : i32 {
            %mul3A_199 = arith.constant 32 : i32
            %mul3A_200 = arith.muli %add3A_132, %mul3A_199 : i32
            %add3A_201 = arith.addi %mul3A_200, %while3A_197 : i32
            %get3A = arith.index_cast %add3A_201 : i32 to index
            %get3A_202 = tpu.vector_load %arg9[%get3A] {strides = array<i32>} : memref<8192xi32, #tpu.memory_space<vmem>>, vector<16xi32>,
            %slice3A = vector.extract_strided_slice %get3A_202 {offsets = [0], sizes = [1], strides = [1]} : vector<16xi32> to vector<1xi32>
            %squeeze3A = vector.extract %slice3A[0] : i32 from vector<1xi32>
            %and3A_203 = arith.constant 65535 : i32
            %and3A_204 = arith.andi %squeeze3A, %and3A_203 : i32
            %shift_right_arithmetic3A_205 = arith.constant 16 : i32
            %shift_right_arithmetic3A_206 = arith.shrsi %squeeze3A, %shift_right_arithmetic3A_205 : i32
            %mul3A_207 = arith.constant 64 : i32
            %mul3A_208 = arith.muli %shift_right_arithmetic3A_206, %mul3A_207 : i32
            %add3A_209 = arith.constant 0 : i32
            %add3A_210 = arith.addi %mul3A_208, %add3A_209 : i32
            %get3A_211 = arith.index_cast %and3A_204 : i32 to index
            %get3A_212 = arith.constant 0 : index
            %get3A_213 = tpu.vector_load %arg6[%get3A_211, %get3A_212] {strides = array<i32>} : memref<320x64xf32, #tpu.memory_space<vmem>>, vector<16xf32>,
            %get3A_214 = arith.index_cast %while3A_197 : i32 to index
            %get3A_215 = arith.index_cast %add3A_210 : i32 to index
            %get3A_216 = tpu.vector_load %arg13[%get3A_214, %get3A_215] {strides = array<i32>} : memref<32x128xf32, #tpu.memory_space<vmem>>, vector<16xf32>,
            %max3A = arith.maximumf %get3A_213, %get3A_216 : vector<16xf32>
            %swap3A = arith.index_cast %and3A_204 : i32 to index
            %swap3A_217 = arith.constant 0 : index
            %swap3A_218 = tpu.vector_load %arg6[%swap3A, %swap3A_217] {strides = array<i32>} : memref<320x64xf32, #tpu.memory_space<vmem>>, vector<16xf32>,
            tpu.vector_store %arg6[%swap3A, %swap3A_217], %max3A {strides = array<i32>} : memref<320x64xf32, #tpu.memory_space<vmem>>, vector<16xf32>,
            %mul3A_219 = arith.constant 64 : i32
            %mul3A_220 = arith.muli %shift_right_arithmetic3A_206, %mul3A_219 : i32
            %add3A_221 = arith.constant 16 : i32
            %add3A_222 = arith.addi %mul3A_220, %add3A_221 : i32
            %get3A_223 = arith.index_cast %and3A_204 : i32 to index
            %get3A_224 = arith.constant 16 : index
            %get3A_225 = tpu.vector_load %arg6[%get3A_223, %get3A_224] {strides = array<i32>} : memref<320x64xf32, #tpu.memory_space<vmem>>, vector<16xf32>,
            %get3A_226 = arith.index_cast %while3A_197 : i32 to index
            %get3A_227 = arith.index_cast %add3A_222 : i32 to index
            %get3A_228 = tpu.vector_load %arg13[%get3A_226, %get3A_227] {strides = array<i32>} : memref<32x128xf32, #tpu.memory_space<vmem>>, vector<16xf32>,
            %max3A_229 = arith.maximumf %get3A_225, %get3A_228 : vector<16xf32>
            %swap3A_230 = arith.index_cast %and3A_204 : i32 to index
            %swap3A_231 = arith.constant 16 : index
            %swap3A_232 = tpu.vector_load %arg6[%swap3A_230, %swap3A_231] {strides = array<i32>} : memref<320x64xf32, #tpu.memory_space<vmem>>, vector<16xf32>,
            tpu.vector_store %arg6[%swap3A_230, %swap3A_231], %max3A_229 {strides = array<i32>} : memref<320x64xf32, #tpu.memory_space<vmem>>, vector<16xf32>,
            %mul3A_233 = arith.constant 64 : i32
            %mul3A_234 = arith.muli %shift_right_arithmetic3A_206, %mul3A_233 : i32
            %add3A_235 = arith.constant 32 : i32
            %add3A_236 = arith.addi %mul3A_234, %add3A_235 : i32
            %get3A_237 = arith.index_cast %and3A_204 : i32 to index
            %get3A_238 = arith.constant 32 : index
            %get3A_239 = tpu.vector_load %arg6[%get3A_237, %get3A_238] {strides = array<i32>} : memref<320x64xf32, #tpu.memory_space<vmem>>, vector<16xf32>,
            %get3A_240 = arith.index_cast %while3A_197 : i32 to index
            %get3A_241 = arith.index_cast %add3A_236 : i32 to index
            %get3A_242 = tpu.vector_load %arg13[%get3A_240, %get3A_241] {strides = array<i32>} : memref<32x128xf32, #tpu.memory_space<vmem>>, vector<16xf32>,
            %max3A_243 = arith.maximumf %get3A_239, %get3A_242 : vector<16xf32>
            %swap3A_244 = arith.index_cast %and3A_204 : i32 to index
            %swap3A_245 = arith.constant 32 : index
            %swap3A_246 = tpu.vector_load %arg6[%swap3A_244, %swap3A_245] {strides = array<i32>} : memref<320x64xf32, #tpu.memory_space<vmem>>, vector<16xf32>,
            tpu.vector_store %arg6[%swap3A_244, %swap3A_245], %max3A_243 {strides = array<i32>} : memref<320x64xf32, #tpu.memory_space<vmem>>, vector<16xf32>,
            %mul3A_247 = arith.constant 64 : i32
            %mul3A_248 = arith.muli %shift_right_arithmetic3A_206, %mul3A_247 : i32
            %add3A_249 = arith.constant 48 : i32
            %add3A_250 = arith.addi %mul3A_248, %add3A_249 : i32
            %get3A_251 = arith.index_cast %and3A_204 : i32 to index
            %get3A_252 = arith.constant 48 : index
            %get3A_253 = tpu.vector_load %arg6[%get3A_251, %get3A_252] {strides = array<i32>} : memref<320x64xf32, #tpu.memory_space<vmem>>, vector<16xf32>,
            %get3A_254 = arith.index_cast %while3A_197 : i32 to index
            %get3A_255 = arith.index_cast %add3A_250 : i32 to index
            %get3A_256 = tpu.vector_load %arg13[%get3A_254, %get3A_255] {strides = array<i32>} : memref<32x128xf32, #tpu.memory_space<vmem>>, vector<16xf32>,
            %max3A_257 = arith.maximumf %get3A_253, %get3A_256 : vector<16xf32>
            %swap3A_258 = arith.index_cast %and3A_204 : i32 to index
            %swap3A_259 = arith.constant 48 : index
            %swap3A_260 = tpu.vector_load %arg6[%swap3A_258, %swap3A_259] {strides = array<i32>} : memref<320x64xf32, #tpu.memory_space<vmem>>, vector<16xf32>,
            tpu.vector_store %arg6[%swap3A_258, %swap3A_259], %max3A_257 {strides = array<i32>} : memref<320x64xf32, #tpu.memory_space<vmem>>, vector<16xf32>,
            %while3A_261 = arith.constant 0 : i32
            scf.yield %while3A_261 : i32
          }
          %add3A_191 = arith.constant 8 : i32
          %add3A_192 = arith.addi %add3A_132, %add3A_191 : i32
          %lt3A_193 = arith.cmpi slt, %add3A_192, %shift_right_arithmetic3A_32 : i32
          %convert_element_type3A_194 = arith.extui %lt3A_193 : i1 to i32
          %cond3A_195 = arith.constant 0 : i32
          %cond3A_196 = arith.cmpi ne, %convert_element_type3A_194, %cond3A_195 : i32
          scf.if %cond3A_196 {
            %add3A_197 = arith.constant 8 : i32
            %add3A_198 = arith.addi %add3A_132, %add3A_197 : i32
            %dma_start3A = arith.constant 0 : i32
            %dma_start3A_199 = tpu.memref_slice %arg8[%add3A_198, %dma_start3A] : memref<252x32xi32, #tpu.memory_space<vmem>> -> memref<1x32xi32, #tpu.memory_space<vmem>>
            %dma_start3A_200 = tpu.memref_squeeze %dma_start3A_199 : memref<1x32xi32, #tpu.memory_space<vmem>> -> memref<32xi32, #tpu.memory_space<vmem>>
            %dma_start3A_201 = arith.constant 0 : i32
            %dma_start3A_202 = arith.constant 0 : i32
            %dma_start3A_203 = tpu.memref_slice %arg2[%dma_start3A_201, %dma_start3A_202] : memref<160000x128xf32, #tpu.memory_space<hbm>> -> memref<160000x128xf32, #tpu.memory_space<hbm>>
            tpu.enqueue_indirect_dma source(%dma_start3A_203 : memref<160000x128xf32, #tpu.memory_space<hbm>>) target(%arg13 : memref<32x128xf32, #tpu.memory_space<vmem>>) offsets(%dma_start3A_200 : memref<32xi32, #tpu.memory_space<vmem>>) semaphore(%arg21 : memref<!tpu.dma_semaphore, #tpu.memory_space<semaphore_mem>>)
          } else {
          }
        } else {
        }
        %mul3A_137 = arith.constant 8 : i32
        %mul3A_138 = arith.muli %while3A_103, %mul3A_137 : i32
        %add3A_139 = arith.constant 4 : i32
        %add3A_140 = arith.addi %mul3A_138, %add3A_139 : i32
        %lt3A_141 = arith.cmpi slt, %add3A_140, %shift_right_arithmetic3A_32 : i32
        %convert_element_type3A_142 = arith.extui %lt3A_141 : i1 to i32
        %cond3A_143 = arith.constant 0 : i32
        %cond3A_144 = arith.cmpi ne, %convert_element_type3A_142, %cond3A_143 : i32
        scf.if %cond3A_144 {
          %dma_wait3A = arith.constant 0 : i32
          %dma_wait3A_170 = tpu.memref_slice %arg8[%add3A_140, %dma_wait3A] : memref<252x32xi32, #tpu.memory_space<vmem>> -> memref<1x32xi32, #tpu.memory_space<vmem>>
          %dma_wait3A_171 = tpu.memref_squeeze %dma_wait3A_170 : memref<1x32xi32, #tpu.memory_space<vmem>> -> memref<32xi32, #tpu.memory_space<vmem>>
          %dma_wait3A_172 = arith.constant 0 : i32
          %dma_wait3A_173 = arith.constant 0 : i32
          %dma_wait3A_174 = tpu.memref_slice %arg2[%dma_wait3A_172, %dma_wait3A_173] : memref<160000x128xf32, #tpu.memory_space<hbm>> -> memref<160000x128xf32, #tpu.memory_space<hbm>>
          tpu.wait_indirect_dma semaphore(%arg22 : memref<!tpu.dma_semaphore, #tpu.memory_space<semaphore_mem>>) src(%dma_wait3A_174 : memref<160000x128xf32, #tpu.memory_space<hbm>>) dst(%arg14 : memref<32x128xf32, #tpu.memory_space<vmem>>)
          %mul3A_175 = arith.constant 32 : i32
          %mul3A_176 = arith.muli %add3A_140, %mul3A_175 : i32
          %sub3A_177 = arith.subi %scan3A_20, %mul3A_176 : i32
          %min3A = arith.constant 32 : i32
          %min3A_178 = arith.minsi %min3A, %sub3A_177 : i32
          %while3A_179 = arith.constant 0 : i32
          %while3A_180 = arith.constant 0 : i32
          %while3A_181 = arith.subi %min3A_178, %while3A_179 : i32
          %while3A_182 = arith.addi %while3A_179, %while3A_181 : i32
          %while3A_183 = arith.constant 1 : i32
          %while3A_184 = arith.divsi %while3A_181, %while3A_183 : i32
          %while3A_185 = arith.muli %while3A_184, %while3A_183 : i32
          %while3A_186 = arith.addi %while3A_179, %while3A_185 : i32
          %while3A_187 = arith.constant 1 : i32
          %while3A_188 = scf.for %while3A_197 = %while3A_179 to %while3A_186 step %while3A_187 iter_args(%while3A_198 = %while3A_180) -> (i32)  : i32 {
            %mul3A_199 = arith.constant 32 : i32
            %mul3A_200 = arith.muli %add3A_140, %mul3A_199 : i32
            %add3A_201 = arith.addi %mul3A_200, %while3A_197 : i32
            %get3A = arith.index_cast %add3A_201 : i32 to index
            %get3A_202 = tpu.vector_load %arg9[%get3A] {strides = array<i32>} : memref<8192xi32, #tpu.memory_space<vmem>>, vector<16xi32>,
            %slice3A = vector.extract_strided_slice %get3A_202 {offsets = [0], sizes = [1], strides = [1]} : vector<16xi32> to vector<1xi32>
            %squeeze3A = vector.extract %slice3A[0] : i32 from vector<1xi32>
            %and3A_203 = arith.constant 65535 : i32
            %and3A_204 = arith.andi %squeeze3A, %and3A_203 : i32
            %shift_right_arithmetic3A_205 = arith.constant 16 : i32
            %shift_right_arithmetic3A_206 = arith.shrsi %squeeze3A, %shift_right_arithmetic3A_205 : i32
            %mul3A_207 = arith.constant 64 : i32
            %mul3A_208 = arith.muli %shift_right_arithmetic3A_206, %mul3A_207 : i32
            %add3A_209 = arith.constant 0 : i32
            %add3A_210 = arith.addi %mul3A_208, %add3A_209 : i32
            %get3A_211 = arith.index_cast %and3A_204 : i32 to index
            %get3A_212 = arith.constant 0 : index
            %get3A_213 = tpu.vector_load %arg6[%get3A_211, %get3A_212] {strides = array<i32>} : memref<320x64xf32, #tpu.memory_space<vmem>>, vector<16xf32>,
            %get3A_214 = arith.index_cast %while3A_197 : i32 to index
            %get3A_215 = arith.index_cast %add3A_210 : i32 to index
            %get3A_216 = tpu.vector_load %arg14[%get3A_214, %get3A_215] {strides = array<i32>} : memref<32x128xf32, #tpu.memory_space<vmem>>, vector<16xf32>,
            %max3A = arith.maximumf %get3A_213, %get3A_216 : vector<16xf32>
            %swap3A = arith.index_cast %and3A_204 : i32 to index
            %swap3A_217 = arith.constant 0 : index
            %swap3A_218 = tpu.vector_load %arg6[%swap3A, %swap3A_217] {strides = array<i32>} : memref<320x64xf32, #tpu.memory_space<vmem>>, vector<16xf32>,
            tpu.vector_store %arg6[%swap3A, %swap3A_217], %max3A {strides = array<i32>} : memref<320x64xf32, #tpu.memory_space<vmem>>, vector<16xf32>,
            %mul3A_219 = arith.constant 64 : i32
            %mul3A_220 = arith.muli %shift_right_arithmetic3A_206, %mul3A_219 : i32
            %add3A_221 = arith.constant 16 : i32
            %add3A_222 = arith.addi %mul3A_220, %add3A_221 : i32
            %get3A_223 = arith.index_cast %and3A_204 : i32 to index
            %get3A_224 = arith.constant 16 : index
            %get3A_225 = tpu.vector_load %arg6[%get3A_223, %get3A_224] {strides = array<i32>} : memref<320x64xf32, #tpu.memory_space<vmem>>, vector<16xf32>,
            %get3A_226 = arith.index_cast %while3A_197 : i32 to index
            %get3A_227 = arith.index_cast %add3A_222 : i32 to index
            %get3A_228 = tpu.vector_load %arg14[%get3A_226, %get3A_227] {strides = array<i32>} : memref<32x128xf32, #tpu.memory_space<vmem>>, vector<16xf32>,
            %max3A_229 = arith.maximumf %get3A_225, %get3A_228 : vector<16xf32>
            %swap3A_230 = arith.index_cast %and3A_204 : i32 to index
            %swap3A_231 = arith.constant 16 : index
            %swap3A_232 = tpu.vector_load %arg6[%swap3A_230, %swap3A_231] {strides = array<i32>} : memref<320x64xf32, #tpu.memory_space<vmem>>, vector<16xf32>,
            tpu.vector_store %arg6[%swap3A_230, %swap3A_231], %max3A_229 {strides = array<i32>} : memref<320x64xf32, #tpu.memory_space<vmem>>, vector<16xf32>,
            %mul3A_233 = arith.constant 64 : i32
            %mul3A_234 = arith.muli %shift_right_arithmetic3A_206, %mul3A_233 : i32
            %add3A_235 = arith.constant 32 : i32
            %add3A_236 = arith.addi %mul3A_234, %add3A_235 : i32
            %get3A_237 = arith.index_cast %and3A_204 : i32 to index
            %get3A_238 = arith.constant 32 : index
            %get3A_239 = tpu.vector_load %arg6[%get3A_237, %get3A_238] {strides = array<i32>} : memref<320x64xf32, #tpu.memory_space<vmem>>, vector<16xf32>,
            %get3A_240 = arith.index_cast %while3A_197 : i32 to index
            %get3A_241 = arith.index_cast %add3A_236 : i32 to index
            %get3A_242 = tpu.vector_load %arg14[%get3A_240, %get3A_241] {strides = array<i32>} : memref<32x128xf32, #tpu.memory_space<vmem>>, vector<16xf32>,
            %max3A_243 = arith.maximumf %get3A_239, %get3A_242 : vector<16xf32>
            %swap3A_244 = arith.index_cast %and3A_204 : i32 to index
            %swap3A_245 = arith.constant 32 : index
            %swap3A_246 = tpu.vector_load %arg6[%swap3A_244, %swap3A_245] {strides = array<i32>} : memref<320x64xf32, #tpu.memory_space<vmem>>, vector<16xf32>,
            tpu.vector_store %arg6[%swap3A_244, %swap3A_245], %max3A_243 {strides = array<i32>} : memref<320x64xf32, #tpu.memory_space<vmem>>, vector<16xf32>,
            %mul3A_247 = arith.constant 64 : i32
            %mul3A_248 = arith.muli %shift_right_arithmetic3A_206, %mul3A_247 : i32
            %add3A_249 = arith.constant 48 : i32
            %add3A_250 = arith.addi %mul3A_248, %add3A_249 : i32
            %get3A_251 = arith.index_cast %and3A_204 : i32 to index
            %get3A_252 = arith.constant 48 : index
            %get3A_253 = tpu.vector_load %arg6[%get3A_251, %get3A_252] {strides = array<i32>} : memref<320x64xf32, #tpu.memory_space<vmem>>, vector<16xf32>,
            %get3A_254 = arith.index_cast %while3A_197 : i32 to index
            %get3A_255 = arith.index_cast %add3A_250 : i32 to index
            %get3A_256 = tpu.vector_load %arg14[%get3A_254, %get3A_255] {strides = array<i32>} : memref<32x128xf32, #tpu.memory_space<vmem>>, vector<16xf32>,
            %max3A_257 = arith.maximumf %get3A_253, %get3A_256 : vector<16xf32>
            %swap3A_258 = arith.index_cast %and3A_204 : i32 to index
            %swap3A_259 = arith.constant 48 : index
            %swap3A_260 = tpu.vector_load %arg6[%swap3A_258, %swap3A_259] {strides = array<i32>} : memref<320x64xf32, #tpu.memory_space<vmem>>, vector<16xf32>,
            tpu.vector_store %arg6[%swap3A_258, %swap3A_259], %max3A_257 {strides = array<i32>} : memref<320x64xf32, #tpu.memory_space<vmem>>, vector<16xf32>,
            %while3A_261 = arith.constant 0 : i32
            scf.yield %while3A_261 : i32
          }
          %while3A_189 = arith.constant 1 : i32
          %while3A_190 = scf.for %while3A_197 = %while3A_186 to %while3A_182 step %while3A_189 iter_args(%while3A_198 = %while3A_188) -> (i32)  : i32 {
            %mul3A_199 = arith.constant 32 : i32
            %mul3A_200 = arith.muli %add3A_140, %mul3A_199 : i32
            %add3A_201 = arith.addi %mul3A_200, %while3A_197 : i32
            %get3A = arith.index_cast %add3A_201 : i32 to index
            %get3A_202 = tpu.vector_load %arg9[%get3A] {strides = array<i32>} : memref<8192xi32, #tpu.memory_space<vmem>>, vector<16xi32>,
            %slice3A = vector.extract_strided_slice %get3A_202 {offsets = [0], sizes = [1], strides = [1]} : vector<16xi32> to vector<1xi32>
            %squeeze3A = vector.extract %slice3A[0] : i32 from vector<1xi32>
            %and3A_203 = arith.constant 65535 : i32
            %and3A_204 = arith.andi %squeeze3A, %and3A_203 : i32
            %shift_right_arithmetic3A_205 = arith.constant 16 : i32
            %shift_right_arithmetic3A_206 = arith.shrsi %squeeze3A, %shift_right_arithmetic3A_205 : i32
            %mul3A_207 = arith.constant 64 : i32
            %mul3A_208 = arith.muli %shift_right_arithmetic3A_206, %mul3A_207 : i32
            %add3A_209 = arith.constant 0 : i32
            %add3A_210 = arith.addi %mul3A_208, %add3A_209 : i32
            %get3A_211 = arith.index_cast %and3A_204 : i32 to index
            %get3A_212 = arith.constant 0 : index
            %get3A_213 = tpu.vector_load %arg6[%get3A_211, %get3A_212] {strides = array<i32>} : memref<320x64xf32, #tpu.memory_space<vmem>>, vector<16xf32>,
            %get3A_214 = arith.index_cast %while3A_197 : i32 to index
            %get3A_215 = arith.index_cast %add3A_210 : i32 to index
            %get3A_216 = tpu.vector_load %arg14[%get3A_214, %get3A_215] {strides = array<i32>} : memref<32x128xf32, #tpu.memory_space<vmem>>, vector<16xf32>,
            %max3A = arith.maximumf %get3A_213, %get3A_216 : vector<16xf32>
            %swap3A = arith.index_cast %and3A_204 : i32 to index
            %swap3A_217 = arith.constant 0 : index
            %swap3A_218 = tpu.vector_load %arg6[%swap3A, %swap3A_217] {strides = array<i32>} : memref<320x64xf32, #tpu.memory_space<vmem>>, vector<16xf32>,
            tpu.vector_store %arg6[%swap3A, %swap3A_217], %max3A {strides = array<i32>} : memref<320x64xf32, #tpu.memory_space<vmem>>, vector<16xf32>,
            %mul3A_219 = arith.constant 64 : i32
            %mul3A_220 = arith.muli %shift_right_arithmetic3A_206, %mul3A_219 : i32
            %add3A_221 = arith.constant 16 : i32
            %add3A_222 = arith.addi %mul3A_220, %add3A_221 : i32
            %get3A_223 = arith.index_cast %and3A_204 : i32 to index
            %get3A_224 = arith.constant 16 : index
            %get3A_225 = tpu.vector_load %arg6[%get3A_223, %get3A_224] {strides = array<i32>} : memref<320x64xf32, #tpu.memory_space<vmem>>, vector<16xf32>,
            %get3A_226 = arith.index_cast %while3A_197 : i32 to index
            %get3A_227 = arith.index_cast %add3A_222 : i32 to index
            %get3A_228 = tpu.vector_load %arg14[%get3A_226, %get3A_227] {strides = array<i32>} : memref<32x128xf32, #tpu.memory_space<vmem>>, vector<16xf32>,
            %max3A_229 = arith.maximumf %get3A_225, %get3A_228 : vector<16xf32>
            %swap3A_230 = arith.index_cast %and3A_204 : i32 to index
            %swap3A_231 = arith.constant 16 : index
            %swap3A_232 = tpu.vector_load %arg6[%swap3A_230, %swap3A_231] {strides = array<i32>} : memref<320x64xf32, #tpu.memory_space<vmem>>, vector<16xf32>,
            tpu.vector_store %arg6[%swap3A_230, %swap3A_231], %max3A_229 {strides = array<i32>} : memref<320x64xf32, #tpu.memory_space<vmem>>, vector<16xf32>,
            %mul3A_233 = arith.constant 64 : i32
            %mul3A_234 = arith.muli %shift_right_arithmetic3A_206, %mul3A_233 : i32
            %add3A_235 = arith.constant 32 : i32
            %add3A_236 = arith.addi %mul3A_234, %add3A_235 : i32
            %get3A_237 = arith.index_cast %and3A_204 : i32 to index
            %get3A_238 = arith.constant 32 : index
            %get3A_239 = tpu.vector_load %arg6[%get3A_237, %get3A_238] {strides = array<i32>} : memref<320x64xf32, #tpu.memory_space<vmem>>, vector<16xf32>,
            %get3A_240 = arith.index_cast %while3A_197 : i32 to index
            %get3A_241 = arith.index_cast %add3A_236 : i32 to index
            %get3A_242 = tpu.vector_load %arg14[%get3A_240, %get3A_241] {strides = array<i32>} : memref<32x128xf32, #tpu.memory_space<vmem>>, vector<16xf32>,
            %max3A_243 = arith.maximumf %get3A_239, %get3A_242 : vector<16xf32>
            %swap3A_244 = arith.index_cast %and3A_204 : i32 to index
            %swap3A_245 = arith.constant 32 : index
            %swap3A_246 = tpu.vector_load %arg6[%swap3A_244, %swap3A_245] {strides = array<i32>} : memref<320x64xf32, #tpu.memory_space<vmem>>, vector<16xf32>,
            tpu.vector_store %arg6[%swap3A_244, %swap3A_245], %max3A_243 {strides = array<i32>} : memref<320x64xf32, #tpu.memory_space<vmem>>, vector<16xf32>,
            %mul3A_247 = arith.constant 64 : i32
            %mul3A_248 = arith.muli %shift_right_arithmetic3A_206, %mul3A_247 : i32
            %add3A_249 = arith.constant 48 : i32
            %add3A_250 = arith.addi %mul3A_248, %add3A_249 : i32
            %get3A_251 = arith.index_cast %and3A_204 : i32 to index
            %get3A_252 = arith.constant 48 : index
            %get3A_253 = tpu.vector_load %arg6[%get3A_251, %get3A_252] {strides = array<i32>} : memref<320x64xf32, #tpu.memory_space<vmem>>, vector<16xf32>,
            %get3A_254 = arith.index_cast %while3A_197 : i32 to index
            %get3A_255 = arith.index_cast %add3A_250 : i32 to index
            %get3A_256 = tpu.vector_load %arg14[%get3A_254, %get3A_255] {strides = array<i32>} : memref<32x128xf32, #tpu.memory_space<vmem>>, vector<16xf32>,
            %max3A_257 = arith.maximumf %get3A_253, %get3A_256 : vector<16xf32>
            %swap3A_258 = arith.index_cast %and3A_204 : i32 to index
            %swap3A_259 = arith.constant 48 : index
            %swap3A_260 = tpu.vector_load %arg6[%swap3A_258, %swap3A_259] {strides = array<i32>} : memref<320x64xf32, #tpu.memory_space<vmem>>, vector<16xf32>,
            tpu.vector_store %arg6[%swap3A_258, %swap3A_259], %max3A_257 {strides = array<i32>} : memref<320x64xf32, #tpu.memory_space<vmem>>, vector<16xf32>,
            %while3A_261 = arith.constant 0 : i32
            scf.yield %while3A_261 : i32
          }
          %add3A_191 = arith.constant 8 : i32
          %add3A_192 = arith.addi %add3A_140, %add3A_191 : i32
          %lt3A_193 = arith.cmpi slt, %add3A_192, %shift_right_arithmetic3A_32 : i32
          %convert_element_type3A_194 = arith.extui %lt3A_193 : i1 to i32
          %cond3A_195 = arith.constant 0 : i32
          %cond3A_196 = arith.cmpi ne, %convert_element_type3A_194, %cond3A_195 : i32
          scf.if %cond3A_196 {
            %add3A_197 = arith.constant 8 : i32
            %add3A_198 = arith.addi %add3A_140, %add3A_197 : i32
            %dma_start3A = arith.constant 0 : i32
            %dma_start3A_199 = tpu.memref_slice %arg8[%add3A_198, %dma_start3A] : memref<252x32xi32, #tpu.memory_space<vmem>> -> memref<1x32xi32, #tpu.memory_space<vmem>>
            %dma_start3A_200 = tpu.memref_squeeze %dma_start3A_199 : memref<1x32xi32, #tpu.memory_space<vmem>> -> memref<32xi32, #tpu.memory_space<vmem>>
            %dma_start3A_201 = arith.constant 0 : i32
            %dma_start3A_202 = arith.constant 0 : i32
            %dma_start3A_203 = tpu.memref_slice %arg2[%dma_start3A_201, %dma_start3A_202] : memref<160000x128xf32, #tpu.memory_space<hbm>> -> memref<160000x128xf32, #tpu.memory_space<hbm>>
            tpu.enqueue_indirect_dma source(%dma_start3A_203 : memref<160000x128xf32, #tpu.memory_space<hbm>>) target(%arg14 : memref<32x128xf32, #tpu.memory_space<vmem>>) offsets(%dma_start3A_200 : memref<32xi32, #tpu.memory_space<vmem>>) semaphore(%arg22 : memref<!tpu.dma_semaphore, #tpu.memory_space<semaphore_mem>>)
          } else {
          }
        } else {
        }
        %mul3A_145 = arith.constant 8 : i32
        %mul3A_146 = arith.muli %while3A_103, %mul3A_145 : i32
        %add3A_147 = arith.constant 5 : i32
        %add3A_148 = arith.addi %mul3A_146, %add3A_147 : i32
        %lt3A_149 = arith.cmpi slt, %add3A_148, %shift_right_arithmetic3A_32 : i32
        %convert_element_type3A_150 = arith.extui %lt3A_149 : i1 to i32
        %cond3A_151 = arith.constant 0 : i32
        %cond3A_152 = arith.cmpi ne, %convert_element_type3A_150, %cond3A_151 : i32
        scf.if %cond3A_152 {
          %dma_wait3A = arith.constant 0 : i32
          %dma_wait3A_170 = tpu.memref_slice %arg8[%add3A_148, %dma_wait3A] : memref<252x32xi32, #tpu.memory_space<vmem>> -> memref<1x32xi32, #tpu.memory_space<vmem>>
          %dma_wait3A_171 = tpu.memref_squeeze %dma_wait3A_170 : memref<1x32xi32, #tpu.memory_space<vmem>> -> memref<32xi32, #tpu.memory_space<vmem>>
          %dma_wait3A_172 = arith.constant 0 : i32
          %dma_wait3A_173 = arith.constant 0 : i32
          %dma_wait3A_174 = tpu.memref_slice %arg2[%dma_wait3A_172, %dma_wait3A_173] : memref<160000x128xf32, #tpu.memory_space<hbm>> -> memref<160000x128xf32, #tpu.memory_space<hbm>>
          tpu.wait_indirect_dma semaphore(%arg23 : memref<!tpu.dma_semaphore, #tpu.memory_space<semaphore_mem>>) src(%dma_wait3A_174 : memref<160000x128xf32, #tpu.memory_space<hbm>>) dst(%arg15 : memref<32x128xf32, #tpu.memory_space<vmem>>)
          %mul3A_175 = arith.constant 32 : i32
          %mul3A_176 = arith.muli %add3A_148, %mul3A_175 : i32
          %sub3A_177 = arith.subi %scan3A_20, %mul3A_176 : i32
          %min3A = arith.constant 32 : i32
          %min3A_178 = arith.minsi %min3A, %sub3A_177 : i32
          %while3A_179 = arith.constant 0 : i32
          %while3A_180 = arith.constant 0 : i32
          %while3A_181 = arith.subi %min3A_178, %while3A_179 : i32
          %while3A_182 = arith.addi %while3A_179, %while3A_181 : i32
          %while3A_183 = arith.constant 1 : i32
          %while3A_184 = arith.divsi %while3A_181, %while3A_183 : i32
          %while3A_185 = arith.muli %while3A_184, %while3A_183 : i32
          %while3A_186 = arith.addi %while3A_179, %while3A_185 : i32
          %while3A_187 = arith.constant 1 : i32
          %while3A_188 = scf.for %while3A_197 = %while3A_179 to %while3A_186 step %while3A_187 iter_args(%while3A_198 = %while3A_180) -> (i32)  : i32 {
            %mul3A_199 = arith.constant 32 : i32
            %mul3A_200 = arith.muli %add3A_148, %mul3A_199 : i32
            %add3A_201 = arith.addi %mul3A_200, %while3A_197 : i32
            %get3A = arith.index_cast %add3A_201 : i32 to index
            %get3A_202 = tpu.vector_load %arg9[%get3A] {strides = array<i32>} : memref<8192xi32, #tpu.memory_space<vmem>>, vector<16xi32>,
            %slice3A = vector.extract_strided_slice %get3A_202 {offsets = [0], sizes = [1], strides = [1]} : vector<16xi32> to vector<1xi32>
            %squeeze3A = vector.extract %slice3A[0] : i32 from vector<1xi32>
            %and3A_203 = arith.constant 65535 : i32
            %and3A_204 = arith.andi %squeeze3A, %and3A_203 : i32
            %shift_right_arithmetic3A_205 = arith.constant 16 : i32
            %shift_right_arithmetic3A_206 = arith.shrsi %squeeze3A, %shift_right_arithmetic3A_205 : i32
            %mul3A_207 = arith.constant 64 : i32
            %mul3A_208 = arith.muli %shift_right_arithmetic3A_206, %mul3A_207 : i32
            %add3A_209 = arith.constant 0 : i32
            %add3A_210 = arith.addi %mul3A_208, %add3A_209 : i32
            %get3A_211 = arith.index_cast %and3A_204 : i32 to index
            %get3A_212 = arith.constant 0 : index
            %get3A_213 = tpu.vector_load %arg6[%get3A_211, %get3A_212] {strides = array<i32>} : memref<320x64xf32, #tpu.memory_space<vmem>>, vector<16xf32>,
            %get3A_214 = arith.index_cast %while3A_197 : i32 to index
            %get3A_215 = arith.index_cast %add3A_210 : i32 to index
            %get3A_216 = tpu.vector_load %arg15[%get3A_214, %get3A_215] {strides = array<i32>} : memref<32x128xf32, #tpu.memory_space<vmem>>, vector<16xf32>,
            %max3A = arith.maximumf %get3A_213, %get3A_216 : vector<16xf32>
            %swap3A = arith.index_cast %and3A_204 : i32 to index
            %swap3A_217 = arith.constant 0 : index
            %swap3A_218 = tpu.vector_load %arg6[%swap3A, %swap3A_217] {strides = array<i32>} : memref<320x64xf32, #tpu.memory_space<vmem>>, vector<16xf32>,
            tpu.vector_store %arg6[%swap3A, %swap3A_217], %max3A {strides = array<i32>} : memref<320x64xf32, #tpu.memory_space<vmem>>, vector<16xf32>,
            %mul3A_219 = arith.constant 64 : i32
            %mul3A_220 = arith.muli %shift_right_arithmetic3A_206, %mul3A_219 : i32
            %add3A_221 = arith.constant 16 : i32
            %add3A_222 = arith.addi %mul3A_220, %add3A_221 : i32
            %get3A_223 = arith.index_cast %and3A_204 : i32 to index
            %get3A_224 = arith.constant 16 : index
            %get3A_225 = tpu.vector_load %arg6[%get3A_223, %get3A_224] {strides = array<i32>} : memref<320x64xf32, #tpu.memory_space<vmem>>, vector<16xf32>,
            %get3A_226 = arith.index_cast %while3A_197 : i32 to index
            %get3A_227 = arith.index_cast %add3A_222 : i32 to index
            %get3A_228 = tpu.vector_load %arg15[%get3A_226, %get3A_227] {strides = array<i32>} : memref<32x128xf32, #tpu.memory_space<vmem>>, vector<16xf32>,
            %max3A_229 = arith.maximumf %get3A_225, %get3A_228 : vector<16xf32>
            %swap3A_230 = arith.index_cast %and3A_204 : i32 to index
            %swap3A_231 = arith.constant 16 : index
            %swap3A_232 = tpu.vector_load %arg6[%swap3A_230, %swap3A_231] {strides = array<i32>} : memref<320x64xf32, #tpu.memory_space<vmem>>, vector<16xf32>,
            tpu.vector_store %arg6[%swap3A_230, %swap3A_231], %max3A_229 {strides = array<i32>} : memref<320x64xf32, #tpu.memory_space<vmem>>, vector<16xf32>,
            %mul3A_233 = arith.constant 64 : i32
            %mul3A_234 = arith.muli %shift_right_arithmetic3A_206, %mul3A_233 : i32
            %add3A_235 = arith.constant 32 : i32
            %add3A_236 = arith.addi %mul3A_234, %add3A_235 : i32
            %get3A_237 = arith.index_cast %and3A_204 : i32 to index
            %get3A_238 = arith.constant 32 : index
            %get3A_239 = tpu.vector_load %arg6[%get3A_237, %get3A_238] {strides = array<i32>} : memref<320x64xf32, #tpu.memory_space<vmem>>, vector<16xf32>,
            %get3A_240 = arith.index_cast %while3A_197 : i32 to index
            %get3A_241 = arith.index_cast %add3A_236 : i32 to index
            %get3A_242 = tpu.vector_load %arg15[%get3A_240, %get3A_241] {strides = array<i32>} : memref<32x128xf32, #tpu.memory_space<vmem>>, vector<16xf32>,
            %max3A_243 = arith.maximumf %get3A_239, %get3A_242 : vector<16xf32>
            %swap3A_244 = arith.index_cast %and3A_204 : i32 to index
            %swap3A_245 = arith.constant 32 : index
            %swap3A_246 = tpu.vector_load %arg6[%swap3A_244, %swap3A_245] {strides = array<i32>} : memref<320x64xf32, #tpu.memory_space<vmem>>, vector<16xf32>,
            tpu.vector_store %arg6[%swap3A_244, %swap3A_245], %max3A_243 {strides = array<i32>} : memref<320x64xf32, #tpu.memory_space<vmem>>, vector<16xf32>,
            %mul3A_247 = arith.constant 64 : i32
            %mul3A_248 = arith.muli %shift_right_arithmetic3A_206, %mul3A_247 : i32
            %add3A_249 = arith.constant 48 : i32
            %add3A_250 = arith.addi %mul3A_248, %add3A_249 : i32
            %get3A_251 = arith.index_cast %and3A_204 : i32 to index
            %get3A_252 = arith.constant 48 : index
            %get3A_253 = tpu.vector_load %arg6[%get3A_251, %get3A_252] {strides = array<i32>} : memref<320x64xf32, #tpu.memory_space<vmem>>, vector<16xf32>,
            %get3A_254 = arith.index_cast %while3A_197 : i32 to index
            %get3A_255 = arith.index_cast %add3A_250 : i32 to index
            %get3A_256 = tpu.vector_load %arg15[%get3A_254, %get3A_255] {strides = array<i32>} : memref<32x128xf32, #tpu.memory_space<vmem>>, vector<16xf32>,
            %max3A_257 = arith.maximumf %get3A_253, %get3A_256 : vector<16xf32>
            %swap3A_258 = arith.index_cast %and3A_204 : i32 to index
            %swap3A_259 = arith.constant 48 : index
            %swap3A_260 = tpu.vector_load %arg6[%swap3A_258, %swap3A_259] {strides = array<i32>} : memref<320x64xf32, #tpu.memory_space<vmem>>, vector<16xf32>,
            tpu.vector_store %arg6[%swap3A_258, %swap3A_259], %max3A_257 {strides = array<i32>} : memref<320x64xf32, #tpu.memory_space<vmem>>, vector<16xf32>,
            %while3A_261 = arith.constant 0 : i32
            scf.yield %while3A_261 : i32
          }
          %while3A_189 = arith.constant 1 : i32
          %while3A_190 = scf.for %while3A_197 = %while3A_186 to %while3A_182 step %while3A_189 iter_args(%while3A_198 = %while3A_188) -> (i32)  : i32 {
            %mul3A_199 = arith.constant 32 : i32
            %mul3A_200 = arith.muli %add3A_148, %mul3A_199 : i32
            %add3A_201 = arith.addi %mul3A_200, %while3A_197 : i32
            %get3A = arith.index_cast %add3A_201 : i32 to index
            %get3A_202 = tpu.vector_load %arg9[%get3A] {strides = array<i32>} : memref<8192xi32, #tpu.memory_space<vmem>>, vector<16xi32>,
            %slice3A = vector.extract_strided_slice %get3A_202 {offsets = [0], sizes = [1], strides = [1]} : vector<16xi32> to vector<1xi32>
            %squeeze3A = vector.extract %slice3A[0] : i32 from vector<1xi32>
            %and3A_203 = arith.constant 65535 : i32
            %and3A_204 = arith.andi %squeeze3A, %and3A_203 : i32
            %shift_right_arithmetic3A_205 = arith.constant 16 : i32
            %shift_right_arithmetic3A_206 = arith.shrsi %squeeze3A, %shift_right_arithmetic3A_205 : i32
            %mul3A_207 = arith.constant 64 : i32
            %mul3A_208 = arith.muli %shift_right_arithmetic3A_206, %mul3A_207 : i32
            %add3A_209 = arith.constant 0 : i32
            %add3A_210 = arith.addi %mul3A_208, %add3A_209 : i32
            %get3A_211 = arith.index_cast %and3A_204 : i32 to index
            %get3A_212 = arith.constant 0 : index
            %get3A_213 = tpu.vector_load %arg6[%get3A_211, %get3A_212] {strides = array<i32>} : memref<320x64xf32, #tpu.memory_space<vmem>>, vector<16xf32>,
            %get3A_214 = arith.index_cast %while3A_197 : i32 to index
            %get3A_215 = arith.index_cast %add3A_210 : i32 to index
            %get3A_216 = tpu.vector_load %arg15[%get3A_214, %get3A_215] {strides = array<i32>} : memref<32x128xf32, #tpu.memory_space<vmem>>, vector<16xf32>,
            %max3A = arith.maximumf %get3A_213, %get3A_216 : vector<16xf32>
            %swap3A = arith.index_cast %and3A_204 : i32 to index
            %swap3A_217 = arith.constant 0 : index
            %swap3A_218 = tpu.vector_load %arg6[%swap3A, %swap3A_217] {strides = array<i32>} : memref<320x64xf32, #tpu.memory_space<vmem>>, vector<16xf32>,
            tpu.vector_store %arg6[%swap3A, %swap3A_217], %max3A {strides = array<i32>} : memref<320x64xf32, #tpu.memory_space<vmem>>, vector<16xf32>,
            %mul3A_219 = arith.constant 64 : i32
            %mul3A_220 = arith.muli %shift_right_arithmetic3A_206, %mul3A_219 : i32
            %add3A_221 = arith.constant 16 : i32
            %add3A_222 = arith.addi %mul3A_220, %add3A_221 : i32
            %get3A_223 = arith.index_cast %and3A_204 : i32 to index
            %get3A_224 = arith.constant 16 : index
            %get3A_225 = tpu.vector_load %arg6[%get3A_223, %get3A_224] {strides = array<i32>} : memref<320x64xf32, #tpu.memory_space<vmem>>, vector<16xf32>,
            %get3A_226 = arith.index_cast %while3A_197 : i32 to index
            %get3A_227 = arith.index_cast %add3A_222 : i32 to index
            %get3A_228 = tpu.vector_load %arg15[%get3A_226, %get3A_227] {strides = array<i32>} : memref<32x128xf32, #tpu.memory_space<vmem>>, vector<16xf32>,
            %max3A_229 = arith.maximumf %get3A_225, %get3A_228 : vector<16xf32>
            %swap3A_230 = arith.index_cast %and3A_204 : i32 to index
            %swap3A_231 = arith.constant 16 : index
            %swap3A_232 = tpu.vector_load %arg6[%swap3A_230, %swap3A_231] {strides = array<i32>} : memref<320x64xf32, #tpu.memory_space<vmem>>, vector<16xf32>,
            tpu.vector_store %arg6[%swap3A_230, %swap3A_231], %max3A_229 {strides = array<i32>} : memref<320x64xf32, #tpu.memory_space<vmem>>, vector<16xf32>,
            %mul3A_233 = arith.constant 64 : i32
            %mul3A_234 = arith.muli %shift_right_arithmetic3A_206, %mul3A_233 : i32
            %add3A_235 = arith.constant 32 : i32
            %add3A_236 = arith.addi %mul3A_234, %add3A_235 : i32
            %get3A_237 = arith.index_cast %and3A_204 : i32 to index
            %get3A_238 = arith.constant 32 : index
            %get3A_239 = tpu.vector_load %arg6[%get3A_237, %get3A_238] {strides = array<i32>} : memref<320x64xf32, #tpu.memory_space<vmem>>, vector<16xf32>,
            %get3A_240 = arith.index_cast %while3A_197 : i32 to index
            %get3A_241 = arith.index_cast %add3A_236 : i32 to index
            %get3A_242 = tpu.vector_load %arg15[%get3A_240, %get3A_241] {strides = array<i32>} : memref<32x128xf32, #tpu.memory_space<vmem>>, vector<16xf32>,
            %max3A_243 = arith.maximumf %get3A_239, %get3A_242 : vector<16xf32>
            %swap3A_244 = arith.index_cast %and3A_204 : i32 to index
            %swap3A_245 = arith.constant 32 : index
            %swap3A_246 = tpu.vector_load %arg6[%swap3A_244, %swap3A_245] {strides = array<i32>} : memref<320x64xf32, #tpu.memory_space<vmem>>, vector<16xf32>,
            tpu.vector_store %arg6[%swap3A_244, %swap3A_245], %max3A_243 {strides = array<i32>} : memref<320x64xf32, #tpu.memory_space<vmem>>, vector<16xf32>,
            %mul3A_247 = arith.constant 64 : i32
            %mul3A_248 = arith.muli %shift_right_arithmetic3A_206, %mul3A_247 : i32
            %add3A_249 = arith.constant 48 : i32
            %add3A_250 = arith.addi %mul3A_248, %add3A_249 : i32
            %get3A_251 = arith.index_cast %and3A_204 : i32 to index
            %get3A_252 = arith.constant 48 : index
            %get3A_253 = tpu.vector_load %arg6[%get3A_251, %get3A_252] {strides = array<i32>} : memref<320x64xf32, #tpu.memory_space<vmem>>, vector<16xf32>,
            %get3A_254 = arith.index_cast %while3A_197 : i32 to index
            %get3A_255 = arith.index_cast %add3A_250 : i32 to index
            %get3A_256 = tpu.vector_load %arg15[%get3A_254, %get3A_255] {strides = array<i32>} : memref<32x128xf32, #tpu.memory_space<vmem>>, vector<16xf32>,
            %max3A_257 = arith.maximumf %get3A_253, %get3A_256 : vector<16xf32>
            %swap3A_258 = arith.index_cast %and3A_204 : i32 to index
            %swap3A_259 = arith.constant 48 : index
            %swap3A_260 = tpu.vector_load %arg6[%swap3A_258, %swap3A_259] {strides = array<i32>} : memref<320x64xf32, #tpu.memory_space<vmem>>, vector<16xf32>,
            tpu.vector_store %arg6[%swap3A_258, %swap3A_259], %max3A_257 {strides = array<i32>} : memref<320x64xf32, #tpu.memory_space<vmem>>, vector<16xf32>,
            %while3A_261 = arith.constant 0 : i32
            scf.yield %while3A_261 : i32
          }
          %add3A_191 = arith.constant 8 : i32
          %add3A_192 = arith.addi %add3A_148, %add3A_191 : i32
          %lt3A_193 = arith.cmpi slt, %add3A_192, %shift_right_arithmetic3A_32 : i32
          %convert_element_type3A_194 = arith.extui %lt3A_193 : i1 to i32
          %cond3A_195 = arith.constant 0 : i32
          %cond3A_196 = arith.cmpi ne, %convert_element_type3A_194, %cond3A_195 : i32
          scf.if %cond3A_196 {
            %add3A_197 = arith.constant 8 : i32
            %add3A_198 = arith.addi %add3A_148, %add3A_197 : i32
            %dma_start3A = arith.constant 0 : i32
            %dma_start3A_199 = tpu.memref_slice %arg8[%add3A_198, %dma_start3A] : memref<252x32xi32, #tpu.memory_space<vmem>> -> memref<1x32xi32, #tpu.memory_space<vmem>>
            %dma_start3A_200 = tpu.memref_squeeze %dma_start3A_199 : memref<1x32xi32, #tpu.memory_space<vmem>> -> memref<32xi32, #tpu.memory_space<vmem>>
            %dma_start3A_201 = arith.constant 0 : i32
            %dma_start3A_202 = arith.constant 0 : i32
            %dma_start3A_203 = tpu.memref_slice %arg2[%dma_start3A_201, %dma_start3A_202] : memref<160000x128xf32, #tpu.memory_space<hbm>> -> memref<160000x128xf32, #tpu.memory_space<hbm>>
            tpu.enqueue_indirect_dma source(%dma_start3A_203 : memref<160000x128xf32, #tpu.memory_space<hbm>>) target(%arg15 : memref<32x128xf32, #tpu.memory_space<vmem>>) offsets(%dma_start3A_200 : memref<32xi32, #tpu.memory_space<vmem>>) semaphore(%arg23 : memref<!tpu.dma_semaphore, #tpu.memory_space<semaphore_mem>>)
          } else {
          }
        } else {
        }
        %mul3A_153 = arith.constant 8 : i32
        %mul3A_154 = arith.muli %while3A_103, %mul3A_153 : i32
        %add3A_155 = arith.constant 6 : i32
        %add3A_156 = arith.addi %mul3A_154, %add3A_155 : i32
        %lt3A_157 = arith.cmpi slt, %add3A_156, %shift_right_arithmetic3A_32 : i32
        %convert_element_type3A_158 = arith.extui %lt3A_157 : i1 to i32
        %cond3A_159 = arith.constant 0 : i32
        %cond3A_160 = arith.cmpi ne, %convert_element_type3A_158, %cond3A_159 : i32
        scf.if %cond3A_160 {
          %dma_wait3A = arith.constant 0 : i32
          %dma_wait3A_170 = tpu.memref_slice %arg8[%add3A_156, %dma_wait3A] : memref<252x32xi32, #tpu.memory_space<vmem>> -> memref<1x32xi32, #tpu.memory_space<vmem>>
          %dma_wait3A_171 = tpu.memref_squeeze %dma_wait3A_170 : memref<1x32xi32, #tpu.memory_space<vmem>> -> memref<32xi32, #tpu.memory_space<vmem>>
          %dma_wait3A_172 = arith.constant 0 : i32
          %dma_wait3A_173 = arith.constant 0 : i32
          %dma_wait3A_174 = tpu.memref_slice %arg2[%dma_wait3A_172, %dma_wait3A_173] : memref<160000x128xf32, #tpu.memory_space<hbm>> -> memref<160000x128xf32, #tpu.memory_space<hbm>>
          tpu.wait_indirect_dma semaphore(%arg24 : memref<!tpu.dma_semaphore, #tpu.memory_space<semaphore_mem>>) src(%dma_wait3A_174 : memref<160000x128xf32, #tpu.memory_space<hbm>>) dst(%arg16 : memref<32x128xf32, #tpu.memory_space<vmem>>)
          %mul3A_175 = arith.constant 32 : i32
          %mul3A_176 = arith.muli %add3A_156, %mul3A_175 : i32
          %sub3A_177 = arith.subi %scan3A_20, %mul3A_176 : i32
          %min3A = arith.constant 32 : i32
          %min3A_178 = arith.minsi %min3A, %sub3A_177 : i32
          %while3A_179 = arith.constant 0 : i32
          %while3A_180 = arith.constant 0 : i32
          %while3A_181 = arith.subi %min3A_178, %while3A_179 : i32
          %while3A_182 = arith.addi %while3A_179, %while3A_181 : i32
          %while3A_183 = arith.constant 1 : i32
          %while3A_184 = arith.divsi %while3A_181, %while3A_183 : i32
          %while3A_185 = arith.muli %while3A_184, %while3A_183 : i32
          %while3A_186 = arith.addi %while3A_179, %while3A_185 : i32
          %while3A_187 = arith.constant 1 : i32
          %while3A_188 = scf.for %while3A_197 = %while3A_179 to %while3A_186 step %while3A_187 iter_args(%while3A_198 = %while3A_180) -> (i32)  : i32 {
            %mul3A_199 = arith.constant 32 : i32
            %mul3A_200 = arith.muli %add3A_156, %mul3A_199 : i32
            %add3A_201 = arith.addi %mul3A_200, %while3A_197 : i32
            %get3A = arith.index_cast %add3A_201 : i32 to index
            %get3A_202 = tpu.vector_load %arg9[%get3A] {strides = array<i32>} : memref<8192xi32, #tpu.memory_space<vmem>>, vector<16xi32>,
            %slice3A = vector.extract_strided_slice %get3A_202 {offsets = [0], sizes = [1], strides = [1]} : vector<16xi32> to vector<1xi32>
            %squeeze3A = vector.extract %slice3A[0] : i32 from vector<1xi32>
            %and3A_203 = arith.constant 65535 : i32
            %and3A_204 = arith.andi %squeeze3A, %and3A_203 : i32
            %shift_right_arithmetic3A_205 = arith.constant 16 : i32
            %shift_right_arithmetic3A_206 = arith.shrsi %squeeze3A, %shift_right_arithmetic3A_205 : i32
            %mul3A_207 = arith.constant 64 : i32
            %mul3A_208 = arith.muli %shift_right_arithmetic3A_206, %mul3A_207 : i32
            %add3A_209 = arith.constant 0 : i32
            %add3A_210 = arith.addi %mul3A_208, %add3A_209 : i32
            %get3A_211 = arith.index_cast %and3A_204 : i32 to index
            %get3A_212 = arith.constant 0 : index
            %get3A_213 = tpu.vector_load %arg6[%get3A_211, %get3A_212] {strides = array<i32>} : memref<320x64xf32, #tpu.memory_space<vmem>>, vector<16xf32>,
            %get3A_214 = arith.index_cast %while3A_197 : i32 to index
            %get3A_215 = arith.index_cast %add3A_210 : i32 to index
            %get3A_216 = tpu.vector_load %arg16[%get3A_214, %get3A_215] {strides = array<i32>} : memref<32x128xf32, #tpu.memory_space<vmem>>, vector<16xf32>,
            %max3A = arith.maximumf %get3A_213, %get3A_216 : vector<16xf32>
            %swap3A = arith.index_cast %and3A_204 : i32 to index
            %swap3A_217 = arith.constant 0 : index
            %swap3A_218 = tpu.vector_load %arg6[%swap3A, %swap3A_217] {strides = array<i32>} : memref<320x64xf32, #tpu.memory_space<vmem>>, vector<16xf32>,
            tpu.vector_store %arg6[%swap3A, %swap3A_217], %max3A {strides = array<i32>} : memref<320x64xf32, #tpu.memory_space<vmem>>, vector<16xf32>,
            %mul3A_219 = arith.constant 64 : i32
            %mul3A_220 = arith.muli %shift_right_arithmetic3A_206, %mul3A_219 : i32
            %add3A_221 = arith.constant 16 : i32
            %add3A_222 = arith.addi %mul3A_220, %add3A_221 : i32
            %get3A_223 = arith.index_cast %and3A_204 : i32 to index
            %get3A_224 = arith.constant 16 : index
            %get3A_225 = tpu.vector_load %arg6[%get3A_223, %get3A_224] {strides = array<i32>} : memref<320x64xf32, #tpu.memory_space<vmem>>, vector<16xf32>,
            %get3A_226 = arith.index_cast %while3A_197 : i32 to index
            %get3A_227 = arith.index_cast %add3A_222 : i32 to index
            %get3A_228 = tpu.vector_load %arg16[%get3A_226, %get3A_227] {strides = array<i32>} : memref<32x128xf32, #tpu.memory_space<vmem>>, vector<16xf32>,
            %max3A_229 = arith.maximumf %get3A_225, %get3A_228 : vector<16xf32>
            %swap3A_230 = arith.index_cast %and3A_204 : i32 to index
            %swap3A_231 = arith.constant 16 : index
            %swap3A_232 = tpu.vector_load %arg6[%swap3A_230, %swap3A_231] {strides = array<i32>} : memref<320x64xf32, #tpu.memory_space<vmem>>, vector<16xf32>,
            tpu.vector_store %arg6[%swap3A_230, %swap3A_231], %max3A_229 {strides = array<i32>} : memref<320x64xf32, #tpu.memory_space<vmem>>, vector<16xf32>,
            %mul3A_233 = arith.constant 64 : i32
            %mul3A_234 = arith.muli %shift_right_arithmetic3A_206, %mul3A_233 : i32
            %add3A_235 = arith.constant 32 : i32
            %add3A_236 = arith.addi %mul3A_234, %add3A_235 : i32
            %get3A_237 = arith.index_cast %and3A_204 : i32 to index
            %get3A_238 = arith.constant 32 : index
            %get3A_239 = tpu.vector_load %arg6[%get3A_237, %get3A_238] {strides = array<i32>} : memref<320x64xf32, #tpu.memory_space<vmem>>, vector<16xf32>,
            %get3A_240 = arith.index_cast %while3A_197 : i32 to index
            %get3A_241 = arith.index_cast %add3A_236 : i32 to index
            %get3A_242 = tpu.vector_load %arg16[%get3A_240, %get3A_241] {strides = array<i32>} : memref<32x128xf32, #tpu.memory_space<vmem>>, vector<16xf32>,
            %max3A_243 = arith.maximumf %get3A_239, %get3A_242 : vector<16xf32>
            %swap3A_244 = arith.index_cast %and3A_204 : i32 to index
            %swap3A_245 = arith.constant 32 : index
            %swap3A_246 = tpu.vector_load %arg6[%swap3A_244, %swap3A_245] {strides = array<i32>} : memref<320x64xf32, #tpu.memory_space<vmem>>, vector<16xf32>,
            tpu.vector_store %arg6[%swap3A_244, %swap3A_245], %max3A_243 {strides = array<i32>} : memref<320x64xf32, #tpu.memory_space<vmem>>, vector<16xf32>,
            %mul3A_247 = arith.constant 64 : i32
            %mul3A_248 = arith.muli %shift_right_arithmetic3A_206, %mul3A_247 : i32
            %add3A_249 = arith.constant 48 : i32
            %add3A_250 = arith.addi %mul3A_248, %add3A_249 : i32
            %get3A_251 = arith.index_cast %and3A_204 : i32 to index
            %get3A_252 = arith.constant 48 : index
            %get3A_253 = tpu.vector_load %arg6[%get3A_251, %get3A_252] {strides = array<i32>} : memref<320x64xf32, #tpu.memory_space<vmem>>, vector<16xf32>,
            %get3A_254 = arith.index_cast %while3A_197 : i32 to index
            %get3A_255 = arith.index_cast %add3A_250 : i32 to index
            %get3A_256 = tpu.vector_load %arg16[%get3A_254, %get3A_255] {strides = array<i32>} : memref<32x128xf32, #tpu.memory_space<vmem>>, vector<16xf32>,
            %max3A_257 = arith.maximumf %get3A_253, %get3A_256 : vector<16xf32>
            %swap3A_258 = arith.index_cast %and3A_204 : i32 to index
            %swap3A_259 = arith.constant 48 : index
            %swap3A_260 = tpu.vector_load %arg6[%swap3A_258, %swap3A_259] {strides = array<i32>} : memref<320x64xf32, #tpu.memory_space<vmem>>, vector<16xf32>,
            tpu.vector_store %arg6[%swap3A_258, %swap3A_259], %max3A_257 {strides = array<i32>} : memref<320x64xf32, #tpu.memory_space<vmem>>, vector<16xf32>,
            %while3A_261 = arith.constant 0 : i32
            scf.yield %while3A_261 : i32
          }
          %while3A_189 = arith.constant 1 : i32
          %while3A_190 = scf.for %while3A_197 = %while3A_186 to %while3A_182 step %while3A_189 iter_args(%while3A_198 = %while3A_188) -> (i32)  : i32 {
            %mul3A_199 = arith.constant 32 : i32
            %mul3A_200 = arith.muli %add3A_156, %mul3A_199 : i32
            %add3A_201 = arith.addi %mul3A_200, %while3A_197 : i32
            %get3A = arith.index_cast %add3A_201 : i32 to index
            %get3A_202 = tpu.vector_load %arg9[%get3A] {strides = array<i32>} : memref<8192xi32, #tpu.memory_space<vmem>>, vector<16xi32>,
            %slice3A = vector.extract_strided_slice %get3A_202 {offsets = [0], sizes = [1], strides = [1]} : vector<16xi32> to vector<1xi32>
            %squeeze3A = vector.extract %slice3A[0] : i32 from vector<1xi32>
            %and3A_203 = arith.constant 65535 : i32
            %and3A_204 = arith.andi %squeeze3A, %and3A_203 : i32
            %shift_right_arithmetic3A_205 = arith.constant 16 : i32
            %shift_right_arithmetic3A_206 = arith.shrsi %squeeze3A, %shift_right_arithmetic3A_205 : i32
            %mul3A_207 = arith.constant 64 : i32
            %mul3A_208 = arith.muli %shift_right_arithmetic3A_206, %mul3A_207 : i32
            %add3A_209 = arith.constant 0 : i32
            %add3A_210 = arith.addi %mul3A_208, %add3A_209 : i32
            %get3A_211 = arith.index_cast %and3A_204 : i32 to index
            %get3A_212 = arith.constant 0 : index
            %get3A_213 = tpu.vector_load %arg6[%get3A_211, %get3A_212] {strides = array<i32>} : memref<320x64xf32, #tpu.memory_space<vmem>>, vector<16xf32>,
            %get3A_214 = arith.index_cast %while3A_197 : i32 to index
            %get3A_215 = arith.index_cast %add3A_210 : i32 to index
            %get3A_216 = tpu.vector_load %arg16[%get3A_214, %get3A_215] {strides = array<i32>} : memref<32x128xf32, #tpu.memory_space<vmem>>, vector<16xf32>,
            %max3A = arith.maximumf %get3A_213, %get3A_216 : vector<16xf32>
            %swap3A = arith.index_cast %and3A_204 : i32 to index
            %swap3A_217 = arith.constant 0 : index
            %swap3A_218 = tpu.vector_load %arg6[%swap3A, %swap3A_217] {strides = array<i32>} : memref<320x64xf32, #tpu.memory_space<vmem>>, vector<16xf32>,
            tpu.vector_store %arg6[%swap3A, %swap3A_217], %max3A {strides = array<i32>} : memref<320x64xf32, #tpu.memory_space<vmem>>, vector<16xf32>,
            %mul3A_219 = arith.constant 64 : i32
            %mul3A_220 = arith.muli %shift_right_arithmetic3A_206, %mul3A_219 : i32
            %add3A_221 = arith.constant 16 : i32
            %add3A_222 = arith.addi %mul3A_220, %add3A_221 : i32
            %get3A_223 = arith.index_cast %and3A_204 : i32 to index
            %get3A_224 = arith.constant 16 : index
            %get3A_225 = tpu.vector_load %arg6[%get3A_223, %get3A_224] {strides = array<i32>} : memref<320x64xf32, #tpu.memory_space<vmem>>, vector<16xf32>,
            %get3A_226 = arith.index_cast %while3A_197 : i32 to index
            %get3A_227 = arith.index_cast %add3A_222 : i32 to index
            %get3A_228 = tpu.vector_load %arg16[%get3A_226, %get3A_227] {strides = array<i32>} : memref<32x128xf32, #tpu.memory_space<vmem>>, vector<16xf32>,
            %max3A_229 = arith.maximumf %get3A_225, %get3A_228 : vector<16xf32>
            %swap3A_230 = arith.index_cast %and3A_204 : i32 to index
            %swap3A_231 = arith.constant 16 : index
            %swap3A_232 = tpu.vector_load %arg6[%swap3A_230, %swap3A_231] {strides = array<i32>} : memref<320x64xf32, #tpu.memory_space<vmem>>, vector<16xf32>,
            tpu.vector_store %arg6[%swap3A_230, %swap3A_231], %max3A_229 {strides = array<i32>} : memref<320x64xf32, #tpu.memory_space<vmem>>, vector<16xf32>,
            %mul3A_233 = arith.constant 64 : i32
            %mul3A_234 = arith.muli %shift_right_arithmetic3A_206, %mul3A_233 : i32
            %add3A_235 = arith.constant 32 : i32
            %add3A_236 = arith.addi %mul3A_234, %add3A_235 : i32
            %get3A_237 = arith.index_cast %and3A_204 : i32 to index
            %get3A_238 = arith.constant 32 : index
            %get3A_239 = tpu.vector_load %arg6[%get3A_237, %get3A_238] {strides = array<i32>} : memref<320x64xf32, #tpu.memory_space<vmem>>, vector<16xf32>,
            %get3A_240 = arith.index_cast %while3A_197 : i32 to index
            %get3A_241 = arith.index_cast %add3A_236 : i32 to index
            %get3A_242 = tpu.vector_load %arg16[%get3A_240, %get3A_241] {strides = array<i32>} : memref<32x128xf32, #tpu.memory_space<vmem>>, vector<16xf32>,
            %max3A_243 = arith.maximumf %get3A_239, %get3A_242 : vector<16xf32>
            %swap3A_244 = arith.index_cast %and3A_204 : i32 to index
            %swap3A_245 = arith.constant 32 : index
            %swap3A_246 = tpu.vector_load %arg6[%swap3A_244, %swap3A_245] {strides = array<i32>} : memref<320x64xf32, #tpu.memory_space<vmem>>, vector<16xf32>,
            tpu.vector_store %arg6[%swap3A_244, %swap3A_245], %max3A_243 {strides = array<i32>} : memref<320x64xf32, #tpu.memory_space<vmem>>, vector<16xf32>,
            %mul3A_247 = arith.constant 64 : i32
            %mul3A_248 = arith.muli %shift_right_arithmetic3A_206, %mul3A_247 : i32
            %add3A_249 = arith.constant 48 : i32
            %add3A_250 = arith.addi %mul3A_248, %add3A_249 : i32
            %get3A_251 = arith.index_cast %and3A_204 : i32 to index
            %get3A_252 = arith.constant 48 : index
            %get3A_253 = tpu.vector_load %arg6[%get3A_251, %get3A_252] {strides = array<i32>} : memref<320x64xf32, #tpu.memory_space<vmem>>, vector<16xf32>,
            %get3A_254 = arith.index_cast %while3A_197 : i32 to index
            %get3A_255 = arith.index_cast %add3A_250 : i32 to index
            %get3A_256 = tpu.vector_load %arg16[%get3A_254, %get3A_255] {strides = array<i32>} : memref<32x128xf32, #tpu.memory_space<vmem>>, vector<16xf32>,
            %max3A_257 = arith.maximumf %get3A_253, %get3A_256 : vector<16xf32>
            %swap3A_258 = arith.index_cast %and3A_204 : i32 to index
            %swap3A_259 = arith.constant 48 : index
            %swap3A_260 = tpu.vector_load %arg6[%swap3A_258, %swap3A_259] {strides = array<i32>} : memref<320x64xf32, #tpu.memory_space<vmem>>, vector<16xf32>,
            tpu.vector_store %arg6[%swap3A_258, %swap3A_259], %max3A_257 {strides = array<i32>} : memref<320x64xf32, #tpu.memory_space<vmem>>, vector<16xf32>,
            %while3A_261 = arith.constant 0 : i32
            scf.yield %while3A_261 : i32
          }
          %add3A_191 = arith.constant 8 : i32
          %add3A_192 = arith.addi %add3A_156, %add3A_191 : i32
          %lt3A_193 = arith.cmpi slt, %add3A_192, %shift_right_arithmetic3A_32 : i32
          %convert_element_type3A_194 = arith.extui %lt3A_193 : i1 to i32
          %cond3A_195 = arith.constant 0 : i32
          %cond3A_196 = arith.cmpi ne, %convert_element_type3A_194, %cond3A_195 : i32
          scf.if %cond3A_196 {
            %add3A_197 = arith.constant 8 : i32
            %add3A_198 = arith.addi %add3A_156, %add3A_197 : i32
            %dma_start3A = arith.constant 0 : i32
            %dma_start3A_199 = tpu.memref_slice %arg8[%add3A_198, %dma_start3A] : memref<252x32xi32, #tpu.memory_space<vmem>> -> memref<1x32xi32, #tpu.memory_space<vmem>>
            %dma_start3A_200 = tpu.memref_squeeze %dma_start3A_199 : memref<1x32xi32, #tpu.memory_space<vmem>> -> memref<32xi32, #tpu.memory_space<vmem>>
            %dma_start3A_201 = arith.constant 0 : i32
            %dma_start3A_202 = arith.constant 0 : i32
            %dma_start3A_203 = tpu.memref_slice %arg2[%dma_start3A_201, %dma_start3A_202] : memref<160000x128xf32, #tpu.memory_space<hbm>> -> memref<160000x128xf32, #tpu.memory_space<hbm>>
            tpu.enqueue_indirect_dma source(%dma_start3A_203 : memref<160000x128xf32, #tpu.memory_space<hbm>>) target(%arg16 : memref<32x128xf32, #tpu.memory_space<vmem>>) offsets(%dma_start3A_200 : memref<32xi32, #tpu.memory_space<vmem>>) semaphore(%arg24 : memref<!tpu.dma_semaphore, #tpu.memory_space<semaphore_mem>>)
          } else {
          }
        } else {
        }
        %mul3A_161 = arith.constant 8 : i32
        %mul3A_162 = arith.muli %while3A_103, %mul3A_161 : i32
        %add3A_163 = arith.constant 7 : i32
        %add3A_164 = arith.addi %mul3A_162, %add3A_163 : i32
        %lt3A_165 = arith.cmpi slt, %add3A_164, %shift_right_arithmetic3A_32 : i32
        %convert_element_type3A_166 = arith.extui %lt3A_165 : i1 to i32
        %cond3A_167 = arith.constant 0 : i32
        %cond3A_168 = arith.cmpi ne, %convert_element_type3A_166, %cond3A_167 : i32
        scf.if %cond3A_168 {
          %dma_wait3A = arith.constant 0 : i32
          %dma_wait3A_170 = tpu.memref_slice %arg8[%add3A_164, %dma_wait3A] : memref<252x32xi32, #tpu.memory_space<vmem>> -> memref<1x32xi32, #tpu.memory_space<vmem>>
          %dma_wait3A_171 = tpu.memref_squeeze %dma_wait3A_170 : memref<1x32xi32, #tpu.memory_space<vmem>> -> memref<32xi32, #tpu.memory_space<vmem>>
          %dma_wait3A_172 = arith.constant 0 : i32
          %dma_wait3A_173 = arith.constant 0 : i32
          %dma_wait3A_174 = tpu.memref_slice %arg2[%dma_wait3A_172, %dma_wait3A_173] : memref<160000x128xf32, #tpu.memory_space<hbm>> -> memref<160000x128xf32, #tpu.memory_space<hbm>>
          tpu.wait_indirect_dma semaphore(%arg25 : memref<!tpu.dma_semaphore, #tpu.memory_space<semaphore_mem>>) src(%dma_wait3A_174 : memref<160000x128xf32, #tpu.memory_space<hbm>>) dst(%arg17 : memref<32x128xf32, #tpu.memory_space<vmem>>)
          %mul3A_175 = arith.constant 32 : i32
          %mul3A_176 = arith.muli %add3A_164, %mul3A_175 : i32
          %sub3A_177 = arith.subi %scan3A_20, %mul3A_176 : i32
          %min3A = arith.constant 32 : i32
          %min3A_178 = arith.minsi %min3A, %sub3A_177 : i32
          %while3A_179 = arith.constant 0 : i32
          %while3A_180 = arith.constant 0 : i32
          %while3A_181 = arith.subi %min3A_178, %while3A_179 : i32
          %while3A_182 = arith.addi %while3A_179, %while3A_181 : i32
          %while3A_183 = arith.constant 1 : i32
          %while3A_184 = arith.divsi %while3A_181, %while3A_183 : i32
          %while3A_185 = arith.muli %while3A_184, %while3A_183 : i32
          %while3A_186 = arith.addi %while3A_179, %while3A_185 : i32
          %while3A_187 = arith.constant 1 : i32
          %while3A_188 = scf.for %while3A_197 = %while3A_179 to %while3A_186 step %while3A_187 iter_args(%while3A_198 = %while3A_180) -> (i32)  : i32 {
            %mul3A_199 = arith.constant 32 : i32
            %mul3A_200 = arith.muli %add3A_164, %mul3A_199 : i32
            %add3A_201 = arith.addi %mul3A_200, %while3A_197 : i32
            %get3A = arith.index_cast %add3A_201 : i32 to index
            %get3A_202 = tpu.vector_load %arg9[%get3A] {strides = array<i32>} : memref<8192xi32, #tpu.memory_space<vmem>>, vector<16xi32>,
            %slice3A = vector.extract_strided_slice %get3A_202 {offsets = [0], sizes = [1], strides = [1]} : vector<16xi32> to vector<1xi32>
            %squeeze3A = vector.extract %slice3A[0] : i32 from vector<1xi32>
            %and3A_203 = arith.constant 65535 : i32
            %and3A_204 = arith.andi %squeeze3A, %and3A_203 : i32
            %shift_right_arithmetic3A_205 = arith.constant 16 : i32
            %shift_right_arithmetic3A_206 = arith.shrsi %squeeze3A, %shift_right_arithmetic3A_205 : i32
            %mul3A_207 = arith.constant 64 : i32
            %mul3A_208 = arith.muli %shift_right_arithmetic3A_206, %mul3A_207 : i32
            %add3A_209 = arith.constant 0 : i32
            %add3A_210 = arith.addi %mul3A_208, %add3A_209 : i32
            %get3A_211 = arith.index_cast %and3A_204 : i32 to index
            %get3A_212 = arith.constant 0 : index
            %get3A_213 = tpu.vector_load %arg6[%get3A_211, %get3A_212] {strides = array<i32>} : memref<320x64xf32, #tpu.memory_space<vmem>>, vector<16xf32>,
            %get3A_214 = arith.index_cast %while3A_197 : i32 to index
            %get3A_215 = arith.index_cast %add3A_210 : i32 to index
            %get3A_216 = tpu.vector_load %arg17[%get3A_214, %get3A_215] {strides = array<i32>} : memref<32x128xf32, #tpu.memory_space<vmem>>, vector<16xf32>,
            %max3A = arith.maximumf %get3A_213, %get3A_216 : vector<16xf32>
            %swap3A = arith.index_cast %and3A_204 : i32 to index
            %swap3A_217 = arith.constant 0 : index
            %swap3A_218 = tpu.vector_load %arg6[%swap3A, %swap3A_217] {strides = array<i32>} : memref<320x64xf32, #tpu.memory_space<vmem>>, vector<16xf32>,
            tpu.vector_store %arg6[%swap3A, %swap3A_217], %max3A {strides = array<i32>} : memref<320x64xf32, #tpu.memory_space<vmem>>, vector<16xf32>,
            %mul3A_219 = arith.constant 64 : i32
            %mul3A_220 = arith.muli %shift_right_arithmetic3A_206, %mul3A_219 : i32
            %add3A_221 = arith.constant 16 : i32
            %add3A_222 = arith.addi %mul3A_220, %add3A_221 : i32
            %get3A_223 = arith.index_cast %and3A_204 : i32 to index
            %get3A_224 = arith.constant 16 : index
            %get3A_225 = tpu.vector_load %arg6[%get3A_223, %get3A_224] {strides = array<i32>} : memref<320x64xf32, #tpu.memory_space<vmem>>, vector<16xf32>,
            %get3A_226 = arith.index_cast %while3A_197 : i32 to index
            %get3A_227 = arith.index_cast %add3A_222 : i32 to index
            %get3A_228 = tpu.vector_load %arg17[%get3A_226, %get3A_227] {strides = array<i32>} : memref<32x128xf32, #tpu.memory_space<vmem>>, vector<16xf32>,
            %max3A_229 = arith.maximumf %get3A_225, %get3A_228 : vector<16xf32>
            %swap3A_230 = arith.index_cast %and3A_204 : i32 to index
            %swap3A_231 = arith.constant 16 : index
            %swap3A_232 = tpu.vector_load %arg6[%swap3A_230, %swap3A_231] {strides = array<i32>} : memref<320x64xf32, #tpu.memory_space<vmem>>, vector<16xf32>,
            tpu.vector_store %arg6[%swap3A_230, %swap3A_231], %max3A_229 {strides = array<i32>} : memref<320x64xf32, #tpu.memory_space<vmem>>, vector<16xf32>,
            %mul3A_233 = arith.constant 64 : i32
            %mul3A_234 = arith.muli %shift_right_arithmetic3A_206, %mul3A_233 : i32
            %add3A_235 = arith.constant 32 : i32
            %add3A_236 = arith.addi %mul3A_234, %add3A_235 : i32
            %get3A_237 = arith.index_cast %and3A_204 : i32 to index
            %get3A_238 = arith.constant 32 : index
            %get3A_239 = tpu.vector_load %arg6[%get3A_237, %get3A_238] {strides = array<i32>} : memref<320x64xf32, #tpu.memory_space<vmem>>, vector<16xf32>,
            %get3A_240 = arith.index_cast %while3A_197 : i32 to index
            %get3A_241 = arith.index_cast %add3A_236 : i32 to index
            %get3A_242 = tpu.vector_load %arg17[%get3A_240, %get3A_241] {strides = array<i32>} : memref<32x128xf32, #tpu.memory_space<vmem>>, vector<16xf32>,
            %max3A_243 = arith.maximumf %get3A_239, %get3A_242 : vector<16xf32>
            %swap3A_244 = arith.index_cast %and3A_204 : i32 to index
            %swap3A_245 = arith.constant 32 : index
            %swap3A_246 = tpu.vector_load %arg6[%swap3A_244, %swap3A_245] {strides = array<i32>} : memref<320x64xf32, #tpu.memory_space<vmem>>, vector<16xf32>,
            tpu.vector_store %arg6[%swap3A_244, %swap3A_245], %max3A_243 {strides = array<i32>} : memref<320x64xf32, #tpu.memory_space<vmem>>, vector<16xf32>,
            %mul3A_247 = arith.constant 64 : i32
            %mul3A_248 = arith.muli %shift_right_arithmetic3A_206, %mul3A_247 : i32
            %add3A_249 = arith.constant 48 : i32
            %add3A_250 = arith.addi %mul3A_248, %add3A_249 : i32
            %get3A_251 = arith.index_cast %and3A_204 : i32 to index
            %get3A_252 = arith.constant 48 : index
            %get3A_253 = tpu.vector_load %arg6[%get3A_251, %get3A_252] {strides = array<i32>} : memref<320x64xf32, #tpu.memory_space<vmem>>, vector<16xf32>,
            %get3A_254 = arith.index_cast %while3A_197 : i32 to index
            %get3A_255 = arith.index_cast %add3A_250 : i32 to index
            %get3A_256 = tpu.vector_load %arg17[%get3A_254, %get3A_255] {strides = array<i32>} : memref<32x128xf32, #tpu.memory_space<vmem>>, vector<16xf32>,
            %max3A_257 = arith.maximumf %get3A_253, %get3A_256 : vector<16xf32>
            %swap3A_258 = arith.index_cast %and3A_204 : i32 to index
            %swap3A_259 = arith.constant 48 : index
            %swap3A_260 = tpu.vector_load %arg6[%swap3A_258, %swap3A_259] {strides = array<i32>} : memref<320x64xf32, #tpu.memory_space<vmem>>, vector<16xf32>,
            tpu.vector_store %arg6[%swap3A_258, %swap3A_259], %max3A_257 {strides = array<i32>} : memref<320x64xf32, #tpu.memory_space<vmem>>, vector<16xf32>,
            %while3A_261 = arith.constant 0 : i32
            scf.yield %while3A_261 : i32
          }
          %while3A_189 = arith.constant 1 : i32
          %while3A_190 = scf.for %while3A_197 = %while3A_186 to %while3A_182 step %while3A_189 iter_args(%while3A_198 = %while3A_188) -> (i32)  : i32 {
            %mul3A_199 = arith.constant 32 : i32
            %mul3A_200 = arith.muli %add3A_164, %mul3A_199 : i32
            %add3A_201 = arith.addi %mul3A_200, %while3A_197 : i32
            %get3A = arith.index_cast %add3A_201 : i32 to index
            %get3A_202 = tpu.vector_load %arg9[%get3A] {strides = array<i32>} : memref<8192xi32, #tpu.memory_space<vmem>>, vector<16xi32>,
            %slice3A = vector.extract_strided_slice %get3A_202 {offsets = [0], sizes = [1], strides = [1]} : vector<16xi32> to vector<1xi32>
            %squeeze3A = vector.extract %slice3A[0] : i32 from vector<1xi32>
            %and3A_203 = arith.constant 65535 : i32
            %and3A_204 = arith.andi %squeeze3A, %and3A_203 : i32
            %shift_right_arithmetic3A_205 = arith.constant 16 : i32
            %shift_right_arithmetic3A_206 = arith.shrsi %squeeze3A, %shift_right_arithmetic3A_205 : i32
            %mul3A_207 = arith.constant 64 : i32
            %mul3A_208 = arith.muli %shift_right_arithmetic3A_206, %mul3A_207 : i32
            %add3A_209 = arith.constant 0 : i32
            %add3A_210 = arith.addi %mul3A_208, %add3A_209 : i32
            %get3A_211 = arith.index_cast %and3A_204 : i32 to index
            %get3A_212 = arith.constant 0 : index
            %get3A_213 = tpu.vector_load %arg6[%get3A_211, %get3A_212] {strides = array<i32>} : memref<320x64xf32, #tpu.memory_space<vmem>>, vector<16xf32>,
            %get3A_214 = arith.index_cast %while3A_197 : i32 to index
            %get3A_215 = arith.index_cast %add3A_210 : i32 to index
            %get3A_216 = tpu.vector_load %arg17[%get3A_214, %get3A_215] {strides = array<i32>} : memref<32x128xf32, #tpu.memory_space<vmem>>, vector<16xf32>,
            %max3A = arith.maximumf %get3A_213, %get3A_216 : vector<16xf32>
            %swap3A = arith.index_cast %and3A_204 : i32 to index
            %swap3A_217 = arith.constant 0 : index
            %swap3A_218 = tpu.vector_load %arg6[%swap3A, %swap3A_217] {strides = array<i32>} : memref<320x64xf32, #tpu.memory_space<vmem>>, vector<16xf32>,
            tpu.vector_store %arg6[%swap3A, %swap3A_217], %max3A {strides = array<i32>} : memref<320x64xf32, #tpu.memory_space<vmem>>, vector<16xf32>,
            %mul3A_219 = arith.constant 64 : i32
            %mul3A_220 = arith.muli %shift_right_arithmetic3A_206, %mul3A_219 : i32
            %add3A_221 = arith.constant 16 : i32
            %add3A_222 = arith.addi %mul3A_220, %add3A_221 : i32
            %get3A_223 = arith.index_cast %and3A_204 : i32 to index
            %get3A_224 = arith.constant 16 : index
            %get3A_225 = tpu.vector_load %arg6[%get3A_223, %get3A_224] {strides = array<i32>} : memref<320x64xf32, #tpu.memory_space<vmem>>, vector<16xf32>,
            %get3A_226 = arith.index_cast %while3A_197 : i32 to index
            %get3A_227 = arith.index_cast %add3A_222 : i32 to index
            %get3A_228 = tpu.vector_load %arg17[%get3A_226, %get3A_227] {strides = array<i32>} : memref<32x128xf32, #tpu.memory_space<vmem>>, vector<16xf32>,
            %max3A_229 = arith.maximumf %get3A_225, %get3A_228 : vector<16xf32>
            %swap3A_230 = arith.index_cast %and3A_204 : i32 to index
            %swap3A_231 = arith.constant 16 : index
            %swap3A_232 = tpu.vector_load %arg6[%swap3A_230, %swap3A_231] {strides = array<i32>} : memref<320x64xf32, #tpu.memory_space<vmem>>, vector<16xf32>,
            tpu.vector_store %arg6[%swap3A_230, %swap3A_231], %max3A_229 {strides = array<i32>} : memref<320x64xf32, #tpu.memory_space<vmem>>, vector<16xf32>,
            %mul3A_233 = arith.constant 64 : i32
            %mul3A_234 = arith.muli %shift_right_arithmetic3A_206, %mul3A_233 : i32
            %add3A_235 = arith.constant 32 : i32
            %add3A_236 = arith.addi %mul3A_234, %add3A_235 : i32
            %get3A_237 = arith.index_cast %and3A_204 : i32 to index
            %get3A_238 = arith.constant 32 : index
            %get3A_239 = tpu.vector_load %arg6[%get3A_237, %get3A_238] {strides = array<i32>} : memref<320x64xf32, #tpu.memory_space<vmem>>, vector<16xf32>,
            %get3A_240 = arith.index_cast %while3A_197 : i32 to index
            %get3A_241 = arith.index_cast %add3A_236 : i32 to index
            %get3A_242 = tpu.vector_load %arg17[%get3A_240, %get3A_241] {strides = array<i32>} : memref<32x128xf32, #tpu.memory_space<vmem>>, vector<16xf32>,
            %max3A_243 = arith.maximumf %get3A_239, %get3A_242 : vector<16xf32>
            %swap3A_244 = arith.index_cast %and3A_204 : i32 to index
            %swap3A_245 = arith.constant 32 : index
            %swap3A_246 = tpu.vector_load %arg6[%swap3A_244, %swap3A_245] {strides = array<i32>} : memref<320x64xf32, #tpu.memory_space<vmem>>, vector<16xf32>,
            tpu.vector_store %arg6[%swap3A_244, %swap3A_245], %max3A_243 {strides = array<i32>} : memref<320x64xf32, #tpu.memory_space<vmem>>, vector<16xf32>,
            %mul3A_247 = arith.constant 64 : i32
            %mul3A_248 = arith.muli %shift_right_arithmetic3A_206, %mul3A_247 : i32
            %add3A_249 = arith.constant 48 : i32
            %add3A_250 = arith.addi %mul3A_248, %add3A_249 : i32
            %get3A_251 = arith.index_cast %and3A_204 : i32 to index
            %get3A_252 = arith.constant 48 : index
            %get3A_253 = tpu.vector_load %arg6[%get3A_251, %get3A_252] {strides = array<i32>} : memref<320x64xf32, #tpu.memory_space<vmem>>, vector<16xf32>,
            %get3A_254 = arith.index_cast %while3A_197 : i32 to index
            %get3A_255 = arith.index_cast %add3A_250 : i32 to index
            %get3A_256 = tpu.vector_load %arg17[%get3A_254, %get3A_255] {strides = array<i32>} : memref<32x128xf32, #tpu.memory_space<vmem>>, vector<16xf32>,
            %max3A_257 = arith.maximumf %get3A_253, %get3A_256 : vector<16xf32>
            %swap3A_258 = arith.index_cast %and3A_204 : i32 to index
            %swap3A_259 = arith.constant 48 : index
            %swap3A_260 = tpu.vector_load %arg6[%swap3A_258, %swap3A_259] {strides = array<i32>} : memref<320x64xf32, #tpu.memory_space<vmem>>, vector<16xf32>,
            tpu.vector_store %arg6[%swap3A_258, %swap3A_259], %max3A_257 {strides = array<i32>} : memref<320x64xf32, #tpu.memory_space<vmem>>, vector<16xf32>,
            %while3A_261 = arith.constant 0 : i32
            scf.yield %while3A_261 : i32
          }
          %add3A_191 = arith.constant 8 : i32
          %add3A_192 = arith.addi %add3A_164, %add3A_191 : i32
          %lt3A_193 = arith.cmpi slt, %add3A_192, %shift_right_arithmetic3A_32 : i32
          %convert_element_type3A_194 = arith.extui %lt3A_193 : i1 to i32
          %cond3A_195 = arith.constant 0 : i32
          %cond3A_196 = arith.cmpi ne, %convert_element_type3A_194, %cond3A_195 : i32
          scf.if %cond3A_196 {
            %add3A_197 = arith.constant 8 : i32
            %add3A_198 = arith.addi %add3A_164, %add3A_197 : i32
            %dma_start3A = arith.constant 0 : i32
            %dma_start3A_199 = tpu.memref_slice %arg8[%add3A_198, %dma_start3A] : memref<252x32xi32, #tpu.memory_space<vmem>> -> memref<1x32xi32, #tpu.memory_space<vmem>>
            %dma_start3A_200 = tpu.memref_squeeze %dma_start3A_199 : memref<1x32xi32, #tpu.memory_space<vmem>> -> memref<32xi32, #tpu.memory_space<vmem>>
            %dma_start3A_201 = arith.constant 0 : i32
            %dma_start3A_202 = arith.constant 0 : i32
            %dma_start3A_203 = tpu.memref_slice %arg2[%dma_start3A_201, %dma_start3A_202] : memref<160000x128xf32, #tpu.memory_space<hbm>> -> memref<160000x128xf32, #tpu.memory_space<hbm>>
            tpu.enqueue_indirect_dma source(%dma_start3A_203 : memref<160000x128xf32, #tpu.memory_space<hbm>>) target(%arg17 : memref<32x128xf32, #tpu.memory_space<vmem>>) offsets(%dma_start3A_200 : memref<32xi32, #tpu.memory_space<vmem>>) semaphore(%arg25 : memref<!tpu.dma_semaphore, #tpu.memory_space<semaphore_mem>>)
          } else {
          }
        } else {
        }
        %while3A_169 = arith.constant 0 : i32
        scf.yield %while3A_169 : i32
      }
      %scan3A_102 = arith.constant 0 : i32
      scf.yield %scan3A_102 : i32
    }
    %scan3A_10 = arith.constant 40 : i32
    "tpu.region"() ({
      %run_scoped3A = tpu.sem_alloc : memref<!tpu.dma_semaphore, #tpu.memory_space<semaphore_mem>>
      %dma_start3A = arith.constant 0 : i32
      %dma_start3A_11 = tpu.memref_slice %arg5[%mul3A_2, %dma_start3A] : memref<10240x64xf32, #tpu.memory_space<hbm>> -> memref<320x64xf32, #tpu.memory_space<hbm>>
      %dma_start3A_12 = arith.constant 0 : i32
      %dma_start3A_13 = tpu.memref_slice %arg5[%mul3A_2, %dma_start3A_12] : memref<10240x64xf32, #tpu.memory_space<hbm>> -> memref<320x64xf32, #tpu.memory_space<hbm>>
      tpu.enqueue_dma source(%arg6 : memref<320x64xf32, #tpu.memory_space<vmem>>) target(%dma_start3A_13 : memref<320x64xf32, #tpu.memory_space<hbm>>) target_semaphore(%run_scoped3A : memref<!tpu.dma_semaphore, #tpu.memory_space<semaphore_mem>>)
      %dma_wait3A = arith.constant 0 : i32
      %dma_wait3A_14 = tpu.memref_slice %arg5[%mul3A_2, %dma_wait3A] : memref<10240x64xf32, #tpu.memory_space<hbm>> -> memref<320x64xf32, #tpu.memory_space<hbm>>
      %dma_wait3A_15 = arith.constant 0 : i32
      %dma_wait3A_16 = tpu.memref_slice %arg5[%mul3A_2, %dma_wait3A_15] : memref<10240x64xf32, #tpu.memory_space<hbm>> -> memref<320x64xf32, #tpu.memory_space<hbm>>
      tpu.wait_dma2 semaphore(%run_scoped3A : memref<!tpu.dma_semaphore, #tpu.memory_space<semaphore_mem>>) src(%arg6 : memref<320x64xf32, #tpu.memory_space<vmem>>) dst(%dma_wait3A_16 : memref<320x64xf32, #tpu.memory_space<hbm>>)
      tpu.yield
    }) : () -> ()
    return
  }
}

module attributes {stable_mosaic.version = 14 : i64} {
  func.func @_node_pre_body(%arg0: i32, %arg1: memref<1000x128xf32, #tpu.memory_space<vmem>>, %arg2: memref<1000x3xf32, #tpu.memory_space<vmem>>, %arg3: memref<128x64xf32, #tpu.memory_space<vmem>>, %arg4: memref<3x64xf32, #tpu.memory_space<vmem>>, %arg5: memref<1x64xf32, #tpu.memory_space<vmem>>, %arg6: memref<64x64xf32, #tpu.memory_space<vmem>>, %arg7: memref<1000x64xf32, #tpu.memory_space<vmem>>, %arg8: memref<1000x64xf32, #tpu.memory_space<vmem>>, %arg9: memref<1000x64xf32, #tpu.memory_space<vmem>>) attributes {dimension_semantics = [#tpu.dimension_semantics<arbitrary>], iteration_bounds = array<i64: 10>, scalar_prefetch = 0 : i64, scratch_operands = 0 : i64, tpu.core_type = #tpu.core_type<tc>, window_params = [{transform_indices = @transform_0, window_bounds = array<i64: 1000, 128>}, {transform_indices = @transform_1, window_bounds = array<i64: 1000, 3>}, {pipeline_mode = #tpu.pipeline_mode<synchronous>, transform_indices = @transform_2, window_bounds = array<i64: 128, 64>}, {pipeline_mode = #tpu.pipeline_mode<synchronous>, transform_indices = @transform_3, window_bounds = array<i64: 3, 64>}, {pipeline_mode = #tpu.pipeline_mode<synchronous>, transform_indices = @transform_4, window_bounds = array<i64: 1, 64>}, {pipeline_mode = #tpu.pipeline_mode<synchronous>, transform_indices = @transform_5, window_bounds = array<i64: 64, 64>}, {transform_indices = @transform_6, window_bounds = array<i64: 1000, 64>}, {transform_indices = @transform_7, window_bounds = array<i64: 1000, 64>}, {transform_indices = @transform_8, window_bounds = array<i64: 1000, 64>}]} {
    %get3A = arith.constant 0 : index
    %get3A_0 = arith.constant 0 : index
    %get3A_1 = vector.load %arg1[%get3A, %get3A_0] : memref<1000x128xf32, #tpu.memory_space<vmem>>, vector<1000x128xf32>
    %get3A_2 = arith.constant 0 : index
    %get3A_3 = arith.constant 0 : index
    %get3A_4 = vector.load %arg2[%get3A_2, %get3A_3] : memref<1000x3xf32, #tpu.memory_space<vmem>>, vector<1000x3xf32>
    %get3A_5 = arith.constant 0 : index
    %get3A_6 = arith.constant 0 : index
    %get3A_7 = vector.load %arg4[%get3A_5, %get3A_6] : memref<3x64xf32, #tpu.memory_space<vmem>>, vector<3x64xf32>
    %dot_general3A = arith.constant dense<0.000000e+00> : vector<1000x64xf32>
    %dot_general3A_8 = tpu.matmul %get3A_4, %get3A_7, %dot_general3A {dimension_numbers = #tpu.dot_dimension_numbers<[1], [0], [0], [1], [0, 0, 1, 1], [], []>, transpose_lhs_hint = false} : vector<1000x3xf32>, vector<3x64xf32>, vector<1000x64xf32> -> vector<1000x64xf32>
    %get3A_9 = arith.constant 0 : index
    %get3A_10 = arith.constant 0 : index
    %get3A_11 = vector.load %arg3[%get3A_9, %get3A_10] : memref<128x64xf32, #tpu.memory_space<vmem>>, vector<128x64xf32>
    %dot_general3A_12 = arith.constant dense<0.000000e+00> : vector<1000x64xf32>
    %dot_general3A_13 = tpu.matmul %get3A_1, %get3A_11, %dot_general3A_12 {dimension_numbers = #tpu.dot_dimension_numbers<[1], [0], [0], [1], [0, 0, 1, 1], [], []>, transpose_lhs_hint = false} : vector<1000x128xf32>, vector<128x64xf32>, vector<1000x64xf32> -> vector<1000x64xf32>
    %add3A = arith.addf %dot_general3A_13, %dot_general3A_8 : vector<1000x64xf32>
    %get3A_14 = arith.constant 0 : index
    %get3A_15 = arith.constant 0 : index
    %get3A_16 = vector.load %arg5[%get3A_14, %get3A_15] : memref<1x64xf32, #tpu.memory_space<vmem>>, vector<1x64xf32>
    %add3A_17 = vector.broadcast %get3A_16 : vector<1x64xf32> to vector<1000x64xf32>
    %add3A_18 = arith.addf %add3A, %add3A_17 : vector<1000x64xf32>
    %swap3A = arith.constant 0 : index
    %swap3A_19 = arith.constant 0 : index
    %swap3A_20 = vector.load %arg7[%swap3A, %swap3A_19] : memref<1000x64xf32, #tpu.memory_space<vmem>>, vector<1000x64xf32>
    tpu.vector_store %arg7[%swap3A, %swap3A_19], %add3A_18 {strides = array<i32>} : memref<1000x64xf32, #tpu.memory_space<vmem>>, vector<1000x64xf32>,
    %swap3A_21 = arith.constant 0 : index
    %swap3A_22 = arith.constant 0 : index
    %swap3A_23 = vector.load %arg8[%swap3A_21, %swap3A_22] : memref<1000x64xf32, #tpu.memory_space<vmem>>, vector<1000x64xf32>
    tpu.vector_store %arg8[%swap3A_21, %swap3A_22], %dot_general3A_8 {strides = array<i32>} : memref<1000x64xf32, #tpu.memory_space<vmem>>, vector<1000x64xf32>,
    %get3A_24 = arith.constant 0 : index
    %get3A_25 = arith.constant 0 : index
    %get3A_26 = vector.load %arg5[%get3A_24, %get3A_25] : memref<1x64xf32, #tpu.memory_space<vmem>>, vector<1x64xf32>
    %add3A_27 = vector.broadcast %get3A_26 : vector<1x64xf32> to vector<1000x64xf32>
    %add3A_28 = arith.addf %dot_general3A_13, %add3A_27 : vector<1000x64xf32>
    %max3A = arith.constant 0.000000e+00 : f32
    %max3A_29 = vector.broadcast %max3A : f32 to vector<1000x64xf32>
    %max3A_30 = arith.maximumf %add3A_28, %max3A_29 : vector<1000x64xf32>
    %get3A_31 = arith.constant 0 : index
    %get3A_32 = arith.constant 0 : index
    %get3A_33 = vector.load %arg6[%get3A_31, %get3A_32] : memref<64x64xf32, #tpu.memory_space<vmem>>, vector<64x64xf32>
    %dot_general3A_34 = arith.constant dense<0.000000e+00> : vector<1000x64xf32>
    %dot_general3A_35 = tpu.matmul %max3A_30, %get3A_33, %dot_general3A_34 {dimension_numbers = #tpu.dot_dimension_numbers<[1], [0], [0], [1], [0, 0, 1, 1], [], []>, transpose_lhs_hint = false} : vector<1000x64xf32>, vector<64x64xf32>, vector<1000x64xf32> -> vector<1000x64xf32>
    %swap3A_36 = arith.constant 0 : index
    %swap3A_37 = arith.constant 0 : index
    %swap3A_38 = vector.load %arg9[%swap3A_36, %swap3A_37] : memref<1000x64xf32, #tpu.memory_space<vmem>>, vector<1000x64xf32>
    tpu.vector_store %arg9[%swap3A_36, %swap3A_37], %dot_general3A_35 {strides = array<i32>} : memref<1000x64xf32, #tpu.memory_space<vmem>>, vector<1000x64xf32>,
    return
  }
  func.func @transform_0(%arg0: i32) -> (i32, i32) {
    %c0_i32 = arith.constant 0 : i32
    %c0_i32_0 = arith.constant 0 : i32
    return %arg0, %c0_i32 : i32, i32
  }
  func.func @transform_1(%arg0: i32) -> (i32, i32) {
    %c0_i32 = arith.constant 0 : i32
    %c0_i32_0 = arith.constant 0 : i32
    return %arg0, %c0_i32 : i32, i32
  }
  func.func @transform_2(%arg0: i32) -> (i32, i32) {
    %c0_i32 = arith.constant 0 : i32
    %c0_i32_0 = arith.constant 0 : i32
    %c0_i32_1 = arith.constant 0 : i32
    return %c0_i32, %c0_i32_0 : i32, i32
  }
  func.func @transform_3(%arg0: i32) -> (i32, i32) {
    %c0_i32 = arith.constant 0 : i32
    %c0_i32_0 = arith.constant 0 : i32
    %c0_i32_1 = arith.constant 0 : i32
    return %c0_i32, %c0_i32_0 : i32, i32
  }
  func.func @transform_4(%arg0: i32) -> (i32, i32) {
    %c0_i32 = arith.constant 0 : i32
    %c0_i32_0 = arith.constant 0 : i32
    %c0_i32_1 = arith.constant 0 : i32
    return %c0_i32, %c0_i32_0 : i32, i32
  }
  func.func @transform_5(%arg0: i32) -> (i32, i32) {
    %c0_i32 = arith.constant 0 : i32
    %c0_i32_0 = arith.constant 0 : i32
    %c0_i32_1 = arith.constant 0 : i32
    return %c0_i32, %c0_i32_0 : i32, i32
  }
  func.func @transform_6(%arg0: i32) -> (i32, i32) {
    %c0_i32 = arith.constant 0 : i32
    %c0_i32_0 = arith.constant 0 : i32
    return %arg0, %c0_i32 : i32, i32
  }
  func.func @transform_7(%arg0: i32) -> (i32, i32) {
    %c0_i32 = arith.constant 0 : i32
    %c0_i32_0 = arith.constant 0 : i32
    return %arg0, %c0_i32 : i32, i32
  }
  func.func @transform_8(%arg0: i32) -> (i32, i32) {
    %c0_i32 = arith.constant 0 : i32
    %c0_i32_0 = arith.constant 0 : i32
    return %arg0, %c0_i32 : i32, i32
  }
}

module attributes {stable_mosaic.version = 14 : i64} {
  func.func @_edge_mlp_body(%arg0: i32, %arg1: memref<1000x128xf32, #tpu.memory_space<vmem>>, %arg2: memref<128x128xf32, #tpu.memory_space<vmem>>, %arg3: memref<1000x128xf32, #tpu.memory_space<vmem>>) attributes {dimension_semantics = [#tpu.dimension_semantics<arbitrary>], iteration_bounds = array<i64: 160>, scalar_prefetch = 0 : i64, scratch_operands = 0 : i64, tpu.core_type = #tpu.core_type<tc>, window_params = [{transform_indices = @transform_0, window_bounds = array<i64: 1000, 128>}, {pipeline_mode = #tpu.pipeline_mode<synchronous>, transform_indices = @transform_1, window_bounds = array<i64: 128, 128>}, {transform_indices = @transform_2, window_bounds = array<i64: 1000, 128>}]} {
    %get3A = arith.constant 0 : index
    %get3A_0 = arith.constant 0 : index
    %get3A_1 = vector.load %arg1[%get3A, %get3A_0] : memref<1000x128xf32, #tpu.memory_space<vmem>>, vector<1000x128xf32>
    %max3A = arith.constant 0.000000e+00 : f32
    %max3A_2 = vector.broadcast %max3A : f32 to vector<1000x128xf32>
    %max3A_3 = arith.maximumf %get3A_1, %max3A_2 : vector<1000x128xf32>
    %get3A_4 = arith.constant 0 : index
    %get3A_5 = arith.constant 0 : index
    %get3A_6 = vector.load %arg2[%get3A_4, %get3A_5] : memref<128x128xf32, #tpu.memory_space<vmem>>, vector<128x128xf32>
    %dot_general3A = arith.constant dense<0.000000e+00> : vector<1000x128xf32>
    %dot_general3A_7 = tpu.matmul %max3A_3, %get3A_6, %dot_general3A {dimension_numbers = #tpu.dot_dimension_numbers<[1], [0], [0], [1], [0, 0, 1, 1], [], []>, transpose_lhs_hint = false} : vector<1000x128xf32>, vector<128x128xf32>, vector<1000x128xf32> -> vector<1000x128xf32>
    %swap3A = arith.constant 0 : index
    %swap3A_8 = arith.constant 0 : index
    %swap3A_9 = vector.load %arg3[%swap3A, %swap3A_8] : memref<1000x128xf32, #tpu.memory_space<vmem>>, vector<1000x128xf32>
    tpu.vector_store %arg3[%swap3A, %swap3A_8], %dot_general3A_7 {strides = array<i32>} : memref<1000x128xf32, #tpu.memory_space<vmem>>, vector<1000x128xf32>,
    return
  }
  func.func @transform_0(%arg0: i32) -> (i32, i32) {
    %c0_i32 = arith.constant 0 : i32
    %c0_i32_0 = arith.constant 0 : i32
    return %arg0, %c0_i32 : i32, i32
  }
  func.func @transform_1(%arg0: i32) -> (i32, i32) {
    %c0_i32 = arith.constant 0 : i32
    %c0_i32_0 = arith.constant 0 : i32
    %c0_i32_1 = arith.constant 0 : i32
    return %c0_i32, %c0_i32_0 : i32, i32
  }
  func.func @transform_2(%arg0: i32) -> (i32, i32) {
    %c0_i32 = arith.constant 0 : i32
    %c0_i32_0 = arith.constant 0 : i32
    return %arg0, %c0_i32 : i32, i32
  }
}

module attributes {stable_mosaic.version = 14 : i64} {
  func.func @_global_mlp_body(%arg0: i32, %arg1: memref<1000x64xf32, #tpu.memory_space<vmem>>, %arg2: memref<1x64xf32, #tpu.memory_space<vmem>>, %arg3: memref<64x32xf32, #tpu.memory_space<vmem>>, %arg4: memref<1x32xf32, #tpu.memory_space<vmem>>, %arg5: memref<32x128xf32, #tpu.memory_space<vmem>>, %arg6: memref<1x128xf32, #tpu.memory_space<vmem>>, %arg7: memref<128x128xf32, #tpu.memory_space<vmem>>, %arg8: memref<1x128xf32, #tpu.memory_space<vmem>>, %arg9: memref<1000x128xf32, #tpu.memory_space<vmem>>) attributes {dimension_semantics = [#tpu.dimension_semantics<arbitrary>], iteration_bounds = array<i64: 10>, scalar_prefetch = 0 : i64, scratch_operands = 0 : i64, tpu.core_type = #tpu.core_type<tc>, window_params = [{transform_indices = @transform_0, window_bounds = array<i64: 1000, 64>}, {pipeline_mode = #tpu.pipeline_mode<synchronous>, transform_indices = @transform_1, window_bounds = array<i64: 1, 64>}, {pipeline_mode = #tpu.pipeline_mode<synchronous>, transform_indices = @transform_2, window_bounds = array<i64: 64, 32>}, {pipeline_mode = #tpu.pipeline_mode<synchronous>, transform_indices = @transform_3, window_bounds = array<i64: 1, 32>}, {pipeline_mode = #tpu.pipeline_mode<synchronous>, transform_indices = @transform_4, window_bounds = array<i64: 32, 128>}, {pipeline_mode = #tpu.pipeline_mode<synchronous>, transform_indices = @transform_5, window_bounds = array<i64: 1, 128>}, {pipeline_mode = #tpu.pipeline_mode<synchronous>, transform_indices = @transform_6, window_bounds = array<i64: 128, 128>}, {pipeline_mode = #tpu.pipeline_mode<synchronous>, transform_indices = @transform_7, window_bounds = array<i64: 1, 128>}, {transform_indices = @transform_8, window_bounds = array<i64: 1000, 128>}]} {
    %get3A = arith.constant 0 : index
    %get3A_0 = arith.constant 0 : index
    %get3A_1 = vector.load %arg1[%get3A, %get3A_0] : memref<1000x64xf32, #tpu.memory_space<vmem>>, vector<1000x64xf32>
    %get3A_2 = arith.constant 0 : index
    %get3A_3 = arith.constant 0 : index
    %get3A_4 = vector.load %arg2[%get3A_2, %get3A_3] : memref<1x64xf32, #tpu.memory_space<vmem>>, vector<1x64xf32>
    %add3A = vector.broadcast %get3A_4 : vector<1x64xf32> to vector<1000x64xf32>
    %add3A_5 = arith.addf %get3A_1, %add3A : vector<1000x64xf32>
    %get3A_6 = arith.constant 0 : index
    %get3A_7 = arith.constant 0 : index
    %get3A_8 = vector.load %arg3[%get3A_6, %get3A_7] : memref<64x32xf32, #tpu.memory_space<vmem>>, vector<64x32xf32>
    %dot_general3A = arith.constant dense<0.000000e+00> : vector<1000x32xf32>
    %dot_general3A_9 = tpu.matmul %add3A_5, %get3A_8, %dot_general3A {dimension_numbers = #tpu.dot_dimension_numbers<[1], [0], [0], [1], [0, 0, 1, 1], [], []>, transpose_lhs_hint = false} : vector<1000x64xf32>, vector<64x32xf32>, vector<1000x32xf32> -> vector<1000x32xf32>
    %get3A_10 = arith.constant 0 : index
    %get3A_11 = arith.constant 0 : index
    %get3A_12 = vector.load %arg4[%get3A_10, %get3A_11] : memref<1x32xf32, #tpu.memory_space<vmem>>, vector<1x32xf32>
    %add3A_13 = vector.broadcast %get3A_12 : vector<1x32xf32> to vector<1000x32xf32>
    %add3A_14 = arith.addf %dot_general3A_9, %add3A_13 : vector<1000x32xf32>
    %max3A = arith.constant 0.000000e+00 : f32
    %max3A_15 = vector.broadcast %max3A : f32 to vector<1000x32xf32>
    %max3A_16 = arith.maximumf %add3A_14, %max3A_15 : vector<1000x32xf32>
    %get3A_17 = arith.constant 0 : index
    %get3A_18 = arith.constant 0 : index
    %get3A_19 = vector.load %arg5[%get3A_17, %get3A_18] : memref<32x128xf32, #tpu.memory_space<vmem>>, vector<32x128xf32>
    %dot_general3A_20 = arith.constant dense<0.000000e+00> : vector<1000x128xf32>
    %dot_general3A_21 = tpu.matmul %max3A_16, %get3A_19, %dot_general3A_20 {dimension_numbers = #tpu.dot_dimension_numbers<[1], [0], [0], [1], [0, 0, 1, 1], [], []>, transpose_lhs_hint = false} : vector<1000x32xf32>, vector<32x128xf32>, vector<1000x128xf32> -> vector<1000x128xf32>
    %get3A_22 = arith.constant 0 : index
    %get3A_23 = arith.constant 0 : index
    %get3A_24 = vector.load %arg6[%get3A_22, %get3A_23] : memref<1x128xf32, #tpu.memory_space<vmem>>, vector<1x128xf32>
    %add3A_25 = vector.broadcast %get3A_24 : vector<1x128xf32> to vector<1000x128xf32>
    %add3A_26 = arith.addf %dot_general3A_21, %add3A_25 : vector<1000x128xf32>
    %max3A_27 = arith.constant 0.000000e+00 : f32
    %max3A_28 = vector.broadcast %max3A_27 : f32 to vector<1000x128xf32>
    %max3A_29 = arith.maximumf %add3A_26, %max3A_28 : vector<1000x128xf32>
    %get3A_30 = arith.constant 0 : index
    %get3A_31 = arith.constant 0 : index
    %get3A_32 = vector.load %arg7[%get3A_30, %get3A_31] : memref<128x128xf32, #tpu.memory_space<vmem>>, vector<128x128xf32>
    %dot_general3A_33 = arith.constant dense<0.000000e+00> : vector<1000x128xf32>
    %dot_general3A_34 = tpu.matmul %max3A_29, %get3A_32, %dot_general3A_33 {dimension_numbers = #tpu.dot_dimension_numbers<[1], [0], [0], [1], [0, 0, 1, 1], [], []>, transpose_lhs_hint = false} : vector<1000x128xf32>, vector<128x128xf32>, vector<1000x128xf32> -> vector<1000x128xf32>
    %get3A_35 = arith.constant 0 : index
    %get3A_36 = arith.constant 0 : index
    %get3A_37 = vector.load %arg8[%get3A_35, %get3A_36] : memref<1x128xf32, #tpu.memory_space<vmem>>, vector<1x128xf32>
    %add3A_38 = vector.broadcast %get3A_37 : vector<1x128xf32> to vector<1000x128xf32>
    %add3A_39 = arith.addf %dot_general3A_34, %add3A_38 : vector<1000x128xf32>
    %swap3A = arith.constant 0 : index
    %swap3A_40 = arith.constant 0 : index
    %swap3A_41 = vector.load %arg9[%swap3A, %swap3A_40] : memref<1000x128xf32, #tpu.memory_space<vmem>>, vector<1000x128xf32>
    tpu.vector_store %arg9[%swap3A, %swap3A_40], %add3A_39 {strides = array<i32>} : memref<1000x128xf32, #tpu.memory_space<vmem>>, vector<1000x128xf32>,
    return
  }
  func.func @transform_0(%arg0: i32) -> (i32, i32) {
    %c0_i32 = arith.constant 0 : i32
    %c0_i32_0 = arith.constant 0 : i32
    return %arg0, %c0_i32 : i32, i32
  }
  func.func @transform_1(%arg0: i32) -> (i32, i32) {
    %c0_i32 = arith.constant 0 : i32
    %c0_i32_0 = arith.constant 0 : i32
    %c0_i32_1 = arith.constant 0 : i32
    return %c0_i32, %c0_i32_0 : i32, i32
  }
  func.func @transform_2(%arg0: i32) -> (i32, i32) {
    %c0_i32 = arith.constant 0 : i32
    %c0_i32_0 = arith.constant 0 : i32
    %c0_i32_1 = arith.constant 0 : i32
    return %c0_i32, %c0_i32_0 : i32, i32
  }
  func.func @transform_3(%arg0: i32) -> (i32, i32) {
    %c0_i32 = arith.constant 0 : i32
    %c0_i32_0 = arith.constant 0 : i32
    %c0_i32_1 = arith.constant 0 : i32
    return %c0_i32, %c0_i32_0 : i32, i32
  }
  func.func @transform_4(%arg0: i32) -> (i32, i32) {
    %c0_i32 = arith.constant 0 : i32
    %c0_i32_0 = arith.constant 0 : i32
    %c0_i32_1 = arith.constant 0 : i32
    return %c0_i32, %c0_i32_0 : i32, i32
  }
  func.func @transform_5(%arg0: i32) -> (i32, i32) {
    %c0_i32 = arith.constant 0 : i32
    %c0_i32_0 = arith.constant 0 : i32
    %c0_i32_1 = arith.constant 0 : i32
    return %c0_i32, %c0_i32_0 : i32, i32
  }
  func.func @transform_6(%arg0: i32) -> (i32, i32) {
    %c0_i32 = arith.constant 0 : i32
    %c0_i32_0 = arith.constant 0 : i32
    %c0_i32_1 = arith.constant 0 : i32
    return %c0_i32, %c0_i32_0 : i32, i32
  }
  func.func @transform_7(%arg0: i32) -> (i32, i32) {
    %c0_i32 = arith.constant 0 : i32
    %c0_i32_0 = arith.constant 0 : i32
    %c0_i32_1 = arith.constant 0 : i32
    return %c0_i32, %c0_i32_0 : i32, i32
  }
  func.func @transform_8(%arg0: i32) -> (i32, i32) {
    %c0_i32 = arith.constant 0 : i32
    %c0_i32_0 = arith.constant 0 : i32
    return %arg0, %c0_i32 : i32, i32
  }
}

</mosaic_0001>

<sc_bundles>
// kernel: kernel.10.cloned.1.call-start
scs
__scs_entry_jumppad:
0x0: {  	(pc) =	sbr.rel $0x88, $3  }
0x1: {  	(tag) =	ssettag $0x0;
	lr =	simm.s32 $0x1  }
0x2: {  	[smem:$0x3F94] =	sst lr;
	_ =	strace $0xD0000000  }
0x3: {  	_ = 	snop  }
0x4: {  	_ = 	snop  }
0x5: {  	_ = 	snop  }
0x6: {  	_ = 	snop  }
0x7: {  	_ = 	snop  }
__scs_overlays_trampoline_lowered:
0x8: {  	[smem:$0x3FA3] =	sst s0  }
0x9: {  	[smem:$0x3FA4] =	sst s1  }
0xa: {  	[smem:$0x3FA5] =	sst s2  }
0xb: {  	[smem:$0x3FA6] =	sst s3  }
0xc: {  	[smem:$0x3FA7] =	sst s4  }
0xd: {  	[smem:$0x3FA8] =	sst s5  }
0xe: {  	[smem:$0x3FA9] =	sst s6  }
0xf: {  	[smem:$0x3FAA] =	sst s7  }
0x10: {  	[smem:$0x3FAB] =	sst s8  }
0x11: {  	[smem:$0x3FAC] =	sst s9;
	s0 =	simm.s32 @!p0 $0x0  }
0x12: {  	s1 =	sld [smem:$0x3F92];
	s0 =	simm.s32 @p0 $0x1  }
0x13: {  	[smem:$0x3FAD] =	sst s0;
	s0 =	simm.s32 @!p1 $0x0  }
0x14: {  	s2 =	sld [smem:$0x3F91];
	s0 =	simm.s32 @p1 $0x1  }
0x15: {  	[smem:$0x3FAE] =	sst s0;
	s0 =	simm.s32 @!p2 $0x0  }
0x16: {  	s3 =	sld [smem:$0x3FDB];
	s0 =	simm.s32 @p2 $0x1  }
0x17: {  	s4 =	simm.s32 $0x1BF5;
	[smem:$0x3FB0] =	sst s0  }
0x18: {  	s0 =	sld [smem:$0x3F93];
	_ =	swait.ge [sflag:s4], $0x0  }
0x19: {  	s7 =	sld [smem:$0x3F94]  }
0x1a: {  	s8 =	sadd.s32 $0xFFFFE003, lr  }
0x1b: {  	s9 =	sadd.s32 $0xFFFFFEF7, lr;
	s5 =	simm.s32 $0xFFFFFFFF;
	p2 =	slt.u32 s8, $0xFFFFF086  }
0x1c: {  	p1 =	slt.u32 s9, $0xF7A;
	s5 =	simm.s32 @!p2 $0x0  }
0x1d: {  	s5 =	simm.s32 @p1 $0x1;
	p0 =	seq.s32 s7, s2  }
0x1e: {  	s7 =	smul.u32 @!p0 $0xF7A, s2;
	p2 =	seq.s32 @!p0 s5, $0x0  }
0x1f: {  	s9 =	smul.u32 $0xF7A, s1;
	s8 =	simm.s32 @!p0 $0x1BF5;
	p2 =	por !p2, p0  }
0x20: {  	[sflag:s8] =	ssyncset.s32 @!p0 $0xFFFFF086;
	s6 =	sadd.s32 @!p0 s3, s7;
	s7 =	simm.s32 @!p0 $0x108  }
0x21: {  	s3 =	sadd.s32 s3, s9;
	s6 =	sadd.s32 @!p0 $0x88, s6;
	s7 =	simm.s32 @p2 $0x1082  }
0x22: {  	[simem:s7], [sflag:s8] =	dma.local @!p0 [hbm:s6], $0xF7A  }
0x23: {  	s9 =	sor.u32 $0xD0000000, s2;
	s6 =	simm.s32 $0x108;
	_ =	swait.ge @!p0 [sflag:s8], $0x0  }
0x24: {  	s3 =	sadd.s32 $0x88, s3;
	s6 =	simm.s32 @!p1 $0x1082;
	[sflag:s4] =	ssyncset.s32 $0xFFFFF086  }
0x25: {  	[simem:s6], [sflag:s4] =	dma.local [hbm:s3], $0xF7A  }
0x26: {  	[smem:$0x3F94] =	sst s1;
	(tag) =	ssettag s2;
	_ =	strace s9  }
0x27: {  	s1 =	sld [smem:$0x3FA4]  }
0x28: {  	s2 =	sld [smem:$0x3FA5]  }
0x29: {  	s4 =	sld [smem:$0x3FA7]  }
0x2a: {  	p0 =	seq.s32 s5, $0x0;
	s5 =	sld [smem:$0x3FA8]  }
0x2b: {  	s6 =	sld [smem:$0x3FA9]  }
0x2c: {  	s7 =	sld [smem:$0x3FAA]  }
0x2d: {  	s3 =	simm.s32 $0x108;
	s8 =	sld [smem:$0x3FAB]  }
0x2e: {  	s3 =	simm.s32 @!p0 $0x1082;
	s9 =	sld [smem:$0x3FAC]  }
0x2f: {  	lr =	sadd.s32 s0, s3;
	s0 =	sld [smem:$0x3FA3]  }
0x30: {  	s3 =	sld [smem:$0x3FA6]  }
0x31: {  	[smem:$0x3FAF] =	sst s10  }
0x32: {  	s10 =	sld [smem:$0x3FAD];
	_ =	sdelay $0x3  }
0x33: {  	p0 =	seq.s32 s10, $0x1;
	s10 =	sld [smem:$0x3FAF];
	_ =	sdelay $0x3  }
0x34: {  	[smem:$0x3FAF] =	sst s10  }
0x35: {  	s10 =	sld [smem:$0x3FAE];
	_ =	sdelay $0x3  }
0x36: {  	p1 =	seq.s32 s10, $0x1;
	s10 =	sld [smem:$0x3FAF];
	_ =	sdelay $0x3  }
0x37: {  	[smem:$0x3FAF] =	sst s10  }
0x38: {  	s10 =	sld [smem:$0x3FB0]  }
0x39: {  	_ = 	snop;
	(pc) =	sbr.ind lr, $3  }
0x3a: {  	_ = 	snop  }
0x3b: {  	_ = 	snop  }
0x3c: {  	p2 =	seq.s32 s10, $0x1;
	s10 =	sld [smem:$0x3FAF]  }
0x3d: {  	_ =	shalt  }
0x3e: {  	_ =	shalt  }
0x3f: {  	_ =	shalt  }
0x40: {  	_ =	shalt  }
0x41: {  	_ =	shalt  }
0x42: {  	_ =	shalt  }
0x43: {  	_ =	shalt  }
0x44: {  	_ =	shalt  }
0x45: {  	_ =	shalt  }
0x46: {  	_ =	shalt  }
0x47: {  	_ =	shalt  }
0x48: {  	_ =	shalt  }
0x49: {  	_ =	shalt  }
0x4a: {  	_ =	shalt  }
0x4b: {  	_ =	shalt  }
0x4c: {  	_ =	shalt  }
0x4d: {  	_ =	shalt  }
0x4e: {  	_ =	shalt  }
0x4f: {  	_ =	shalt  }
0x50: {  	_ =	shalt  }
0x51: {  	_ =	shalt  }
0x52: {  	_ =	shalt  }
0x53: {  	_ =	shalt  }
0x54: {  	_ =	shalt  }
0x55: {  	_ =	shalt  }
0x56: {  	_ =	shalt  }
0x57: {  	_ =	shalt  }
0x58: {  	_ =	shalt  }
0x59: {  	_ =	shalt  }
0x5a: {  	_ =	shalt  }
0x5b: {  	_ =	shalt  }
0x5c: {  	_ =	shalt  }
0x5d: {  	_ =	shalt  }
0x5e: {  	_ =	shalt  }
0x5f: {  	_ =	shalt  }
0x60: {  	_ =	shalt  }
0x61: {  	_ =	shalt  }
0x62: {  	_ =	shalt  }
0x63: {  	_ =	shalt  }
0x64: {  	_ =	shalt  }
0x65: {  	_ =	shalt  }
0x66: {  	_ =	shalt  }
0x67: {  	_ =	shalt  }
0x68: {  	_ =	shalt  }
0x69: {  	_ =	shalt  }
0x6a: {  	_ =	shalt  }
0x6b: {  	_ =	shalt  }
0x6c: {  	_ =	shalt  }
0x6d: {  	_ =	shalt  }
0x6e: {  	_ =	shalt  }
0x6f: {  	_ =	shalt  }
0x70: {  	_ =	shalt  }
0x71: {  	_ =	shalt  }
0x72: {  	_ =	shalt  }
0x73: {  	_ =	shalt  }
0x74: {  	_ =	shalt  }
0x75: {  	_ =	shalt  }
0x76: {  	_ =	shalt  }
0x77: {  	_ =	shalt  }
0x78: {  	_ =	shalt  }
0x79: {  	_ =	shalt  }
0x7a: {  	_ =	shalt  }
0x7b: {  	_ =	shalt  }
0x7c: {  	_ =	shalt  }
0x7d: {  	_ =	shalt  }
0x7e: {  	_ =	shalt  }
0x7f: {  	_ =	shalt  }
0x80: {  	_ =	shalt  }
0x81: {  	_ =	shalt  }
0x82: {  	_ =	shalt  }
0x83: {  	_ =	shalt  }
0x84: {  	_ =	shalt  }
0x85: {  	_ =	shalt  }
0x86: {  	_ =	shalt  }
0x87: {  	_ =	shalt  }
.Lfunc_end0:
.L_simem_size_0:
called_computation.1_lowered:
.L_overlay_start_0:
0x88: {  	s2 =	sld [smem:$0x3FD9]  }
0x89: {  	s3 =	sld [smem:$0x3FFE];
	_ =	sdelay $0x1  }
0x8a: {  	s1 =	srdreg.scid  }
0x8b: {  	s0 =	sand.u32 $0x1, s1  }
0x8c: {  	s16 =	sshll.u32 s0, $0xA;
	s2 =	sadd.s32 s3, s2  }
0x8d: {  	s2 =	sadd.s32 s2, s16  }
0x8e: {  	[smem:$0x3FBB] =	sst s2  }
0x8f: {  	_ = 	snop  }
0x90: {  	(tm) =	ssettm $0x1  }
0x91: {  	s17 =	sld [smem:$0x3FFB];
	_ =	sdelay $0x3  }
0x92: {  	_ =	strace s17  }
0x93: {  	s2 =	sld [smem:$0x3FFC];
	_ =	sdelay $0x3  }
0x94: {  	_ =	strace s2  }
0x95: {  	s2 =	sld [smem:$0x3FFD];
	_ =	sdelay $0x3  }
0x96: {  	_ =	strace s2  }
0x97: {  	_ =	strace $0x8FFFFFFF  }
0x98: {  	s18 =	sld [smem:$0x3FDB];
	_ =	sdelay $0x1  }
0x99: {  	s19 =	simm.s32 $_scs_section_size  }
0x9a: {  	s4 =	simm.s32 $_size__tile_overlayer_lowered;
	s5 =	simm.s32 $_tile_overlayer_lowered  }
0x9b: {  	s22 =	simm.s32 $0x1BFF;
	s21 =	sshll.u32 s5, $0x1;
	s2 =	sadd.s32 s19, s18  }
0x9c: {  	s6 =	simm.s32 $0x0;
	s20 =	sshll.u32 s4, $0x1;
	s4 =	sadd.s32 s21, s2  }
0x9d: {  	[timem:s6], [sflag:s22] =	dma.local [hbm:s4], s20  }
0x9e: {  	_ =	swait.ge [sflag:s22], s20  }
0x9f: {  	s3 =	ssub.s32 $0x0, s20;
	[sflag:s22] =	ssyncset.done $0x0  }
0xa0: {  	[sflag:s22] =	ssyncadd.s32 s3;
	_ =	sdelay $0x1  }
0xa1: {  	s23 =	simm.s32 $0x1B8B  }
0xa2: {  	_ =	swait.ge [sflag:s23], $0x1  }
0xa3: {  	[sflag:s23] =	ssyncset.done $0x0  }
0xa4: {  	s25 =	simm.s32 $0x1B8E;
	s24 =	sld [smem:$0x3FFE];
	[sflag:s23] =	ssyncadd.s32 $0xFFFFFFFF  }
0xa5: {  	s26 =	simm.s32 $execute0_lowered;
	[smem:$0x3FD2] =	sst s25  }
0xa6: {  	s4 =	sshll.u32 s26, $0x1;
	_ =	strace $0x80000049;
	[dreg:$0x1] =	wrdreg $0xFFFFFFFF  }
0xa7: {  	s28 =	simm.s32 $_size_execute0_lowered;
	s2 =	sadd.s32 s2, s4;
	[dreg:$0x0] =	wrdreg $0x0  }
0xa8: {  	s4 =	sshll.u32 s28, $0x1;
	[dreg:$0x2] =	wrdreg s2  }
0xa9: {  	[dreg:$0x3] =	wrdreg s4  }
0xaa: {  	[dreg:$0x4] =	wrdreg $0xC0  }
0xab: {  	_ =	task [dreg:s6], $0x5FFFF  }
0xac: {  	[dreg:$0x1] =	wrdreg $0xFFFFFFFF  }
0xad: {  	[dreg:$0x0] =	wrdreg $0x60  }
0xae: {  	[dreg:$0x2] =	wrdreg s24  }
0xaf: {  	[dreg:$0x3] =	wrdreg $0x9  }
0xb0: {  	_ =	task.clear_ibuf [dreg:s6], $0x4FFFF;
	_ =	strace $0x90000049  }
0xb1: {  	s29 =	simm.s32 $0x9;
	_ =	strace $0x8000004B  }
0xb2: {  	_ =	swait.ge [sflag:s29], $0x1  }
0xb3: {  	[sflag:s29] =	ssyncadd.s32 $0xFFFFFFFF  }
0xb4: {  	_ =	strace $0x9000004B  }
0xb5: {  	_ =	sfence  }
0xb6: {  	s30 =	sld [smem:$0x0];
	_ =	sdelay $0x2  }
0xb7: {  	s31 =	sshll.u32 s1, $0xD;
	s1 =	sshrl.u32 s1, $0x2  }
0xb8: {  	s3 =	sand.u32 $0x4000, s31;
	s1 =	sadd.s32 s1, s30  }
0xb9: {  	s0 =	sor.u32 s3, s0;
	s1 =	sshll.u32 s1, $0x11  }
0xba: {  	s0 =	sor.u32 s1, s0  }
0xbb: {  	s0 =	sadd.s32 $0x8F2B, s0  }
0xbc: {  	[sflag:s0] =	ssyncadd.remote.s32 $0x1  }
0xbd: {  	_ =	sfence.sel $0xFFFF  }
0xbe: {  	[dreg:$0x0] =	wrdreg $0xFFFFFFFF;
	(pc) =	sbr.abs _section_cstart, $3  }
0xbf: {  	[dreg:$0x1] =	wrdreg $0xFFFFFFFF  }
0xc0: {  	_ =	task.clear_ibuf [dreg:s6], $0x2FFFF;
	_ =	strace $0x9FFFFFFF  }
0xc1: {  	(tm) =	ssettm $0x7FFFFFFF  }
tec
execute0_lowered:
.L_overlay_start_1:
0x0: {  	(tag) =	ssettag $0x1  }
0x1: {  	s0 =	srdreg.scid  }
0x2: {  	s2 =	stileid.u32;
	s1 =	rddreg [dreg:$0x0]  }
0x3: {  	s6 =	simm.s32 $0x0;
	s10 =	simm.s32 $0xBF80;
	s11 =	simm.s32 $0x13F80  }
0x4: {  	s0 =	sand.u32 $0x1, s0;
	s2 =	sshll.u32 s2, $0x1;
	[smem:$0x7FF] =	sst s6  }
0x5: {  	s3 =	sadd.s32 $0x2AF000, s1;
	s2 =	sor.u32 s0, s2;
	s0 =	ssub.s32 $0x2, s0  }
0x6: {  	s7 =	sadd.s32 $0xC200, s1;
	s4 =	smul.u32 $0x1400, s2;
	s5 =	sshrl.u32 s0, $0x1  }
.Ltmp0:
0x7: {  	_ =	strace $0x8000004A;
	s0 =	ssub.s32 s0, s5;
	(pc) =	sbr.rel .LBB2_1-.Ltmp0, $4  }
0x8: {  	[dreg:$0x2] =	wrdreg s7;
	s1 =	sadd.s32 s4, s1;
	s0 =	smax.u32 s0, $0x1  }
0x9: {  	v0 =	vlaneseq.u32;
	s30 =	smul.u32 $0x140, s2;
	s31 =	sadd.s32 $0x287000, s1;
	[dreg:$0x5] =	wrdreg s0  }
0xa: {  	v3 =	vimm.s32 $0x0;
	v4 =	vand.u32 $0x1, v0;
	s2 =	sshll.u32 s2, $0x7;
	s1 =	sadd.s32 $0x16000, s1;
	[dreg:$0x3] =	wrdreg s31  }
0xb: {  	v4 =	vmul.u32 $0x10000, v4;
	s5 =	simm.s32 $0x9;
	v2 =	vor.u32 s2, v0;
	v1 =	vmov s30;
	[dreg:$0x4] =	wrdreg s1;
	s1 =	simm.s32 $0x0  }
.LBB2_82:
0xc: {  	s6 =	simm.s32 $0x0;
	s0 =	rddreg [dreg:$0x4]  }
0xd: {  	[hbm4b:s0+s6] =	stream.linear.scatter [tilespmem:s6], [sflag:$0x9], $0xA000, $0x38;
	[tilespmem:$0x1DF80] =	vst v63  }
0xe: {  	_ =	swait.ge [sflag:s5], $0xA000  }
0xf: {  	s1 =	rddreg [dreg:$0x6]  }
0x10: {  	s31 =	rddreg [dreg:$0x5];
	s1 =	sadd.s32 $0x1, s1  }
0x11: {  	p0 =	sne.s32 s1, s31  }
.Ltmp1:
0x12: {  	_ = 	snop;
	(pc) =	sbr.rel @!p0 .LBB2_83-.Ltmp1, $3  }
0x13: {  	_ =	sdelay $0x1  }
0x14: {  	[sflag:s5] =	ssyncset.done $0x0  }
0x15: {  	[sflag:s5] =	ssyncadd.s32 $0xFFFF6000  }
.LBB2_1:
0x16: {  	[dreg:$0x6] =	wrdreg s1  }
.Ltmp2:
0x17: {  	s0 =	rddreg [dreg:$0x3];
	(pc) =	sbr.rel .LBB2_2-.Ltmp2, $4  }
0x18: {  	[tilespmem:s6], [sflag:$0x9] =	stream.linear.gather [hbm4b:s0+s6], $0xA000, $0x38;
	[tilespmem:$0x1DF80] =	vst v63  }
0x19: {  	_ =	swait.ge [sflag:s5], $0xA000  }
0x1a: {  	[sflag:s5] =	ssyncset.done $0x0  }
0x1b: {  	s24 =	simm.s32 $0x0;
	s0 =	simm.s32 $0x0;
	[sflag:s5] =	ssyncadd.s32 $0xFFFF6000  }
.LBB2_81:
0x1c: {  	s0 =	rddreg [dreg:$0x7]  }
0x1d: {  	s0 =	sadd.s32 $0x1, s0  }
0x1e: {  	p0 =	sne.s32 s0, $0x28  }
.Ltmp3:
0x1f: {  	_ = 	snop;
	(pc) =	sbr.rel @!p0 .LBB2_82-.Ltmp3, $2  }
0x20: {  	_ =	sdelay $0x2  }
0x21: {  	s24 =	sadd.s32 $0x1F40, s24;
	s5 =	simm.s32 $0x9  }
.LBB2_2:
0x22: {  	s19 =	smul.u32 $0x1F40, s0  }
0x23: {  	[dreg:$0x7] =	wrdreg s0  }
0x24: {  	s1 =	rddreg [dreg:$0x2];
	s0 =	sshrl.u32 s19, $0x3  }
0x25: {  	s20 =	simm.s32 $0x0;
	s2 =	simm.s32 $0xA000;
	s0 =	sadd.s32 s1, s0  }
0x26: {  	[tilespmem:s2], [sflag:$0x9] =	stream.linear.gather [hbm4b:s0+s20], $0x1F40, $0x38;
	[tilespmem:$0x1DF80] =	vst v63  }
0x27: {  	_ =	swait.ge [sflag:s5], $0x1F40  }
0x28: {  	[sflag:s5] =	ssyncset.done $0x0  }
0x29: {  	s21 =	simm.s32 $0xA020;
	[sflag:s5] =	ssyncadd.s32 $0xFFFFE0C0  }
0x2a: {  	v5 =	vld [tilespmem:s21+$0xFFFFFFE0];
	_ =	sdelay $0x4  }
0x2b: {  	v5 =	vsub.s32 v5, v1  }
0x2c: {  	vm0 =	vlt.u32 v5, $0x140  }
0x2d: {  	v6 =	vsel vm0, $0x1, v3  }
0x2e: {  	(xrf0) =	vadd.scan.msk.s32 $0xffff, v6;
	_ =	sdelay $0x5  }
0x2f: {  	s22 =	simm.s32 $0xFFFFFFFF;
	v6, _, _ =	vpop (xrf0)  }
0x30: {  	v7 =	vadd.s32 s22, v6  }
0x31: {  	v8 =	vshll.u32 v7, $0x2  }
0x32: {  	v9 =	vand.u32 $0x1F, v7;
	v8 =	vand.u32 $0xFFFFFF80, v8  }
0x33: {  	v8 =	vor.u32 v9, v8;
	_ =	sdelay $0x1  }
0x34: {  	s23 =	sadd.s32 $0x0, s24  }
0x35: {  	v55 =	vor.u32 s23, v0  }
0x36: {  	(v2sf) =	vpush v6, $0xF;
	v6 =	vshrl.u32 v55, $0x1  }
0x37: {  	v5 =	vor.u32 v4, v5;
	[tilespmem:v8+s10+$0x0] =	vst.idx.msk vm0, v6  }
0x38: {  	[tilespmem:v7+s11+$0x0] =	vst.idx.msk vm0, v5  }
0x39: {  	v5 =	vld [tilespmem:s21+$0xFFFFFFF0];
	_ =	sdelay $0x4  }
0x3a: {  	v5 =	vsub.s32 v5, v1  }
0x3b: {  	vm13 =	vlt.u32 v5, $0x140  }
0x3c: {  	v6 =	vsel vm13, $0x1, v3  }
0x3d: {  	(xrf0) =	vadd.scan.msk.s32 $0xffff, v6;
	_ =	sdelay $0x3  }
0x3e: {  	s25 =	spop (v2sf)  }
0x3f: {  	s2 =	sadd.s32 $0x0, s25  }
0x40: {  	s4 =	sadd.s32 $0xFFFFFFFF, s2;
	v6, _, _ =	vpop (xrf0)  }
0x41: {  	v7 =	vadd.s32 s4, v6  }
0x42: {  	v56 =	vshll.u32 v7, $0x2  }
0x43: {  	v57 =	vand.u32 $0x1F, v7;
	v8 =	vand.u32 $0xFFFFFF80, v56  }
0x44: {  	v8 =	vor.u32 v57, v8;
	_ =	sdelay $0x1  }
0x45: {  	s26 =	sadd.s32 $0x10, s23  }
0x46: {  	v58 =	vor.u32 s26, v0  }
0x47: {  	(v2sf) =	vpush v6, $0xF;
	v6 =	vshrl.u32 v58, $0x1  }
0x48: {  	v5 =	vor.u32 v4, v5;
	[tilespmem:v8+s10+$0x0] =	vst.idx.msk vm13, v6  }
0x49: {  	[tilespmem:v7+s11+$0x0] =	vst.idx.msk vm13, v5  }
0x4a: {  	v5 =	vld [tilespmem:s21+$0x0];
	_ =	sdelay $0x4  }
0x4b: {  	v5 =	vsub.s32 v5, v1  }
0x4c: {  	vm14 =	vlt.u32 v5, $0x140  }
0x4d: {  	v6 =	vsel vm14, $0x1, v3  }
0x4e: {  	(xrf0) =	vadd.scan.msk.s32 $0xffff, v6;
	_ =	sdelay $0x3  }
0x4f: {  	s28 =	spop (v2sf)  }
0x50: {  	s2 =	sadd.s32 s2, s28  }
0x51: {  	s4 =	sadd.s32 $0xFFFFFFFF, s2;
	v6, _, _ =	vpop (xrf0)  }
0x52: {  	v7 =	vadd.s32 s4, v6  }
0x53: {  	v59 =	vshll.u32 v7, $0x2  }
0x54: {  	v60 =	vand.u32 $0x1F, v7;
	v8 =	vand.u32 $0xFFFFFF80, v59  }
0x55: {  	v8 =	vor.u32 v60, v8;
	_ =	sdelay $0x1  }
0x56: {  	s29 =	sadd.s32 $0x20, s23  }
0x57: {  	v61 =	vor.u32 s29, v0  }
0x58: {  	(v2sf) =	vpush v6, $0xF;
	v6 =	vshrl.u32 v61, $0x1  }
0x59: {  	v5 =	vor.u32 v4, v5;
	[tilespmem:v8+s10+$0x0] =	vst.idx.msk vm14, v6  }
0x5a: {  	[tilespmem:v7+s11+$0x0] =	vst.idx.msk vm14, v5  }
0x5b: {  	v5 =	vld [tilespmem:s21+$0x10];
	_ =	sdelay $0x4  }
0x5c: {  	v5 =	vsub.s32 v5, v1  }
0x5d: {  	vm15 =	vlt.u32 v5, $0x140  }
0x5e: {  	v6 =	vsel vm15, $0x1, v3  }
0x5f: {  	(xrf0) =	vadd.scan.msk.s32 $0xffff, v6;
	_ =	sdelay $0x3  }
0x60: {  	s30 =	spop (v2sf)  }
0x61: {  	s4 =	sadd.s32 s2, s30  }
0x62: {  	s0 =	sadd.s32 $0xFFFFFFFF, s4;
	v6, _, _ =	vpop (xrf0)  }
0x63: {  	v7 =	vadd.s32 s0, v6;
	(v2sf) =	vpush v6, $0xF  }
0x64: {  	v6 =	vshll.u32 v7, $0x2  }
0x65: {  	v62 =	vand.u32 $0x1F, v7;
	v6 =	vand.u32 $0xFFFFFF80, v6  }
0x66: {  	v6 =	vor.u32 v62, v6;
	_ =	sdelay $0x1  }
0x67: {  	s31 =	sadd.s32 $0x30, s23  }
0x68: {  	v63 =	vor.u32 s31, v0  }
0x69: {  	v8 =	vshrl.u32 v63, $0x1  }
0x6a: {  	v5 =	vor.u32 v4, v5;
	[tilespmem:v6+s10+$0x0] =	vst.idx.msk vm15, v8  }
0x6b: {  	s0 =	simm.s32 $0xA060;
	[tilespmem:v7+s11+$0x0] =	vst.idx.msk vm15, v5  }
0x6c: {  	v5 =	vld [tilespmem:s0+$0xFFFFFFE0];
	_ =	sdelay $0x4  }
0x6d: {  	s1 =	simm.s32 $0x40;
	s2 =	simm.s32 $0x80;
	v5 =	vsub.s32 v5, v1;
	s5 =	spop (v2sf)  }
.LBB2_3:
0x6e: {  	p0 =	seq.s32 s2, $0x1F00  }
0x6f: {  	vm0 =	vlt.u32 v5, $0x140;
	s4 =	sadd.s32 s4, s5;
	s5 =	smov.u32 s2;
	s2 =	sadd.s32 $0x40, s2  }
0x70: {  	v6 =	vsel vm0, $0x1, v3  }
0x71: {  	(xrf0) =	vadd.scan.msk.s32 $0xffff, v6;
	_ =	sdelay $0x5  }
0x72: {  	s6 =	sadd.s32 $0xFFFFFFFF, s4;
	v6, _, _ =	vpop (xrf0)  }
0x73: {  	v7 =	vadd.s32 s6, v6;
	(v2sf) =	vpush v6, $0xF  }
0x74: {  	v6 =	vshll.u32 v7, $0x2  }
0x75: {  	v8 =	vand.u32 $0x1F, v7;
	v6 =	vand.u32 $0xFFFFFF80, v6  }
0x76: {  	v6 =	vor.u32 v8, v6;
	_ =	sdelay $0x1  }
0x77: {  	s6 =	sadd.s32 s1, s24;
	s1 =	smov.u32 s5  }
0x78: {  	s5 =	sadd.s32 $0x10, s6;
	s7 =	sadd.s32 $0x20, s6;
	v8 =	vor.u32 s6, v0;
	s6 =	sadd.s32 $0x30, s6  }
0x79: {  	v9 =	vor.u32 s5, v0;
	v10 =	vor.u32 s7, v0;
	v8 =	vshrl.u32 v8, $0x1  }
0x7a: {  	v11 =	vor.u32 v4, v5;
	v5 =	vor.u32 s6, v0;
	[tilespmem:v6+s10+$0x0] =	vst.idx.msk vm0, v8  }
0x7b: {  	[tilespmem:v7+s11+$0x0] =	vst.idx.msk vm0, v11  }
0x7c: {  	v6 =	vld [tilespmem:s0+$0xFFFFFFF0];
	_ =	sdelay $0x4  }
0x7d: {  	v6 =	vsub.s32 v6, v1;
	s5 =	spop (v2sf)  }
0x7e: {  	s4 =	sadd.s32 s4, s5;
	vm0 =	vlt.u32 v6, $0x140  }
0x7f: {  	v7 =	vsel vm0, $0x1, v3  }
0x80: {  	(xrf0) =	vadd.scan.msk.s32 $0xffff, v7;
	_ =	sdelay $0x5  }
0x81: {  	s5 =	sadd.s32 $0xFFFFFFFF, s4;
	v7, _, _ =	vpop (xrf0)  }
0x82: {  	v8 =	vadd.s32 s5, v7;
	(v2sf) =	vpush v7, $0xF  }
0x83: {  	v7 =	vshll.u32 v8, $0x2  }
0x84: {  	v11 =	vand.u32 $0x1F, v8;
	v7 =	vand.u32 $0xFFFFFF80, v7  }
0x85: {  	v7 =	vor.u32 v11, v7;
	_ =	sdelay $0x3  }
0x86: {  	v9 =	vshrl.u32 v9, $0x1  }
0x87: {  	v6 =	vor.u32 v4, v6;
	[tilespmem:v7+s10+$0x0] =	vst.idx.msk vm0, v9  }
0x88: {  	[tilespmem:v8+s11+$0x0] =	vst.idx.msk vm0, v6  }
0x89: {  	v6 =	vld [tilespmem:s0+$0x0];
	_ =	sdelay $0x4  }
0x8a: {  	v6 =	vsub.s32 v6, v1;
	s5 =	spop (v2sf)  }
0x8b: {  	s4 =	sadd.s32 s4, s5;
	vm0 =	vlt.u32 v6, $0x140  }
0x8c: {  	v7 =	vsel vm0, $0x1, v3  }
0x8d: {  	(xrf0) =	vadd.scan.msk.s32 $0xffff, v7;
	_ =	sdelay $0x5  }
0x8e: {  	s5 =	sadd.s32 $0xFFFFFFFF, s4;
	v7, _, _ =	vpop (xrf0)  }
0x8f: {  	v8 =	vadd.s32 s5, v7;
	(v2sf) =	vpush v7, $0xF  }
0x90: {  	v7 =	vshll.u32 v8, $0x2  }
0x91: {  	v9 =	vand.u32 $0x1F, v8;
	v7 =	vand.u32 $0xFFFFFF80, v7  }
0x92: {  	v7 =	vor.u32 v9, v7;
	_ =	sdelay $0x3  }
0x93: {  	v9 =	vshrl.u32 v10, $0x1  }
0x94: {  	v6 =	vor.u32 v4, v6;
	[tilespmem:v7+s10+$0x0] =	vst.idx.msk vm0, v9  }
0x95: {  	[tilespmem:v8+s11+$0x0] =	vst.idx.msk vm0, v6  }
0x96: {  	v6 =	vld [tilespmem:s0+$0x10];
	_ =	sdelay $0x4  }
0x97: {  	v6 =	vsub.s32 v6, v1;
	s5 =	spop (v2sf)  }
0x98: {  	s4 =	sadd.s32 s4, s5;
	vm0 =	vlt.u32 v6, $0x140  }
0x99: {  	v7 =	vsel vm0, $0x1, v3  }
0x9a: {  	(xrf0) =	vadd.scan.msk.s32 $0xffff, v7;
	_ =	sdelay $0x5  }
0x9b: {  	s5 =	sadd.s32 $0xFFFFFFFF, s4;
	v7, _, _ =	vpop (xrf0)  }
0x9c: {  	v8 =	vadd.s32 s5, v7;
	(v2sf) =	vpush v7, $0xF  }
0x9d: {  	v7 =	vshll.u32 v8, $0x2  }
0x9e: {  	v9 =	vand.u32 $0x1F, v8;
	v7 =	vand.u32 $0xFFFFFF80, v7  }
0x9f: {  	v7 =	vor.u32 v9, v7;
	_ =	sdelay $0x3  }
0xa0: {  	v5 =	vshrl.u32 v5, $0x1  }
0xa1: {  	v6 =	vor.u32 v4, v6;
	[tilespmem:v7+s10+$0x0] =	vst.idx.msk vm0, v5  }
0xa2: {  	s0 =	sadd.s32 $0x40, s0;
	[tilespmem:v8+s11+$0x0] =	vst.idx.msk vm0, v6  }
0xa3: {  	v5 =	vld [tilespmem:s0+$0xFFFFFFE0]  }
.Ltmp4:
0xa4: {  	(pc) =	sbr.rel @!p0 .LBB2_3-.Ltmp4, $2  }
0xa5: {  	_ =	sdelay $0x2  }
0xa6: {  	v5 =	vsub.s32 v5, v1;
	s5 =	spop (v2sf)  }
0xa7: {  	vm0 =	vlt.u32 v5, $0x140  }
0xa8: {  	v6 =	vsel vm0, $0x1, v3  }
0xa9: {  	(xrf0) =	vadd.scan.msk.s32 $0xffff, v6;
	_ =	sdelay $0x4  }
0xaa: {  	s2 =	sadd.s32 s4, s5  }
0xab: {  	s4 =	sadd.s32 $0xFFFFFFFF, s2;
	v6, _, _ =	vpop (xrf0)  }
0xac: {  	v7 =	vadd.s32 s4, v6  }
0xad: {  	v8 =	vshll.u32 v7, $0x2  }
0xae: {  	v9 =	vand.u32 $0x1F, v7;
	v8 =	vand.u32 $0xFFFFFF80, v8  }
0xaf: {  	v8 =	vor.u32 v9, v8;
	_ =	sdelay $0x1  }
0xb0: {  	s23 =	sadd.s32 s1, s24  }
0xb1: {  	v54 =	vor.u32 s23, v0  }
0xb2: {  	(v2sf) =	vpush v6, $0xF;
	v6 =	vshrl.u32 v54, $0x1  }
0xb3: {  	v5 =	vor.u32 v4, v5;
	[tilespmem:v8+s10+$0x0] =	vst.idx.msk vm0, v6  }
0xb4: {  	[tilespmem:v7+s11+$0x0] =	vst.idx.msk vm0, v5  }
0xb5: {  	v5 =	vld [tilespmem:s0+$0xFFFFFFF0];
	_ =	sdelay $0x4  }
0xb6: {  	v5 =	vsub.s32 v5, v1  }
0xb7: {  	vm13 =	vlt.u32 v5, $0x140  }
0xb8: {  	v6 =	vsel vm13, $0x1, v3  }
0xb9: {  	(xrf0) =	vadd.scan.msk.s32 $0xffff, v6;
	_ =	sdelay $0x3  }
0xba: {  	s1 =	spop (v2sf)  }
0xbb: {  	s6 =	sadd.s32 s2, s1  }
0xbc: {  	s25 =	sadd.s32 $0xFFFFFFFF, s6;
	v6, _, _ =	vpop (xrf0)  }
0xbd: {  	v7 =	vadd.s32 s25, v6  }
0xbe: {  	v55 =	vshll.u32 v7, $0x2  }
0xbf: {  	v56 =	vand.u32 $0x1F, v7;
	v8 =	vand.u32 $0xFFFFFF80, v55  }
0xc0: {  	v8 =	vor.u32 v56, v8;
	_ =	sdelay $0x1  }
0xc1: {  	s26 =	sadd.s32 $0x10, s23  }
0xc2: {  	v57 =	vor.u32 s26, v0  }
0xc3: {  	(v2sf) =	vpush v6, $0xF;
	v6 =	vshrl.u32 v57, $0x1  }
0xc4: {  	v5 =	vor.u32 v4, v5;
	[tilespmem:v8+s10+$0x0] =	vst.idx.msk vm13, v6  }
0xc5: {  	[tilespmem:v7+s11+$0x0] =	vst.idx.msk vm13, v5  }
0xc6: {  	v5 =	vld [tilespmem:s0+$0x0];
	_ =	sdelay $0x4  }
0xc7: {  	v5 =	vsub.s32 v5, v1  }
0xc8: {  	vm14 =	vlt.u32 v5, $0x140  }
0xc9: {  	v6 =	vsel vm14, $0x1, v3  }
0xca: {  	(xrf0) =	vadd.scan.msk.s32 $0xffff, v6;
	_ =	sdelay $0x3  }
0xcb: {  	s4 =	spop (v2sf)  }
0xcc: {  	s6 =	sadd.s32 s6, s4  }
0xcd: {  	s7 =	sadd.s32 $0xFFFFFFFF, s6;
	v6, _, _ =	vpop (xrf0)  }
0xce: {  	v7 =	vadd.s32 s7, v6  }
0xcf: {  	v58 =	vshll.u32 v7, $0x2  }
0xd0: {  	v59 =	vand.u32 $0x1F, v7;
	v8 =	vand.u32 $0xFFFFFF80, v58  }
0xd1: {  	v8 =	vor.u32 v59, v8;
	_ =	sdelay $0x1  }
0xd2: {  	s29 =	sadd.s32 $0x20, s23  }
0xd3: {  	v60 =	vor.u32 s29, v0  }
0xd4: {  	v9 =	vshrl.u32 v60, $0x1  }
0xd5: {  	v5 =	vor.u32 v4, v5;
	[tilespmem:v8+s10+$0x0] =	vst.idx.msk vm14, v9  }
0xd6: {  	[tilespmem:v7+s11+$0x0] =	vst.idx.msk vm14, v5  }
0xd7: {  	v5 =	vld [tilespmem:s0+$0x10];
	_ =	sdelay $0x4  }
0xd8: {  	(v2sf) =	vpush v6, $0xF;
	v5 =	vsub.s32 v5, v1  }
0xd9: {  	vm15 =	vlt.u32 v5, $0x140  }
0xda: {  	v6 =	vsel vm15, $0x1, v3  }
0xdb: {  	(xrf0) =	vadd.scan.msk.s32 $0xffff, v6;
	_ =	sdelay $0x5  }
0xdc: {  	v6, _, _ =	vpop (xrf0)  }
0xdd: {  	(v2sf) =	vpush v6, $0xF;
	_ =	sdelay $0x4  }
0xde: {  	s0 =	spop (v2sf)  }
0xdf: {  	s6 =	sadd.s32 s6, s0  }
0xe0: {  	s30 =	sadd.s32 $0xFFFFFFFF, s6  }
0xe1: {  	v6 =	vadd.s32 s30, v6  }
0xe2: {  	v7 =	vshll.u32 v6, $0x2  }
0xe3: {  	v61 =	vand.u32 $0x1F, v6;
	v7 =	vand.u32 $0xFFFFFF80, v7  }
0xe4: {  	v7 =	vor.u32 v61, v7;
	_ =	sdelay $0x1  }
0xe5: {  	s5 =	sadd.s32 $0x30, s23  }
0xe6: {  	v62 =	vor.u32 s5, v0  }
0xe7: {  	v8 =	vshrl.u32 v62, $0x1;
	s5 =	spop (v2sf)  }
0xe8: {  	v5 =	vor.u32 v4, v5;
	[tilespmem:v7+s10+$0x0] =	vst.idx.msk vm15, v8;
	s15 =	sadd.s32 s6, s5  }
0xe9: {  	[tilespmem:v6+s11+$0x0] =	vst.idx.msk vm15, v5;
	v5 =	vadd.s32 s15, v0;
	s6 =	sadd.s32 $0x10, s15  }
0xea: {  	v6 =	vshll.u32 v5, $0x2;
	v7 =	vadd.s32 s6, v0  }
0xeb: {  	v5 =	vand.u32 $0x1F, v5;
	v6 =	vand.u32 $0xFFFFFF80, v6;
	v63 =	vshll.u32 v7, $0x2  }
0xec: {  	v5 =	vor.u32 v5, v6;
	v6 =	vand.u32 $0x1F, v7;
	v7 =	vand.u32 $0xFFFFFF80, v63  }
0xed: {  	v6 =	vor.u32 v6, v7  }
0xee: {  	s31 =	sadd.s32 $0x1F, s15  }
0xef: {  	s28 =	sshra.s32 s31, $0x5  }
0xf0: {  	p0 =	sgt.s32 s28, $0x0  }
0xf1: {  	s6 =	simm.s32 @p0 $0x20;
	[tilespmem:v5+s10+$0x0] =	vst.idx.msk $0xffff, v2  }
0xf2: {  	s7 =	simm.s32 @p0 $0xBF80;
	s8 =	simm.s32 @p0 $0x15F80;
	p1 =	seq.s32 @p0 s28, $0x1;
	[tilespmem:v6+s10+$0x0] =	vst.idx.msk $0xffff, v2  }
0xf3: {  	[tilespmem:s8], [sflag:$0x1] =	stream.indirect.gather @p0 [hbm4b:s3+s6], $0x80, s7, s6, $0xb8;
	[tilespmem:$0x1DF80] =	vst v63  }
0xf4: {  	p0 =	por !p0, p1  }
0xf5: {  	s6 =	simm.s32 @!p0 $0x20  }
0xf6: {  	s7 =	simm.s32 @!p0 $0xC000;
	s8 =	simm.s32 @!p0 $0x16F80;
	p1 =	slt.u32 @!p0 s28, $0x3  }
0xf7: {  	[tilespmem:s8], [sflag:$0x2] =	stream.indirect.gather @!p0 [hbm4b:s3+s6], $0x80, s7, s6, $0xb8;
	[tilespmem:$0x1DF80] =	vst v63  }
0xf8: {  	p0 =	por p0, p1  }
.Ltmp5:
0xf9: {  	_ = 	snop;
	(pc) =	sbr.rel @p0 .LBB2_6-.Ltmp5, $1  }
0xfa: {  	_ =	sdelay $0x3  }
0xfb: {  	s6 =	simm.s32 $0x20  }
0xfc: {  	s7 =	simm.s32 $0xC080;
	s8 =	simm.s32 $0x17F80;
	p0 =	seq.s32 s28, $0x3  }
0xfd: {  	[tilespmem:s8], [sflag:$0x3] =	stream.indirect.gather [hbm4b:s3+s6], $0x80, s7, s6, $0xb8;
	[tilespmem:$0x1DF80] =	vst v63  }
0xfe: {  	s6 =	simm.s32 @!p0 $0x20;
	p1 =	slt.u32 @!p0 s28, $0x5  }
0xff: {  	s7 =	simm.s32 @!p0 $0xC100;
	s8 =	simm.s32 @!p0 $0x18F80;
	p2 =	por p1, p0  }
0x100: {  	[tilespmem:s8], [sflag:$0x4] =	stream.indirect.gather @!p0 [hbm4b:s3+s6], $0x80, s7, s6, $0xb8;
	[tilespmem:$0x1DF80] =	vst v63  }
0x101: {  	s6 =	simm.s32 @!p2 $0x20;
	p3 =	seq.s32 @!p2 s28, $0x5  }
0x102: {  	s7 =	simm.s32 @!p2 $0xC180;
	s8 =	simm.s32 @!p2 $0x19F80;
	p4 =	por @!p0 p3, p1  }
0x103: {  	[tilespmem:s8], [sflag:$0x5] =	stream.indirect.gather @!p2 [hbm4b:s3+s6], $0x80, s7, s6, $0xb8;
	[tilespmem:$0x1DF80] =	vst v63  }
0x104: {  	p4 =	por p4, p0  }
0x105: {  	s6 =	simm.s32 @!p4 $0x20  }
0x106: {  	s7 =	simm.s32 @!p4 $0xC200;
	s8 =	simm.s32 @!p4 $0x1AF80;
	p5 =	slt.u32 @!p4 s28, $0x7  }
0x107: {  	[tilespmem:s8], [sflag:$0x6] =	stream.indirect.gather @!p4 [hbm4b:s3+s6], $0x80, s7, s6, $0xb8;
	[tilespmem:$0x1DF80] =	vst v63  }
0x108: {  	p6 =	por @!p2 p5, p3  }
0x109: {  	p6 =	por @!p0 p6, p1  }
0x10a: {  	p6 =	por p6, p0  }
0x10b: {  	s6 =	simm.s32 @!p6 $0x20;
	s7 =	simm.s32 @!p6 $0xC280;
	s8 =	simm.s32 @!p6 $0x1BF80  }
0x10c: {  	[tilespmem:s8], [sflag:$0x7] =	stream.indirect.gather @!p6 [hbm4b:s3+s6], $0x80, s7, s6, $0xb8;
	[tilespmem:$0x1DF80] =	vst v63  }
0x10d: {  	p6 =	seq.s32 @!p6 s28, $0x7  }
0x10e: {  	p4 =	por @!p4 p6, p5  }
0x10f: {  	p2 =	por @!p2 p4, p3  }
0x110: {  	p1 =	por @!p0 p2, p1  }
0x111: {  	p0 =	por p1, p0  }
0x112: {  	s6 =	simm.s32 @!p0 $0x20;
	s7 =	simm.s32 @!p0 $0xC300;
	s8 =	simm.s32 @!p0 $0x1CF80  }
0x113: {  	[tilespmem:s8], [sflag:$0x8] =	stream.indirect.gather @!p0 [hbm4b:s3+s6], $0x80, s7, s6, $0xb8;
	[tilespmem:$0x1DF80] =	vst v63  }
.LBB2_6:
0x114: {  	s6 =	sadd.s32 $0x7, s28  }
0x115: {  	s7 =	sand.u32 $0x7, s6  }
0x116: {  	p0 =	slt.s32 s28, $0xFFFFFFFA;
	p1 =	sne.s32 s7, $0x0  }
0x117: {  	s31 =	sshrl.u32 s6, $0x1D;
	p0 =	por !p0, !p1  }
0x118: {  	s6 =	sadd.s32 s31, s6;
	s7 =	simm.s32 $0x1;
	p0 =	por !p0, !p0  }
0x119: {  	s6 =	sshra.s32 s6, $0x3;
	s7 =	simm.s32 @!p0 $0x0  }
0x11a: {  	s29 =	ssub.s32 s6, s7  }
0x11b: {  	p0 =	slt.s32 s29, $0x1  }
.Ltmp6:
0x11c: {  	_ = 	snop;
	(pc) =	sbr.rel @p0 .LBB2_81-.Ltmp6, $1  }
0x11d: {  	_ =	sdelay $0x3  }
0x11e: {  	s1 =	sadd.s32 s4, s1  }
0x11f: {  	s7 =	simm.s32 $0x0;
	s23 =	simm.s32 $0x13F80;
	s12 =	simm.s32 $0x13FA0  }
0x120: {  	s13 =	simm.s32 $0x13FC0;
	s14 =	simm.s32 $0x13FE0;
	s0 =	sadd.s32 s0, s1  }
.Ltmp7:
0x121: {  	s9 =	simm.s32 $0x14000;
	s0 =	sadd.s32 s5, s0;
	(pc) =	sbr.rel .LBB2_8-.Ltmp7, $4  }
0x122: {  	s4 =	simm.s32 $0x14020;
	s8 =	simm.s32 $0x14040;
	s26 =	sadd.s32 s2, s0  }
0x123: {  	s25 =	simm.s32 $0x14060;
	s30 =	sadd.s32 $0xFFFFFFE0, s26;
	s31 =	sadd.s32 $0xFFFFFFC0, s26  }
0x124: {  	s1 =	sadd.s32 $0xFFFFFFA0, s26;
	s0 =	sadd.s32 $0xFFFFFF80, s26;
	s2 =	sadd.s32 $0xFFFFFF60, s26  }
0x125: {  	s5 =	sadd.s32 $0xFFFFFF40, s26;
	s6 =	sadd.s32 $0xFFFFFF20, s26;
	s26 =	smov.u32 s15  }
.LBB2_74:
0x126: {  	s18 =	simm.s32 $0x1CF80  }
.LBB2_78:
0x127: {  	(v2sf) =	vpush v5, $0x0;
	_ =	sdelay $0xe  }
0x128: {  	s19 =	spop (v2sf)  }
0x129: {  	s18 =	sadd.s32 @p0 $0x80, s18;
	s20 =	sshra.s32 s19, $0xA;
	s19 =	sshll.u32 s19, $0x7  }
0x12a: {  	s17 =	smov.u32 @p0 s18;
	s19 =	sand.u32 $0x7FFF80, s19;
	s20 =	sand.u32 $0xFFFFFFC0, s20  }
0x12b: {  	v5 =	vld [tilespmem:s19+$0x0];
	s17 =	sadd.s32 s20, s17  }
0x12c: {  	v6 =	vld [tilespmem:s17+$0x0];
	_ =	sdelay $0x4  }
0x12d: {  	v5 =	vmax.f32 v5, v6  }
0x12e: {  	v6 =	vld [tilespmem:s19+$0x10];
	[tilespmem:s19+$0x0] =	vst v5  }
0x12f: {  	v5 =	vld [tilespmem:s17+$0x10];
	_ =	sdelay $0x4  }
0x130: {  	v5 =	vmax.f32 v6, v5  }
0x131: {  	[tilespmem:s19+$0x10] =	vst v5;
	v5 =	vld [tilespmem:s19+$0x20]  }
0x132: {  	v6 =	vld [tilespmem:s17+$0x20];
	_ =	sdelay $0x4  }
0x133: {  	v5 =	vmax.f32 v5, v6  }
0x134: {  	v6 =	vld [tilespmem:s19+$0x30];
	[tilespmem:s19+$0x20] =	vst v5  }
0x135: {  	v5 =	vld [tilespmem:s17+$0x30];
	_ =	sdelay $0x4  }
0x136: {  	v5 =	vmax.f32 v6, v5  }
0x137: {  	[tilespmem:s19+$0x30] =	vst v5  }
.LBB2_79:
0x138: {  	s16 =	sadd.s32 $0xF, s16  }
0x139: {  	p0 =	sge.s32 s16, s28  }
0x13a: {  	s16 =	sshll.u32 @!p0 s16, $0x9  }
0x13b: {  	s16 =	sshra.s32 @!p0 s16, $0x2  }
0x13c: {  	s17 =	simm.s32 @!p0 $0x20;
	s18 =	simm.s32 @!p0 $0x1CF80;
	s16 =	sadd.s32 @!p0 $0xBF80, s16  }
0x13d: {  	[tilespmem:s18], [sflag:$0x8] =	stream.indirect.gather @!p0 [hbm4b:s3+s17], $0x80, s16, s17, $0xb8;
	[tilespmem:$0x1DF80] =	vst v63  }
.LBB2_80:
0x13e: {  	s7 =	sadd.s32 $0x1, s7  }
0x13f: {  	s26 =	sadd.s32 $0xFFFFFF00, s26;
	s30 =	sadd.s32 $0xFFFFFF00, s30;
	p0 =	sne.s32 s7, s29  }
.Ltmp8:
0x140: {  	s31 =	sadd.s32 $0xFFFFFF00, s31;
	s1 =	sadd.s32 $0xFFFFFF00, s1;
	(pc) =	sbr.rel @!p0 .LBB2_81-.Ltmp8, $4  }
0x141: {  	s0 =	sadd.s32 $0xFFFFFF00, s0;
	s2 =	sadd.s32 $0xFFFFFF00, s2;
	s5 =	sadd.s32 $0xFFFFFF00, s5  }
0x142: {  	s6 =	sadd.s32 $0xFFFFFF00, s6;
	s23 =	sadd.s32 $0x100, s23;
	s12 =	sadd.s32 $0x100, s12  }
0x143: {  	s13 =	sadd.s32 $0x100, s13;
	s14 =	sadd.s32 $0x100, s14;
	s9 =	sadd.s32 $0x100, s9  }
0x144: {  	s4 =	sadd.s32 $0x100, s4;
	s8 =	sadd.s32 $0x100, s8;
	s25 =	sadd.s32 $0x100, s25  }
.LBB2_8:
0x145: {  	s16 =	sshll.u32 s7, $0x3  }
0x146: {  	p0 =	sge.s32 s16, s28  }
.Ltmp9:
0x147: {  	_ = 	snop;
	(pc) =	sbr.rel @p0 .LBB2_17-.Ltmp9, $1  }
0x148: {  	_ =	sdelay $0x3  }
0x149: {  	s17 =	sshll.u32 s7, $0x8  }
0x14a: {  	s17 =	ssub.s32 s15, s17  }
0x14b: {  	p0 =	slt.s32 s17, $0x1  }
.Ltmp10:
0x14c: {  	_ = 	snop;
	(pc) =	sbr.rel @p0 .LBB2_16-.Ltmp10, $4  }
0x14d: {  	s18 =	simm.s32 $0x1  }
0x14e: {  	_ =	swait.ge [sflag:s18], $0x1000  }
0x14f: {  	[sflag:s18] =	ssyncset.done $0x0  }
0x150: {  	[sflag:s18] =	ssyncadd.s32 $0xFFFFF000  }
0x151: {  	p0 =	sgt.s32 s26, $0x1;
	s17 =	smov.u32 s26  }
0x152: {  	s17 =	simm.s32 @!p0 $0x1  }
0x153: {  	s18 =	smin.u32 s17, $0x20  }
0x154: {  	p1 =	sne.s32 s18, $0x1  }
.Ltmp11:
0x155: {  	_ = 	snop;
	(pc) =	sbr.rel @!p1 .LBB2_11-.Ltmp11, $2  }
0x156: {  	_ =	sdelay $0x2  }
0x157: {  	v5 =	vld [tilespmem:s23+$0x0];
	p0 =	por $0x0, $0x0;
	s17 =	simm.s32 $0x15F80;
	s18 =	sadd.s32 $0xFFFFFFFF, s18  }
0x158: {  	_ =	sdelay $0x3  }
0x159: {  	(v2sf) =	vpush v5, $0x0;
	_ =	sdelay $0xe  }
0x15a: {  	s19 =	spop (v2sf)  }
0x15b: {  	s20 =	sshra.s32 s19, $0xA;
	s19 =	sshll.u32 s19, $0x7  }
0x15c: {  	s19 =	sand.u32 $0x7FFF80, s19;
	s20 =	sand.u32 $0xFFFFFFC0, s20  }
0x15d: {  	v5 =	vld [tilespmem:s19+$0x0];
	s20 =	sadd.s32 $0x15F80, s20  }
0x15e: {  	v6 =	vld [tilespmem:s20+$0x0];
	_ =	sdelay $0x4  }
0x15f: {  	v5 =	vmax.f32 v5, v6  }
0x160: {  	v6 =	vld [tilespmem:s19+$0x10];
	[tilespmem:s19+$0x0] =	vst v5  }
0x161: {  	v5 =	vld [tilespmem:s20+$0x10];
	_ =	sdelay $0x4  }
0x162: {  	v5 =	vmax.f32 v6, v5  }
0x163: {  	[tilespmem:s19+$0x10] =	vst v5;
	v5 =	vld [tilespmem:s19+$0x20]  }
0x164: {  	v6 =	vld [tilespmem:s20+$0x20];
	_ =	sdelay $0x4  }
0x165: {  	v5 =	vmax.f32 v5, v6  }
0x166: {  	v6 =	vld [tilespmem:s19+$0x30];
	[tilespmem:s19+$0x20] =	vst v5  }
0x167: {  	v5 =	vld [tilespmem:s20+$0x30];
	_ =	sdelay $0x1  }
0x168: {  	p1 =	sne.s32 s18, $0x1  }
.Ltmp12:
0x169: {  	_ = 	snop;
	(pc) =	sbr.rel @!p1 .LBB2_13-.Ltmp12, $4  }
0x16a: {  	_ = 	snop  }
0x16b: {  	v5 =	vmax.f32 v6, v5  }
0x16c: {  	[tilespmem:s19+$0x30] =	vst v5;
	s19 =	sadd.s32 $0x1, s23  }
0x16d: {  	p0 =	por $0x1, $0x1;
	s20 =	sadd.s32 $0xFFFFFFFF, s18;
	s18 =	simm.s32 $0x15F80;
	v5 =	vld [tilespmem:s19+$0x0]  }
.LBB2_14:
0x16e: {  	p1 =	sne.s32 s20, $0x1;
	_ =	sdelay $0x3  }
0x16f: {  	(v2sf) =	vpush v5, $0x0;
	_ =	sdelay $0xe  }
0x170: {  	s21 =	spop (v2sf)  }
0x171: {  	s22 =	sshra.s32 s21, $0xA;
	s21 =	sshll.u32 s21, $0x7  }
0x172: {  	s18 =	sadd.s32 $0x80, s18;
	s21 =	sand.u32 $0x7FFF80, s21;
	s22 =	sand.u32 $0xFFFFFFC0, s22  }
0x173: {  	v5 =	vld [tilespmem:s21+$0x0];
	s22 =	sadd.s32 s22, s18  }
0x174: {  	v6 =	vld [tilespmem:s22+$0x0]  }
0x175: {  	v7 =	vld [tilespmem:s21+$0x10]  }
0x176: {  	v8 =	vld [tilespmem:s21+$0x30];
	_ =	sdelay $0x2  }
0x177: {  	v5 =	vmax.f32 v5, v6  }
0x178: {  	[tilespmem:s21+$0x0] =	vst v5  }
0x179: {  	v5 =	vld [tilespmem:s22+$0x10];
	_ =	sdelay $0x4  }
0x17a: {  	v5 =	vmax.f32 v7, v5  }
0x17b: {  	[tilespmem:s21+$0x10] =	vst v5;
	v5 =	vld [tilespmem:s21+$0x20]  }
0x17c: {  	v6 =	vld [tilespmem:s22+$0x20];
	_ =	sdelay $0x4  }
0x17d: {  	v5 =	vmax.f32 v5, v6  }
0x17e: {  	[tilespmem:s21+$0x20] =	vst v5  }
0x17f: {  	v5 =	vld [tilespmem:s22+$0x30];
	_ =	sdelay $0x2  }
.Ltmp13:
0x180: {  	(pc) =	sbr.rel @p1 .LBB2_14-.Ltmp13, $4  }
0x181: {  	_ = 	snop  }
0x182: {  	v5 =	vmax.f32 v8, v5  }
0x183: {  	s19 =	sadd.s32 $0x1, s19;
	[tilespmem:s21+$0x30] =	vst v5  }
0x184: {  	s20 =	sadd.s32 $0xFFFFFFFF, s20;
	v5 =	vld [tilespmem:s19+$0x0]  }
.LBB2_15:
0x185: {  	_ =	sdelay $0x3  }
0x186: {  	(v2sf) =	vpush v5, $0x0;
	_ =	sdelay $0xe  }
0x187: {  	s19 =	spop (v2sf)  }
0x188: {  	s18 =	sadd.s32 @p0 $0x80, s18;
	s20 =	sshra.s32 s19, $0xA;
	s19 =	sshll.u32 s19, $0x7  }
0x189: {  	s17 =	smov.u32 @p0 s18;
	s19 =	sand.u32 $0x7FFF80, s19;
	s20 =	sand.u32 $0xFFFFFFC0, s20  }
0x18a: {  	v5 =	vld [tilespmem:s19+$0x0];
	s17 =	sadd.s32 s20, s17  }
0x18b: {  	v6 =	vld [tilespmem:s17+$0x0];
	_ =	sdelay $0x4  }
0x18c: {  	v5 =	vmax.f32 v5, v6  }
0x18d: {  	v6 =	vld [tilespmem:s19+$0x10];
	[tilespmem:s19+$0x0] =	vst v5  }
0x18e: {  	v5 =	vld [tilespmem:s17+$0x10];
	_ =	sdelay $0x4  }
0x18f: {  	v5 =	vmax.f32 v6, v5  }
0x190: {  	[tilespmem:s19+$0x10] =	vst v5;
	v5 =	vld [tilespmem:s19+$0x20]  }
0x191: {  	v6 =	vld [tilespmem:s17+$0x20];
	_ =	sdelay $0x4  }
0x192: {  	v5 =	vmax.f32 v5, v6  }
0x193: {  	v6 =	vld [tilespmem:s19+$0x30];
	[tilespmem:s19+$0x20] =	vst v5  }
0x194: {  	v5 =	vld [tilespmem:s17+$0x30];
	_ =	sdelay $0x4  }
0x195: {  	v5 =	vmax.f32 v6, v5  }
0x196: {  	[tilespmem:s19+$0x30] =	vst v5  }
.LBB2_16:
0x197: {  	s17 =	sadd.s32 $0x8, s16  }
0x198: {  	p0 =	sge.s32 s17, s28  }
0x199: {  	s17 =	sshll.u32 @!p0 s17, $0x9  }
0x19a: {  	s17 =	sshra.s32 @!p0 s17, $0x2  }
0x19b: {  	s18 =	simm.s32 @!p0 $0x20;
	s19 =	simm.s32 @!p0 $0x15F80;
	s17 =	sadd.s32 @!p0 $0xBF80, s17  }
0x19c: {  	[tilespmem:s19], [sflag:$0x1] =	stream.indirect.gather @!p0 [hbm4b:s3+s18], $0x80, s17, s18, $0xb8;
	[tilespmem:$0x1DF80] =	vst v63  }
.LBB2_17:
0x19d: {  	s17 =	sor.u32 $0x1, s16  }
0x19e: {  	p0 =	sge.s32 s17, s28  }
.Ltmp14:
0x19f: {  	_ = 	snop;
	(pc) =	sbr.rel @p0 .LBB2_26-.Ltmp14, $1  }
0x1a0: {  	_ =	sdelay $0x3  }
0x1a1: {  	s17 =	sshll.u32 s17, $0x5  }
0x1a2: {  	s17 =	ssub.s32 s15, s17  }
0x1a3: {  	p0 =	slt.s32 s17, $0x1  }
.Ltmp15:
0x1a4: {  	_ = 	snop;
	(pc) =	sbr.rel @p0 .LBB2_25-.Ltmp15, $4  }
0x1a5: {  	s18 =	simm.s32 $0x2  }
0x1a6: {  	_ =	swait.ge [sflag:s18], $0x1000  }
0x1a7: {  	[sflag:s18] =	ssyncset.done $0x0  }
0x1a8: {  	[sflag:s18] =	ssyncadd.s32 $0xFFFFF000  }
0x1a9: {  	p0 =	sgt.s32 s30, $0x1;
	s17 =	smov.u32 s30  }
0x1aa: {  	s17 =	simm.s32 @!p0 $0x1  }
0x1ab: {  	s18 =	smin.u32 s17, $0x20  }
0x1ac: {  	p1 =	sne.s32 s18, $0x1  }
.Ltmp16:
0x1ad: {  	_ = 	snop;
	(pc) =	sbr.rel @!p1 .LBB2_20-.Ltmp16, $2  }
0x1ae: {  	_ =	sdelay $0x2  }
0x1af: {  	v5 =	vld [tilespmem:s12+$0x0];
	p0 =	por $0x0, $0x0;
	s17 =	simm.s32 $0x16F80;
	s18 =	sadd.s32 $0xFFFFFFFF, s18  }
0x1b0: {  	_ =	sdelay $0x3  }
0x1b1: {  	(v2sf) =	vpush v5, $0x0;
	_ =	sdelay $0xe  }
0x1b2: {  	s19 =	spop (v2sf)  }
0x1b3: {  	s20 =	sshra.s32 s19, $0xA;
	s19 =	sshll.u32 s19, $0x7  }
0x1b4: {  	s19 =	sand.u32 $0x7FFF80, s19;
	s20 =	sand.u32 $0xFFFFFFC0, s20  }
0x1b5: {  	v5 =	vld [tilespmem:s19+$0x0];
	s20 =	sadd.s32 $0x16F80, s20  }
0x1b6: {  	v6 =	vld [tilespmem:s20+$0x0];
	_ =	sdelay $0x4  }
0x1b7: {  	v5 =	vmax.f32 v5, v6  }
0x1b8: {  	v6 =	vld [tilespmem:s19+$0x10];
	[tilespmem:s19+$0x0] =	vst v5  }
0x1b9: {  	v5 =	vld [tilespmem:s20+$0x10];
	_ =	sdelay $0x4  }
0x1ba: {  	v5 =	vmax.f32 v6, v5  }
0x1bb: {  	[tilespmem:s19+$0x10] =	vst v5;
	v5 =	vld [tilespmem:s19+$0x20]  }
0x1bc: {  	v6 =	vld [tilespmem:s20+$0x20];
	_ =	sdelay $0x4  }
0x1bd: {  	v5 =	vmax.f32 v5, v6  }
0x1be: {  	v6 =	vld [tilespmem:s19+$0x30];
	[tilespmem:s19+$0x20] =	vst v5  }
0x1bf: {  	v5 =	vld [tilespmem:s20+$0x30];
	_ =	sdelay $0x1  }
0x1c0: {  	p1 =	sne.s32 s18, $0x1  }
.Ltmp17:
0x1c1: {  	_ = 	snop;
	(pc) =	sbr.rel @!p1 .LBB2_22-.Ltmp17, $4  }
0x1c2: {  	_ = 	snop  }
0x1c3: {  	v5 =	vmax.f32 v6, v5  }
0x1c4: {  	[tilespmem:s19+$0x30] =	vst v5;
	s19 =	sadd.s32 $0x1, s12  }
0x1c5: {  	p0 =	por $0x1, $0x1;
	s20 =	sadd.s32 $0xFFFFFFFF, s18;
	s18 =	simm.s32 $0x16F80;
	v5 =	vld [tilespmem:s19+$0x0]  }
.LBB2_23:
0x1c6: {  	p1 =	sne.s32 s20, $0x1;
	_ =	sdelay $0x3  }
0x1c7: {  	(v2sf) =	vpush v5, $0x0;
	_ =	sdelay $0xe  }
0x1c8: {  	s21 =	spop (v2sf)  }
0x1c9: {  	s22 =	sshra.s32 s21, $0xA;
	s21 =	sshll.u32 s21, $0x7  }
0x1ca: {  	s18 =	sadd.s32 $0x80, s18;
	s21 =	sand.u32 $0x7FFF80, s21;
	s22 =	sand.u32 $0xFFFFFFC0, s22  }
0x1cb: {  	v5 =	vld [tilespmem:s21+$0x0];
	s22 =	sadd.s32 s22, s18  }
0x1cc: {  	v6 =	vld [tilespmem:s22+$0x0]  }
0x1cd: {  	v7 =	vld [tilespmem:s21+$0x10]  }
0x1ce: {  	v8 =	vld [tilespmem:s21+$0x30];
	_ =	sdelay $0x2  }
0x1cf: {  	v5 =	vmax.f32 v5, v6  }
0x1d0: {  	[tilespmem:s21+$0x0] =	vst v5  }
0x1d1: {  	v5 =	vld [tilespmem:s22+$0x10];
	_ =	sdelay $0x4  }
0x1d2: {  	v5 =	vmax.f32 v7, v5  }
0x1d3: {  	[tilespmem:s21+$0x10] =	vst v5;
	v5 =	vld [tilespmem:s21+$0x20]  }
0x1d4: {  	v6 =	vld [tilespmem:s22+$0x20];
	_ =	sdelay $0x4  }
0x1d5: {  	v5 =	vmax.f32 v5, v6  }
0x1d6: {  	[tilespmem:s21+$0x20] =	vst v5  }
0x1d7: {  	v5 =	vld [tilespmem:s22+$0x30];
	_ =	sdelay $0x2  }
.Ltmp18:
0x1d8: {  	(pc) =	sbr.rel @p1 .LBB2_23-.Ltmp18, $4  }
0x1d9: {  	_ = 	snop  }
0x1da: {  	v5 =	vmax.f32 v8, v5  }
0x1db: {  	s19 =	sadd.s32 $0x1, s19;
	[tilespmem:s21+$0x30] =	vst v5  }
0x1dc: {  	s20 =	sadd.s32 $0xFFFFFFFF, s20;
	v5 =	vld [tilespmem:s19+$0x0]  }
.LBB2_24:
0x1dd: {  	_ =	sdelay $0x3  }
0x1de: {  	(v2sf) =	vpush v5, $0x0;
	_ =	sdelay $0xe  }
0x1df: {  	s19 =	spop (v2sf)  }
0x1e0: {  	s18 =	sadd.s32 @p0 $0x80, s18;
	s20 =	sshra.s32 s19, $0xA;
	s19 =	sshll.u32 s19, $0x7  }
0x1e1: {  	s17 =	smov.u32 @p0 s18;
	s19 =	sand.u32 $0x7FFF80, s19;
	s20 =	sand.u32 $0xFFFFFFC0, s20  }
0x1e2: {  	v5 =	vld [tilespmem:s19+$0x0];
	s17 =	sadd.s32 s20, s17  }
0x1e3: {  	v6 =	vld [tilespmem:s17+$0x0];
	_ =	sdelay $0x4  }
0x1e4: {  	v5 =	vmax.f32 v5, v6  }
0x1e5: {  	v6 =	vld [tilespmem:s19+$0x10];
	[tilespmem:s19+$0x0] =	vst v5  }
0x1e6: {  	v5 =	vld [tilespmem:s17+$0x10];
	_ =	sdelay $0x4  }
0x1e7: {  	v5 =	vmax.f32 v6, v5  }
0x1e8: {  	[tilespmem:s19+$0x10] =	vst v5;
	v5 =	vld [tilespmem:s19+$0x20]  }
0x1e9: {  	v6 =	vld [tilespmem:s17+$0x20];
	_ =	sdelay $0x4  }
0x1ea: {  	v5 =	vmax.f32 v5, v6  }
0x1eb: {  	v6 =	vld [tilespmem:s19+$0x30];
	[tilespmem:s19+$0x20] =	vst v5  }
0x1ec: {  	v5 =	vld [tilespmem:s17+$0x30];
	_ =	sdelay $0x4  }
0x1ed: {  	v5 =	vmax.f32 v6, v5  }
0x1ee: {  	[tilespmem:s19+$0x30] =	vst v5  }
.LBB2_25:
0x1ef: {  	s17 =	sadd.s32 $0x9, s16  }
0x1f0: {  	p0 =	sge.s32 s17, s28  }
0x1f1: {  	s17 =	sshll.u32 @!p0 s17, $0x9  }
0x1f2: {  	s17 =	sshra.s32 @!p0 s17, $0x2  }
0x1f3: {  	s18 =	simm.s32 @!p0 $0x20;
	s19 =	simm.s32 @!p0 $0x16F80;
	s17 =	sadd.s32 @!p0 $0xBF80, s17  }
0x1f4: {  	[tilespmem:s19], [sflag:$0x2] =	stream.indirect.gather @!p0 [hbm4b:s3+s18], $0x80, s17, s18, $0xb8;
	[tilespmem:$0x1DF80] =	vst v63  }
.LBB2_26:
0x1f5: {  	s17 =	sor.u32 $0x2, s16  }
0x1f6: {  	p0 =	sge.s32 s17, s28  }
.Ltmp19:
0x1f7: {  	_ = 	snop;
	(pc) =	sbr.rel @p0 .LBB2_35-.Ltmp19, $1  }
0x1f8: {  	_ =	sdelay $0x3  }
0x1f9: {  	s17 =	sshll.u32 s17, $0x5  }
0x1fa: {  	s17 =	ssub.s32 s15, s17  }
0x1fb: {  	p0 =	slt.s32 s17, $0x1  }
.Ltmp20:
0x1fc: {  	_ = 	snop;
	(pc) =	sbr.rel @p0 .LBB2_34-.Ltmp20, $4  }
0x1fd: {  	s18 =	simm.s32 $0x3  }
0x1fe: {  	_ =	swait.ge [sflag:s18], $0x1000  }
0x1ff: {  	[sflag:s18] =	ssyncset.done $0x0  }
0x200: {  	[sflag:s18] =	ssyncadd.s32 $0xFFFFF000  }
0x201: {  	p0 =	sgt.s32 s31, $0x1;
	s17 =	smov.u32 s31  }
0x202: {  	s17 =	simm.s32 @!p0 $0x1  }
0x203: {  	s18 =	smin.u32 s17, $0x20  }
0x204: {  	p1 =	sne.s32 s18, $0x1  }
.Ltmp21:
0x205: {  	_ = 	snop;
	(pc) =	sbr.rel @!p1 .LBB2_29-.Ltmp21, $2  }
0x206: {  	_ =	sdelay $0x2  }
0x207: {  	v5 =	vld [tilespmem:s13+$0x0];
	p0 =	por $0x0, $0x0;
	s17 =	simm.s32 $0x17F80;
	s18 =	sadd.s32 $0xFFFFFFFF, s18  }
0x208: {  	_ =	sdelay $0x3  }
0x209: {  	(v2sf) =	vpush v5, $0x0;
	_ =	sdelay $0xe  }
0x20a: {  	s19 =	spop (v2sf)  }
0x20b: {  	s20 =	sshra.s32 s19, $0xA;
	s19 =	sshll.u32 s19, $0x7  }
0x20c: {  	s19 =	sand.u32 $0x7FFF80, s19;
	s20 =	sand.u32 $0xFFFFFFC0, s20  }
0x20d: {  	v5 =	vld [tilespmem:s19+$0x0];
	s20 =	sadd.s32 $0x17F80, s20  }
0x20e: {  	v6 =	vld [tilespmem:s20+$0x0];
	_ =	sdelay $0x4  }
0x20f: {  	v5 =	vmax.f32 v5, v6  }
0x210: {  	v6 =	vld [tilespmem:s19+$0x10];
	[tilespmem:s19+$0x0] =	vst v5  }
0x211: {  	v5 =	vld [tilespmem:s20+$0x10];
	_ =	sdelay $0x4  }
0x212: {  	v5 =	vmax.f32 v6, v5  }
0x213: {  	[tilespmem:s19+$0x10] =	vst v5;
	v5 =	vld [tilespmem:s19+$0x20]  }
0x214: {  	v6 =	vld [tilespmem:s20+$0x20];
	_ =	sdelay $0x4  }
0x215: {  	v5 =	vmax.f32 v5, v6  }
0x216: {  	v6 =	vld [tilespmem:s19+$0x30];
	[tilespmem:s19+$0x20] =	vst v5  }
0x217: {  	v5 =	vld [tilespmem:s20+$0x30];
	_ =	sdelay $0x1  }
0x218: {  	p1 =	sne.s32 s18, $0x1  }
.Ltmp22:
0x219: {  	_ = 	snop;
	(pc) =	sbr.rel @!p1 .LBB2_31-.Ltmp22, $4  }
0x21a: {  	_ = 	snop  }
0x21b: {  	v5 =	vmax.f32 v6, v5  }
0x21c: {  	[tilespmem:s19+$0x30] =	vst v5;
	s19 =	sadd.s32 $0x1, s13  }
0x21d: {  	p0 =	por $0x1, $0x1;
	s20 =	sadd.s32 $0xFFFFFFFF, s18;
	s18 =	simm.s32 $0x17F80;
	v5 =	vld [tilespmem:s19+$0x0]  }
.LBB2_32:
0x21e: {  	p1 =	sne.s32 s20, $0x1;
	_ =	sdelay $0x3  }
0x21f: {  	(v2sf) =	vpush v5, $0x0;
	_ =	sdelay $0xe  }
0x220: {  	s21 =	spop (v2sf)  }
0x221: {  	s22 =	sshra.s32 s21, $0xA;
	s21 =	sshll.u32 s21, $0x7  }
0x222: {  	s18 =	sadd.s32 $0x80, s18;
	s21 =	sand.u32 $0x7FFF80, s21;
	s22 =	sand.u32 $0xFFFFFFC0, s22  }
0x223: {  	v5 =	vld [tilespmem:s21+$0x0];
	s22 =	sadd.s32 s22, s18  }
0x224: {  	v6 =	vld [tilespmem:s22+$0x0]  }
0x225: {  	v7 =	vld [tilespmem:s21+$0x10]  }
0x226: {  	v8 =	vld [tilespmem:s21+$0x30];
	_ =	sdelay $0x2  }
0x227: {  	v5 =	vmax.f32 v5, v6  }
0x228: {  	[tilespmem:s21+$0x0] =	vst v5  }
0x229: {  	v5 =	vld [tilespmem:s22+$0x10];
	_ =	sdelay $0x4  }
0x22a: {  	v5 =	vmax.f32 v7, v5  }
0x22b: {  	[tilespmem:s21+$0x10] =	vst v5;
	v5 =	vld [tilespmem:s21+$0x20]  }
0x22c: {  	v6 =	vld [tilespmem:s22+$0x20];
	_ =	sdelay $0x4  }
0x22d: {  	v5 =	vmax.f32 v5, v6  }
0x22e: {  	[tilespmem:s21+$0x20] =	vst v5  }
0x22f: {  	v5 =	vld [tilespmem:s22+$0x30];
	_ =	sdelay $0x2  }
.Ltmp23:
0x230: {  	(pc) =	sbr.rel @p1 .LBB2_32-.Ltmp23, $4  }
0x231: {  	_ = 	snop  }
0x232: {  	v5 =	vmax.f32 v8, v5  }
0x233: {  	s19 =	sadd.s32 $0x1, s19;
	[tilespmem:s21+$0x30] =	vst v5  }
0x234: {  	s20 =	sadd.s32 $0xFFFFFFFF, s20;
	v5 =	vld [tilespmem:s19+$0x0]  }
.LBB2_33:
0x235: {  	_ =	sdelay $0x3  }
0x236: {  	(v2sf) =	vpush v5, $0x0;
	_ =	sdelay $0xe  }
0x237: {  	s19 =	spop (v2sf)  }
0x238: {  	s18 =	sadd.s32 @p0 $0x80, s18;
	s20 =	sshra.s32 s19, $0xA;
	s19 =	sshll.u32 s19, $0x7  }
0x239: {  	s17 =	smov.u32 @p0 s18;
	s19 =	sand.u32 $0x7FFF80, s19;
	s20 =	sand.u32 $0xFFFFFFC0, s20  }
0x23a: {  	v5 =	vld [tilespmem:s19+$0x0];
	s17 =	sadd.s32 s20, s17  }
0x23b: {  	v6 =	vld [tilespmem:s17+$0x0];
	_ =	sdelay $0x4  }
0x23c: {  	v5 =	vmax.f32 v5, v6  }
0x23d: {  	v6 =	vld [tilespmem:s19+$0x10];
	[tilespmem:s19+$0x0] =	vst v5  }
0x23e: {  	v5 =	vld [tilespmem:s17+$0x10];
	_ =	sdelay $0x4  }
0x23f: {  	v5 =	vmax.f32 v6, v5  }
0x240: {  	[tilespmem:s19+$0x10] =	vst v5;
	v5 =	vld [tilespmem:s19+$0x20]  }
0x241: {  	v6 =	vld [tilespmem:s17+$0x20];
	_ =	sdelay $0x4  }
0x242: {  	v5 =	vmax.f32 v5, v6  }
0x243: {  	v6 =	vld [tilespmem:s19+$0x30];
	[tilespmem:s19+$0x20] =	vst v5  }
0x244: {  	v5 =	vld [tilespmem:s17+$0x30];
	_ =	sdelay $0x4  }
0x245: {  	v5 =	vmax.f32 v6, v5  }
0x246: {  	[tilespmem:s19+$0x30] =	vst v5  }
.LBB2_34:
0x247: {  	s17 =	sadd.s32 $0xA, s16  }
0x248: {  	p0 =	sge.s32 s17, s28  }
0x249: {  	s17 =	sshll.u32 @!p0 s17, $0x9  }
0x24a: {  	s17 =	sshra.s32 @!p0 s17, $0x2  }
0x24b: {  	s18 =	simm.s32 @!p0 $0x20;
	s19 =	simm.s32 @!p0 $0x17F80;
	s17 =	sadd.s32 @!p0 $0xBF80, s17  }
0x24c: {  	[tilespmem:s19], [sflag:$0x3] =	stream.indirect.gather @!p0 [hbm4b:s3+s18], $0x80, s17, s18, $0xb8;
	[tilespmem:$0x1DF80] =	vst v63  }
.LBB2_35:
0x24d: {  	s17 =	sor.u32 $0x3, s16  }
0x24e: {  	p0 =	sge.s32 s17, s28  }
.Ltmp24:
0x24f: {  	_ = 	snop;
	(pc) =	sbr.rel @p0 .LBB2_44-.Ltmp24, $1  }
0x250: {  	_ =	sdelay $0x3  }
0x251: {  	s17 =	sshll.u32 s17, $0x5  }
0x252: {  	s17 =	ssub.s32 s15, s17  }
0x253: {  	p0 =	slt.s32 s17, $0x1  }
.Ltmp25:
0x254: {  	_ = 	snop;
	(pc) =	sbr.rel @p0 .LBB2_43-.Ltmp25, $4  }
0x255: {  	s18 =	simm.s32 $0x4  }
0x256: {  	_ =	swait.ge [sflag:s18], $0x1000  }
0x257: {  	[sflag:s18] =	ssyncset.done $0x0  }
0x258: {  	[sflag:s18] =	ssyncadd.s32 $0xFFFFF000  }
0x259: {  	p0 =	sgt.s32 s1, $0x1;
	s17 =	smov.u32 s1  }
0x25a: {  	s17 =	simm.s32 @!p0 $0x1  }
0x25b: {  	s18 =	smin.u32 s17, $0x20  }
0x25c: {  	p1 =	sne.s32 s18, $0x1  }
.Ltmp26:
0x25d: {  	_ = 	snop;
	(pc) =	sbr.rel @!p1 .LBB2_38-.Ltmp26, $2  }
0x25e: {  	_ =	sdelay $0x2  }
0x25f: {  	v5 =	vld [tilespmem:s14+$0x0];
	p0 =	por $0x0, $0x0;
	s17 =	simm.s32 $0x18F80;
	s18 =	sadd.s32 $0xFFFFFFFF, s18  }
0x260: {  	_ =	sdelay $0x3  }
0x261: {  	(v2sf) =	vpush v5, $0x0;
	_ =	sdelay $0xe  }
0x262: {  	s19 =	spop (v2sf)  }
0x263: {  	s20 =	sshra.s32 s19, $0xA;
	s19 =	sshll.u32 s19, $0x7  }
0x264: {  	s19 =	sand.u32 $0x7FFF80, s19;
	s20 =	sand.u32 $0xFFFFFFC0, s20  }
0x265: {  	v5 =	vld [tilespmem:s19+$0x0];
	s20 =	sadd.s32 $0x18F80, s20  }
0x266: {  	v6 =	vld [tilespmem:s20+$0x0];
	_ =	sdelay $0x4  }
0x267: {  	v5 =	vmax.f32 v5, v6  }
0x268: {  	v6 =	vld [tilespmem:s19+$0x10];
	[tilespmem:s19+$0x0] =	vst v5  }
0x269: {  	v5 =	vld [tilespmem:s20+$0x10];
	_ =	sdelay $0x4  }
0x26a: {  	v5 =	vmax.f32 v6, v5  }
0x26b: {  	[tilespmem:s19+$0x10] =	vst v5;
	v5 =	vld [tilespmem:s19+$0x20]  }
0x26c: {  	v6 =	vld [tilespmem:s20+$0x20];
	_ =	sdelay $0x4  }
0x26d: {  	v5 =	vmax.f32 v5, v6  }
0x26e: {  	v6 =	vld [tilespmem:s19+$0x30];
	[tilespmem:s19+$0x20] =	vst v5  }
0x26f: {  	v5 =	vld [tilespmem:s20+$0x30];
	_ =	sdelay $0x1  }
0x270: {  	p1 =	sne.s32 s18, $0x1  }
.Ltmp27:
0x271: {  	_ = 	snop;
	(pc) =	sbr.rel @!p1 .LBB2_40-.Ltmp27, $4  }
0x272: {  	_ = 	snop  }
0x273: {  	v5 =	vmax.f32 v6, v5  }
0x274: {  	[tilespmem:s19+$0x30] =	vst v5;
	s19 =	sadd.s32 $0x1, s14  }
0x275: {  	p0 =	por $0x1, $0x1;
	s20 =	sadd.s32 $0xFFFFFFFF, s18;
	s18 =	simm.s32 $0x18F80;
	v5 =	vld [tilespmem:s19+$0x0]  }
.LBB2_41:
0x276: {  	p1 =	sne.s32 s20, $0x1;
	_ =	sdelay $0x3  }
0x277: {  	(v2sf) =	vpush v5, $0x0;
	_ =	sdelay $0xe  }
0x278: {  	s21 =	spop (v2sf)  }
0x279: {  	s22 =	sshra.s32 s21, $0xA;
	s21 =	sshll.u32 s21, $0x7  }
0x27a: {  	s18 =	sadd.s32 $0x80, s18;
	s21 =	sand.u32 $0x7FFF80, s21;
	s22 =	sand.u32 $0xFFFFFFC0, s22  }
0x27b: {  	v5 =	vld [tilespmem:s21+$0x0];
	s22 =	sadd.s32 s22, s18  }
0x27c: {  	v6 =	vld [tilespmem:s22+$0x0]  }
0x27d: {  	v7 =	vld [tilespmem:s21+$0x10]  }
0x27e: {  	v8 =	vld [tilespmem:s21+$0x30];
	_ =	sdelay $0x2  }
0x27f: {  	v5 =	vmax.f32 v5, v6  }
0x280: {  	[tilespmem:s21+$0x0] =	vst v5  }
0x281: {  	v5 =	vld [tilespmem:s22+$0x10];
	_ =	sdelay $0x4  }
0x282: {  	v5 =	vmax.f32 v7, v5  }
0x283: {  	[tilespmem:s21+$0x10] =	vst v5;
	v5 =	vld [tilespmem:s21+$0x20]  }
0x284: {  	v6 =	vld [tilespmem:s22+$0x20];
	_ =	sdelay $0x4  }
0x285: {  	v5 =	vmax.f32 v5, v6  }
0x286: {  	[tilespmem:s21+$0x20] =	vst v5  }
0x287: {  	v5 =	vld [tilespmem:s22+$0x30];
	_ =	sdelay $0x2  }
.Ltmp28:
0x288: {  	(pc) =	sbr.rel @p1 .LBB2_41-.Ltmp28, $4  }
0x289: {  	_ = 	snop  }
0x28a: {  	v5 =	vmax.f32 v8, v5  }
0x28b: {  	s19 =	sadd.s32 $0x1, s19;
	[tilespmem:s21+$0x30] =	vst v5  }
0x28c: {  	s20 =	sadd.s32 $0xFFFFFFFF, s20;
	v5 =	vld [tilespmem:s19+$0x0]  }
.LBB2_42:
0x28d: {  	_ =	sdelay $0x3  }
0x28e: {  	(v2sf) =	vpush v5, $0x0;
	_ =	sdelay $0xe  }
0x28f: {  	s19 =	spop (v2sf)  }
0x290: {  	s18 =	sadd.s32 @p0 $0x80, s18;
	s20 =	sshra.s32 s19, $0xA;
	s19 =	sshll.u32 s19, $0x7  }
0x291: {  	s17 =	smov.u32 @p0 s18;
	s19 =	sand.u32 $0x7FFF80, s19;
	s20 =	sand.u32 $0xFFFFFFC0, s20  }
0x292: {  	v5 =	vld [tilespmem:s19+$0x0];
	s17 =	sadd.s32 s20, s17  }
0x293: {  	v6 =	vld [tilespmem:s17+$0x0];
	_ =	sdelay $0x4  }
0x294: {  	v5 =	vmax.f32 v5, v6  }
0x295: {  	v6 =	vld [tilespmem:s19+$0x10];
	[tilespmem:s19+$0x0] =	vst v5  }
0x296: {  	v5 =	vld [tilespmem:s17+$0x10];
	_ =	sdelay $0x4  }
0x297: {  	v5 =	vmax.f32 v6, v5  }
0x298: {  	[tilespmem:s19+$0x10] =	vst v5;
	v5 =	vld [tilespmem:s19+$0x20]  }
0x299: {  	v6 =	vld [tilespmem:s17+$0x20];
	_ =	sdelay $0x4  }
0x29a: {  	v5 =	vmax.f32 v5, v6  }
0x29b: {  	v6 =	vld [tilespmem:s19+$0x30];
	[tilespmem:s19+$0x20] =	vst v5  }
0x29c: {  	v5 =	vld [tilespmem:s17+$0x30];
	_ =	sdelay $0x4  }
0x29d: {  	v5 =	vmax.f32 v6, v5  }
0x29e: {  	[tilespmem:s19+$0x30] =	vst v5  }
.LBB2_43:
0x29f: {  	s17 =	sadd.s32 $0xB, s16  }
0x2a0: {  	p0 =	sge.s32 s17, s28  }
0x2a1: {  	s17 =	sshll.u32 @!p0 s17, $0x9  }
0x2a2: {  	s17 =	sshra.s32 @!p0 s17, $0x2  }
0x2a3: {  	s18 =	simm.s32 @!p0 $0x20;
	s19 =	simm.s32 @!p0 $0x18F80;
	s17 =	sadd.s32 @!p0 $0xBF80, s17  }
0x2a4: {  	[tilespmem:s19], [sflag:$0x4] =	stream.indirect.gather @!p0 [hbm4b:s3+s18], $0x80, s17, s18, $0xb8;
	[tilespmem:$0x1DF80] =	vst v63  }
.LBB2_44:
0x2a5: {  	s17 =	sor.u32 $0x4, s16  }
0x2a6: {  	p0 =	sge.s32 s17, s28  }
.Ltmp29:
0x2a7: {  	_ = 	snop;
	(pc) =	sbr.rel @p0 .LBB2_53-.Ltmp29, $1  }
0x2a8: {  	_ =	sdelay $0x3  }
0x2a9: {  	s17 =	sshll.u32 s17, $0x5  }
0x2aa: {  	s17 =	ssub.s32 s15, s17  }
0x2ab: {  	p0 =	slt.s32 s17, $0x1  }
.Ltmp30:
0x2ac: {  	_ = 	snop;
	(pc) =	sbr.rel @p0 .LBB2_52-.Ltmp30, $4  }
0x2ad: {  	s18 =	simm.s32 $0x5  }
0x2ae: {  	_ =	swait.ge [sflag:s18], $0x1000  }
0x2af: {  	[sflag:s18] =	ssyncset.done $0x0  }
0x2b0: {  	[sflag:s18] =	ssyncadd.s32 $0xFFFFF000  }
0x2b1: {  	p0 =	sgt.s32 s0, $0x1;
	s17 =	smov.u32 s0  }
0x2b2: {  	s17 =	simm.s32 @!p0 $0x1  }
0x2b3: {  	s18 =	smin.u32 s17, $0x20  }
0x2b4: {  	p1 =	sne.s32 s18, $0x1  }
.Ltmp31:
0x2b5: {  	_ = 	snop;
	(pc) =	sbr.rel @!p1 .LBB2_47-.Ltmp31, $2  }
0x2b6: {  	_ =	sdelay $0x2  }
0x2b7: {  	v5 =	vld [tilespmem:s9+$0x0];
	p0 =	por $0x0, $0x0;
	s17 =	simm.s32 $0x19F80;
	s18 =	sadd.s32 $0xFFFFFFFF, s18  }
0x2b8: {  	_ =	sdelay $0x3  }
0x2b9: {  	(v2sf) =	vpush v5, $0x0;
	_ =	sdelay $0xe  }
0x2ba: {  	s19 =	spop (v2sf)  }
0x2bb: {  	s20 =	sshra.s32 s19, $0xA;
	s19 =	sshll.u32 s19, $0x7  }
0x2bc: {  	s19 =	sand.u32 $0x7FFF80, s19;
	s20 =	sand.u32 $0xFFFFFFC0, s20  }
0x2bd: {  	v5 =	vld [tilespmem:s19+$0x0];
	s20 =	sadd.s32 $0x19F80, s20  }
0x2be: {  	v6 =	vld [tilespmem:s20+$0x0];
	_ =	sdelay $0x4  }
0x2bf: {  	v5 =	vmax.f32 v5, v6  }
0x2c0: {  	v6 =	vld [tilespmem:s19+$0x10];
	[tilespmem:s19+$0x0] =	vst v5  }
0x2c1: {  	v5 =	vld [tilespmem:s20+$0x10];
	_ =	sdelay $0x4  }
0x2c2: {  	v5 =	vmax.f32 v6, v5  }
0x2c3: {  	[tilespmem:s19+$0x10] =	vst v5;
	v5 =	vld [tilespmem:s19+$0x20]  }
0x2c4: {  	v6 =	vld [tilespmem:s20+$0x20];
	_ =	sdelay $0x4  }
0x2c5: {  	v5 =	vmax.f32 v5, v6  }
0x2c6: {  	v6 =	vld [tilespmem:s19+$0x30];
	[tilespmem:s19+$0x20] =	vst v5  }
0x2c7: {  	v5 =	vld [tilespmem:s20+$0x30];
	_ =	sdelay $0x1  }
0x2c8: {  	p1 =	sne.s32 s18, $0x1  }
.Ltmp32:
0x2c9: {  	_ = 	snop;
	(pc) =	sbr.rel @!p1 .LBB2_49-.Ltmp32, $4  }
0x2ca: {  	_ = 	snop  }
0x2cb: {  	v5 =	vmax.f32 v6, v5  }
0x2cc: {  	[tilespmem:s19+$0x30] =	vst v5;
	s19 =	sadd.s32 $0x1, s9  }
0x2cd: {  	p0 =	por $0x1, $0x1;
	s20 =	sadd.s32 $0xFFFFFFFF, s18;
	s18 =	simm.s32 $0x19F80;
	v5 =	vld [tilespmem:s19+$0x0]  }
.LBB2_50:
0x2ce: {  	p1 =	sne.s32 s20, $0x1;
	_ =	sdelay $0x3  }
0x2cf: {  	(v2sf) =	vpush v5, $0x0;
	_ =	sdelay $0xe  }
0x2d0: {  	s21 =	spop (v2sf)  }
0x2d1: {  	s22 =	sshra.s32 s21, $0xA;
	s21 =	sshll.u32 s21, $0x7  }
0x2d2: {  	s18 =	sadd.s32 $0x80, s18;
	s21 =	sand.u32 $0x7FFF80, s21;
	s22 =	sand.u32 $0xFFFFFFC0, s22  }
0x2d3: {  	v5 =	vld [tilespmem:s21+$0x0];
	s22 =	sadd.s32 s22, s18  }
0x2d4: {  	v6 =	vld [tilespmem:s22+$0x0]  }
0x2d5: {  	v7 =	vld [tilespmem:s21+$0x10]  }
0x2d6: {  	v8 =	vld [tilespmem:s21+$0x30];
	_ =	sdelay $0x2  }
0x2d7: {  	v5 =	vmax.f32 v5, v6  }
0x2d8: {  	[tilespmem:s21+$0x0] =	vst v5  }
0x2d9: {  	v5 =	vld [tilespmem:s22+$0x10];
	_ =	sdelay $0x4  }
0x2da: {  	v5 =	vmax.f32 v7, v5  }
0x2db: {  	[tilespmem:s21+$0x10] =	vst v5;
	v5 =	vld [tilespmem:s21+$0x20]  }
0x2dc: {  	v6 =	vld [tilespmem:s22+$0x20];
	_ =	sdelay $0x4  }
0x2dd: {  	v5 =	vmax.f32 v5, v6  }
0x2de: {  	[tilespmem:s21+$0x20] =	vst v5  }
0x2df: {  	v5 =	vld [tilespmem:s22+$0x30];
	_ =	sdelay $0x2  }
.Ltmp33:
0x2e0: {  	(pc) =	sbr.rel @p1 .LBB2_50-.Ltmp33, $4  }
0x2e1: {  	_ = 	snop  }
0x2e2: {  	v5 =	vmax.f32 v8, v5  }
0x2e3: {  	s19 =	sadd.s32 $0x1, s19;
	[tilespmem:s21+$0x30] =	vst v5  }
0x2e4: {  	s20 =	sadd.s32 $0xFFFFFFFF, s20;
	v5 =	vld [tilespmem:s19+$0x0]  }
.LBB2_51:
0x2e5: {  	_ =	sdelay $0x3  }
0x2e6: {  	(v2sf) =	vpush v5, $0x0;
	_ =	sdelay $0xe  }
0x2e7: {  	s19 =	spop (v2sf)  }
0x2e8: {  	s18 =	sadd.s32 @p0 $0x80, s18;
	s20 =	sshra.s32 s19, $0xA;
	s19 =	sshll.u32 s19, $0x7  }
0x2e9: {  	s17 =	smov.u32 @p0 s18;
	s19 =	sand.u32 $0x7FFF80, s19;
	s20 =	sand.u32 $0xFFFFFFC0, s20  }
0x2ea: {  	v5 =	vld [tilespmem:s19+$0x0];
	s17 =	sadd.s32 s20, s17  }
0x2eb: {  	v6 =	vld [tilespmem:s17+$0x0];
	_ =	sdelay $0x4  }
0x2ec: {  	v5 =	vmax.f32 v5, v6  }
0x2ed: {  	v6 =	vld [tilespmem:s19+$0x10];
	[tilespmem:s19+$0x0] =	vst v5  }
0x2ee: {  	v5 =	vld [tilespmem:s17+$0x10];
	_ =	sdelay $0x4  }
0x2ef: {  	v5 =	vmax.f32 v6, v5  }
0x2f0: {  	[tilespmem:s19+$0x10] =	vst v5;
	v5 =	vld [tilespmem:s19+$0x20]  }
0x2f1: {  	v6 =	vld [tilespmem:s17+$0x20];
	_ =	sdelay $0x4  }
0x2f2: {  	v5 =	vmax.f32 v5, v6  }
0x2f3: {  	v6 =	vld [tilespmem:s19+$0x30];
	[tilespmem:s19+$0x20] =	vst v5  }
0x2f4: {  	v5 =	vld [tilespmem:s17+$0x30];
	_ =	sdelay $0x4  }
0x2f5: {  	v5 =	vmax.f32 v6, v5  }
0x2f6: {  	[tilespmem:s19+$0x30] =	vst v5  }
.LBB2_52:
0x2f7: {  	s17 =	sadd.s32 $0xC, s16  }
0x2f8: {  	p0 =	sge.s32 s17, s28  }
0x2f9: {  	s17 =	sshll.u32 @!p0 s17, $0x9  }
0x2fa: {  	s17 =	sshra.s32 @!p0 s17, $0x2  }
0x2fb: {  	s18 =	simm.s32 @!p0 $0x20;
	s19 =	simm.s32 @!p0 $0x19F80;
	s17 =	sadd.s32 @!p0 $0xBF80, s17  }
0x2fc: {  	[tilespmem:s19], [sflag:$0x5] =	stream.indirect.gather @!p0 [hbm4b:s3+s18], $0x80, s17, s18, $0xb8;
	[tilespmem:$0x1DF80] =	vst v63  }
.LBB2_53:
0x2fd: {  	s17 =	sor.u32 $0x5, s16  }
0x2fe: {  	p0 =	sge.s32 s17, s28  }
.Ltmp34:
0x2ff: {  	_ = 	snop;
	(pc) =	sbr.rel @p0 .LBB2_62-.Ltmp34, $1  }
0x300: {  	_ =	sdelay $0x3  }
0x301: {  	s17 =	sshll.u32 s17, $0x5  }
0x302: {  	s17 =	ssub.s32 s15, s17  }
0x303: {  	p0 =	slt.s32 s17, $0x1  }
.Ltmp35:
0x304: {  	_ = 	snop;
	(pc) =	sbr.rel @p0 .LBB2_61-.Ltmp35, $4  }
0x305: {  	s18 =	simm.s32 $0x6  }
0x306: {  	_ =	swait.ge [sflag:s18], $0x1000  }
0x307: {  	[sflag:s18] =	ssyncset.done $0x0  }
0x308: {  	[sflag:s18] =	ssyncadd.s32 $0xFFFFF000  }
0x309: {  	p0 =	sgt.s32 s2, $0x1;
	s17 =	smov.u32 s2  }
0x30a: {  	s17 =	simm.s32 @!p0 $0x1  }
0x30b: {  	s18 =	smin.u32 s17, $0x20  }
0x30c: {  	p1 =	sne.s32 s18, $0x1  }
.Ltmp36:
0x30d: {  	_ = 	snop;
	(pc) =	sbr.rel @!p1 .LBB2_56-.Ltmp36, $2  }
0x30e: {  	_ =	sdelay $0x2  }
0x30f: {  	v5 =	vld [tilespmem:s4+$0x0];
	p0 =	por $0x0, $0x0;
	s17 =	simm.s32 $0x1AF80;
	s18 =	sadd.s32 $0xFFFFFFFF, s18  }
0x310: {  	_ =	sdelay $0x3  }
0x311: {  	(v2sf) =	vpush v5, $0x0;
	_ =	sdelay $0xe  }
0x312: {  	s19 =	spop (v2sf)  }
0x313: {  	s20 =	sshra.s32 s19, $0xA;
	s19 =	sshll.u32 s19, $0x7  }
0x314: {  	s19 =	sand.u32 $0x7FFF80, s19;
	s20 =	sand.u32 $0xFFFFFFC0, s20  }
0x315: {  	v5 =	vld [tilespmem:s19+$0x0];
	s20 =	sadd.s32 $0x1AF80, s20  }
0x316: {  	v6 =	vld [tilespmem:s20+$0x0];
	_ =	sdelay $0x4  }
0x317: {  	v5 =	vmax.f32 v5, v6  }
0x318: {  	v6 =	vld [tilespmem:s19+$0x10];
	[tilespmem:s19+$0x0] =	vst v5  }
0x319: {  	v5 =	vld [tilespmem:s20+$0x10];
	_ =	sdelay $0x4  }
0x31a: {  	v5 =	vmax.f32 v6, v5  }
0x31b: {  	[tilespmem:s19+$0x10] =	vst v5;
	v5 =	vld [tilespmem:s19+$0x20]  }
0x31c: {  	v6 =	vld [tilespmem:s20+$0x20];
	_ =	sdelay $0x4  }
0x31d: {  	v5 =	vmax.f32 v5, v6  }
0x31e: {  	v6 =	vld [tilespmem:s19+$0x30];
	[tilespmem:s19+$0x20] =	vst v5  }
0x31f: {  	v5 =	vld [tilespmem:s20+$0x30];
	_ =	sdelay $0x1  }
0x320: {  	p1 =	sne.s32 s18, $0x1  }
.Ltmp37:
0x321: {  	_ = 	snop;
	(pc) =	sbr.rel @!p1 .LBB2_58-.Ltmp37, $4  }
0x322: {  	_ = 	snop  }
0x323: {  	v5 =	vmax.f32 v6, v5  }
0x324: {  	[tilespmem:s19+$0x30] =	vst v5;
	s19 =	sadd.s32 $0x1, s4  }
0x325: {  	p0 =	por $0x1, $0x1;
	s20 =	sadd.s32 $0xFFFFFFFF, s18;
	s18 =	simm.s32 $0x1AF80;
	v5 =	vld [tilespmem:s19+$0x0]  }
.LBB2_59:
0x326: {  	p1 =	sne.s32 s20, $0x1;
	_ =	sdelay $0x3  }
0x327: {  	(v2sf) =	vpush v5, $0x0;
	_ =	sdelay $0xe  }
0x328: {  	s21 =	spop (v2sf)  }
0x329: {  	s22 =	sshra.s32 s21, $0xA;
	s21 =	sshll.u32 s21, $0x7  }
0x32a: {  	s18 =	sadd.s32 $0x80, s18;
	s21 =	sand.u32 $0x7FFF80, s21;
	s22 =	sand.u32 $0xFFFFFFC0, s22  }
0x32b: {  	v5 =	vld [tilespmem:s21+$0x0];
	s22 =	sadd.s32 s22, s18  }
0x32c: {  	v6 =	vld [tilespmem:s22+$0x0]  }
0x32d: {  	v7 =	vld [tilespmem:s21+$0x10]  }
0x32e: {  	v8 =	vld [tilespmem:s21+$0x30];
	_ =	sdelay $0x2  }
0x32f: {  	v5 =	vmax.f32 v5, v6  }
0x330: {  	[tilespmem:s21+$0x0] =	vst v5  }
0x331: {  	v5 =	vld [tilespmem:s22+$0x10];
	_ =	sdelay $0x4  }
0x332: {  	v5 =	vmax.f32 v7, v5  }
0x333: {  	[tilespmem:s21+$0x10] =	vst v5;
	v5 =	vld [tilespmem:s21+$0x20]  }
0x334: {  	v6 =	vld [tilespmem:s22+$0x20];
	_ =	sdelay $0x4  }
0x335: {  	v5 =	vmax.f32 v5, v6  }
0x336: {  	[tilespmem:s21+$0x20] =	vst v5  }
0x337: {  	v5 =	vld [tilespmem:s22+$0x30];
	_ =	sdelay $0x2  }
.Ltmp38:
0x338: {  	(pc) =	sbr.rel @p1 .LBB2_59-.Ltmp38, $4  }
0x339: {  	_ = 	snop  }
0x33a: {  	v5 =	vmax.f32 v8, v5  }
0x33b: {  	s19 =	sadd.s32 $0x1, s19;
	[tilespmem:s21+$0x30] =	vst v5  }
0x33c: {  	s20 =	sadd.s32 $0xFFFFFFFF, s20;
	v5 =	vld [tilespmem:s19+$0x0]  }
.LBB2_60:
0x33d: {  	_ =	sdelay $0x3  }
0x33e: {  	(v2sf) =	vpush v5, $0x0;
	_ =	sdelay $0xe  }
0x33f: {  	s19 =	spop (v2sf)  }
0x340: {  	s18 =	sadd.s32 @p0 $0x80, s18;
	s20 =	sshra.s32 s19, $0xA;
	s19 =	sshll.u32 s19, $0x7  }
0x341: {  	s17 =	smov.u32 @p0 s18;
	s19 =	sand.u32 $0x7FFF80, s19;
	s20 =	sand.u32 $0xFFFFFFC0, s20  }
0x342: {  	v5 =	vld [tilespmem:s19+$0x0];
	s17 =	sadd.s32 s20, s17  }
0x343: {  	v6 =	vld [tilespmem:s17+$0x0];
	_ =	sdelay $0x4  }
0x344: {  	v5 =	vmax.f32 v5, v6  }
0x345: {  	v6 =	vld [tilespmem:s19+$0x10];
	[tilespmem:s19+$0x0] =	vst v5  }
0x346: {  	v5 =	vld [tilespmem:s17+$0x10];
	_ =	sdelay $0x4  }
0x347: {  	v5 =	vmax.f32 v6, v5  }
0x348: {  	[tilespmem:s19+$0x10] =	vst v5;
	v5 =	vld [tilespmem:s19+$0x20]  }
0x349: {  	v6 =	vld [tilespmem:s17+$0x20];
	_ =	sdelay $0x4  }
0x34a: {  	v5 =	vmax.f32 v5, v6  }
0x34b: {  	v6 =	vld [tilespmem:s19+$0x30];
	[tilespmem:s19+$0x20] =	vst v5  }
0x34c: {  	v5 =	vld [tilespmem:s17+$0x30];
	_ =	sdelay $0x4  }
0x34d: {  	v5 =	vmax.f32 v6, v5  }
0x34e: {  	[tilespmem:s19+$0x30] =	vst v5  }
.LBB2_61:
0x34f: {  	s17 =	sadd.s32 $0xD, s16  }
0x350: {  	p0 =	sge.s32 s17, s28  }
0x351: {  	s17 =	sshll.u32 @!p0 s17, $0x9  }
0x352: {  	s17 =	sshra.s32 @!p0 s17, $0x2  }
0x353: {  	s18 =	simm.s32 @!p0 $0x20;
	s19 =	simm.s32 @!p0 $0x1AF80;
	s17 =	sadd.s32 @!p0 $0xBF80, s17  }
0x354: {  	[tilespmem:s19], [sflag:$0x6] =	stream.indirect.gather @!p0 [hbm4b:s3+s18], $0x80, s17, s18, $0xb8;
	[tilespmem:$0x1DF80] =	vst v63  }
.LBB2_62:
0x355: {  	s17 =	sor.u32 $0x6, s16  }
0x356: {  	p0 =	sge.s32 s17, s28  }
.Ltmp39:
0x357: {  	_ = 	snop;
	(pc) =	sbr.rel @p0 .LBB2_71-.Ltmp39, $1  }
0x358: {  	_ =	sdelay $0x3  }
0x359: {  	s17 =	sshll.u32 s17, $0x5  }
0x35a: {  	s17 =	ssub.s32 s15, s17  }
0x35b: {  	p0 =	slt.s32 s17, $0x1  }
.Ltmp40:
0x35c: {  	_ = 	snop;
	(pc) =	sbr.rel @p0 .LBB2_70-.Ltmp40, $4  }
0x35d: {  	s18 =	simm.s32 $0x7  }
0x35e: {  	_ =	swait.ge [sflag:s18], $0x1000  }
0x35f: {  	[sflag:s18] =	ssyncset.done $0x0  }
0x360: {  	[sflag:s18] =	ssyncadd.s32 $0xFFFFF000  }
0x361: {  	p0 =	sgt.s32 s5, $0x1;
	s17 =	smov.u32 s5  }
0x362: {  	s17 =	simm.s32 @!p0 $0x1  }
0x363: {  	s18 =	smin.u32 s17, $0x20  }
0x364: {  	p1 =	sne.s32 s18, $0x1  }
.Ltmp41:
0x365: {  	_ = 	snop;
	(pc) =	sbr.rel @!p1 .LBB2_65-.Ltmp41, $2  }
0x366: {  	_ =	sdelay $0x2  }
0x367: {  	v5 =	vld [tilespmem:s8+$0x0];
	p0 =	por $0x0, $0x0;
	s17 =	simm.s32 $0x1BF80;
	s18 =	sadd.s32 $0xFFFFFFFF, s18  }
0x368: {  	_ =	sdelay $0x3  }
0x369: {  	(v2sf) =	vpush v5, $0x0;
	_ =	sdelay $0xe  }
0x36a: {  	s19 =	spop (v2sf)  }
0x36b: {  	s20 =	sshra.s32 s19, $0xA;
	s19 =	sshll.u32 s19, $0x7  }
0x36c: {  	s19 =	sand.u32 $0x7FFF80, s19;
	s20 =	sand.u32 $0xFFFFFFC0, s20  }
0x36d: {  	v5 =	vld [tilespmem:s19+$0x0];
	s20 =	sadd.s32 $0x1BF80, s20  }
0x36e: {  	v6 =	vld [tilespmem:s20+$0x0];
	_ =	sdelay $0x4  }
0x36f: {  	v5 =	vmax.f32 v5, v6  }
0x370: {  	v6 =	vld [tilespmem:s19+$0x10];
	[tilespmem:s19+$0x0] =	vst v5  }
0x371: {  	v5 =	vld [tilespmem:s20+$0x10];
	_ =	sdelay $0x4  }
0x372: {  	v5 =	vmax.f32 v6, v5  }
0x373: {  	[tilespmem:s19+$0x10] =	vst v5;
	v5 =	vld [tilespmem:s19+$0x20]  }
0x374: {  	v6 =	vld [tilespmem:s20+$0x20];
	_ =	sdelay $0x4  }
0x375: {  	v5 =	vmax.f32 v5, v6  }
0x376: {  	v6 =	vld [tilespmem:s19+$0x30];
	[tilespmem:s19+$0x20] =	vst v5  }
0x377: {  	v5 =	vld [tilespmem:s20+$0x30];
	_ =	sdelay $0x1  }
0x378: {  	p1 =	sne.s32 s18, $0x1  }
.Ltmp42:
0x379: {  	_ = 	snop;
	(pc) =	sbr.rel @!p1 .LBB2_67-.Ltmp42, $4  }
0x37a: {  	_ = 	snop  }
0x37b: {  	v5 =	vmax.f32 v6, v5  }
0x37c: {  	[tilespmem:s19+$0x30] =	vst v5;
	s19 =	sadd.s32 $0x1, s8  }
0x37d: {  	p0 =	por $0x1, $0x1;
	s20 =	sadd.s32 $0xFFFFFFFF, s18;
	s18 =	simm.s32 $0x1BF80;
	v5 =	vld [tilespmem:s19+$0x0]  }
.LBB2_68:
0x37e: {  	p1 =	sne.s32 s20, $0x1;
	_ =	sdelay $0x3  }
0x37f: {  	(v2sf) =	vpush v5, $0x0;
	_ =	sdelay $0xe  }
0x380: {  	s21 =	spop (v2sf)  }
0x381: {  	s22 =	sshra.s32 s21, $0xA;
	s21 =	sshll.u32 s21, $0x7  }
0x382: {  	s18 =	sadd.s32 $0x80, s18;
	s21 =	sand.u32 $0x7FFF80, s21;
	s22 =	sand.u32 $0xFFFFFFC0, s22  }
0x383: {  	v5 =	vld [tilespmem:s21+$0x0];
	s22 =	sadd.s32 s22, s18  }
0x384: {  	v6 =	vld [tilespmem:s22+$0x0]  }
0x385: {  	v7 =	vld [tilespmem:s21+$0x10]  }
0x386: {  	v8 =	vld [tilespmem:s21+$0x30];
	_ =	sdelay $0x2  }
0x387: {  	v5 =	vmax.f32 v5, v6  }
0x388: {  	[tilespmem:s21+$0x0] =	vst v5  }
0x389: {  	v5 =	vld [tilespmem:s22+$0x10];
	_ =	sdelay $0x4  }
0x38a: {  	v5 =	vmax.f32 v7, v5  }
0x38b: {  	[tilespmem:s21+$0x10] =	vst v5;
	v5 =	vld [tilespmem:s21+$0x20]  }
0x38c: {  	v6 =	vld [tilespmem:s22+$0x20];
	_ =	sdelay $0x4  }
0x38d: {  	v5 =	vmax.f32 v5, v6  }
0x38e: {  	[tilespmem:s21+$0x20] =	vst v5  }
0x38f: {  	v5 =	vld [tilespmem:s22+$0x30];
	_ =	sdelay $0x2  }
.Ltmp43:
0x390: {  	(pc) =	sbr.rel @p1 .LBB2_68-.Ltmp43, $4  }
0x391: {  	_ = 	snop  }
0x392: {  	v5 =	vmax.f32 v8, v5  }
0x393: {  	s19 =	sadd.s32 $0x1, s19;
	[tilespmem:s21+$0x30] =	vst v5  }
0x394: {  	s20 =	sadd.s32 $0xFFFFFFFF, s20;
	v5 =	vld [tilespmem:s19+$0x0]  }
.LBB2_69:
0x395: {  	_ =	sdelay $0x3  }
0x396: {  	(v2sf) =	vpush v5, $0x0;
	_ =	sdelay $0xe  }
0x397: {  	s19 =	spop (v2sf)  }
0x398: {  	s18 =	sadd.s32 @p0 $0x80, s18;
	s20 =	sshra.s32 s19, $0xA;
	s19 =	sshll.u32 s19, $0x7  }
0x399: {  	s17 =	smov.u32 @p0 s18;
	s19 =	sand.u32 $0x7FFF80, s19;
	s20 =	sand.u32 $0xFFFFFFC0, s20  }
0x39a: {  	v5 =	vld [tilespmem:s19+$0x0];
	s17 =	sadd.s32 s20, s17  }
0x39b: {  	v6 =	vld [tilespmem:s17+$0x0];
	_ =	sdelay $0x4  }
0x39c: {  	v5 =	vmax.f32 v5, v6  }
0x39d: {  	v6 =	vld [tilespmem:s19+$0x10];
	[tilespmem:s19+$0x0] =	vst v5  }
0x39e: {  	v5 =	vld [tilespmem:s17+$0x10];
	_ =	sdelay $0x4  }
0x39f: {  	v5 =	vmax.f32 v6, v5  }
0x3a0: {  	[tilespmem:s19+$0x10] =	vst v5;
	v5 =	vld [tilespmem:s19+$0x20]  }
0x3a1: {  	v6 =	vld [tilespmem:s17+$0x20];
	_ =	sdelay $0x4  }
0x3a2: {  	v5 =	vmax.f32 v5, v6  }
0x3a3: {  	v6 =	vld [tilespmem:s19+$0x30];
	[tilespmem:s19+$0x20] =	vst v5  }
0x3a4: {  	v5 =	vld [tilespmem:s17+$0x30];
	_ =	sdelay $0x4  }
0x3a5: {  	v5 =	vmax.f32 v6, v5  }
0x3a6: {  	[tilespmem:s19+$0x30] =	vst v5  }
.LBB2_70:
0x3a7: {  	s17 =	sadd.s32 $0xE, s16  }
0x3a8: {  	p0 =	sge.s32 s17, s28  }
0x3a9: {  	s17 =	sshll.u32 @!p0 s17, $0x9  }
0x3aa: {  	s17 =	sshra.s32 @!p0 s17, $0x2  }
0x3ab: {  	s18 =	simm.s32 @!p0 $0x20;
	s19 =	simm.s32 @!p0 $0x1BF80;
	s17 =	sadd.s32 @!p0 $0xBF80, s17  }
0x3ac: {  	[tilespmem:s19], [sflag:$0x7] =	stream.indirect.gather @!p0 [hbm4b:s3+s18], $0x80, s17, s18, $0xb8;
	[tilespmem:$0x1DF80] =	vst v63  }
.LBB2_71:
0x3ad: {  	s17 =	sor.u32 $0x7, s16  }
0x3ae: {  	p0 =	sge.s32 s17, s28  }
.Ltmp44:
0x3af: {  	_ = 	snop;
	(pc) =	sbr.rel @p0 .LBB2_80-.Ltmp44, $1  }
0x3b0: {  	_ =	sdelay $0x3  }
0x3b1: {  	s17 =	sshll.u32 s17, $0x5  }
0x3b2: {  	s17 =	ssub.s32 s15, s17  }
0x3b3: {  	p0 =	slt.s32 s17, $0x1  }
.Ltmp45:
0x3b4: {  	_ = 	snop;
	(pc) =	sbr.rel @p0 .LBB2_79-.Ltmp45, $4  }
0x3b5: {  	s18 =	simm.s32 $0x8  }
0x3b6: {  	_ =	swait.ge [sflag:s18], $0x1000  }
0x3b7: {  	[sflag:s18] =	ssyncset.done $0x0  }
0x3b8: {  	[sflag:s18] =	ssyncadd.s32 $0xFFFFF000  }
0x3b9: {  	p0 =	sgt.s32 s6, $0x1;
	s17 =	smov.u32 s6  }
0x3ba: {  	s17 =	simm.s32 @!p0 $0x1  }
0x3bb: {  	s18 =	smin.u32 s17, $0x20  }
0x3bc: {  	p1 =	sne.s32 s18, $0x1  }
.Ltmp46:
0x3bd: {  	v5 =	vld [tilespmem:s25+$0x0];
	(pc) =	sbr.rel @!p1 .LBB2_74-.Ltmp46, $2  }
0x3be: {  	_ =	sdelay $0x2  }
0x3bf: {  	p0 =	por $0x0, $0x0;
	s17 =	simm.s32 $0x1CF80;
	s18 =	sadd.s32 $0xFFFFFFFF, s18  }
0x3c0: {  	(v2sf) =	vpush v5, $0x0;
	_ =	sdelay $0xe  }
0x3c1: {  	s19 =	spop (v2sf)  }
0x3c2: {  	s20 =	sshra.s32 s19, $0xA;
	s19 =	sshll.u32 s19, $0x7  }
0x3c3: {  	s19 =	sand.u32 $0x7FFF80, s19;
	s20 =	sand.u32 $0xFFFFFFC0, s20  }
0x3c4: {  	v5 =	vld [tilespmem:s19+$0x0];
	s20 =	sadd.s32 $0x1CF80, s20  }
0x3c5: {  	v6 =	vld [tilespmem:s20+$0x0];
	_ =	sdelay $0x4  }
0x3c6: {  	v5 =	vmax.f32 v5, v6  }
0x3c7: {  	v6 =	vld [tilespmem:s19+$0x10];
	[tilespmem:s19+$0x0] =	vst v5  }
0x3c8: {  	v5 =	vld [tilespmem:s20+$0x10];
	_ =	sdelay $0x4  }
0x3c9: {  	v5 =	vmax.f32 v6, v5  }
0x3ca: {  	[tilespmem:s19+$0x10] =	vst v5;
	v5 =	vld [tilespmem:s19+$0x20]  }
0x3cb: {  	v6 =	vld [tilespmem:s20+$0x20];
	_ =	sdelay $0x4  }
0x3cc: {  	v5 =	vmax.f32 v5, v6  }
0x3cd: {  	v6 =	vld [tilespmem:s19+$0x30];
	[tilespmem:s19+$0x20] =	vst v5  }
0x3ce: {  	v5 =	vld [tilespmem:s20+$0x30];
	_ =	sdelay $0x4  }
0x3cf: {  	v5 =	vmax.f32 v6, v5  }
0x3d0: {  	p1 =	sne.s32 s18, $0x1;
	[tilespmem:s19+$0x30] =	vst v5;
	s19 =	sadd.s32 $0x1, s25  }
.Ltmp47:
0x3d1: {  	v5 =	vld [tilespmem:s19+$0x0];
	(pc) =	sbr.rel @!p1 .LBB2_76-.Ltmp47, $2  }
0x3d2: {  	_ =	sdelay $0x2  }
0x3d3: {  	p0 =	por $0x1, $0x1;
	s20 =	sadd.s32 $0xFFFFFFFF, s18;
	s18 =	simm.s32 $0x1CF80  }
.LBB2_77:
0x3d4: {  	p1 =	sne.s32 s20, $0x1;
	_ =	sdelay $0x3  }
0x3d5: {  	(v2sf) =	vpush v5, $0x0;
	_ =	sdelay $0xe  }
0x3d6: {  	s21 =	spop (v2sf)  }
0x3d7: {  	s22 =	sshra.s32 s21, $0xA;
	s21 =	sshll.u32 s21, $0x7  }
0x3d8: {  	s18 =	sadd.s32 $0x80, s18;
	s21 =	sand.u32 $0x7FFF80, s21;
	s22 =	sand.u32 $0xFFFFFFC0, s22  }
0x3d9: {  	v5 =	vld [tilespmem:s21+$0x0];
	s22 =	sadd.s32 s22, s18  }
0x3da: {  	v6 =	vld [tilespmem:s22+$0x0]  }
0x3db: {  	v7 =	vld [tilespmem:s21+$0x10]  }
0x3dc: {  	v8 =	vld [tilespmem:s21+$0x30];
	_ =	sdelay $0x2  }
0x3dd: {  	v5 =	vmax.f32 v5, v6  }
0x3de: {  	[tilespmem:s21+$0x0] =	vst v5  }
0x3df: {  	v5 =	vld [tilespmem:s22+$0x10];
	_ =	sdelay $0x4  }
0x3e0: {  	v5 =	vmax.f32 v7, v5  }
0x3e1: {  	[tilespmem:s21+$0x10] =	vst v5;
	v5 =	vld [tilespmem:s21+$0x20]  }
0x3e2: {  	v6 =	vld [tilespmem:s22+$0x20];
	_ =	sdelay $0x4  }
0x3e3: {  	v5 =	vmax.f32 v5, v6  }
0x3e4: {  	[tilespmem:s21+$0x20] =	vst v5  }
0x3e5: {  	v5 =	vld [tilespmem:s22+$0x30];
	_ =	sdelay $0x2  }
.Ltmp48:
0x3e6: {  	(pc) =	sbr.rel @p1 .LBB2_77-.Ltmp48, $4  }
0x3e7: {  	_ = 	snop  }
0x3e8: {  	v5 =	vmax.f32 v8, v5  }
0x3e9: {  	s19 =	sadd.s32 $0x1, s19;
	[tilespmem:s21+$0x30] =	vst v5  }
0x3ea: {  	s20 =	sadd.s32 $0xFFFFFFFF, s20;
	v5 =	vld [tilespmem:s19+$0x0]  }
.Ltmp49:
0x3eb: {  	_ = 	snop;
	(pc) =	sbr.rel .LBB2_78-.Ltmp49, $1  }
0x3ec: {  	_ =	sdelay $0x3  }
.LBB2_11:
.Ltmp50:
0x3ed: {  	(pc) =	sbr.rel .LBB2_15-.Ltmp50, $2  }
0x3ee: {  	_ =	sdelay $0x2  }
0x3ef: {  	s18 =	simm.s32 $0x15F80  }
.LBB2_20:
.Ltmp51:
0x3f0: {  	(pc) =	sbr.rel .LBB2_24-.Ltmp51, $2  }
0x3f1: {  	_ =	sdelay $0x2  }
0x3f2: {  	s18 =	simm.s32 $0x16F80  }
.LBB2_29:
.Ltmp52:
0x3f3: {  	(pc) =	sbr.rel .LBB2_33-.Ltmp52, $2  }
0x3f4: {  	_ =	sdelay $0x2  }
0x3f5: {  	s18 =	simm.s32 $0x17F80  }
.LBB2_38:
.Ltmp53:
0x3f6: {  	(pc) =	sbr.rel .LBB2_42-.Ltmp53, $2  }
0x3f7: {  	_ =	sdelay $0x2  }
0x3f8: {  	s18 =	simm.s32 $0x18F80  }
.LBB2_47:
.Ltmp54:
0x3f9: {  	(pc) =	sbr.rel .LBB2_51-.Ltmp54, $2  }
0x3fa: {  	_ =	sdelay $0x2  }
0x3fb: {  	s18 =	simm.s32 $0x19F80  }
.LBB2_56:
.Ltmp55:
0x3fc: {  	(pc) =	sbr.rel .LBB2_60-.Ltmp55, $2  }
0x3fd: {  	_ =	sdelay $0x2  }
0x3fe: {  	s18 =	simm.s32 $0x1AF80  }
.LBB2_65:
.Ltmp56:
0x3ff: {  	(pc) =	sbr.rel .LBB2_69-.Ltmp56, $2  }
0x400: {  	_ =	sdelay $0x2  }
0x401: {  	s18 =	simm.s32 $0x1BF80  }
.LBB2_13:
.Ltmp57:
0x402: {  	(pc) =	sbr.rel .LBB2_15-.Ltmp57, $2  }
0x403: {  	_ =	sdelay $0x2  }
0x404: {  	s18 =	simm.s32 $0x15F80  }
.LBB2_22:
.Ltmp58:
0x405: {  	(pc) =	sbr.rel .LBB2_24-.Ltmp58, $2  }
0x406: {  	_ =	sdelay $0x2  }
0x407: {  	s18 =	simm.s32 $0x16F80  }
.LBB2_31:
.Ltmp59:
0x408: {  	(pc) =	sbr.rel .LBB2_33-.Ltmp59, $2  }
0x409: {  	_ =	sdelay $0x2  }
0x40a: {  	s18 =	simm.s32 $0x17F80  }
.LBB2_40:
.Ltmp60:
0x40b: {  	(pc) =	sbr.rel .LBB2_42-.Ltmp60, $2  }
0x40c: {  	_ =	sdelay $0x2  }
0x40d: {  	s18 =	simm.s32 $0x18F80  }
.LBB2_49:
.Ltmp61:
0x40e: {  	(pc) =	sbr.rel .LBB2_51-.Ltmp61, $2  }
0x40f: {  	_ =	sdelay $0x2  }
0x410: {  	s18 =	simm.s32 $0x19F80  }
.LBB2_58:
.Ltmp62:
0x411: {  	(pc) =	sbr.rel .LBB2_60-.Ltmp62, $2  }
0x412: {  	_ =	sdelay $0x2  }
0x413: {  	s18 =	simm.s32 $0x1AF80  }
.LBB2_67:
.Ltmp63:
0x414: {  	(pc) =	sbr.rel .LBB2_69-.Ltmp63, $2  }
0x415: {  	_ =	sdelay $0x2  }
0x416: {  	s18 =	simm.s32 $0x1BF80  }
.LBB2_76:
.Ltmp64:
0x417: {  	(pc) =	sbr.rel .LBB2_78-.Ltmp64, $2  }
0x418: {  	_ =	sdelay $0x2  }
0x419: {  	s18 =	simm.s32 $0x1CF80  }
.LBB2_83:
0x41a: {  	_ =	sfence.sel $0x180000  }
0x41b: {  	[bflag:$0x0] =	sbarrier.arrive $0xFFFF  }
0x41c: {  	_ =	strace $0x9000004A  }
0x41d: {  	s0 =	stileid.u32;
	[bflag:$0x2] =	sbarrier.arrive $0xFFFF  }
0x41e: {  	p0 =	sne.s32 s0, $0x0;
	s0 =	rddreg [dreg:$0x1]  }
0x41f: {  	s0 =	sadd.s32 @!p0 $0x100000, s0  }
0x420: {  	[sflag:s0] =	ssyncadd.tile.s32 @!p0 $0x1;
	_ =	shalt  }
.Lfunc_end2:
_tile_overlayer_lowered:
.L_overlay_start_2:
0x421: {  	(tag) =	ssettag $0x2  }
0x422: {  	s0 =	rddreg [dreg:$0x0];
	s2 =	stileid.u32  }
0x423: {  	s1 =	rddreg [dreg:$0x1];
	p0 =	sne.s32 s2, $0x0  }
0x424: {  	s3 =	rddreg [dreg:$0x2];
	[bflag:$0x3] =	sbarrier.arrive $0xFFFF;
	s2 =	simm.s32 @!p0 $0x1C09  }
0x425: {  	[timem:s3], [sflag:s2] =	dma.local @!p0 [hbm:s0], s1  }
0x426: {  	s0 =	simm.s32 @!p0 $0x9  }
0x427: {  	_ =	swait.ge @!p0 [sflag:s0], s1  }
0x428: {  	s1 =	ssub.s32 @!p0 $0x0, s1;
	[sflag:s0] =	ssyncset.done @!p0 $0x0  }
0x429: {  	[sflag:s0] =	ssyncadd.s32 @!p0 s1  }
0x42a: {  	[bflag:$0x3] =	sbarrier.arrive $0xFFFF  }
0x42b: {  	_ =	shalt  }

// kernel: kernel.7.cloned.1.call-start
scs
__scs_entry_jumppad:
0x0: {  	(pc) =	sbr.rel $0x88, $3  }
0x1: {  	(tag) =	ssettag $0x0;
	lr =	simm.s32 $0x1  }
0x2: {  	[smem:$0x3F94] =	sst lr;
	_ =	strace $0xD0000000  }
0x3: {  	_ = 	snop  }
0x4: {  	_ = 	snop  }
0x5: {  	_ = 	snop  }
0x6: {  	_ = 	snop  }
0x7: {  	_ = 	snop  }
__scs_overlays_trampoline_lowered:
0x8: {  	[smem:$0x3FA3] =	sst s0  }
0x9: {  	[smem:$0x3FA4] =	sst s1  }
0xa: {  	[smem:$0x3FA5] =	sst s2  }
0xb: {  	[smem:$0x3FA6] =	sst s3  }
0xc: {  	[smem:$0x3FA7] =	sst s4  }
0xd: {  	[smem:$0x3FA8] =	sst s5  }
0xe: {  	[smem:$0x3FA9] =	sst s6  }
0xf: {  	[smem:$0x3FAA] =	sst s7  }
0x10: {  	[smem:$0x3FAB] =	sst s8  }
0x11: {  	[smem:$0x3FAC] =	sst s9;
	s0 =	simm.s32 @!p0 $0x0  }
0x12: {  	s1 =	sld [smem:$0x3F92];
	s0 =	simm.s32 @p0 $0x1  }
0x13: {  	[smem:$0x3FAD] =	sst s0;
	s0 =	simm.s32 @!p1 $0x0  }
0x14: {  	s2 =	sld [smem:$0x3F91];
	s0 =	simm.s32 @p1 $0x1  }
0x15: {  	[smem:$0x3FAE] =	sst s0;
	s0 =	simm.s32 @!p2 $0x0  }
0x16: {  	s3 =	sld [smem:$0x3FDB];
	s0 =	simm.s32 @p2 $0x1  }
0x17: {  	s4 =	simm.s32 $0x1BF5;
	[smem:$0x3FB0] =	sst s0  }
0x18: {  	s0 =	sld [smem:$0x3F93];
	_ =	swait.ge [sflag:s4], $0x0  }
0x19: {  	s7 =	sld [smem:$0x3F94]  }
0x1a: {  	s8 =	sadd.s32 $0xFFFFE003, lr  }
0x1b: {  	s9 =	sadd.s32 $0xFFFFFEF7, lr;
	s5 =	simm.s32 $0xFFFFFFFF;
	p2 =	slt.u32 s8, $0xFFFFF086  }
0x1c: {  	p1 =	slt.u32 s9, $0xF7A;
	s5 =	simm.s32 @!p2 $0x0  }
0x1d: {  	s5 =	simm.s32 @p1 $0x1;
	p0 =	seq.s32 s7, s2  }
0x1e: {  	s7 =	smul.u32 @!p0 $0xF7A, s2;
	p2 =	seq.s32 @!p0 s5, $0x0  }
0x1f: {  	s9 =	smul.u32 $0xF7A, s1;
	s8 =	simm.s32 @!p0 $0x1BF5;
	p2 =	por !p2, p0  }
0x20: {  	[sflag:s8] =	ssyncset.s32 @!p0 $0xFFFFF086;
	s6 =	sadd.s32 @!p0 s3, s7;
	s7 =	simm.s32 @!p0 $0x108  }
0x21: {  	s3 =	sadd.s32 s3, s9;
	s6 =	sadd.s32 @!p0 $0x88, s6;
	s7 =	simm.s32 @p2 $0x1082  }
0x22: {  	[simem:s7], [sflag:s8] =	dma.local @!p0 [hbm:s6], $0xF7A  }
0x23: {  	s9 =	sor.u32 $0xD0000000, s2;
	s6 =	simm.s32 $0x108;
	_ =	swait.ge @!p0 [sflag:s8], $0x0  }
0x24: {  	s3 =	sadd.s32 $0x88, s3;
	s6 =	simm.s32 @!p1 $0x1082;
	[sflag:s4] =	ssyncset.s32 $0xFFFFF086  }
0x25: {  	[simem:s6], [sflag:s4] =	dma.local [hbm:s3], $0xF7A  }
0x26: {  	[smem:$0x3F94] =	sst s1;
	(tag) =	ssettag s2;
	_ =	strace s9  }
0x27: {  	s1 =	sld [smem:$0x3FA4]  }
0x28: {  	s2 =	sld [smem:$0x3FA5]  }
0x29: {  	s4 =	sld [smem:$0x3FA7]  }
0x2a: {  	p0 =	seq.s32 s5, $0x0;
	s5 =	sld [smem:$0x3FA8]  }
0x2b: {  	s6 =	sld [smem:$0x3FA9]  }
0x2c: {  	s7 =	sld [smem:$0x3FAA]  }
0x2d: {  	s3 =	simm.s32 $0x108;
	s8 =	sld [smem:$0x3FAB]  }
0x2e: {  	s3 =	simm.s32 @!p0 $0x1082;
	s9 =	sld [smem:$0x3FAC]  }
0x2f: {  	lr =	sadd.s32 s0, s3;
	s0 =	sld [smem:$0x3FA3]  }
0x30: {  	s3 =	sld [smem:$0x3FA6]  }
0x31: {  	[smem:$0x3FAF] =	sst s10  }
0x32: {  	s10 =	sld [smem:$0x3FAD];
	_ =	sdelay $0x3  }
0x33: {  	p0 =	seq.s32 s10, $0x1;
	s10 =	sld [smem:$0x3FAF];
	_ =	sdelay $0x3  }
0x34: {  	[smem:$0x3FAF] =	sst s10  }
0x35: {  	s10 =	sld [smem:$0x3FAE];
	_ =	sdelay $0x3  }
0x36: {  	p1 =	seq.s32 s10, $0x1;
	s10 =	sld [smem:$0x3FAF];
	_ =	sdelay $0x3  }
0x37: {  	[smem:$0x3FAF] =	sst s10  }
0x38: {  	s10 =	sld [smem:$0x3FB0]  }
0x39: {  	_ = 	snop;
	(pc) =	sbr.ind lr, $3  }
0x3a: {  	_ = 	snop  }
0x3b: {  	_ = 	snop  }
0x3c: {  	p2 =	seq.s32 s10, $0x1;
	s10 =	sld [smem:$0x3FAF]  }
0x3d: {  	_ =	shalt  }
0x3e: {  	_ =	shalt  }
0x3f: {  	_ =	shalt  }
0x40: {  	_ =	shalt  }
0x41: {  	_ =	shalt  }
0x42: {  	_ =	shalt  }
0x43: {  	_ =	shalt  }
0x44: {  	_ =	shalt  }
0x45: {  	_ =	shalt  }
0x46: {  	_ =	shalt  }
0x47: {  	_ =	shalt  }
0x48: {  	_ =	shalt  }
0x49: {  	_ =	shalt  }
0x4a: {  	_ =	shalt  }
0x4b: {  	_ =	shalt  }
0x4c: {  	_ =	shalt  }
0x4d: {  	_ =	shalt  }
0x4e: {  	_ =	shalt  }
0x4f: {  	_ =	shalt  }
0x50: {  	_ =	shalt  }
0x51: {  	_ =	shalt  }
0x52: {  	_ =	shalt  }
0x53: {  	_ =	shalt  }
0x54: {  	_ =	shalt  }
0x55: {  	_ =	shalt  }
0x56: {  	_ =	shalt  }
0x57: {  	_ =	shalt  }
0x58: {  	_ =	shalt  }
0x59: {  	_ =	shalt  }
0x5a: {  	_ =	shalt  }
0x5b: {  	_ =	shalt  }
0x5c: {  	_ =	shalt  }
0x5d: {  	_ =	shalt  }
0x5e: {  	_ =	shalt  }
0x5f: {  	_ =	shalt  }
0x60: {  	_ =	shalt  }
0x61: {  	_ =	shalt  }
0x62: {  	_ =	shalt  }
0x63: {  	_ =	shalt  }
0x64: {  	_ =	shalt  }
0x65: {  	_ =	shalt  }
0x66: {  	_ =	shalt  }
0x67: {  	_ =	shalt  }
0x68: {  	_ =	shalt  }
0x69: {  	_ =	shalt  }
0x6a: {  	_ =	shalt  }
0x6b: {  	_ =	shalt  }
0x6c: {  	_ =	shalt  }
0x6d: {  	_ =	shalt  }
0x6e: {  	_ =	shalt  }
0x6f: {  	_ =	shalt  }
0x70: {  	_ =	shalt  }
0x71: {  	_ =	shalt  }
0x72: {  	_ =	shalt  }
0x73: {  	_ =	shalt  }
0x74: {  	_ =	shalt  }
0x75: {  	_ =	shalt  }
0x76: {  	_ =	shalt  }
0x77: {  	_ =	shalt  }
0x78: {  	_ =	shalt  }
0x79: {  	_ =	shalt  }
0x7a: {  	_ =	shalt  }
0x7b: {  	_ =	shalt  }
0x7c: {  	_ =	shalt  }
0x7d: {  	_ =	shalt  }
0x7e: {  	_ =	shalt  }
0x7f: {  	_ =	shalt  }
0x80: {  	_ =	shalt  }
0x81: {  	_ =	shalt  }
0x82: {  	_ =	shalt  }
0x83: {  	_ =	shalt  }
0x84: {  	_ =	shalt  }
0x85: {  	_ =	shalt  }
0x86: {  	_ =	shalt  }
0x87: {  	_ =	shalt  }
.Lfunc_end0:
.L_simem_size_0:
called_computation_lowered:
.L_overlay_start_0:
0x88: {  	s2 =	sld [smem:$0x3FD9]  }
0x89: {  	s3 =	sld [smem:$0x3FFE];
	_ =	sdelay $0x1  }
0x8a: {  	s1 =	srdreg.scid  }
0x8b: {  	s0 =	sand.u32 $0x1, s1  }
0x8c: {  	s17 =	sshll.u32 s0, $0xA;
	s2 =	sadd.s32 s3, s2  }
0x8d: {  	s2 =	sadd.s32 s2, s17  }
0x8e: {  	[smem:$0x3FBB] =	sst s2  }
0x8f: {  	_ = 	snop  }
0x90: {  	s2 =	sld [smem:$0x3FD0];
	(tm) =	ssettm $0x1  }
0x91: {  	s18 =	sld [smem:$0x3FFB];
	_ =	sdelay $0x3  }
0x92: {  	_ =	strace s18  }
0x93: {  	s3 =	sld [smem:$0x3FFC];
	_ =	sdelay $0x3  }
0x94: {  	_ =	strace s3  }
0x95: {  	s3 =	sld [smem:$0x3FFD];
	_ =	sdelay $0x3  }
0x96: {  	_ =	strace s3  }
0x97: {  	_ =	strace $0x8FFFFFFF  }
0x98: {  	s19 =	sld [smem:$0x3FDB];
	_ =	sdelay $0x1  }
0x99: {  	s4 =	simm.s32 $_scs_section_size  }
0x9a: {  	s5 =	simm.s32 $_size__tile_overlayer_lowered;
	s6 =	simm.s32 $_tile_overlayer_lowered  }
0x9b: {  	s22 =	simm.s32 $0x1BFF;
	s21 =	sshll.u32 s6, $0x1;
	s3 =	sadd.s32 s4, s19  }
0x9c: {  	s7 =	simm.s32 $0x0;
	s20 =	sshll.u32 s5, $0x1;
	s5 =	sadd.s32 s21, s3  }
0x9d: {  	[timem:s7], [sflag:s22] =	dma.local [hbm:s5], s20  }
0x9e: {  	_ =	swait.ge [sflag:s22], s20  }
0x9f: {  	s4 =	ssub.s32 $0x0, s20;
	[sflag:s22] =	ssyncset.done $0x0  }
0xa0: {  	[sflag:s22] =	ssyncadd.s32 s4;
	_ =	sdelay $0x1  }
0xa1: {  	s23 =	simm.s32 $0x1B8B  }
0xa2: {  	_ =	swait.ge [sflag:s23], $0x1  }
0xa3: {  	[sflag:s23] =	ssyncset.done $0x0  }
0xa4: {  	s25 =	simm.s32 $0x1B8E;
	s24 =	sld [smem:$0x3FFE];
	[sflag:s23] =	ssyncadd.s32 $0xFFFFFFFF  }
0xa5: {  	s26 =	simm.s32 $execute0_lowered;
	[smem:$0x3FD2] =	sst s25  }
0xa6: {  	s5 =	sshll.u32 s26, $0x1;
	_ =	strace $0x80000046;
	[dreg:$0x1] =	wrdreg $0xFFFFFFFF  }
0xa7: {  	s28 =	simm.s32 $_size_execute0_lowered;
	s3 =	sadd.s32 s3, s5;
	[dreg:$0x0] =	wrdreg $0x0  }
0xa8: {  	s5 =	sshll.u32 s28, $0x1;
	[dreg:$0x2] =	wrdreg s3  }
0xa9: {  	[dreg:$0x3] =	wrdreg s5  }
0xaa: {  	[dreg:$0x4] =	wrdreg $0xC0  }
0xab: {  	_ =	task [dreg:s7], $0x5FFFF  }
0xac: {  	[dreg:$0x1] =	wrdreg $0xFFFFFFFF  }
0xad: {  	[dreg:$0x0] =	wrdreg $0x60  }
0xae: {  	[dreg:$0x2] =	wrdreg s2  }
0xaf: {  	[dreg:$0x3] =	wrdreg s24  }
0xb0: {  	[dreg:$0x4] =	wrdreg $0x0  }
0xb1: {  	[dreg:$0x5] =	wrdreg $0x9  }
0xb2: {  	_ =	task.clear_ibuf [dreg:s7], $0x6FFFF;
	_ =	strace $0x90000046  }
0xb3: {  	s29 =	simm.s32 $0x9;
	_ =	strace $0x80000048  }
0xb4: {  	_ =	swait.ge [sflag:s29], $0x1  }
0xb5: {  	[sflag:s29] =	ssyncadd.s32 $0xFFFFFFFF  }
0xb6: {  	_ =	strace $0x90000048  }
0xb7: {  	_ =	sfence  }
0xb8: {  	s30 =	sld [smem:$0x0];
	_ =	sdelay $0x2  }
0xb9: {  	s31 =	sshll.u32 s1, $0xD;
	s1 =	sshrl.u32 s1, $0x2  }
0xba: {  	s3 =	sand.u32 $0x4000, s31;
	s1 =	sadd.s32 s1, s30  }
0xbb: {  	s0 =	sor.u32 s3, s0;
	s1 =	sshll.u32 s1, $0x11  }
0xbc: {  	s0 =	sor.u32 s1, s0  }
0xbd: {  	s0 =	sadd.s32 $0x8F2B, s0  }
0xbe: {  	[sflag:s0] =	ssyncadd.remote.s32 $0x1  }
0xbf: {  	_ =	sfence.sel $0xFFFF  }
0xc0: {  	[dreg:$0x0] =	wrdreg $0xFFFFFFFF;
	(pc) =	sbr.abs _section_cstart, $3  }
0xc1: {  	[dreg:$0x1] =	wrdreg $0xFFFFFFFF  }
0xc2: {  	_ =	task.clear_ibuf [dreg:s7], $0x2FFFF;
	_ =	strace $0x9FFFFFFF  }
0xc3: {  	(tm) =	ssettm $0x7FFFFFFF  }
tec
execute0_lowered:
.L_overlay_start_1:
0x0: {  	(tag) =	ssettag $0x1  }
0x1: {  	s0 =	rddreg [dreg:$0x0];
	s1 =	srdreg.scid  }
0x2: {  	s8 =	stileid.u32;
	s4 =	rddreg [dreg:$0x1]  }
0x3: {  	s2 =	rddreg [dreg:$0x2];
	s3 =	simm.s32 $0x0;
	s10 =	simm.s32 $0x13880  }
0x4: {  	s11 =	simm.s32 $0x3;
	s12 =	simm.s32 $0x16000;
	s13 =	simm.s32 $0x50  }
0x5: {  	s14 =	simm.s32 $0x18780;
	s15 =	simm.s32 $0x1AF80;
	s16 =	simm.s32 $0x1  }
0x6: {  	s17 =	simm.s32 $0x2;
	s18 =	simm.s32 $0x1D780;
	s19 =	simm.s32 $0x0  }
0x7: {  	s5 =	sand.u32 $0x1, s1;
	s31 =	sshll.u32 s8, $0x1;
	s1 =	rddreg [dreg:$0x3]  }
0x8: {  	[smem:$0x7FF] =	sst s3;
	s6 =	sor.u32 s5, s31;
	s5 =	ssub.s32 $0x2, s5  }
0x9: {  	p0 =	sne.s32 s8, $0x0;
	s7 =	smul.u32 $0x4E2, s6;
	s9 =	sshrl.u32 s5, $0x1  }
0xa: {  	_ =	strace $0x80000047;
	s9 =	ssub.s32 s5, s9;
	s5 =	smul.u32 $0x1388, s6  }
0xb: {  	s7 =	sadd.s32 s7, s4;
	s4 =	sadd.s32 $0x16000, s4;
	s8 =	smax.u32 s9, $0x1  }
0xc: {  	s9 =	sshrl.u32 @!p0 s2, $0x3;
	s6 =	sadd.s32 $0x2400, s7;
	s7 =	sadd.s32 $0xC200, s7  }
.LBB2_1:
0xd: {  	s20 =	simm.s32 @!p0 $0x1C03  }
0xe: {  	[spmem:s9], [sflag:s20] =	dma.local @!p0 [hbm:s0], $0x27100  }
0xf: {  	s20 =	simm.s32 @!p0 $0x3  }
0x10: {  	_ =	swait.ge @!p0 [sflag:s20], $0x27100  }
0x11: {  	[sflag:s20] =	ssyncset.done @!p0 $0x0  }
0x12: {  	[sflag:s20] =	ssyncadd.s32 @!p0 $0xFFFD8F00  }
0x13: {  	[bflag:$0x0] =	sbarrier.arrive $0xFFFF  }
0x14: {  	[tilespmem:s10], [sflag:$0x3] =	stream.linear.gather [hbm4b:s6+s3], $0x2710, $0x38;
	[tilespmem:$0x1EB80] =	vst v63  }
0x15: {  	_ =	swait.ge [sflag:s11], $0x2710  }
0x16: {  	[sflag:s11] =	ssyncset.done $0x0  }
0x17: {  	[sflag:s11] =	ssyncadd.s32 $0xFFFFD8F0  }
0x18: {  	[tilespmem:s12], [sflag:$0x3] =	stream.linear.gather [hbm4b:s7+s3], $0x2710, $0x38;
	[tilespmem:$0x1EB80] =	vst v63  }
0x19: {  	_ =	swait.ge [sflag:s11], $0x2710  }
0x1a: {  	[sflag:s11] =	ssyncset.done $0x0  }
0x1b: {  	s20 =	simm.s32 $0x0;
	[sflag:s11] =	ssyncadd.s32 $0xFFFFD8F0  }
.LBB2_2:
0x1c: {  	s21 =	smul.u32 $0x50, s20;
	_ =	sdelay $0x1  }
0x1d: {  	s22 =	sadd.s32 $0x13880, s21  }
0x1e: {  	[tilespmem:s14], [sflag:$0x1] =	stream.indirect.gather [spmem:s2], $0x80, s22, s13, $0xb8;
	[tilespmem:$0x1EB80] =	vst v63  }
0x1f: {  	s21 =	sadd.s32 $0x16000, s21  }
0x20: {  	[tilespmem:s15], [sflag:$0x2] =	stream.indirect.gather [spmem:s2], $0x80, s21, s13, $0xb8;
	[tilespmem:$0x1EB80] =	vst v63  }
0x21: {  	_ =	swait.ge [sflag:s16], $0x2800  }
0x22: {  	[sflag:s16] =	ssyncset.done $0x0  }
0x23: {  	[sflag:s16] =	ssyncadd.s32 $0xFFFFD800  }
0x24: {  	_ =	swait.ge [sflag:s17], $0x2800  }
0x25: {  	[sflag:s17] =	ssyncset.done $0x0  }
0x26: {  	s22 =	simm.s32 $0x0;
	[sflag:s17] =	ssyncadd.s32 $0xFFFFD800  }
0x27: {  	v0 =	vld [tilespmem:s22+$0x18780]  }
0x28: {  	v1 =	vld [tilespmem:s22+$0x1AFC0];
	_ =	sdelay $0x4  }
0x29: {  	v0 =	vsub.f32 v0, v1  }
0x2a: {  	s21 =	simm.s32 $0x1D7C0  }
0x2b: {  	[tilespmem:s21+$0xFFFFFFC0] =	vst v0  }
0x2c: {  	v0 =	vld [tilespmem:s22+$0x18800]  }
0x2d: {  	v58 =	vld [tilespmem:s22+$0x1B040];
	_ =	sdelay $0x4  }
0x2e: {  	v0 =	vsub.f32 v0, v58;
	_ =	sdelay $0x1  }
0x2f: {  	[tilespmem:s21+$0x0] =	vst v0  }
0x30: {  	v0 =	vld [tilespmem:s22+$0x18790]  }
0x31: {  	v59 =	vld [tilespmem:s22+$0x1AFD0];
	_ =	sdelay $0x4  }
0x32: {  	v0 =	vsub.f32 v0, v59;
	_ =	sdelay $0x1  }
0x33: {  	[tilespmem:s21+$0xFFFFFFD0] =	vst v0  }
0x34: {  	v0 =	vld [tilespmem:s22+$0x18810]  }
0x35: {  	v60 =	vld [tilespmem:s22+$0x1B050];
	_ =	sdelay $0x4  }
0x36: {  	v0 =	vsub.f32 v0, v60;
	_ =	sdelay $0x1  }
0x37: {  	[tilespmem:s21+$0x10] =	vst v0  }
0x38: {  	v0 =	vld [tilespmem:s22+$0x187A0]  }
0x39: {  	v61 =	vld [tilespmem:s22+$0x1AFE0];
	_ =	sdelay $0x4  }
0x3a: {  	v0 =	vsub.f32 v0, v61;
	_ =	sdelay $0x1  }
0x3b: {  	[tilespmem:s21+$0xFFFFFFE0] =	vst v0  }
0x3c: {  	v0 =	vld [tilespmem:s22+$0x18820]  }
0x3d: {  	v62 =	vld [tilespmem:s22+$0x1B060];
	_ =	sdelay $0x4  }
0x3e: {  	v0 =	vsub.f32 v0, v62;
	_ =	sdelay $0x1  }
0x3f: {  	[tilespmem:s21+$0x20] =	vst v0  }
0x40: {  	v0 =	vld [tilespmem:s22+$0x187B0]  }
0x41: {  	v63 =	vld [tilespmem:s22+$0x1AFF0];
	_ =	sdelay $0x4  }
0x42: {  	v0 =	vsub.f32 v0, v63;
	_ =	sdelay $0x1  }
0x43: {  	s24 =	simm.s32 $0x400;
	s23 =	simm.s32 $0x1D7C0;
	[tilespmem:s21+$0xFFFFFFF0] =	vst v0  }
.LBB2_3:
0x44: {  	p1 =	sne.s32 s24, $0x9C00  }
0x45: {  	v0 =	vld [tilespmem:s22+$0x18830];
	s21 =	sadd.s32 $0x80, s21;
	s25 =	smov.u32 s24;
	s24 =	sadd.s32 $0x400, s24  }
0x46: {  	v1 =	vld [tilespmem:s22+$0x1B070];
	_ =	sdelay $0x4  }
0x47: {  	v0 =	vsub.f32 v0, v1;
	_ =	sdelay $0x1  }
0x48: {  	s22 =	sshra.s32 s25, $0x2;
	[tilespmem:s23+$0x30] =	vst v0;
	s23 =	smov.u32 s21  }
0x49: {  	v0 =	vld [tilespmem:s22+$0x18780]  }
0x4a: {  	v1 =	vld [tilespmem:s22+$0x1AFC0];
	_ =	sdelay $0x4  }
0x4b: {  	v0 =	vsub.f32 v0, v1;
	_ =	sdelay $0x1  }
0x4c: {  	[tilespmem:s21+$0xFFFFFFC0] =	vst v0  }
0x4d: {  	v0 =	vld [tilespmem:s22+$0x18800]  }
0x4e: {  	v1 =	vld [tilespmem:s22+$0x1B040];
	_ =	sdelay $0x4  }
0x4f: {  	v0 =	vsub.f32 v0, v1;
	_ =	sdelay $0x1  }
0x50: {  	[tilespmem:s21+$0x0] =	vst v0  }
0x51: {  	v0 =	vld [tilespmem:s22+$0x18790]  }
0x52: {  	v1 =	vld [tilespmem:s22+$0x1AFD0];
	_ =	sdelay $0x4  }
0x53: {  	v0 =	vsub.f32 v0, v1;
	_ =	sdelay $0x1  }
0x54: {  	[tilespmem:s21+$0xFFFFFFD0] =	vst v0  }
0x55: {  	v0 =	vld [tilespmem:s22+$0x18810]  }
0x56: {  	v1 =	vld [tilespmem:s22+$0x1B050];
	_ =	sdelay $0x4  }
0x57: {  	v0 =	vsub.f32 v0, v1;
	_ =	sdelay $0x1  }
0x58: {  	[tilespmem:s21+$0x10] =	vst v0  }
0x59: {  	v0 =	vld [tilespmem:s22+$0x187A0]  }
0x5a: {  	v1 =	vld [tilespmem:s22+$0x1AFE0];
	_ =	sdelay $0x4  }
0x5b: {  	v0 =	vsub.f32 v0, v1;
	_ =	sdelay $0x1  }
0x5c: {  	[tilespmem:s21+$0xFFFFFFE0] =	vst v0  }
0x5d: {  	v0 =	vld [tilespmem:s22+$0x18820]  }
0x5e: {  	v1 =	vld [tilespmem:s22+$0x1B060];
	_ =	sdelay $0x4  }
0x5f: {  	v0 =	vsub.f32 v0, v1;
	_ =	sdelay $0x1  }
0x60: {  	[tilespmem:s21+$0x20] =	vst v0  }
0x61: {  	v0 =	vld [tilespmem:s22+$0x187B0]  }
0x62: {  	v1 =	vld [tilespmem:s22+$0x1AFF0];
	_ =	sdelay $0x2  }
.Ltmp0:
0x63: {  	(pc) =	sbr.rel @p1 .LBB2_3-.Ltmp0, $3  }
0x64: {  	_ = 	snop  }
0x65: {  	v0 =	vsub.f32 v0, v1;
	_ =	sdelay $0x1  }
0x66: {  	[tilespmem:s21+$0xFFFFFFF0] =	vst v0  }
0x67: {  	v0 =	vld [tilespmem:s22+$0x18830]  }
0x68: {  	v1 =	vld [tilespmem:s22+$0x1B070];
	_ =	sdelay $0x2  }
0x69: {  	s21 =	smul.u32 $0x28, s20;
	_ =	sdelay $0x1  }
0x6a: {  	s20 =	sadd.s32 $0x1, s20;
	s21 =	sadd.s32 s5, s21;
	v0 =	vsub.f32 v0, v1  }
0x6b: {  	p1 =	sne.s32 s20, $0x7D;
	s21 =	sshll.u32 s21, $0x4  }
.Ltmp1:
0x6c: {  	s21 =	sadd.s32 s4, s21;
	[tilespmem:s23+$0x30] =	vst v0;
	(pc) =	sbr.rel @p1 .LBB2_2-.Ltmp1, $4  }
0x6d: {  	[hbm4b:s21+s3] =	stream.linear.scatter [tilespmem:s18], [sflag:$0x3], $0x1400, $0x38;
	[tilespmem:$0x1EB80] =	vst v63  }
0x6e: {  	_ =	swait.ge [sflag:s11], $0x1400  }
0x6f: {  	[sflag:s11] =	ssyncset.done $0x0  }
0x70: {  	[sflag:s11] =	ssyncadd.s32 $0xFFFFEC00  }
0x71: {  	s19 =	sadd.s32 $0x1, s19  }
0x72: {  	p1 =	sne.s32 s19, s8  }
.Ltmp2:
0x73: {  	_ = 	snop;
	(pc) =	sbr.rel @p1 .LBB2_1-.Ltmp2, $1  }
0x74: {  	_ =	sdelay $0x3  }
0x75: {  	_ =	sfence.sel $0x180000  }
0x76: {  	[bflag:$0x0] =	sbarrier.arrive $0xFFFF  }
0x77: {  	_ =	strace $0x90000047  }
0x78: {  	s0 =	sadd.s32 @!p0 $0x100000, s1;
	[bflag:$0x2] =	sbarrier.arrive $0xFFFF  }
0x79: {  	[sflag:s0] =	ssyncadd.tile.s32 @!p0 $0x1;
	_ =	shalt  }
.Lfunc_end2:
_tile_overlayer_lowered:
.L_overlay_start_2:
0x7a: {  	(tag) =	ssettag $0x2  }
0x7b: {  	s0 =	rddreg [dreg:$0x0];
	s2 =	stileid.u32  }
0x7c: {  	s1 =	rddreg [dreg:$0x1];
	p0 =	sne.s32 s2, $0x0  }
0x7d: {  	s3 =	rddreg [dreg:$0x2];
	[bflag:$0x3] =	sbarrier.arrive $0xFFFF;
	s2 =	simm.s32 @!p0 $0x1C03  }
0x7e: {  	[timem:s3], [sflag:s2] =	dma.local @!p0 [hbm:s0], s1  }
0x7f: {  	s0 =	simm.s32 @!p0 $0x3  }
0x80: {  	_ =	swait.ge @!p0 [sflag:s0], s1  }
0x81: {  	s1 =	ssub.s32 @!p0 $0x0, s1;
	[sflag:s0] =	ssyncset.done @!p0 $0x0  }
0x82: {  	[sflag:s0] =	ssyncadd.s32 @!p0 s1  }
0x83: {  	[bflag:$0x3] =	sbarrier.arrive $0xFFFF  }
0x84: {  	_ =	shalt  }

</sc_bundles>
